<compile_context>
chip_gen: v7x
topology: tpu7x:2x2x1
jax: 0.10.2.dev20260603
libtpu: 0.0.44.dev20260713+nightly
codegen_flags: <defaults>
</compile_context>

<pallas_src>
import functools

import jax
import jax.numpy as jnp
from jax import lax
from jax.experimental import pallas as pl
from jax.experimental.pallas import tpu as pltpu
from jax.experimental.pallas import tpu_sc as plsc

D = 128
L = 16
NC = 2
NS = 16
NW = NC * NS

GC = 128
SCC = 128
SCT = 8


def _gather_mul_call(x_src, x_dst, src_idx, dst_idx):
    E = src_idx.shape[0]
    per_w = E // NW
    n_chunks = -(-per_w // GC)
    last_base = per_w - GC
    assert n_chunks % 2 == 0

    mesh = plsc.VectorSubcoreMesh(core_axis_name="c", subcore_axis_name="s")

    @functools.partial(
        pl.kernel,
        mesh=mesh,
        out_type=jax.ShapeDtypeStruct((E, D), jnp.float32),
        scratch_types=[
            pltpu.VMEM((per_w,), jnp.int32),
            pltpu.VMEM((per_w,), jnp.int32),
            pltpu.VMEM((GC, D), jnp.float32),
            pltpu.VMEM((GC, D), jnp.float32),
            pltpu.VMEM((GC, D), jnp.float32),
            pltpu.VMEM((GC, D), jnp.float32),
            pltpu.VMEM((GC, D), jnp.float32),
            pltpu.VMEM((GC, D), jnp.float32),
            pltpu.SemaphoreType.DMA,
            pltpu.SemaphoreType.DMA,
            pltpu.SemaphoreType.DMA,
            pltpu.SemaphoreType.DMA,
        ],
    )
    def gather_mul(xs_hbm, xdst_hbm, s_hbm, d_hbm, p_hbm,
                   si_all, di_all, xj0, xj1, xd0, xd1, p0, p1,
                   gs0, gs1, ss0, ss1):
        xj = (xj0, xj1)
        xd = (xd0, xd1)
        pv = (p0, p1)
        gsem = (gs0, gs1)
        ssem = (ss0, ss1)
        wid = lax.axis_index("s") * NC + lax.axis_index("c")
        w_base = wid * per_w

        pltpu.sync_copy(s_hbm.at[pl.ds(w_base, per_w)], si_all)
        pltpu.sync_copy(d_hbm.at[pl.ds(w_base, per_w)], di_all)

        def off(c):
            return pl.multiple_of(jnp.minimum(c * GC, last_base), 8)

        def start_gathers(c, s):
            o = off(c)
            pltpu.async_copy(xs_hbm.at[si_all.at[pl.ds(o, GC)]], xj[s], gsem[s])
            pltpu.async_copy(xdst_hbm.at[di_all.at[pl.ds(o, GC)]], xd[s], gsem[s])

        def wait_gathers(s):
            z = pl.ds(0, GC)
            pltpu.make_async_copy(xs_hbm.at[si_all.at[z]], xj[s], gsem[s]).wait()
            pltpu.make_async_copy(xdst_hbm.at[di_all.at[z]], xd[s], gsem[s]).wait()

        def wait_store(s):
            pltpu.make_async_copy(pv[s], p_hbm.at[pl.ds(0, GC)], ssem[s]).wait()

        start_gathers(0, 0)

        def pair_body(i2, _):
            for s in (0, 1):
                c = 2 * i2 + s

                @pl.when(c + 1 < n_chunks)
                def _():
                    start_gathers(c + 1, 1 - s)

                wait_gathers(s)

                @pl.when(c >= 2)
                def _():
                    wait_store(s)

                @plsc.parallel_loop(0, GC, unroll=8)
                def _(r):
                    for j in range(D // L):
                        sl = pl.ds(j * L, L)
                        pv[s][r, sl] = xj[s][r, sl] * xd[s][r, sl]

                base = pl.multiple_of(w_base + off(c), 8)
                pltpu.async_copy(pv[s], p_hbm.at[pl.ds(base, GC)], ssem[s])
            return 0

        lax.fori_loop(0, n_chunks // 2, pair_body, 0)
        wait_store(0)
        wait_store(1)

    return gather_mul(x_src, x_dst, src_idx, dst_idx)


def _linear_lrelu_call(p, W, b):
    E = p.shape[0]
    BLK = 2000

    def body(p_ref, W_ref, b_ref, o_ref):
        dn = (((1,), (1,)), ((), ()))
        z = lax.dot_general(p_ref[...], W_ref[...], dn,
                            preferred_element_type=jnp.float32) + b_ref[...]
        o_ref[...] = jnp.where(z >= 0, z, 0.01 * z)

    return pl.pallas_call(
        body,
        grid=(E // BLK,),
        in_specs=[
            pl.BlockSpec((BLK, D), lambda i: (i, 0)),
            pl.BlockSpec((D, D), lambda i: (0, 0)),
            pl.BlockSpec((1, D), lambda i: (0, 0)),
        ],
        out_specs=pl.BlockSpec((BLK, D), lambda i: (i, 0)),
        out_shape=jax.ShapeDtypeStruct((E, D), jnp.float32),
    )(p, W, b.reshape(1, D))


def _scatter_call(m, dm, dt, zeros_nd, n_rows):
    E = m.shape[0]
    per_t = E // NW
    n_main = (per_t - SCT) // SCC
    stripe = 624
    stripe_last = n_rows - (NS - 1) * stripe
    K = 2

    mesh = plsc.VectorSubcoreMesh(core_axis_name="c", subcore_axis_name="s")

    @functools.partial(
        pl.kernel,
        mesh=mesh,
        out_type=jax.ShapeDtypeStruct((NC, n_rows, D), jnp.float32),
        scratch_types=[
            pltpu.VMEM((n_main, SCC), jnp.int32),
            pltpu.VMEM((1, SCT), jnp.int32),
            pltpu.VMEM((SCC, D), jnp.float32),
            pltpu.VMEM((SCC, D), jnp.float32),
            pltpu.VMEM((SCT, D), jnp.float32),
            pltpu.VMEM_SHARED((10000, D), jnp.float32),
            pltpu.SemaphoreType.DMA,
            pltpu.SemaphoreType.DMA,
            pltpu.SemaphoreType.DMA,
            pltpu.SemaphoreType.DMA,
        ],
    )
    def scatter(m_hbm, dm_hbm, dt_hbm, z_hbm, o_hbm,
                d_all, d_tail, mr0, mr1, mtail, acc_sh,
                l0, l1, c0, c1):
        mrow = (mr0, mr1)
        lsem = (l0, l1)
        csem = (c0, c1)
        cid = lax.axis_index("c")
        tid = lax.axis_index("s")
        wid = tid * NC + cid
        t_base = wid * per_t

        @pl.when(tid < NS - 1)
        def _():
            off = pl.multiple_of(tid * stripe, 8)
            pltpu.sync_copy(z_hbm.at[pl.ds(off, stripe)],
                            acc_sh.at[pl.ds(off, stripe)])

        @pl.when(tid == NS - 1)
        def _():
            off = (NS - 1) * stripe
            pltpu.sync_copy(z_hbm.at[pl.ds(off, stripe_last)],
                            acc_sh.at[pl.ds(off, stripe_last)])

        pltpu.sync_copy(dm_hbm.at[wid], d_all)
        pltpu.sync_copy(dt_hbm.at[wid], d_tail)
        plsc.subcore_barrier()

        def start_load(c, s):
            base = pl.multiple_of(t_base + c * SCC, 8)
            pltpu.async_copy(m_hbm.at[pl.ds(base, SCC)], mrow[s], lsem[s])

        def wait_load(s):
            pltpu.make_async_copy(m_hbm.at[pl.ds(t_base, SCC)],
                                  mrow[s], lsem[s]).wait()

        def wait_scat(s):
            pltpu.make_async_copy(mrow[s], acc_sh.at[d_all.at[0]],
                                  csem[s]).wait()

        def step(c, s):
            wait_load(s)
            pltpu.async_copy(mrow[s], acc_sh.at[d_all.at[c]], csem[s],
                             add=True)
            sprev = (s + K - 1) % K

            @pl.when(c >= 1)
            def _():
                wait_scat(sprev)

            @pl.when(c + K - 1 < n_main)
            def _():
                start_load(c + K - 1, sprev)

        for s in range(K - 1):
            start_load(s, s)

        n_loop = n_main - (n_main % K)

        def ring_body(i4, _):
            for s in range(K):
                step(i4 * K + s, s)
            return 0

        lax.fori_loop(0, n_loop // K, ring_body, 0)
        for c in range(n_loop, n_main):
            step(c, c % K)
        wait_scat((n_main - 1) % K)
        tb = t_base + n_main * SCC
        pltpu.sync_copy(m_hbm.at[pl.ds(tb, SCT)], mtail)
        pltpu.sync_copy(mtail, acc_sh.at[d_tail.at[0]], add=True)

        plsc.subcore_barrier()

        @pl.when(tid < NS - 1)
        def _():
            off = pl.multiple_of(tid * stripe, 8)
            pltpu.sync_copy(acc_sh.at[pl.ds(off, stripe)],
                            o_hbm.at[cid, pl.ds(off, stripe)])

        @pl.when(tid == NS - 1)
        def _():
            off = (NS - 1) * stripe
            pltpu.sync_copy(acc_sh.at[pl.ds(off, stripe_last)],
                            o_hbm.at[cid, pl.ds(off, stripe_last)])

    return scatter(m, dm, dt, zeros_nd)


def _ln_relu_call(parts, ln_g, ln_b):
    n = parts.shape[1]
    BLKN = 2000

    def body(x_ref, g_ref, b_ref, o_ref):
        x = x_ref[0] + x_ref[1]
        mu = jnp.mean(x, axis=-1, keepdims=True)
        var = jnp.mean((x - mu) ** 2, axis=-1, keepdims=True)
        y = (x - mu) / jnp.sqrt(var + 1e-5) * g_ref[...] + b_ref[...]
        o_ref[...] = jnp.maximum(y, 0.0)

    part_spec = pl.BlockSpec((NC, BLKN, D), lambda i: (0, i, 0))
    vec_spec = pl.BlockSpec((1, D), lambda i: (0, 0))
    return pl.pallas_call(
        body,
        grid=(n // BLKN,),
        in_specs=[part_spec, vec_spec, vec_spec],
        out_specs=pl.BlockSpec((BLKN, D), lambda i: (i, 0)),
        out_shape=jax.ShapeDtypeStruct((n, D), jnp.float32),
    )(parts, ln_g.reshape(1, D), ln_b.reshape(1, D))


def kernel(x_user, x_item, edge_index_user_item, edge_index_item_user,
           W_ui, b_ui, W_iu, b_iu,
           ln_g_user, ln_b_user, ln_g_item, ln_b_item):
    n_user = x_user.shape[0]
    n_item = x_item.shape[0]
    E = edge_index_user_item.shape[1]

    src_ui = edge_index_user_item[0].astype(jnp.int32)
    dst_ui = edge_index_user_item[1].astype(jnp.int32)
    src_iu = edge_index_item_user[0].astype(jnp.int32)
    dst_iu = edge_index_item_user[1].astype(jnp.int32)

    per_t = E // NW
    n_main = (per_t - SCT) // SCC

    def dst_split(dst):
        dd = dst.reshape(NW, per_t)
        dm = dd[:, :n_main * SCC].reshape(NW, n_main, SCC)
        dt = dd[:, n_main * SCC:].reshape(NW, 1, SCT)
        return dm, dt

    dm_ui, dt_ui = dst_split(dst_ui)
    dm_iu, dt_iu = dst_split(dst_iu)
    zeros_nd = jnp.zeros((n_item, D), jnp.float32)

    p_ui = _gather_mul_call(x_user, x_item, src_ui, dst_ui)
    m_ui = _linear_lrelu_call(p_ui, W_ui, b_ui)
    p_iu = _gather_mul_call(x_item, x_user, src_iu, dst_iu)

    oi_parts = _scatter_call(m_ui, dm_ui, dt_ui, zeros_nd, n_item)
    m_iu = _linear_lrelu_call(p_iu, W_iu, b_iu)
    out_item = _ln_relu_call(oi_parts, ln_g_item, ln_b_item)

    ou_parts = _scatter_call(m_iu, dm_iu, dt_iu, zeros_nd, n_user)
    out_user = _ln_relu_call(ou_parts, ln_g_user, ln_b_user)
    return (out_user, out_item)

# --- scband reference (transcript-rebuilt; emitter-appended) ---
"""Pipeline reference for scband-hetero-ngcf-49976239456890 (READ-ONLY COPY).

The authoritative reference and input builder live on the scoring server;
editing this copy changes nothing except your own understanding.
"""

import jax, jax.numpy as jnp
import numpy as np

N_USER = 10000
N_ITEM = 10000
E = 160000
D = 128


def setup_inputs(seed: int = 0) -> dict:
    key = jax.random.key(seed)
    ks = jax.random.split(key, 8)
    x_user = jax.random.normal(ks[0], (N_USER, D), dtype=jnp.float32)
    x_item = jax.random.normal(ks[1], (N_ITEM, D), dtype=jnp.float32)
    # edge_index rows: [0]=src node ids, [1]=dst node ids
    edge_index_user_item = jax.random.randint(ks[2], (2, E), 0, N_USER)  # src=user, dst=item (both 10000)
    edge_index_item_user = jax.random.randint(ks[3], (2, E), 0, N_ITEM)  # src=item, dst=user
    W_ui = jax.random.normal(ks[4], (D, D), dtype=jnp.float32) * 0.05
    b_ui = jnp.zeros((D,), dtype=jnp.float32)
    W_iu = jax.random.normal(ks[5], (D, D), dtype=jnp.float32) * 0.05
    b_iu = jnp.zeros((D,), dtype=jnp.float32)
    ln_g_user = jnp.ones((D,), dtype=jnp.float32)
    ln_b_user = jnp.zeros((D,), dtype=jnp.float32)
    ln_g_item = jnp.ones((D,), dtype=jnp.float32)
    ln_b_item = jnp.zeros((D,), dtype=jnp.float32)
    return {
        "x_user": x_user, "x_item": x_item,
        "edge_index_user_item": edge_index_user_item,
        "edge_index_item_user": edge_index_item_user,
        "W_ui": W_ui, "b_ui": b_ui, "W_iu": W_iu, "b_iu": b_iu,
        "ln_g_user": ln_g_user, "ln_b_user": ln_b_user,
        "ln_g_item": ln_g_item, "ln_b_item": ln_b_item,
    }


def _leaky_relu(x):
    return jnp.where(x >= 0, x, 0.01 * x)


def _node_layernorm(x, gamma, beta, eps=1e-5):
    # PyG LayerNorm(mode='node'): per-node normalization over feature dim
    mu = jnp.mean(x, axis=-1, keepdims=True)
    var = jnp.mean((x - mu) ** 2, axis=-1, keepdims=True)
    return (x - mu) / jnp.sqrt(var + eps) * gamma + beta


def _ngcf_conv(x_src, x_dst, edge_index, W, b, n_dst):
    # message: leaky_relu(Linear(x_j * x_i)) where x_j = src feats gathered by
    # edge_index[0], x_i = dst feats gathered by edge_index[1]; aggr='add' onto dst
    src_idx = edge_index[0]
    dst_idx = edge_index[1]
    xj = jnp.take(x_src, src_idx, axis=0)
    xi = jnp.take(x_dst, dst_idx, axis=0)
    msg = _leaky_relu((xj * xi) @ W.T + b)
    return jax.ops.segment_sum(msg, dst_idx, num_segments=n_dst)


def reference(x_user, x_item, edge_index_user_item, edge_index_item_user,
              W_ui, b_ui, W_iu, b_iu,
              ln_g_user, ln_b_user, ln_g_item, ln_b_item):
    # HeteroConv with aggr='sum'; each node type is the dst of exactly one edge type
    out_item = _ngcf_conv(x_user, x_item, edge_index_user_item, W_ui, b_ui, N_ITEM)
    out_user = _ngcf_conv(x_item, x_user, edge_index_item_user, W_iu, b_iu, N_USER)
    # per-node LayerNorm then ReLU (num_layers=1, dropout=0.0 -> identity)
    out_user = jax.nn.relu(_node_layernorm(out_user, ln_g_user, ln_b_user))
    out_item = jax.nn.relu(_node_layernorm(out_item, ln_g_item, ln_b_item))
    return (out_user, out_item)

if __name__ == "__main__":
    import jax
    _d = setup_inputs()
    print(jax.jit(kernel)(*tuple(_d.values())))

</pallas_src>

<mosaic_0001>
#map = affine_map<(d0, d1) -> (0, 0)>
#map1 = affine_map<(d0, d1) -> (0)>
module attributes {stable_mosaic.version = 14 : i64} {
  func.func @gather_mul(%arg0: i32, %arg1: i32, %arg2: memref<10000x128xf32, #tpu.memory_space<hbm>>, %arg3: memref<10000x128xf32, #tpu.memory_space<hbm>>, %arg4: memref<160000xi32, #tpu.memory_space<hbm>>, %arg5: memref<160000xi32, #tpu.memory_space<hbm>>, %arg6: memref<160000x128xf32, #tpu.memory_space<hbm>>, %arg7: memref<5000xi32, #tpu.memory_space<vmem>>, %arg8: memref<5000xi32, #tpu.memory_space<vmem>>, %arg9: memref<128x128xf32, #tpu.memory_space<vmem>>, %arg10: memref<128x128xf32, #tpu.memory_space<vmem>>, %arg11: memref<128x128xf32, #tpu.memory_space<vmem>>, %arg12: memref<128x128xf32, #tpu.memory_space<vmem>>, %arg13: memref<128x128xf32, #tpu.memory_space<vmem>>, %arg14: memref<128x128xf32, #tpu.memory_space<vmem>>, %arg15: memref<!tpu.dma_semaphore, #tpu.memory_space<semaphore_mem>>, %arg16: memref<!tpu.dma_semaphore, #tpu.memory_space<semaphore_mem>>, %arg17: memref<!tpu.dma_semaphore, #tpu.memory_space<semaphore_mem>>, %arg18: memref<!tpu.dma_semaphore, #tpu.memory_space<semaphore_mem>>) attributes {dimension_semantics = [#tpu.dimension_semantics<core_parallel>, #tpu.dimension_semantics<subcore_parallel>], iteration_bounds = array<i64: 2, 16>, scalar_prefetch = 0 : i64, scratch_operands = 12 : i64, tpu.core_type = #tpu.core_type<sc_vector_subcore>, window_params = [{transform_indices = #map}, {transform_indices = #map}, {transform_indices = #map1}, {transform_indices = #map1}, {transform_indices = #map}]} {
    %mul3A = arith.constant 2 : i32
    %mul3A_0 = arith.muli %arg1, %mul3A : i32
    %add3A = arith.addi %mul3A_0, %arg0 : i32
    %mul3A_1 = arith.constant 5000 : i32
    %mul3A_2 = arith.muli %add3A, %mul3A_1 : i32
    "tpu.region"() ({
      %run_scoped3A = tpu.sem_alloc : memref<!tpu.dma_semaphore, #tpu.memory_space<semaphore_mem>>
      %dma_start3A_29 = tpu.memref_slice %arg4[%mul3A_2] : memref<160000xi32, #tpu.memory_space<hbm>> -> memref<5000xi32, #tpu.memory_space<hbm>>
      %dma_start3A_30 = tpu.memref_slice %arg4[%mul3A_2] : memref<160000xi32, #tpu.memory_space<hbm>> -> memref<5000xi32, #tpu.memory_space<hbm>>
      tpu.enqueue_dma source(%dma_start3A_30 : memref<5000xi32, #tpu.memory_space<hbm>>) target(%arg7 : memref<5000xi32, #tpu.memory_space<vmem>>) target_semaphore(%run_scoped3A : memref<!tpu.dma_semaphore, #tpu.memory_space<semaphore_mem>>)
      %dma_wait3A_31 = tpu.memref_slice %arg4[%mul3A_2] : memref<160000xi32, #tpu.memory_space<hbm>> -> memref<5000xi32, #tpu.memory_space<hbm>>
      %dma_wait3A_32 = tpu.memref_slice %arg4[%mul3A_2] : memref<160000xi32, #tpu.memory_space<hbm>> -> memref<5000xi32, #tpu.memory_space<hbm>>
      tpu.wait_dma2 semaphore(%run_scoped3A : memref<!tpu.dma_semaphore, #tpu.memory_space<semaphore_mem>>) src(%dma_wait3A_32 : memref<5000xi32, #tpu.memory_space<hbm>>) dst(%arg7 : memref<5000xi32, #tpu.memory_space<vmem>>)
      tpu.yield
    }) : () -> ()
    "tpu.region"() ({
      %run_scoped3A = tpu.sem_alloc : memref<!tpu.dma_semaphore, #tpu.memory_space<semaphore_mem>>
      %dma_start3A_29 = tpu.memref_slice %arg5[%mul3A_2] : memref<160000xi32, #tpu.memory_space<hbm>> -> memref<5000xi32, #tpu.memory_space<hbm>>
      %dma_start3A_30 = tpu.memref_slice %arg5[%mul3A_2] : memref<160000xi32, #tpu.memory_space<hbm>> -> memref<5000xi32, #tpu.memory_space<hbm>>
      tpu.enqueue_dma source(%dma_start3A_30 : memref<5000xi32, #tpu.memory_space<hbm>>) target(%arg8 : memref<5000xi32, #tpu.memory_space<vmem>>) target_semaphore(%run_scoped3A : memref<!tpu.dma_semaphore, #tpu.memory_space<semaphore_mem>>)
      %dma_wait3A_31 = tpu.memref_slice %arg5[%mul3A_2] : memref<160000xi32, #tpu.memory_space<hbm>> -> memref<5000xi32, #tpu.memory_space<hbm>>
      %dma_wait3A_32 = tpu.memref_slice %arg5[%mul3A_2] : memref<160000xi32, #tpu.memory_space<hbm>> -> memref<5000xi32, #tpu.memory_space<hbm>>
      tpu.wait_dma2 semaphore(%run_scoped3A : memref<!tpu.dma_semaphore, #tpu.memory_space<semaphore_mem>>) src(%dma_wait3A_32 : memref<5000xi32, #tpu.memory_space<hbm>>) dst(%arg8 : memref<5000xi32, #tpu.memory_space<vmem>>)
      tpu.yield
    }) : () -> ()
    %min3A = arith.constant 0 : i32
    %min3A_3 = arith.constant 4872 : i32
    %min3A_4 = arith.minsi %min3A, %min3A_3 : i32
    %multiple_of3A = tpu.assume_multiple %min3A_4, 8 : i32
    %dma_start3A = tpu.memref_slice %arg7[%multiple_of3A] : memref<5000xi32, #tpu.memory_space<vmem>> -> memref<128xi32, #tpu.memory_space<vmem>>
    %dma_start3A_5 = arith.constant 0 : i32
    %dma_start3A_6 = arith.constant 0 : i32
    %dma_start3A_7 = tpu.memref_slice %arg2[%dma_start3A_5, %dma_start3A_6] : memref<10000x128xf32, #tpu.memory_space<hbm>> -> memref<10000x128xf32, #tpu.memory_space<hbm>>
    tpu.enqueue_indirect_dma source(%dma_start3A_7 : memref<10000x128xf32, #tpu.memory_space<hbm>>) target(%arg9 : memref<128x128xf32, #tpu.memory_space<vmem>>) offsets(%dma_start3A : memref<128xi32, #tpu.memory_space<vmem>>) semaphore(%arg15 : memref<!tpu.dma_semaphore, #tpu.memory_space<semaphore_mem>>)
    %dma_start3A_8 = tpu.memref_slice %arg8[%multiple_of3A] : memref<5000xi32, #tpu.memory_space<vmem>> -> memref<128xi32, #tpu.memory_space<vmem>>
    %dma_start3A_9 = arith.constant 0 : i32
    %dma_start3A_10 = arith.constant 0 : i32
    %dma_start3A_11 = tpu.memref_slice %arg3[%dma_start3A_9, %dma_start3A_10] : memref<10000x128xf32, #tpu.memory_space<hbm>> -> memref<10000x128xf32, #tpu.memory_space<hbm>>
    tpu.enqueue_indirect_dma source(%dma_start3A_11 : memref<10000x128xf32, #tpu.memory_space<hbm>>) target(%arg11 : memref<128x128xf32, #tpu.memory_space<vmem>>) offsets(%dma_start3A_8 : memref<128xi32, #tpu.memory_space<vmem>>) semaphore(%arg15 : memref<!tpu.dma_semaphore, #tpu.memory_space<semaphore_mem>>)
    %scan3A = arith.constant 0 : i32
    %scan3A_12 = arith.constant 0 : i32
    %scan3A_13 = arith.constant 20 : i32
    %scan3A_14 = arith.addi %scan3A_12, %scan3A_13 : i32
    %scan3A_15 = arith.constant 1 : i32
    %scan3A_16 = scf.for %scan3A_29 = %scan3A_12 to %scan3A_14 step %scan3A_15 iter_args(%scan3A_30 = %scan3A) -> (i32)  : i32 {
      %mul3A_31 = arith.constant 2 : i32
      %mul3A_32 = arith.muli %mul3A_31, %scan3A_29 : i32
      %add3A_33 = arith.constant 0 : i32
      %add3A_34 = arith.addi %mul3A_32, %add3A_33 : i32
      %add3A_35 = arith.constant 1 : i32
      %add3A_36 = arith.addi %add3A_34, %add3A_35 : i32
      %lt3A = arith.constant 40 : i32
      %lt3A_37 = arith.cmpi slt, %add3A_36, %lt3A : i32
      %convert_element_type3A = arith.extui %lt3A_37 : i1 to i32
      %cond3A = arith.constant 0 : i32
      %cond3A_38 = arith.cmpi ne, %convert_element_type3A, %cond3A : i32
      scf.if %cond3A_38 {
        %add3A_107 = arith.constant 1 : i32
        %add3A_108 = arith.addi %add3A_34, %add3A_107 : i32
        %mul3A_109 = arith.constant 128 : i32
        %mul3A_110 = arith.muli %add3A_108, %mul3A_109 : i32
        %min3A_111 = arith.constant 4872 : i32
        %min3A_112 = arith.minsi %mul3A_110, %min3A_111 : i32
        %multiple_of3A_113 = tpu.assume_multiple %min3A_112, 8 : i32
        %dma_start3A_114 = tpu.memref_slice %arg7[%multiple_of3A_113] : memref<5000xi32, #tpu.memory_space<vmem>> -> memref<128xi32, #tpu.memory_space<vmem>>
        %dma_start3A_115 = arith.constant 0 : i32
        %dma_start3A_116 = arith.constant 0 : i32
        %dma_start3A_117 = tpu.memref_slice %arg2[%dma_start3A_115, %dma_start3A_116] : memref<10000x128xf32, #tpu.memory_space<hbm>> -> memref<10000x128xf32, #tpu.memory_space<hbm>>
        tpu.enqueue_indirect_dma source(%dma_start3A_117 : memref<10000x128xf32, #tpu.memory_space<hbm>>) target(%arg10 : memref<128x128xf32, #tpu.memory_space<vmem>>) offsets(%dma_start3A_114 : memref<128xi32, #tpu.memory_space<vmem>>) semaphore(%arg16 : memref<!tpu.dma_semaphore, #tpu.memory_space<semaphore_mem>>)
        %dma_start3A_118 = tpu.memref_slice %arg8[%multiple_of3A_113] : memref<5000xi32, #tpu.memory_space<vmem>> -> memref<128xi32, #tpu.memory_space<vmem>>
        %dma_start3A_119 = arith.constant 0 : i32
        %dma_start3A_120 = arith.constant 0 : i32
        %dma_start3A_121 = tpu.memref_slice %arg3[%dma_start3A_119, %dma_start3A_120] : memref<10000x128xf32, #tpu.memory_space<hbm>> -> memref<10000x128xf32, #tpu.memory_space<hbm>>
        tpu.enqueue_indirect_dma source(%dma_start3A_121 : memref<10000x128xf32, #tpu.memory_space<hbm>>) target(%arg12 : memref<128x128xf32, #tpu.memory_space<vmem>>) offsets(%dma_start3A_118 : memref<128xi32, #tpu.memory_space<vmem>>) semaphore(%arg16 : memref<!tpu.dma_semaphore, #tpu.memory_space<semaphore_mem>>)
      } else {
      }
      %dma_wait3A_39 = arith.constant 0 : i32
      %dma_wait3A_40 = tpu.memref_slice %arg7[%dma_wait3A_39] : memref<5000xi32, #tpu.memory_space<vmem>> -> memref<128xi32, #tpu.memory_space<vmem>>
      %dma_wait3A_41 = arith.constant 0 : i32
      %dma_wait3A_42 = arith.constant 0 : i32
      %dma_wait3A_43 = tpu.memref_slice %arg2[%dma_wait3A_41, %dma_wait3A_42] : memref<10000x128xf32, #tpu.memory_space<hbm>> -> memref<10000x128xf32, #tpu.memory_space<hbm>>
      tpu.wait_indirect_dma semaphore(%arg15 : memref<!tpu.dma_semaphore, #tpu.memory_space<semaphore_mem>>) src(%dma_wait3A_43 : memref<10000x128xf32, #tpu.memory_space<hbm>>) dst(%arg9 : memref<128x128xf32, #tpu.memory_space<vmem>>)
      %dma_wait3A_44 = arith.constant 0 : i32
      %dma_wait3A_45 = tpu.memref_slice %arg8[%dma_wait3A_44] : memref<5000xi32, #tpu.memory_space<vmem>> -> memref<128xi32, #tpu.memory_space<vmem>>
      %dma_wait3A_46 = arith.constant 0 : i32
      %dma_wait3A_47 = arith.constant 0 : i32
      %dma_wait3A_48 = tpu.memref_slice %arg3[%dma_wait3A_46, %dma_wait3A_47] : memref<10000x128xf32, #tpu.memory_space<hbm>> -> memref<10000x128xf32, #tpu.memory_space<hbm>>
      tpu.wait_indirect_dma semaphore(%arg15 : memref<!tpu.dma_semaphore, #tpu.memory_space<semaphore_mem>>) src(%dma_wait3A_48 : memref<10000x128xf32, #tpu.memory_space<hbm>>) dst(%arg11 : memref<128x128xf32, #tpu.memory_space<vmem>>)
      %ge3A = arith.constant 2 : i32
      %ge3A_49 = arith.cmpi sge, %add3A_34, %ge3A : i32
      %convert_element_type3A_50 = arith.extui %ge3A_49 : i1 to i32
      %cond3A_51 = arith.constant 0 : i32
      %cond3A_52 = arith.cmpi ne, %convert_element_type3A_50, %cond3A_51 : i32
      scf.if %cond3A_52 {
        %dma_wait3A_107 = arith.constant 0 : i32
        %dma_wait3A_108 = arith.constant 0 : i32
        %dma_wait3A_109 = tpu.memref_slice %arg6[%dma_wait3A_107, %dma_wait3A_108] : memref<160000x128xf32, #tpu.memory_space<hbm>> -> memref<128x128xf32, #tpu.memory_space<hbm>>
        %dma_wait3A_110 = arith.constant 0 : i32
        %dma_wait3A_111 = arith.constant 0 : i32
        %dma_wait3A_112 = tpu.memref_slice %arg6[%dma_wait3A_110, %dma_wait3A_111] : memref<160000x128xf32, #tpu.memory_space<hbm>> -> memref<128x128xf32, #tpu.memory_space<hbm>>
        tpu.wait_dma2 semaphore(%arg17 : memref<!tpu.dma_semaphore, #tpu.memory_space<semaphore_mem>>) src(%arg13 : memref<128x128xf32, #tpu.memory_space<vmem>>) dst(%dma_wait3A_112 : memref<128x128xf32, #tpu.memory_space<hbm>>)
      } else {
      }
      %parallel_loop3A = arith.constant 0 : i32
      %parallel_loop3A_53 = arith.constant 128 : i32
      %parallel_loop3A_54 = arith.constant 1 : i32
      scf.for %parallel_loop3A_107 = %parallel_loop3A to %parallel_loop3A_53 step %parallel_loop3A_54  : i32 {
        %parallel_loop3A_108 = arith.index_cast %parallel_loop3A_107 : i32 to index
        %parallel_loop3A_109 = arith.constant 0 : index
        %parallel_loop3A_110 = tpu.vector_load %arg9[%parallel_loop3A_108, %parallel_loop3A_109] {strides = array<i32>} : memref<128x128xf32, #tpu.memory_space<vmem>>, vector<1x16xf32>,
        %parallel_loop3A_111 = vector.shape_cast %parallel_loop3A_110 : vector<1x16xf32> to vector<16xf32>
        %parallel_loop3A_112 = arith.index_cast %parallel_loop3A_107 : i32 to index
        %parallel_loop3A_113 = arith.constant 0 : index
        %parallel_loop3A_114 = tpu.vector_load %arg11[%parallel_loop3A_112, %parallel_loop3A_113] {strides = array<i32>} : memref<128x128xf32, #tpu.memory_space<vmem>>, vector<1x16xf32>,
        %parallel_loop3A_115 = vector.shape_cast %parallel_loop3A_114 : vector<1x16xf32> to vector<16xf32>
        %parallel_loop3A_116 = arith.mulf %parallel_loop3A_111, %parallel_loop3A_115 : vector<16xf32>
        %parallel_loop3A_117 = arith.index_cast %parallel_loop3A_107 : i32 to index
        %parallel_loop3A_118 = arith.constant 0 : index
        %parallel_loop3A_119 = tpu.vector_load %arg13[%parallel_loop3A_117, %parallel_loop3A_118] {strides = array<i32>} : memref<128x128xf32, #tpu.memory_space<vmem>>, vector<1x16xf32>,
        %parallel_loop3A_120 = vector.shape_cast %parallel_loop3A_119 : vector<1x16xf32> to vector<16xf32>
        %parallel_loop3A_121 = vector.shape_cast %parallel_loop3A_116 : vector<16xf32> to vector<1x16xf32>
        tpu.vector_store %arg13[%parallel_loop3A_117, %parallel_loop3A_118], %parallel_loop3A_121 {strides = array<i32>} : memref<128x128xf32, #tpu.memory_space<vmem>>, vector<1x16xf32>,
        %parallel_loop3A_122 = arith.index_cast %parallel_loop3A_107 : i32 to index
        %parallel_loop3A_123 = arith.constant 16 : index
        %parallel_loop3A_124 = tpu.vector_load %arg9[%parallel_loop3A_122, %parallel_loop3A_123] {strides = array<i32>} : memref<128x128xf32, #tpu.memory_space<vmem>>, vector<1x16xf32>,
        %parallel_loop3A_125 = vector.shape_cast %parallel_loop3A_124 : vector<1x16xf32> to vector<16xf32>
        %parallel_loop3A_126 = arith.index_cast %parallel_loop3A_107 : i32 to index
        %parallel_loop3A_127 = arith.constant 16 : index
        %parallel_loop3A_128 = tpu.vector_load %arg11[%parallel_loop3A_126, %parallel_loop3A_127] {strides = array<i32>} : memref<128x128xf32, #tpu.memory_space<vmem>>, vector<1x16xf32>,
        %parallel_loop3A_129 = vector.shape_cast %parallel_loop3A_128 : vector<1x16xf32> to vector<16xf32>
        %parallel_loop3A_130 = arith.mulf %parallel_loop3A_125, %parallel_loop3A_129 : vector<16xf32>
        %parallel_loop3A_131 = arith.index_cast %parallel_loop3A_107 : i32 to index
        %parallel_loop3A_132 = arith.constant 16 : index
        %parallel_loop3A_133 = tpu.vector_load %arg13[%parallel_loop3A_131, %parallel_loop3A_132] {strides = array<i32>} : memref<128x128xf32, #tpu.memory_space<vmem>>, vector<1x16xf32>,
        %parallel_loop3A_134 = vector.shape_cast %parallel_loop3A_133 : vector<1x16xf32> to vector<16xf32>
        %parallel_loop3A_135 = vector.shape_cast %parallel_loop3A_130 : vector<16xf32> to vector<1x16xf32>
        tpu.vector_store %arg13[%parallel_loop3A_131, %parallel_loop3A_132], %parallel_loop3A_135 {strides = array<i32>} : memref<128x128xf32, #tpu.memory_space<vmem>>, vector<1x16xf32>,
        %parallel_loop3A_136 = arith.index_cast %parallel_loop3A_107 : i32 to index
        %parallel_loop3A_137 = arith.constant 32 : index
        %parallel_loop3A_138 = tpu.vector_load %arg9[%parallel_loop3A_136, %parallel_loop3A_137] {strides = array<i32>} : memref<128x128xf32, #tpu.memory_space<vmem>>, vector<1x16xf32>,
        %parallel_loop3A_139 = vector.shape_cast %parallel_loop3A_138 : vector<1x16xf32> to vector<16xf32>
        %parallel_loop3A_140 = arith.index_cast %parallel_loop3A_107 : i32 to index
        %parallel_loop3A_141 = arith.constant 32 : index
        %parallel_loop3A_142 = tpu.vector_load %arg11[%parallel_loop3A_140, %parallel_loop3A_141] {strides = array<i32>} : memref<128x128xf32, #tpu.memory_space<vmem>>, vector<1x16xf32>,
        %parallel_loop3A_143 = vector.shape_cast %parallel_loop3A_142 : vector<1x16xf32> to vector<16xf32>
        %parallel_loop3A_144 = arith.mulf %parallel_loop3A_139, %parallel_loop3A_143 : vector<16xf32>
        %parallel_loop3A_145 = arith.index_cast %parallel_loop3A_107 : i32 to index
        %parallel_loop3A_146 = arith.constant 32 : index
        %parallel_loop3A_147 = tpu.vector_load %arg13[%parallel_loop3A_145, %parallel_loop3A_146] {strides = array<i32>} : memref<128x128xf32, #tpu.memory_space<vmem>>, vector<1x16xf32>,
        %parallel_loop3A_148 = vector.shape_cast %parallel_loop3A_147 : vector<1x16xf32> to vector<16xf32>
        %parallel_loop3A_149 = vector.shape_cast %parallel_loop3A_144 : vector<16xf32> to vector<1x16xf32>
        tpu.vector_store %arg13[%parallel_loop3A_145, %parallel_loop3A_146], %parallel_loop3A_149 {strides = array<i32>} : memref<128x128xf32, #tpu.memory_space<vmem>>, vector<1x16xf32>,
        %parallel_loop3A_150 = arith.index_cast %parallel_loop3A_107 : i32 to index
        %parallel_loop3A_151 = arith.constant 48 : index
        %parallel_loop3A_152 = tpu.vector_load %arg9[%parallel_loop3A_150, %parallel_loop3A_151] {strides = array<i32>} : memref<128x128xf32, #tpu.memory_space<vmem>>, vector<1x16xf32>,
        %parallel_loop3A_153 = vector.shape_cast %parallel_loop3A_152 : vector<1x16xf32> to vector<16xf32>
        %parallel_loop3A_154 = arith.index_cast %parallel_loop3A_107 : i32 to index
        %parallel_loop3A_155 = arith.constant 48 : index
        %parallel_loop3A_156 = tpu.vector_load %arg11[%parallel_loop3A_154, %parallel_loop3A_155] {strides = array<i32>} : memref<128x128xf32, #tpu.memory_space<vmem>>, vector<1x16xf32>,
        %parallel_loop3A_157 = vector.shape_cast %parallel_loop3A_156 : vector<1x16xf32> to vector<16xf32>
        %parallel_loop3A_158 = arith.mulf %parallel_loop3A_153, %parallel_loop3A_157 : vector<16xf32>
        %parallel_loop3A_159 = arith.index_cast %parallel_loop3A_107 : i32 to index
        %parallel_loop3A_160 = arith.constant 48 : index
        %parallel_loop3A_161 = tpu.vector_load %arg13[%parallel_loop3A_159, %parallel_loop3A_160] {strides = array<i32>} : memref<128x128xf32, #tpu.memory_space<vmem>>, vector<1x16xf32>,
        %parallel_loop3A_162 = vector.shape_cast %parallel_loop3A_161 : vector<1x16xf32> to vector<16xf32>
        %parallel_loop3A_163 = vector.shape_cast %parallel_loop3A_158 : vector<16xf32> to vector<1x16xf32>
        tpu.vector_store %arg13[%parallel_loop3A_159, %parallel_loop3A_160], %parallel_loop3A_163 {strides = array<i32>} : memref<128x128xf32, #tpu.memory_space<vmem>>, vector<1x16xf32>,
        %parallel_loop3A_164 = arith.index_cast %parallel_loop3A_107 : i32 to index
        %parallel_loop3A_165 = arith.constant 64 : index
        %parallel_loop3A_166 = tpu.vector_load %arg9[%parallel_loop3A_164, %parallel_loop3A_165] {strides = array<i32>} : memref<128x128xf32, #tpu.memory_space<vmem>>, vector<1x16xf32>,
        %parallel_loop3A_167 = vector.shape_cast %parallel_loop3A_166 : vector<1x16xf32> to vector<16xf32>
        %parallel_loop3A_168 = arith.index_cast %parallel_loop3A_107 : i32 to index
        %parallel_loop3A_169 = arith.constant 64 : index
        %parallel_loop3A_170 = tpu.vector_load %arg11[%parallel_loop3A_168, %parallel_loop3A_169] {strides = array<i32>} : memref<128x128xf32, #tpu.memory_space<vmem>>, vector<1x16xf32>,
        %parallel_loop3A_171 = vector.shape_cast %parallel_loop3A_170 : vector<1x16xf32> to vector<16xf32>
        %parallel_loop3A_172 = arith.mulf %parallel_loop3A_167, %parallel_loop3A_171 : vector<16xf32>
        %parallel_loop3A_173 = arith.index_cast %parallel_loop3A_107 : i32 to index
        %parallel_loop3A_174 = arith.constant 64 : index
        %parallel_loop3A_175 = tpu.vector_load %arg13[%parallel_loop3A_173, %parallel_loop3A_174] {strides = array<i32>} : memref<128x128xf32, #tpu.memory_space<vmem>>, vector<1x16xf32>,
        %parallel_loop3A_176 = vector.shape_cast %parallel_loop3A_175 : vector<1x16xf32> to vector<16xf32>
        %parallel_loop3A_177 = vector.shape_cast %parallel_loop3A_172 : vector<16xf32> to vector<1x16xf32>
        tpu.vector_store %arg13[%parallel_loop3A_173, %parallel_loop3A_174], %parallel_loop3A_177 {strides = array<i32>} : memref<128x128xf32, #tpu.memory_space<vmem>>, vector<1x16xf32>,
        %parallel_loop3A_178 = arith.index_cast %parallel_loop3A_107 : i32 to index
        %parallel_loop3A_179 = arith.constant 80 : index
        %parallel_loop3A_180 = tpu.vector_load %arg9[%parallel_loop3A_178, %parallel_loop3A_179] {strides = array<i32>} : memref<128x128xf32, #tpu.memory_space<vmem>>, vector<1x16xf32>,
        %parallel_loop3A_181 = vector.shape_cast %parallel_loop3A_180 : vector<1x16xf32> to vector<16xf32>
        %parallel_loop3A_182 = arith.index_cast %parallel_loop3A_107 : i32 to index
        %parallel_loop3A_183 = arith.constant 80 : index
        %parallel_loop3A_184 = tpu.vector_load %arg11[%parallel_loop3A_182, %parallel_loop3A_183] {strides = array<i32>} : memref<128x128xf32, #tpu.memory_space<vmem>>, vector<1x16xf32>,
        %parallel_loop3A_185 = vector.shape_cast %parallel_loop3A_184 : vector<1x16xf32> to vector<16xf32>
        %parallel_loop3A_186 = arith.mulf %parallel_loop3A_181, %parallel_loop3A_185 : vector<16xf32>
        %parallel_loop3A_187 = arith.index_cast %parallel_loop3A_107 : i32 to index
        %parallel_loop3A_188 = arith.constant 80 : index
        %parallel_loop3A_189 = tpu.vector_load %arg13[%parallel_loop3A_187, %parallel_loop3A_188] {strides = array<i32>} : memref<128x128xf32, #tpu.memory_space<vmem>>, vector<1x16xf32>,
        %parallel_loop3A_190 = vector.shape_cast %parallel_loop3A_189 : vector<1x16xf32> to vector<16xf32>
        %parallel_loop3A_191 = vector.shape_cast %parallel_loop3A_186 : vector<16xf32> to vector<1x16xf32>
        tpu.vector_store %arg13[%parallel_loop3A_187, %parallel_loop3A_188], %parallel_loop3A_191 {strides = array<i32>} : memref<128x128xf32, #tpu.memory_space<vmem>>, vector<1x16xf32>,
        %parallel_loop3A_192 = arith.index_cast %parallel_loop3A_107 : i32 to index
        %parallel_loop3A_193 = arith.constant 96 : index
        %parallel_loop3A_194 = tpu.vector_load %arg9[%parallel_loop3A_192, %parallel_loop3A_193] {strides = array<i32>} : memref<128x128xf32, #tpu.memory_space<vmem>>, vector<1x16xf32>,
        %parallel_loop3A_195 = vector.shape_cast %parallel_loop3A_194 : vector<1x16xf32> to vector<16xf32>
        %parallel_loop3A_196 = arith.index_cast %parallel_loop3A_107 : i32 to index
        %parallel_loop3A_197 = arith.constant 96 : index
        %parallel_loop3A_198 = tpu.vector_load %arg11[%parallel_loop3A_196, %parallel_loop3A_197] {strides = array<i32>} : memref<128x128xf32, #tpu.memory_space<vmem>>, vector<1x16xf32>,
        %parallel_loop3A_199 = vector.shape_cast %parallel_loop3A_198 : vector<1x16xf32> to vector<16xf32>
        %parallel_loop3A_200 = arith.mulf %parallel_loop3A_195, %parallel_loop3A_199 : vector<16xf32>
        %parallel_loop3A_201 = arith.index_cast %parallel_loop3A_107 : i32 to index
        %parallel_loop3A_202 = arith.constant 96 : index
        %parallel_loop3A_203 = tpu.vector_load %arg13[%parallel_loop3A_201, %parallel_loop3A_202] {strides = array<i32>} : memref<128x128xf32, #tpu.memory_space<vmem>>, vector<1x16xf32>,
        %parallel_loop3A_204 = vector.shape_cast %parallel_loop3A_203 : vector<1x16xf32> to vector<16xf32>
        %parallel_loop3A_205 = vector.shape_cast %parallel_loop3A_200 : vector<16xf32> to vector<1x16xf32>
        tpu.vector_store %arg13[%parallel_loop3A_201, %parallel_loop3A_202], %parallel_loop3A_205 {strides = array<i32>} : memref<128x128xf32, #tpu.memory_space<vmem>>, vector<1x16xf32>,
        %parallel_loop3A_206 = arith.index_cast %parallel_loop3A_107 : i32 to index
        %parallel_loop3A_207 = arith.constant 112 : index
        %parallel_loop3A_208 = tpu.vector_load %arg9[%parallel_loop3A_206, %parallel_loop3A_207] {strides = array<i32>} : memref<128x128xf32, #tpu.memory_space<vmem>>, vector<1x16xf32>,
        %parallel_loop3A_209 = vector.shape_cast %parallel_loop3A_208 : vector<1x16xf32> to vector<16xf32>
        %parallel_loop3A_210 = arith.index_cast %parallel_loop3A_107 : i32 to index
        %parallel_loop3A_211 = arith.constant 112 : index
        %parallel_loop3A_212 = tpu.vector_load %arg11[%parallel_loop3A_210, %parallel_loop3A_211] {strides = array<i32>} : memref<128x128xf32, #tpu.memory_space<vmem>>, vector<1x16xf32>,
        %parallel_loop3A_213 = vector.shape_cast %parallel_loop3A_212 : vector<1x16xf32> to vector<16xf32>
        %parallel_loop3A_214 = arith.mulf %parallel_loop3A_209, %parallel_loop3A_213 : vector<16xf32>
        %parallel_loop3A_215 = arith.index_cast %parallel_loop3A_107 : i32 to index
        %parallel_loop3A_216 = arith.constant 112 : index
        %parallel_loop3A_217 = tpu.vector_load %arg13[%parallel_loop3A_215, %parallel_loop3A_216] {strides = array<i32>} : memref<128x128xf32, #tpu.memory_space<vmem>>, vector<1x16xf32>,
        %parallel_loop3A_218 = vector.shape_cast %parallel_loop3A_217 : vector<1x16xf32> to vector<16xf32>
        %parallel_loop3A_219 = vector.shape_cast %parallel_loop3A_214 : vector<16xf32> to vector<1x16xf32>
        tpu.vector_store %arg13[%parallel_loop3A_215, %parallel_loop3A_216], %parallel_loop3A_219 {strides = array<i32>} : memref<128x128xf32, #tpu.memory_space<vmem>>, vector<1x16xf32>,
      } {sc.loop_unroll_factor = 8 : i64, sc.parallel_access}
      %mul3A_55 = arith.constant 128 : i32
      %mul3A_56 = arith.muli %add3A_34, %mul3A_55 : i32
      %min3A_57 = arith.constant 4872 : i32
      %min3A_58 = arith.minsi %mul3A_56, %min3A_57 : i32
      %multiple_of3A_59 = tpu.assume_multiple %min3A_58, 8 : i32
      %add3A_60 = arith.addi %mul3A_2, %multiple_of3A_59 : i32
      %multiple_of3A_61 = tpu.assume_multiple %add3A_60, 8 : i32
      %dma_start3A_62 = arith.constant 0 : i32
      %dma_start3A_63 = tpu.memref_slice %arg6[%multiple_of3A_61, %dma_start3A_62] : memref<160000x128xf32, #tpu.memory_space<hbm>> -> memref<128x128xf32, #tpu.memory_space<hbm>>
      %dma_start3A_64 = arith.constant 0 : i32
      %dma_start3A_65 = tpu.memref_slice %arg6[%multiple_of3A_61, %dma_start3A_64] : memref<160000x128xf32, #tpu.memory_space<hbm>> -> memref<128x128xf32, #tpu.memory_space<hbm>>
      tpu.enqueue_dma source(%arg13 : memref<128x128xf32, #tpu.memory_space<vmem>>) target(%dma_start3A_65 : memref<128x128xf32, #tpu.memory_space<hbm>>) target_semaphore(%arg17 : memref<!tpu.dma_semaphore, #tpu.memory_space<semaphore_mem>>)
      %mul3A_66 = arith.constant 2 : i32
      %mul3A_67 = arith.muli %mul3A_66, %scan3A_29 : i32
      %add3A_68 = arith.constant 1 : i32
      %add3A_69 = arith.addi %mul3A_67, %add3A_68 : i32
      %add3A_70 = arith.constant 1 : i32
      %add3A_71 = arith.addi %add3A_69, %add3A_70 : i32
      %lt3A_72 = arith.constant 40 : i32
      %lt3A_73 = arith.cmpi slt, %add3A_71, %lt3A_72 : i32
      %convert_element_type3A_74 = arith.extui %lt3A_73 : i1 to i32
      %cond3A_75 = arith.constant 0 : i32
      %cond3A_76 = arith.cmpi ne, %convert_element_type3A_74, %cond3A_75 : i32
      scf.if %cond3A_76 {
        %add3A_107 = arith.constant 1 : i32
        %add3A_108 = arith.addi %add3A_69, %add3A_107 : i32
        %mul3A_109 = arith.constant 128 : i32
        %mul3A_110 = arith.muli %add3A_108, %mul3A_109 : i32
        %min3A_111 = arith.constant 4872 : i32
        %min3A_112 = arith.minsi %mul3A_110, %min3A_111 : i32
        %multiple_of3A_113 = tpu.assume_multiple %min3A_112, 8 : i32
        %dma_start3A_114 = tpu.memref_slice %arg7[%multiple_of3A_113] : memref<5000xi32, #tpu.memory_space<vmem>> -> memref<128xi32, #tpu.memory_space<vmem>>
        %dma_start3A_115 = arith.constant 0 : i32
        %dma_start3A_116 = arith.constant 0 : i32
        %dma_start3A_117 = tpu.memref_slice %arg2[%dma_start3A_115, %dma_start3A_116] : memref<10000x128xf32, #tpu.memory_space<hbm>> -> memref<10000x128xf32, #tpu.memory_space<hbm>>
        tpu.enqueue_indirect_dma source(%dma_start3A_117 : memref<10000x128xf32, #tpu.memory_space<hbm>>) target(%arg9 : memref<128x128xf32, #tpu.memory_space<vmem>>) offsets(%dma_start3A_114 : memref<128xi32, #tpu.memory_space<vmem>>) semaphore(%arg15 : memref<!tpu.dma_semaphore, #tpu.memory_space<semaphore_mem>>)
        %dma_start3A_118 = tpu.memref_slice %arg8[%multiple_of3A_113] : memref<5000xi32, #tpu.memory_space<vmem>> -> memref<128xi32, #tpu.memory_space<vmem>>
        %dma_start3A_119 = arith.constant 0 : i32
        %dma_start3A_120 = arith.constant 0 : i32
        %dma_start3A_121 = tpu.memref_slice %arg3[%dma_start3A_119, %dma_start3A_120] : memref<10000x128xf32, #tpu.memory_space<hbm>> -> memref<10000x128xf32, #tpu.memory_space<hbm>>
        tpu.enqueue_indirect_dma source(%dma_start3A_121 : memref<10000x128xf32, #tpu.memory_space<hbm>>) target(%arg11 : memref<128x128xf32, #tpu.memory_space<vmem>>) offsets(%dma_start3A_118 : memref<128xi32, #tpu.memory_space<vmem>>) semaphore(%arg15 : memref<!tpu.dma_semaphore, #tpu.memory_space<semaphore_mem>>)
      } else {
      }
      %dma_wait3A_77 = arith.constant 0 : i32
      %dma_wait3A_78 = tpu.memref_slice %arg7[%dma_wait3A_77] : memref<5000xi32, #tpu.memory_space<vmem>> -> memref<128xi32, #tpu.memory_space<vmem>>
      %dma_wait3A_79 = arith.constant 0 : i32
      %dma_wait3A_80 = arith.constant 0 : i32
      %dma_wait3A_81 = tpu.memref_slice %arg2[%dma_wait3A_79, %dma_wait3A_80] : memref<10000x128xf32, #tpu.memory_space<hbm>> -> memref<10000x128xf32, #tpu.memory_space<hbm>>
      tpu.wait_indirect_dma semaphore(%arg16 : memref<!tpu.dma_semaphore, #tpu.memory_space<semaphore_mem>>) src(%dma_wait3A_81 : memref<10000x128xf32, #tpu.memory_space<hbm>>) dst(%arg10 : memref<128x128xf32, #tpu.memory_space<vmem>>)
      %dma_wait3A_82 = arith.constant 0 : i32
      %dma_wait3A_83 = tpu.memref_slice %arg8[%dma_wait3A_82] : memref<5000xi32, #tpu.memory_space<vmem>> -> memref<128xi32, #tpu.memory_space<vmem>>
      %dma_wait3A_84 = arith.constant 0 : i32
      %dma_wait3A_85 = arith.constant 0 : i32
      %dma_wait3A_86 = tpu.memref_slice %arg3[%dma_wait3A_84, %dma_wait3A_85] : memref<10000x128xf32, #tpu.memory_space<hbm>> -> memref<10000x128xf32, #tpu.memory_space<hbm>>
      tpu.wait_indirect_dma semaphore(%arg16 : memref<!tpu.dma_semaphore, #tpu.memory_space<semaphore_mem>>) src(%dma_wait3A_86 : memref<10000x128xf32, #tpu.memory_space<hbm>>) dst(%arg12 : memref<128x128xf32, #tpu.memory_space<vmem>>)
      %ge3A_87 = arith.constant 2 : i32
      %ge3A_88 = arith.cmpi sge, %add3A_69, %ge3A_87 : i32
      %convert_element_type3A_89 = arith.extui %ge3A_88 : i1 to i32
      %cond3A_90 = arith.constant 0 : i32
      %cond3A_91 = arith.cmpi ne, %convert_element_type3A_89, %cond3A_90 : i32
      scf.if %cond3A_91 {
        %dma_wait3A_107 = arith.constant 0 : i32
        %dma_wait3A_108 = arith.constant 0 : i32
        %dma_wait3A_109 = tpu.memref_slice %arg6[%dma_wait3A_107, %dma_wait3A_108] : memref<160000x128xf32, #tpu.memory_space<hbm>> -> memref<128x128xf32, #tpu.memory_space<hbm>>
        %dma_wait3A_110 = arith.constant 0 : i32
        %dma_wait3A_111 = arith.constant 0 : i32
        %dma_wait3A_112 = tpu.memref_slice %arg6[%dma_wait3A_110, %dma_wait3A_111] : memref<160000x128xf32, #tpu.memory_space<hbm>> -> memref<128x128xf32, #tpu.memory_space<hbm>>
        tpu.wait_dma2 semaphore(%arg18 : memref<!tpu.dma_semaphore, #tpu.memory_space<semaphore_mem>>) src(%arg14 : memref<128x128xf32, #tpu.memory_space<vmem>>) dst(%dma_wait3A_112 : memref<128x128xf32, #tpu.memory_space<hbm>>)
      } else {
      }
      %parallel_loop3A_92 = arith.constant 0 : i32
      %parallel_loop3A_93 = arith.constant 128 : i32
      %parallel_loop3A_94 = arith.constant 1 : i32
      scf.for %parallel_loop3A_107 = %parallel_loop3A_92 to %parallel_loop3A_93 step %parallel_loop3A_94  : i32 {
        %parallel_loop3A_108 = arith.index_cast %parallel_loop3A_107 : i32 to index
        %parallel_loop3A_109 = arith.constant 0 : index
        %parallel_loop3A_110 = tpu.vector_load %arg10[%parallel_loop3A_108, %parallel_loop3A_109] {strides = array<i32>} : memref<128x128xf32, #tpu.memory_space<vmem>>, vector<1x16xf32>,
        %parallel_loop3A_111 = vector.shape_cast %parallel_loop3A_110 : vector<1x16xf32> to vector<16xf32>
        %parallel_loop3A_112 = arith.index_cast %parallel_loop3A_107 : i32 to index
        %parallel_loop3A_113 = arith.constant 0 : index
        %parallel_loop3A_114 = tpu.vector_load %arg12[%parallel_loop3A_112, %parallel_loop3A_113] {strides = array<i32>} : memref<128x128xf32, #tpu.memory_space<vmem>>, vector<1x16xf32>,
        %parallel_loop3A_115 = vector.shape_cast %parallel_loop3A_114 : vector<1x16xf32> to vector<16xf32>
        %parallel_loop3A_116 = arith.mulf %parallel_loop3A_111, %parallel_loop3A_115 : vector<16xf32>
        %parallel_loop3A_117 = arith.index_cast %parallel_loop3A_107 : i32 to index
        %parallel_loop3A_118 = arith.constant 0 : index
        %parallel_loop3A_119 = tpu.vector_load %arg14[%parallel_loop3A_117, %parallel_loop3A_118] {strides = array<i32>} : memref<128x128xf32, #tpu.memory_space<vmem>>, vector<1x16xf32>,
        %parallel_loop3A_120 = vector.shape_cast %parallel_loop3A_119 : vector<1x16xf32> to vector<16xf32>
        %parallel_loop3A_121 = vector.shape_cast %parallel_loop3A_116 : vector<16xf32> to vector<1x16xf32>
        tpu.vector_store %arg14[%parallel_loop3A_117, %parallel_loop3A_118], %parallel_loop3A_121 {strides = array<i32>} : memref<128x128xf32, #tpu.memory_space<vmem>>, vector<1x16xf32>,
        %parallel_loop3A_122 = arith.index_cast %parallel_loop3A_107 : i32 to index
        %parallel_loop3A_123 = arith.constant 16 : index
        %parallel_loop3A_124 = tpu.vector_load %arg10[%parallel_loop3A_122, %parallel_loop3A_123] {strides = array<i32>} : memref<128x128xf32, #tpu.memory_space<vmem>>, vector<1x16xf32>,
        %parallel_loop3A_125 = vector.shape_cast %parallel_loop3A_124 : vector<1x16xf32> to vector<16xf32>
        %parallel_loop3A_126 = arith.index_cast %parallel_loop3A_107 : i32 to index
        %parallel_loop3A_127 = arith.constant 16 : index
        %parallel_loop3A_128 = tpu.vector_load %arg12[%parallel_loop3A_126, %parallel_loop3A_127] {strides = array<i32>} : memref<128x128xf32, #tpu.memory_space<vmem>>, vector<1x16xf32>,
        %parallel_loop3A_129 = vector.shape_cast %parallel_loop3A_128 : vector<1x16xf32> to vector<16xf32>
        %parallel_loop3A_130 = arith.mulf %parallel_loop3A_125, %parallel_loop3A_129 : vector<16xf32>
        %parallel_loop3A_131 = arith.index_cast %parallel_loop3A_107 : i32 to index
        %parallel_loop3A_132 = arith.constant 16 : index
        %parallel_loop3A_133 = tpu.vector_load %arg14[%parallel_loop3A_131, %parallel_loop3A_132] {strides = array<i32>} : memref<128x128xf32, #tpu.memory_space<vmem>>, vector<1x16xf32>,
        %parallel_loop3A_134 = vector.shape_cast %parallel_loop3A_133 : vector<1x16xf32> to vector<16xf32>
        %parallel_loop3A_135 = vector.shape_cast %parallel_loop3A_130 : vector<16xf32> to vector<1x16xf32>
        tpu.vector_store %arg14[%parallel_loop3A_131, %parallel_loop3A_132], %parallel_loop3A_135 {strides = array<i32>} : memref<128x128xf32, #tpu.memory_space<vmem>>, vector<1x16xf32>,
        %parallel_loop3A_136 = arith.index_cast %parallel_loop3A_107 : i32 to index
        %parallel_loop3A_137 = arith.constant 32 : index
        %parallel_loop3A_138 = tpu.vector_load %arg10[%parallel_loop3A_136, %parallel_loop3A_137] {strides = array<i32>} : memref<128x128xf32, #tpu.memory_space<vmem>>, vector<1x16xf32>,
        %parallel_loop3A_139 = vector.shape_cast %parallel_loop3A_138 : vector<1x16xf32> to vector<16xf32>
        %parallel_loop3A_140 = arith.index_cast %parallel_loop3A_107 : i32 to index
        %parallel_loop3A_141 = arith.constant 32 : index
        %parallel_loop3A_142 = tpu.vector_load %arg12[%parallel_loop3A_140, %parallel_loop3A_141] {strides = array<i32>} : memref<128x128xf32, #tpu.memory_space<vmem>>, vector<1x16xf32>,
        %parallel_loop3A_143 = vector.shape_cast %parallel_loop3A_142 : vector<1x16xf32> to vector<16xf32>
        %parallel_loop3A_144 = arith.mulf %parallel_loop3A_139, %parallel_loop3A_143 : vector<16xf32>
        %parallel_loop3A_145 = arith.index_cast %parallel_loop3A_107 : i32 to index
        %parallel_loop3A_146 = arith.constant 32 : index
        %parallel_loop3A_147 = tpu.vector_load %arg14[%parallel_loop3A_145, %parallel_loop3A_146] {strides = array<i32>} : memref<128x128xf32, #tpu.memory_space<vmem>>, vector<1x16xf32>,
        %parallel_loop3A_148 = vector.shape_cast %parallel_loop3A_147 : vector<1x16xf32> to vector<16xf32>
        %parallel_loop3A_149 = vector.shape_cast %parallel_loop3A_144 : vector<16xf32> to vector<1x16xf32>
        tpu.vector_store %arg14[%parallel_loop3A_145, %parallel_loop3A_146], %parallel_loop3A_149 {strides = array<i32>} : memref<128x128xf32, #tpu.memory_space<vmem>>, vector<1x16xf32>,
        %parallel_loop3A_150 = arith.index_cast %parallel_loop3A_107 : i32 to index
        %parallel_loop3A_151 = arith.constant 48 : index
        %parallel_loop3A_152 = tpu.vector_load %arg10[%parallel_loop3A_150, %parallel_loop3A_151] {strides = array<i32>} : memref<128x128xf32, #tpu.memory_space<vmem>>, vector<1x16xf32>,
        %parallel_loop3A_153 = vector.shape_cast %parallel_loop3A_152 : vector<1x16xf32> to vector<16xf32>
        %parallel_loop3A_154 = arith.index_cast %parallel_loop3A_107 : i32 to index
        %parallel_loop3A_155 = arith.constant 48 : index
        %parallel_loop3A_156 = tpu.vector_load %arg12[%parallel_loop3A_154, %parallel_loop3A_155] {strides = array<i32>} : memref<128x128xf32, #tpu.memory_space<vmem>>, vector<1x16xf32>,
        %parallel_loop3A_157 = vector.shape_cast %parallel_loop3A_156 : vector<1x16xf32> to vector<16xf32>
        %parallel_loop3A_158 = arith.mulf %parallel_loop3A_153, %parallel_loop3A_157 : vector<16xf32>
        %parallel_loop3A_159 = arith.index_cast %parallel_loop3A_107 : i32 to index
        %parallel_loop3A_160 = arith.constant 48 : index
        %parallel_loop3A_161 = tpu.vector_load %arg14[%parallel_loop3A_159, %parallel_loop3A_160] {strides = array<i32>} : memref<128x128xf32, #tpu.memory_space<vmem>>, vector<1x16xf32>,
        %parallel_loop3A_162 = vector.shape_cast %parallel_loop3A_161 : vector<1x16xf32> to vector<16xf32>
        %parallel_loop3A_163 = vector.shape_cast %parallel_loop3A_158 : vector<16xf32> to vector<1x16xf32>
        tpu.vector_store %arg14[%parallel_loop3A_159, %parallel_loop3A_160], %parallel_loop3A_163 {strides = array<i32>} : memref<128x128xf32, #tpu.memory_space<vmem>>, vector<1x16xf32>,
        %parallel_loop3A_164 = arith.index_cast %parallel_loop3A_107 : i32 to index
        %parallel_loop3A_165 = arith.constant 64 : index
        %parallel_loop3A_166 = tpu.vector_load %arg10[%parallel_loop3A_164, %parallel_loop3A_165] {strides = array<i32>} : memref<128x128xf32, #tpu.memory_space<vmem>>, vector<1x16xf32>,
        %parallel_loop3A_167 = vector.shape_cast %parallel_loop3A_166 : vector<1x16xf32> to vector<16xf32>
        %parallel_loop3A_168 = arith.index_cast %parallel_loop3A_107 : i32 to index
        %parallel_loop3A_169 = arith.constant 64 : index
        %parallel_loop3A_170 = tpu.vector_load %arg12[%parallel_loop3A_168, %parallel_loop3A_169] {strides = array<i32>} : memref<128x128xf32, #tpu.memory_space<vmem>>, vector<1x16xf32>,
        %parallel_loop3A_171 = vector.shape_cast %parallel_loop3A_170 : vector<1x16xf32> to vector<16xf32>
        %parallel_loop3A_172 = arith.mulf %parallel_loop3A_167, %parallel_loop3A_171 : vector<16xf32>
        %parallel_loop3A_173 = arith.index_cast %parallel_loop3A_107 : i32 to index
        %parallel_loop3A_174 = arith.constant 64 : index
        %parallel_loop3A_175 = tpu.vector_load %arg14[%parallel_loop3A_173, %parallel_loop3A_174] {strides = array<i32>} : memref<128x128xf32, #tpu.memory_space<vmem>>, vector<1x16xf32>,
        %parallel_loop3A_176 = vector.shape_cast %parallel_loop3A_175 : vector<1x16xf32> to vector<16xf32>
        %parallel_loop3A_177 = vector.shape_cast %parallel_loop3A_172 : vector<16xf32> to vector<1x16xf32>
        tpu.vector_store %arg14[%parallel_loop3A_173, %parallel_loop3A_174], %parallel_loop3A_177 {strides = array<i32>} : memref<128x128xf32, #tpu.memory_space<vmem>>, vector<1x16xf32>,
        %parallel_loop3A_178 = arith.index_cast %parallel_loop3A_107 : i32 to index
        %parallel_loop3A_179 = arith.constant 80 : index
        %parallel_loop3A_180 = tpu.vector_load %arg10[%parallel_loop3A_178, %parallel_loop3A_179] {strides = array<i32>} : memref<128x128xf32, #tpu.memory_space<vmem>>, vector<1x16xf32>,
        %parallel_loop3A_181 = vector.shape_cast %parallel_loop3A_180 : vector<1x16xf32> to vector<16xf32>
        %parallel_loop3A_182 = arith.index_cast %parallel_loop3A_107 : i32 to index
        %parallel_loop3A_183 = arith.constant 80 : index
        %parallel_loop3A_184 = tpu.vector_load %arg12[%parallel_loop3A_182, %parallel_loop3A_183] {strides = array<i32>} : memref<128x128xf32, #tpu.memory_space<vmem>>, vector<1x16xf32>,
        %parallel_loop3A_185 = vector.shape_cast %parallel_loop3A_184 : vector<1x16xf32> to vector<16xf32>
        %parallel_loop3A_186 = arith.mulf %parallel_loop3A_181, %parallel_loop3A_185 : vector<16xf32>
        %parallel_loop3A_187 = arith.index_cast %parallel_loop3A_107 : i32 to index
        %parallel_loop3A_188 = arith.constant 80 : index
        %parallel_loop3A_189 = tpu.vector_load %arg14[%parallel_loop3A_187, %parallel_loop3A_188] {strides = array<i32>} : memref<128x128xf32, #tpu.memory_space<vmem>>, vector<1x16xf32>,
        %parallel_loop3A_190 = vector.shape_cast %parallel_loop3A_189 : vector<1x16xf32> to vector<16xf32>
        %parallel_loop3A_191 = vector.shape_cast %parallel_loop3A_186 : vector<16xf32> to vector<1x16xf32>
        tpu.vector_store %arg14[%parallel_loop3A_187, %parallel_loop3A_188], %parallel_loop3A_191 {strides = array<i32>} : memref<128x128xf32, #tpu.memory_space<vmem>>, vector<1x16xf32>,
        %parallel_loop3A_192 = arith.index_cast %parallel_loop3A_107 : i32 to index
        %parallel_loop3A_193 = arith.constant 96 : index
        %parallel_loop3A_194 = tpu.vector_load %arg10[%parallel_loop3A_192, %parallel_loop3A_193] {strides = array<i32>} : memref<128x128xf32, #tpu.memory_space<vmem>>, vector<1x16xf32>,
        %parallel_loop3A_195 = vector.shape_cast %parallel_loop3A_194 : vector<1x16xf32> to vector<16xf32>
        %parallel_loop3A_196 = arith.index_cast %parallel_loop3A_107 : i32 to index
        %parallel_loop3A_197 = arith.constant 96 : index
        %parallel_loop3A_198 = tpu.vector_load %arg12[%parallel_loop3A_196, %parallel_loop3A_197] {strides = array<i32>} : memref<128x128xf32, #tpu.memory_space<vmem>>, vector<1x16xf32>,
        %parallel_loop3A_199 = vector.shape_cast %parallel_loop3A_198 : vector<1x16xf32> to vector<16xf32>
        %parallel_loop3A_200 = arith.mulf %parallel_loop3A_195, %parallel_loop3A_199 : vector<16xf32>
        %parallel_loop3A_201 = arith.index_cast %parallel_loop3A_107 : i32 to index
        %parallel_loop3A_202 = arith.constant 96 : index
        %parallel_loop3A_203 = tpu.vector_load %arg14[%parallel_loop3A_201, %parallel_loop3A_202] {strides = array<i32>} : memref<128x128xf32, #tpu.memory_space<vmem>>, vector<1x16xf32>,
        %parallel_loop3A_204 = vector.shape_cast %parallel_loop3A_203 : vector<1x16xf32> to vector<16xf32>
        %parallel_loop3A_205 = vector.shape_cast %parallel_loop3A_200 : vector<16xf32> to vector<1x16xf32>
        tpu.vector_store %arg14[%parallel_loop3A_201, %parallel_loop3A_202], %parallel_loop3A_205 {strides = array<i32>} : memref<128x128xf32, #tpu.memory_space<vmem>>, vector<1x16xf32>,
        %parallel_loop3A_206 = arith.index_cast %parallel_loop3A_107 : i32 to index
        %parallel_loop3A_207 = arith.constant 112 : index
        %parallel_loop3A_208 = tpu.vector_load %arg10[%parallel_loop3A_206, %parallel_loop3A_207] {strides = array<i32>} : memref<128x128xf32, #tpu.memory_space<vmem>>, vector<1x16xf32>,
        %parallel_loop3A_209 = vector.shape_cast %parallel_loop3A_208 : vector<1x16xf32> to vector<16xf32>
        %parallel_loop3A_210 = arith.index_cast %parallel_loop3A_107 : i32 to index
        %parallel_loop3A_211 = arith.constant 112 : index
        %parallel_loop3A_212 = tpu.vector_load %arg12[%parallel_loop3A_210, %parallel_loop3A_211] {strides = array<i32>} : memref<128x128xf32, #tpu.memory_space<vmem>>, vector<1x16xf32>,
        %parallel_loop3A_213 = vector.shape_cast %parallel_loop3A_212 : vector<1x16xf32> to vector<16xf32>
        %parallel_loop3A_214 = arith.mulf %parallel_loop3A_209, %parallel_loop3A_213 : vector<16xf32>
        %parallel_loop3A_215 = arith.index_cast %parallel_loop3A_107 : i32 to index
        %parallel_loop3A_216 = arith.constant 112 : index
        %parallel_loop3A_217 = tpu.vector_load %arg14[%parallel_loop3A_215, %parallel_loop3A_216] {strides = array<i32>} : memref<128x128xf32, #tpu.memory_space<vmem>>, vector<1x16xf32>,
        %parallel_loop3A_218 = vector.shape_cast %parallel_loop3A_217 : vector<1x16xf32> to vector<16xf32>
        %parallel_loop3A_219 = vector.shape_cast %parallel_loop3A_214 : vector<16xf32> to vector<1x16xf32>
        tpu.vector_store %arg14[%parallel_loop3A_215, %parallel_loop3A_216], %parallel_loop3A_219 {strides = array<i32>} : memref<128x128xf32, #tpu.memory_space<vmem>>, vector<1x16xf32>,
      } {sc.loop_unroll_factor = 8 : i64, sc.parallel_access}
      %mul3A_95 = arith.constant 128 : i32
      %mul3A_96 = arith.muli %add3A_69, %mul3A_95 : i32
      %min3A_97 = arith.constant 4872 : i32
      %min3A_98 = arith.minsi %mul3A_96, %min3A_97 : i32
      %multiple_of3A_99 = tpu.assume_multiple %min3A_98, 8 : i32
      %add3A_100 = arith.addi %mul3A_2, %multiple_of3A_99 : i32
      %multiple_of3A_101 = tpu.assume_multiple %add3A_100, 8 : i32
      %dma_start3A_102 = arith.constant 0 : i32
      %dma_start3A_103 = tpu.memref_slice %arg6[%multiple_of3A_101, %dma_start3A_102] : memref<160000x128xf32, #tpu.memory_space<hbm>> -> memref<128x128xf32, #tpu.memory_space<hbm>>
      %dma_start3A_104 = arith.constant 0 : i32
      %dma_start3A_105 = tpu.memref_slice %arg6[%multiple_of3A_101, %dma_start3A_104] : memref<160000x128xf32, #tpu.memory_space<hbm>> -> memref<128x128xf32, #tpu.memory_space<hbm>>
      tpu.enqueue_dma source(%arg14 : memref<128x128xf32, #tpu.memory_space<vmem>>) target(%dma_start3A_105 : memref<128x128xf32, #tpu.memory_space<hbm>>) target_semaphore(%arg18 : memref<!tpu.dma_semaphore, #tpu.memory_space<semaphore_mem>>)
      %scan3A_106 = arith.constant 0 : i32
      scf.yield %scan3A_106 : i32
    }
    %scan3A_17 = arith.constant 20 : i32
    %dma_wait3A = arith.constant 0 : i32
    %dma_wait3A_18 = arith.constant 0 : i32
    %dma_wait3A_19 = tpu.memref_slice %arg6[%dma_wait3A, %dma_wait3A_18] : memref<160000x128xf32, #tpu.memory_space<hbm>> -> memref<128x128xf32, #tpu.memory_space<hbm>>
    %dma_wait3A_20 = arith.constant 0 : i32
    %dma_wait3A_21 = arith.constant 0 : i32
    %dma_wait3A_22 = tpu.memref_slice %arg6[%dma_wait3A_20, %dma_wait3A_21] : memref<160000x128xf32, #tpu.memory_space<hbm>> -> memref<128x128xf32, #tpu.memory_space<hbm>>
    tpu.wait_dma2 semaphore(%arg17 : memref<!tpu.dma_semaphore, #tpu.memory_space<semaphore_mem>>) src(%arg13 : memref<128x128xf32, #tpu.memory_space<vmem>>) dst(%dma_wait3A_22 : memref<128x128xf32, #tpu.memory_space<hbm>>)
    %dma_wait3A_23 = arith.constant 0 : i32
    %dma_wait3A_24 = arith.constant 0 : i32
    %dma_wait3A_25 = tpu.memref_slice %arg6[%dma_wait3A_23, %dma_wait3A_24] : memref<160000x128xf32, #tpu.memory_space<hbm>> -> memref<128x128xf32, #tpu.memory_space<hbm>>
    %dma_wait3A_26 = arith.constant 0 : i32
    %dma_wait3A_27 = arith.constant 0 : i32
    %dma_wait3A_28 = tpu.memref_slice %arg6[%dma_wait3A_26, %dma_wait3A_27] : memref<160000x128xf32, #tpu.memory_space<hbm>> -> memref<128x128xf32, #tpu.memory_space<hbm>>
    tpu.wait_dma2 semaphore(%arg18 : memref<!tpu.dma_semaphore, #tpu.memory_space<semaphore_mem>>) src(%arg14 : memref<128x128xf32, #tpu.memory_space<vmem>>) dst(%dma_wait3A_28 : memref<128x128xf32, #tpu.memory_space<hbm>>)
    return
  }
}

#map = affine_map<(d0, d1) -> (0, 0)>
#map1 = affine_map<(d0, d1) -> (0)>
module attributes {stable_mosaic.version = 14 : i64} {
  func.func @gather_mul(%arg0: i32, %arg1: i32, %arg2: memref<10000x128xf32, #tpu.memory_space<hbm>>, %arg3: memref<10000x128xf32, #tpu.memory_space<hbm>>, %arg4: memref<160000xi32, #tpu.memory_space<hbm>>, %arg5: memref<160000xi32, #tpu.memory_space<hbm>>, %arg6: memref<160000x128xf32, #tpu.memory_space<hbm>>, %arg7: memref<5000xi32, #tpu.memory_space<vmem>>, %arg8: memref<5000xi32, #tpu.memory_space<vmem>>, %arg9: memref<128x128xf32, #tpu.memory_space<vmem>>, %arg10: memref<128x128xf32, #tpu.memory_space<vmem>>, %arg11: memref<128x128xf32, #tpu.memory_space<vmem>>, %arg12: memref<128x128xf32, #tpu.memory_space<vmem>>, %arg13: memref<128x128xf32, #tpu.memory_space<vmem>>, %arg14: memref<128x128xf32, #tpu.memory_space<vmem>>, %arg15: memref<!tpu.dma_semaphore, #tpu.memory_space<semaphore_mem>>, %arg16: memref<!tpu.dma_semaphore, #tpu.memory_space<semaphore_mem>>, %arg17: memref<!tpu.dma_semaphore, #tpu.memory_space<semaphore_mem>>, %arg18: memref<!tpu.dma_semaphore, #tpu.memory_space<semaphore_mem>>) attributes {dimension_semantics = [#tpu.dimension_semantics<core_parallel>, #tpu.dimension_semantics<subcore_parallel>], iteration_bounds = array<i64: 2, 16>, scalar_prefetch = 0 : i64, scratch_operands = 12 : i64, tpu.core_type = #tpu.core_type<sc_vector_subcore>, window_params = [{transform_indices = #map}, {transform_indices = #map}, {transform_indices = #map1}, {transform_indices = #map1}, {transform_indices = #map}]} {
    %mul3A = arith.constant 2 : i32
    %mul3A_0 = arith.muli %arg1, %mul3A : i32
    %add3A = arith.addi %mul3A_0, %arg0 : i32
    %mul3A_1 = arith.constant 5000 : i32
    %mul3A_2 = arith.muli %add3A, %mul3A_1 : i32
    "tpu.region"() ({
      %run_scoped3A = tpu.sem_alloc : memref<!tpu.dma_semaphore, #tpu.memory_space<semaphore_mem>>
      %dma_start3A_29 = tpu.memref_slice %arg4[%mul3A_2] : memref<160000xi32, #tpu.memory_space<hbm>> -> memref<5000xi32, #tpu.memory_space<hbm>>
      %dma_start3A_30 = tpu.memref_slice %arg4[%mul3A_2] : memref<160000xi32, #tpu.memory_space<hbm>> -> memref<5000xi32, #tpu.memory_space<hbm>>
      tpu.enqueue_dma source(%dma_start3A_30 : memref<5000xi32, #tpu.memory_space<hbm>>) target(%arg7 : memref<5000xi32, #tpu.memory_space<vmem>>) target_semaphore(%run_scoped3A : memref<!tpu.dma_semaphore, #tpu.memory_space<semaphore_mem>>)
      %dma_wait3A_31 = tpu.memref_slice %arg4[%mul3A_2] : memref<160000xi32, #tpu.memory_space<hbm>> -> memref<5000xi32, #tpu.memory_space<hbm>>
      %dma_wait3A_32 = tpu.memref_slice %arg4[%mul3A_2] : memref<160000xi32, #tpu.memory_space<hbm>> -> memref<5000xi32, #tpu.memory_space<hbm>>
      tpu.wait_dma2 semaphore(%run_scoped3A : memref<!tpu.dma_semaphore, #tpu.memory_space<semaphore_mem>>) src(%dma_wait3A_32 : memref<5000xi32, #tpu.memory_space<hbm>>) dst(%arg7 : memref<5000xi32, #tpu.memory_space<vmem>>)
      tpu.yield
    }) : () -> ()
    "tpu.region"() ({
      %run_scoped3A = tpu.sem_alloc : memref<!tpu.dma_semaphore, #tpu.memory_space<semaphore_mem>>
      %dma_start3A_29 = tpu.memref_slice %arg5[%mul3A_2] : memref<160000xi32, #tpu.memory_space<hbm>> -> memref<5000xi32, #tpu.memory_space<hbm>>
      %dma_start3A_30 = tpu.memref_slice %arg5[%mul3A_2] : memref<160000xi32, #tpu.memory_space<hbm>> -> memref<5000xi32, #tpu.memory_space<hbm>>
      tpu.enqueue_dma source(%dma_start3A_30 : memref<5000xi32, #tpu.memory_space<hbm>>) target(%arg8 : memref<5000xi32, #tpu.memory_space<vmem>>) target_semaphore(%run_scoped3A : memref<!tpu.dma_semaphore, #tpu.memory_space<semaphore_mem>>)
      %dma_wait3A_31 = tpu.memref_slice %arg5[%mul3A_2] : memref<160000xi32, #tpu.memory_space<hbm>> -> memref<5000xi32, #tpu.memory_space<hbm>>
      %dma_wait3A_32 = tpu.memref_slice %arg5[%mul3A_2] : memref<160000xi32, #tpu.memory_space<hbm>> -> memref<5000xi32, #tpu.memory_space<hbm>>
      tpu.wait_dma2 semaphore(%run_scoped3A : memref<!tpu.dma_semaphore, #tpu.memory_space<semaphore_mem>>) src(%dma_wait3A_32 : memref<5000xi32, #tpu.memory_space<hbm>>) dst(%arg8 : memref<5000xi32, #tpu.memory_space<vmem>>)
      tpu.yield
    }) : () -> ()
    %min3A = arith.constant 0 : i32
    %min3A_3 = arith.constant 4872 : i32
    %min3A_4 = arith.minsi %min3A, %min3A_3 : i32
    %multiple_of3A = tpu.assume_multiple %min3A_4, 8 : i32
    %dma_start3A = tpu.memref_slice %arg7[%multiple_of3A] : memref<5000xi32, #tpu.memory_space<vmem>> -> memref<128xi32, #tpu.memory_space<vmem>>
    %dma_start3A_5 = arith.constant 0 : i32
    %dma_start3A_6 = arith.constant 0 : i32
    %dma_start3A_7 = tpu.memref_slice %arg2[%dma_start3A_5, %dma_start3A_6] : memref<10000x128xf32, #tpu.memory_space<hbm>> -> memref<10000x128xf32, #tpu.memory_space<hbm>>
    tpu.enqueue_indirect_dma source(%dma_start3A_7 : memref<10000x128xf32, #tpu.memory_space<hbm>>) target(%arg9 : memref<128x128xf32, #tpu.memory_space<vmem>>) offsets(%dma_start3A : memref<128xi32, #tpu.memory_space<vmem>>) semaphore(%arg15 : memref<!tpu.dma_semaphore, #tpu.memory_space<semaphore_mem>>)
    %dma_start3A_8 = tpu.memref_slice %arg8[%multiple_of3A] : memref<5000xi32, #tpu.memory_space<vmem>> -> memref<128xi32, #tpu.memory_space<vmem>>
    %dma_start3A_9 = arith.constant 0 : i32
    %dma_start3A_10 = arith.constant 0 : i32
    %dma_start3A_11 = tpu.memref_slice %arg3[%dma_start3A_9, %dma_start3A_10] : memref<10000x128xf32, #tpu.memory_space<hbm>> -> memref<10000x128xf32, #tpu.memory_space<hbm>>
    tpu.enqueue_indirect_dma source(%dma_start3A_11 : memref<10000x128xf32, #tpu.memory_space<hbm>>) target(%arg11 : memref<128x128xf32, #tpu.memory_space<vmem>>) offsets(%dma_start3A_8 : memref<128xi32, #tpu.memory_space<vmem>>) semaphore(%arg15 : memref<!tpu.dma_semaphore, #tpu.memory_space<semaphore_mem>>)
    %scan3A = arith.constant 0 : i32
    %scan3A_12 = arith.constant 0 : i32
    %scan3A_13 = arith.constant 20 : i32
    %scan3A_14 = arith.addi %scan3A_12, %scan3A_13 : i32
    %scan3A_15 = arith.constant 1 : i32
    %scan3A_16 = scf.for %scan3A_29 = %scan3A_12 to %scan3A_14 step %scan3A_15 iter_args(%scan3A_30 = %scan3A) -> (i32)  : i32 {
      %mul3A_31 = arith.constant 2 : i32
      %mul3A_32 = arith.muli %mul3A_31, %scan3A_29 : i32
      %add3A_33 = arith.constant 0 : i32
      %add3A_34 = arith.addi %mul3A_32, %add3A_33 : i32
      %add3A_35 = arith.constant 1 : i32
      %add3A_36 = arith.addi %add3A_34, %add3A_35 : i32
      %lt3A = arith.constant 40 : i32
      %lt3A_37 = arith.cmpi slt, %add3A_36, %lt3A : i32
      %convert_element_type3A = arith.extui %lt3A_37 : i1 to i32
      %cond3A = arith.constant 0 : i32
      %cond3A_38 = arith.cmpi ne, %convert_element_type3A, %cond3A : i32
      scf.if %cond3A_38 {
        %add3A_107 = arith.constant 1 : i32
        %add3A_108 = arith.addi %add3A_34, %add3A_107 : i32
        %mul3A_109 = arith.constant 128 : i32
        %mul3A_110 = arith.muli %add3A_108, %mul3A_109 : i32
        %min3A_111 = arith.constant 4872 : i32
        %min3A_112 = arith.minsi %mul3A_110, %min3A_111 : i32
        %multiple_of3A_113 = tpu.assume_multiple %min3A_112, 8 : i32
        %dma_start3A_114 = tpu.memref_slice %arg7[%multiple_of3A_113] : memref<5000xi32, #tpu.memory_space<vmem>> -> memref<128xi32, #tpu.memory_space<vmem>>
        %dma_start3A_115 = arith.constant 0 : i32
        %dma_start3A_116 = arith.constant 0 : i32
        %dma_start3A_117 = tpu.memref_slice %arg2[%dma_start3A_115, %dma_start3A_116] : memref<10000x128xf32, #tpu.memory_space<hbm>> -> memref<10000x128xf32, #tpu.memory_space<hbm>>
        tpu.enqueue_indirect_dma source(%dma_start3A_117 : memref<10000x128xf32, #tpu.memory_space<hbm>>) target(%arg10 : memref<128x128xf32, #tpu.memory_space<vmem>>) offsets(%dma_start3A_114 : memref<128xi32, #tpu.memory_space<vmem>>) semaphore(%arg16 : memref<!tpu.dma_semaphore, #tpu.memory_space<semaphore_mem>>)
        %dma_start3A_118 = tpu.memref_slice %arg8[%multiple_of3A_113] : memref<5000xi32, #tpu.memory_space<vmem>> -> memref<128xi32, #tpu.memory_space<vmem>>
        %dma_start3A_119 = arith.constant 0 : i32
        %dma_start3A_120 = arith.constant 0 : i32
        %dma_start3A_121 = tpu.memref_slice %arg3[%dma_start3A_119, %dma_start3A_120] : memref<10000x128xf32, #tpu.memory_space<hbm>> -> memref<10000x128xf32, #tpu.memory_space<hbm>>
        tpu.enqueue_indirect_dma source(%dma_start3A_121 : memref<10000x128xf32, #tpu.memory_space<hbm>>) target(%arg12 : memref<128x128xf32, #tpu.memory_space<vmem>>) offsets(%dma_start3A_118 : memref<128xi32, #tpu.memory_space<vmem>>) semaphore(%arg16 : memref<!tpu.dma_semaphore, #tpu.memory_space<semaphore_mem>>)
      } else {
      }
      %dma_wait3A_39 = arith.constant 0 : i32
      %dma_wait3A_40 = tpu.memref_slice %arg7[%dma_wait3A_39] : memref<5000xi32, #tpu.memory_space<vmem>> -> memref<128xi32, #tpu.memory_space<vmem>>
      %dma_wait3A_41 = arith.constant 0 : i32
      %dma_wait3A_42 = arith.constant 0 : i32
      %dma_wait3A_43 = tpu.memref_slice %arg2[%dma_wait3A_41, %dma_wait3A_42] : memref<10000x128xf32, #tpu.memory_space<hbm>> -> memref<10000x128xf32, #tpu.memory_space<hbm>>
      tpu.wait_indirect_dma semaphore(%arg15 : memref<!tpu.dma_semaphore, #tpu.memory_space<semaphore_mem>>) src(%dma_wait3A_43 : memref<10000x128xf32, #tpu.memory_space<hbm>>) dst(%arg9 : memref<128x128xf32, #tpu.memory_space<vmem>>)
      %dma_wait3A_44 = arith.constant 0 : i32
      %dma_wait3A_45 = tpu.memref_slice %arg8[%dma_wait3A_44] : memref<5000xi32, #tpu.memory_space<vmem>> -> memref<128xi32, #tpu.memory_space<vmem>>
      %dma_wait3A_46 = arith.constant 0 : i32
      %dma_wait3A_47 = arith.constant 0 : i32
      %dma_wait3A_48 = tpu.memref_slice %arg3[%dma_wait3A_46, %dma_wait3A_47] : memref<10000x128xf32, #tpu.memory_space<hbm>> -> memref<10000x128xf32, #tpu.memory_space<hbm>>
      tpu.wait_indirect_dma semaphore(%arg15 : memref<!tpu.dma_semaphore, #tpu.memory_space<semaphore_mem>>) src(%dma_wait3A_48 : memref<10000x128xf32, #tpu.memory_space<hbm>>) dst(%arg11 : memref<128x128xf32, #tpu.memory_space<vmem>>)
      %ge3A = arith.constant 2 : i32
      %ge3A_49 = arith.cmpi sge, %add3A_34, %ge3A : i32
      %convert_element_type3A_50 = arith.extui %ge3A_49 : i1 to i32
      %cond3A_51 = arith.constant 0 : i32
      %cond3A_52 = arith.cmpi ne, %convert_element_type3A_50, %cond3A_51 : i32
      scf.if %cond3A_52 {
        %dma_wait3A_107 = arith.constant 0 : i32
        %dma_wait3A_108 = arith.constant 0 : i32
        %dma_wait3A_109 = tpu.memref_slice %arg6[%dma_wait3A_107, %dma_wait3A_108] : memref<160000x128xf32, #tpu.memory_space<hbm>> -> memref<128x128xf32, #tpu.memory_space<hbm>>
        %dma_wait3A_110 = arith.constant 0 : i32
        %dma_wait3A_111 = arith.constant 0 : i32
        %dma_wait3A_112 = tpu.memref_slice %arg6[%dma_wait3A_110, %dma_wait3A_111] : memref<160000x128xf32, #tpu.memory_space<hbm>> -> memref<128x128xf32, #tpu.memory_space<hbm>>
        tpu.wait_dma2 semaphore(%arg17 : memref<!tpu.dma_semaphore, #tpu.memory_space<semaphore_mem>>) src(%arg13 : memref<128x128xf32, #tpu.memory_space<vmem>>) dst(%dma_wait3A_112 : memref<128x128xf32, #tpu.memory_space<hbm>>)
      } else {
      }
      %parallel_loop3A = arith.constant 0 : i32
      %parallel_loop3A_53 = arith.constant 128 : i32
      %parallel_loop3A_54 = arith.constant 1 : i32
      scf.for %parallel_loop3A_107 = %parallel_loop3A to %parallel_loop3A_53 step %parallel_loop3A_54  : i32 {
        %parallel_loop3A_108 = arith.index_cast %parallel_loop3A_107 : i32 to index
        %parallel_loop3A_109 = arith.constant 0 : index
        %parallel_loop3A_110 = tpu.vector_load %arg9[%parallel_loop3A_108, %parallel_loop3A_109] {strides = array<i32>} : memref<128x128xf32, #tpu.memory_space<vmem>>, vector<1x16xf32>,
        %parallel_loop3A_111 = vector.shape_cast %parallel_loop3A_110 : vector<1x16xf32> to vector<16xf32>
        %parallel_loop3A_112 = arith.index_cast %parallel_loop3A_107 : i32 to index
        %parallel_loop3A_113 = arith.constant 0 : index
        %parallel_loop3A_114 = tpu.vector_load %arg11[%parallel_loop3A_112, %parallel_loop3A_113] {strides = array<i32>} : memref<128x128xf32, #tpu.memory_space<vmem>>, vector<1x16xf32>,
        %parallel_loop3A_115 = vector.shape_cast %parallel_loop3A_114 : vector<1x16xf32> to vector<16xf32>
        %parallel_loop3A_116 = arith.mulf %parallel_loop3A_111, %parallel_loop3A_115 : vector<16xf32>
        %parallel_loop3A_117 = arith.index_cast %parallel_loop3A_107 : i32 to index
        %parallel_loop3A_118 = arith.constant 0 : index
        %parallel_loop3A_119 = tpu.vector_load %arg13[%parallel_loop3A_117, %parallel_loop3A_118] {strides = array<i32>} : memref<128x128xf32, #tpu.memory_space<vmem>>, vector<1x16xf32>,
        %parallel_loop3A_120 = vector.shape_cast %parallel_loop3A_119 : vector<1x16xf32> to vector<16xf32>
        %parallel_loop3A_121 = vector.shape_cast %parallel_loop3A_116 : vector<16xf32> to vector<1x16xf32>
        tpu.vector_store %arg13[%parallel_loop3A_117, %parallel_loop3A_118], %parallel_loop3A_121 {strides = array<i32>} : memref<128x128xf32, #tpu.memory_space<vmem>>, vector<1x16xf32>,
        %parallel_loop3A_122 = arith.index_cast %parallel_loop3A_107 : i32 to index
        %parallel_loop3A_123 = arith.constant 16 : index
        %parallel_loop3A_124 = tpu.vector_load %arg9[%parallel_loop3A_122, %parallel_loop3A_123] {strides = array<i32>} : memref<128x128xf32, #tpu.memory_space<vmem>>, vector<1x16xf32>,
        %parallel_loop3A_125 = vector.shape_cast %parallel_loop3A_124 : vector<1x16xf32> to vector<16xf32>
        %parallel_loop3A_126 = arith.index_cast %parallel_loop3A_107 : i32 to index
        %parallel_loop3A_127 = arith.constant 16 : index
        %parallel_loop3A_128 = tpu.vector_load %arg11[%parallel_loop3A_126, %parallel_loop3A_127] {strides = array<i32>} : memref<128x128xf32, #tpu.memory_space<vmem>>, vector<1x16xf32>,
        %parallel_loop3A_129 = vector.shape_cast %parallel_loop3A_128 : vector<1x16xf32> to vector<16xf32>
        %parallel_loop3A_130 = arith.mulf %parallel_loop3A_125, %parallel_loop3A_129 : vector<16xf32>
        %parallel_loop3A_131 = arith.index_cast %parallel_loop3A_107 : i32 to index
        %parallel_loop3A_132 = arith.constant 16 : index
        %parallel_loop3A_133 = tpu.vector_load %arg13[%parallel_loop3A_131, %parallel_loop3A_132] {strides = array<i32>} : memref<128x128xf32, #tpu.memory_space<vmem>>, vector<1x16xf32>,
        %parallel_loop3A_134 = vector.shape_cast %parallel_loop3A_133 : vector<1x16xf32> to vector<16xf32>
        %parallel_loop3A_135 = vector.shape_cast %parallel_loop3A_130 : vector<16xf32> to vector<1x16xf32>
        tpu.vector_store %arg13[%parallel_loop3A_131, %parallel_loop3A_132], %parallel_loop3A_135 {strides = array<i32>} : memref<128x128xf32, #tpu.memory_space<vmem>>, vector<1x16xf32>,
        %parallel_loop3A_136 = arith.index_cast %parallel_loop3A_107 : i32 to index
        %parallel_loop3A_137 = arith.constant 32 : index
        %parallel_loop3A_138 = tpu.vector_load %arg9[%parallel_loop3A_136, %parallel_loop3A_137] {strides = array<i32>} : memref<128x128xf32, #tpu.memory_space<vmem>>, vector<1x16xf32>,
        %parallel_loop3A_139 = vector.shape_cast %parallel_loop3A_138 : vector<1x16xf32> to vector<16xf32>
        %parallel_loop3A_140 = arith.index_cast %parallel_loop3A_107 : i32 to index
        %parallel_loop3A_141 = arith.constant 32 : index
        %parallel_loop3A_142 = tpu.vector_load %arg11[%parallel_loop3A_140, %parallel_loop3A_141] {strides = array<i32>} : memref<128x128xf32, #tpu.memory_space<vmem>>, vector<1x16xf32>,
        %parallel_loop3A_143 = vector.shape_cast %parallel_loop3A_142 : vector<1x16xf32> to vector<16xf32>
        %parallel_loop3A_144 = arith.mulf %parallel_loop3A_139, %parallel_loop3A_143 : vector<16xf32>
        %parallel_loop3A_145 = arith.index_cast %parallel_loop3A_107 : i32 to index
        %parallel_loop3A_146 = arith.constant 32 : index
        %parallel_loop3A_147 = tpu.vector_load %arg13[%parallel_loop3A_145, %parallel_loop3A_146] {strides = array<i32>} : memref<128x128xf32, #tpu.memory_space<vmem>>, vector<1x16xf32>,
        %parallel_loop3A_148 = vector.shape_cast %parallel_loop3A_147 : vector<1x16xf32> to vector<16xf32>
        %parallel_loop3A_149 = vector.shape_cast %parallel_loop3A_144 : vector<16xf32> to vector<1x16xf32>
        tpu.vector_store %arg13[%parallel_loop3A_145, %parallel_loop3A_146], %parallel_loop3A_149 {strides = array<i32>} : memref<128x128xf32, #tpu.memory_space<vmem>>, vector<1x16xf32>,
        %parallel_loop3A_150 = arith.index_cast %parallel_loop3A_107 : i32 to index
        %parallel_loop3A_151 = arith.constant 48 : index
        %parallel_loop3A_152 = tpu.vector_load %arg9[%parallel_loop3A_150, %parallel_loop3A_151] {strides = array<i32>} : memref<128x128xf32, #tpu.memory_space<vmem>>, vector<1x16xf32>,
        %parallel_loop3A_153 = vector.shape_cast %parallel_loop3A_152 : vector<1x16xf32> to vector<16xf32>
        %parallel_loop3A_154 = arith.index_cast %parallel_loop3A_107 : i32 to index
        %parallel_loop3A_155 = arith.constant 48 : index
        %parallel_loop3A_156 = tpu.vector_load %arg11[%parallel_loop3A_154, %parallel_loop3A_155] {strides = array<i32>} : memref<128x128xf32, #tpu.memory_space<vmem>>, vector<1x16xf32>,
        %parallel_loop3A_157 = vector.shape_cast %parallel_loop3A_156 : vector<1x16xf32> to vector<16xf32>
        %parallel_loop3A_158 = arith.mulf %parallel_loop3A_153, %parallel_loop3A_157 : vector<16xf32>
        %parallel_loop3A_159 = arith.index_cast %parallel_loop3A_107 : i32 to index
        %parallel_loop3A_160 = arith.constant 48 : index
        %parallel_loop3A_161 = tpu.vector_load %arg13[%parallel_loop3A_159, %parallel_loop3A_160] {strides = array<i32>} : memref<128x128xf32, #tpu.memory_space<vmem>>, vector<1x16xf32>,
        %parallel_loop3A_162 = vector.shape_cast %parallel_loop3A_161 : vector<1x16xf32> to vector<16xf32>
        %parallel_loop3A_163 = vector.shape_cast %parallel_loop3A_158 : vector<16xf32> to vector<1x16xf32>
        tpu.vector_store %arg13[%parallel_loop3A_159, %parallel_loop3A_160], %parallel_loop3A_163 {strides = array<i32>} : memref<128x128xf32, #tpu.memory_space<vmem>>, vector<1x16xf32>,
        %parallel_loop3A_164 = arith.index_cast %parallel_loop3A_107 : i32 to index
        %parallel_loop3A_165 = arith.constant 64 : index
        %parallel_loop3A_166 = tpu.vector_load %arg9[%parallel_loop3A_164, %parallel_loop3A_165] {strides = array<i32>} : memref<128x128xf32, #tpu.memory_space<vmem>>, vector<1x16xf32>,
        %parallel_loop3A_167 = vector.shape_cast %parallel_loop3A_166 : vector<1x16xf32> to vector<16xf32>
        %parallel_loop3A_168 = arith.index_cast %parallel_loop3A_107 : i32 to index
        %parallel_loop3A_169 = arith.constant 64 : index
        %parallel_loop3A_170 = tpu.vector_load %arg11[%parallel_loop3A_168, %parallel_loop3A_169] {strides = array<i32>} : memref<128x128xf32, #tpu.memory_space<vmem>>, vector<1x16xf32>,
        %parallel_loop3A_171 = vector.shape_cast %parallel_loop3A_170 : vector<1x16xf32> to vector<16xf32>
        %parallel_loop3A_172 = arith.mulf %parallel_loop3A_167, %parallel_loop3A_171 : vector<16xf32>
        %parallel_loop3A_173 = arith.index_cast %parallel_loop3A_107 : i32 to index
        %parallel_loop3A_174 = arith.constant 64 : index
        %parallel_loop3A_175 = tpu.vector_load %arg13[%parallel_loop3A_173, %parallel_loop3A_174] {strides = array<i32>} : memref<128x128xf32, #tpu.memory_space<vmem>>, vector<1x16xf32>,
        %parallel_loop3A_176 = vector.shape_cast %parallel_loop3A_175 : vector<1x16xf32> to vector<16xf32>
        %parallel_loop3A_177 = vector.shape_cast %parallel_loop3A_172 : vector<16xf32> to vector<1x16xf32>
        tpu.vector_store %arg13[%parallel_loop3A_173, %parallel_loop3A_174], %parallel_loop3A_177 {strides = array<i32>} : memref<128x128xf32, #tpu.memory_space<vmem>>, vector<1x16xf32>,
        %parallel_loop3A_178 = arith.index_cast %parallel_loop3A_107 : i32 to index
        %parallel_loop3A_179 = arith.constant 80 : index
        %parallel_loop3A_180 = tpu.vector_load %arg9[%parallel_loop3A_178, %parallel_loop3A_179] {strides = array<i32>} : memref<128x128xf32, #tpu.memory_space<vmem>>, vector<1x16xf32>,
        %parallel_loop3A_181 = vector.shape_cast %parallel_loop3A_180 : vector<1x16xf32> to vector<16xf32>
        %parallel_loop3A_182 = arith.index_cast %parallel_loop3A_107 : i32 to index
        %parallel_loop3A_183 = arith.constant 80 : index
        %parallel_loop3A_184 = tpu.vector_load %arg11[%parallel_loop3A_182, %parallel_loop3A_183] {strides = array<i32>} : memref<128x128xf32, #tpu.memory_space<vmem>>, vector<1x16xf32>,
        %parallel_loop3A_185 = vector.shape_cast %parallel_loop3A_184 : vector<1x16xf32> to vector<16xf32>
        %parallel_loop3A_186 = arith.mulf %parallel_loop3A_181, %parallel_loop3A_185 : vector<16xf32>
        %parallel_loop3A_187 = arith.index_cast %parallel_loop3A_107 : i32 to index
        %parallel_loop3A_188 = arith.constant 80 : index
        %parallel_loop3A_189 = tpu.vector_load %arg13[%parallel_loop3A_187, %parallel_loop3A_188] {strides = array<i32>} : memref<128x128xf32, #tpu.memory_space<vmem>>, vector<1x16xf32>,
        %parallel_loop3A_190 = vector.shape_cast %parallel_loop3A_189 : vector<1x16xf32> to vector<16xf32>
        %parallel_loop3A_191 = vector.shape_cast %parallel_loop3A_186 : vector<16xf32> to vector<1x16xf32>
        tpu.vector_store %arg13[%parallel_loop3A_187, %parallel_loop3A_188], %parallel_loop3A_191 {strides = array<i32>} : memref<128x128xf32, #tpu.memory_space<vmem>>, vector<1x16xf32>,
        %parallel_loop3A_192 = arith.index_cast %parallel_loop3A_107 : i32 to index
        %parallel_loop3A_193 = arith.constant 96 : index
        %parallel_loop3A_194 = tpu.vector_load %arg9[%parallel_loop3A_192, %parallel_loop3A_193] {strides = array<i32>} : memref<128x128xf32, #tpu.memory_space<vmem>>, vector<1x16xf32>,
        %parallel_loop3A_195 = vector.shape_cast %parallel_loop3A_194 : vector<1x16xf32> to vector<16xf32>
        %parallel_loop3A_196 = arith.index_cast %parallel_loop3A_107 : i32 to index
        %parallel_loop3A_197 = arith.constant 96 : index
        %parallel_loop3A_198 = tpu.vector_load %arg11[%parallel_loop3A_196, %parallel_loop3A_197] {strides = array<i32>} : memref<128x128xf32, #tpu.memory_space<vmem>>, vector<1x16xf32>,
        %parallel_loop3A_199 = vector.shape_cast %parallel_loop3A_198 : vector<1x16xf32> to vector<16xf32>
        %parallel_loop3A_200 = arith.mulf %parallel_loop3A_195, %parallel_loop3A_199 : vector<16xf32>
        %parallel_loop3A_201 = arith.index_cast %parallel_loop3A_107 : i32 to index
        %parallel_loop3A_202 = arith.constant 96 : index
        %parallel_loop3A_203 = tpu.vector_load %arg13[%parallel_loop3A_201, %parallel_loop3A_202] {strides = array<i32>} : memref<128x128xf32, #tpu.memory_space<vmem>>, vector<1x16xf32>,
        %parallel_loop3A_204 = vector.shape_cast %parallel_loop3A_203 : vector<1x16xf32> to vector<16xf32>
        %parallel_loop3A_205 = vector.shape_cast %parallel_loop3A_200 : vector<16xf32> to vector<1x16xf32>
        tpu.vector_store %arg13[%parallel_loop3A_201, %parallel_loop3A_202], %parallel_loop3A_205 {strides = array<i32>} : memref<128x128xf32, #tpu.memory_space<vmem>>, vector<1x16xf32>,
        %parallel_loop3A_206 = arith.index_cast %parallel_loop3A_107 : i32 to index
        %parallel_loop3A_207 = arith.constant 112 : index
        %parallel_loop3A_208 = tpu.vector_load %arg9[%parallel_loop3A_206, %parallel_loop3A_207] {strides = array<i32>} : memref<128x128xf32, #tpu.memory_space<vmem>>, vector<1x16xf32>,
        %parallel_loop3A_209 = vector.shape_cast %parallel_loop3A_208 : vector<1x16xf32> to vector<16xf32>
        %parallel_loop3A_210 = arith.index_cast %parallel_loop3A_107 : i32 to index
        %parallel_loop3A_211 = arith.constant 112 : index
        %parallel_loop3A_212 = tpu.vector_load %arg11[%parallel_loop3A_210, %parallel_loop3A_211] {strides = array<i32>} : memref<128x128xf32, #tpu.memory_space<vmem>>, vector<1x16xf32>,
        %parallel_loop3A_213 = vector.shape_cast %parallel_loop3A_212 : vector<1x16xf32> to vector<16xf32>
        %parallel_loop3A_214 = arith.mulf %parallel_loop3A_209, %parallel_loop3A_213 : vector<16xf32>
        %parallel_loop3A_215 = arith.index_cast %parallel_loop3A_107 : i32 to index
        %parallel_loop3A_216 = arith.constant 112 : index
        %parallel_loop3A_217 = tpu.vector_load %arg13[%parallel_loop3A_215, %parallel_loop3A_216] {strides = array<i32>} : memref<128x128xf32, #tpu.memory_space<vmem>>, vector<1x16xf32>,
        %parallel_loop3A_218 = vector.shape_cast %parallel_loop3A_217 : vector<1x16xf32> to vector<16xf32>
        %parallel_loop3A_219 = vector.shape_cast %parallel_loop3A_214 : vector<16xf32> to vector<1x16xf32>
        tpu.vector_store %arg13[%parallel_loop3A_215, %parallel_loop3A_216], %parallel_loop3A_219 {strides = array<i32>} : memref<128x128xf32, #tpu.memory_space<vmem>>, vector<1x16xf32>,
      } {sc.loop_unroll_factor = 8 : i64, sc.parallel_access}
      %mul3A_55 = arith.constant 128 : i32
      %mul3A_56 = arith.muli %add3A_34, %mul3A_55 : i32
      %min3A_57 = arith.constant 4872 : i32
      %min3A_58 = arith.minsi %mul3A_56, %min3A_57 : i32
      %multiple_of3A_59 = tpu.assume_multiple %min3A_58, 8 : i32
      %add3A_60 = arith.addi %mul3A_2, %multiple_of3A_59 : i32
      %multiple_of3A_61 = tpu.assume_multiple %add3A_60, 8 : i32
      %dma_start3A_62 = arith.constant 0 : i32
      %dma_start3A_63 = tpu.memref_slice %arg6[%multiple_of3A_61, %dma_start3A_62] : memref<160000x128xf32, #tpu.memory_space<hbm>> -> memref<128x128xf32, #tpu.memory_space<hbm>>
      %dma_start3A_64 = arith.constant 0 : i32
      %dma_start3A_65 = tpu.memref_slice %arg6[%multiple_of3A_61, %dma_start3A_64] : memref<160000x128xf32, #tpu.memory_space<hbm>> -> memref<128x128xf32, #tpu.memory_space<hbm>>
      tpu.enqueue_dma source(%arg13 : memref<128x128xf32, #tpu.memory_space<vmem>>) target(%dma_start3A_65 : memref<128x128xf32, #tpu.memory_space<hbm>>) target_semaphore(%arg17 : memref<!tpu.dma_semaphore, #tpu.memory_space<semaphore_mem>>)
      %mul3A_66 = arith.constant 2 : i32
      %mul3A_67 = arith.muli %mul3A_66, %scan3A_29 : i32
      %add3A_68 = arith.constant 1 : i32
      %add3A_69 = arith.addi %mul3A_67, %add3A_68 : i32
      %add3A_70 = arith.constant 1 : i32
      %add3A_71 = arith.addi %add3A_69, %add3A_70 : i32
      %lt3A_72 = arith.constant 40 : i32
      %lt3A_73 = arith.cmpi slt, %add3A_71, %lt3A_72 : i32
      %convert_element_type3A_74 = arith.extui %lt3A_73 : i1 to i32
      %cond3A_75 = arith.constant 0 : i32
      %cond3A_76 = arith.cmpi ne, %convert_element_type3A_74, %cond3A_75 : i32
      scf.if %cond3A_76 {
        %add3A_107 = arith.constant 1 : i32
        %add3A_108 = arith.addi %add3A_69, %add3A_107 : i32
        %mul3A_109 = arith.constant 128 : i32
        %mul3A_110 = arith.muli %add3A_108, %mul3A_109 : i32
        %min3A_111 = arith.constant 4872 : i32
        %min3A_112 = arith.minsi %mul3A_110, %min3A_111 : i32
        %multiple_of3A_113 = tpu.assume_multiple %min3A_112, 8 : i32
        %dma_start3A_114 = tpu.memref_slice %arg7[%multiple_of3A_113] : memref<5000xi32, #tpu.memory_space<vmem>> -> memref<128xi32, #tpu.memory_space<vmem>>
        %dma_start3A_115 = arith.constant 0 : i32
        %dma_start3A_116 = arith.constant 0 : i32
        %dma_start3A_117 = tpu.memref_slice %arg2[%dma_start3A_115, %dma_start3A_116] : memref<10000x128xf32, #tpu.memory_space<hbm>> -> memref<10000x128xf32, #tpu.memory_space<hbm>>
        tpu.enqueue_indirect_dma source(%dma_start3A_117 : memref<10000x128xf32, #tpu.memory_space<hbm>>) target(%arg9 : memref<128x128xf32, #tpu.memory_space<vmem>>) offsets(%dma_start3A_114 : memref<128xi32, #tpu.memory_space<vmem>>) semaphore(%arg15 : memref<!tpu.dma_semaphore, #tpu.memory_space<semaphore_mem>>)
        %dma_start3A_118 = tpu.memref_slice %arg8[%multiple_of3A_113] : memref<5000xi32, #tpu.memory_space<vmem>> -> memref<128xi32, #tpu.memory_space<vmem>>
        %dma_start3A_119 = arith.constant 0 : i32
        %dma_start3A_120 = arith.constant 0 : i32
        %dma_start3A_121 = tpu.memref_slice %arg3[%dma_start3A_119, %dma_start3A_120] : memref<10000x128xf32, #tpu.memory_space<hbm>> -> memref<10000x128xf32, #tpu.memory_space<hbm>>
        tpu.enqueue_indirect_dma source(%dma_start3A_121 : memref<10000x128xf32, #tpu.memory_space<hbm>>) target(%arg11 : memref<128x128xf32, #tpu.memory_space<vmem>>) offsets(%dma_start3A_118 : memref<128xi32, #tpu.memory_space<vmem>>) semaphore(%arg15 : memref<!tpu.dma_semaphore, #tpu.memory_space<semaphore_mem>>)
      } else {
      }
      %dma_wait3A_77 = arith.constant 0 : i32
      %dma_wait3A_78 = tpu.memref_slice %arg7[%dma_wait3A_77] : memref<5000xi32, #tpu.memory_space<vmem>> -> memref<128xi32, #tpu.memory_space<vmem>>
      %dma_wait3A_79 = arith.constant 0 : i32
      %dma_wait3A_80 = arith.constant 0 : i32
      %dma_wait3A_81 = tpu.memref_slice %arg2[%dma_wait3A_79, %dma_wait3A_80] : memref<10000x128xf32, #tpu.memory_space<hbm>> -> memref<10000x128xf32, #tpu.memory_space<hbm>>
      tpu.wait_indirect_dma semaphore(%arg16 : memref<!tpu.dma_semaphore, #tpu.memory_space<semaphore_mem>>) src(%dma_wait3A_81 : memref<10000x128xf32, #tpu.memory_space<hbm>>) dst(%arg10 : memref<128x128xf32, #tpu.memory_space<vmem>>)
      %dma_wait3A_82 = arith.constant 0 : i32
      %dma_wait3A_83 = tpu.memref_slice %arg8[%dma_wait3A_82] : memref<5000xi32, #tpu.memory_space<vmem>> -> memref<128xi32, #tpu.memory_space<vmem>>
      %dma_wait3A_84 = arith.constant 0 : i32
      %dma_wait3A_85 = arith.constant 0 : i32
      %dma_wait3A_86 = tpu.memref_slice %arg3[%dma_wait3A_84, %dma_wait3A_85] : memref<10000x128xf32, #tpu.memory_space<hbm>> -> memref<10000x128xf32, #tpu.memory_space<hbm>>
      tpu.wait_indirect_dma semaphore(%arg16 : memref<!tpu.dma_semaphore, #tpu.memory_space<semaphore_mem>>) src(%dma_wait3A_86 : memref<10000x128xf32, #tpu.memory_space<hbm>>) dst(%arg12 : memref<128x128xf32, #tpu.memory_space<vmem>>)
      %ge3A_87 = arith.constant 2 : i32
      %ge3A_88 = arith.cmpi sge, %add3A_69, %ge3A_87 : i32
      %convert_element_type3A_89 = arith.extui %ge3A_88 : i1 to i32
      %cond3A_90 = arith.constant 0 : i32
      %cond3A_91 = arith.cmpi ne, %convert_element_type3A_89, %cond3A_90 : i32
      scf.if %cond3A_91 {
        %dma_wait3A_107 = arith.constant 0 : i32
        %dma_wait3A_108 = arith.constant 0 : i32
        %dma_wait3A_109 = tpu.memref_slice %arg6[%dma_wait3A_107, %dma_wait3A_108] : memref<160000x128xf32, #tpu.memory_space<hbm>> -> memref<128x128xf32, #tpu.memory_space<hbm>>
        %dma_wait3A_110 = arith.constant 0 : i32
        %dma_wait3A_111 = arith.constant 0 : i32
        %dma_wait3A_112 = tpu.memref_slice %arg6[%dma_wait3A_110, %dma_wait3A_111] : memref<160000x128xf32, #tpu.memory_space<hbm>> -> memref<128x128xf32, #tpu.memory_space<hbm>>
        tpu.wait_dma2 semaphore(%arg18 : memref<!tpu.dma_semaphore, #tpu.memory_space<semaphore_mem>>) src(%arg14 : memref<128x128xf32, #tpu.memory_space<vmem>>) dst(%dma_wait3A_112 : memref<128x128xf32, #tpu.memory_space<hbm>>)
      } else {
      }
      %parallel_loop3A_92 = arith.constant 0 : i32
      %parallel_loop3A_93 = arith.constant 128 : i32
      %parallel_loop3A_94 = arith.constant 1 : i32
      scf.for %parallel_loop3A_107 = %parallel_loop3A_92 to %parallel_loop3A_93 step %parallel_loop3A_94  : i32 {
        %parallel_loop3A_108 = arith.index_cast %parallel_loop3A_107 : i32 to index
        %parallel_loop3A_109 = arith.constant 0 : index
        %parallel_loop3A_110 = tpu.vector_load %arg10[%parallel_loop3A_108, %parallel_loop3A_109] {strides = array<i32>} : memref<128x128xf32, #tpu.memory_space<vmem>>, vector<1x16xf32>,
        %parallel_loop3A_111 = vector.shape_cast %parallel_loop3A_110 : vector<1x16xf32> to vector<16xf32>
        %parallel_loop3A_112 = arith.index_cast %parallel_loop3A_107 : i32 to index
        %parallel_loop3A_113 = arith.constant 0 : index
        %parallel_loop3A_114 = tpu.vector_load %arg12[%parallel_loop3A_112, %parallel_loop3A_113] {strides = array<i32>} : memref<128x128xf32, #tpu.memory_space<vmem>>, vector<1x16xf32>,
        %parallel_loop3A_115 = vector.shape_cast %parallel_loop3A_114 : vector<1x16xf32> to vector<16xf32>
        %parallel_loop3A_116 = arith.mulf %parallel_loop3A_111, %parallel_loop3A_115 : vector<16xf32>
        %parallel_loop3A_117 = arith.index_cast %parallel_loop3A_107 : i32 to index
        %parallel_loop3A_118 = arith.constant 0 : index
        %parallel_loop3A_119 = tpu.vector_load %arg14[%parallel_loop3A_117, %parallel_loop3A_118] {strides = array<i32>} : memref<128x128xf32, #tpu.memory_space<vmem>>, vector<1x16xf32>,
        %parallel_loop3A_120 = vector.shape_cast %parallel_loop3A_119 : vector<1x16xf32> to vector<16xf32>
        %parallel_loop3A_121 = vector.shape_cast %parallel_loop3A_116 : vector<16xf32> to vector<1x16xf32>
        tpu.vector_store %arg14[%parallel_loop3A_117, %parallel_loop3A_118], %parallel_loop3A_121 {strides = array<i32>} : memref<128x128xf32, #tpu.memory_space<vmem>>, vector<1x16xf32>,
        %parallel_loop3A_122 = arith.index_cast %parallel_loop3A_107 : i32 to index
        %parallel_loop3A_123 = arith.constant 16 : index
        %parallel_loop3A_124 = tpu.vector_load %arg10[%parallel_loop3A_122, %parallel_loop3A_123] {strides = array<i32>} : memref<128x128xf32, #tpu.memory_space<vmem>>, vector<1x16xf32>,
        %parallel_loop3A_125 = vector.shape_cast %parallel_loop3A_124 : vector<1x16xf32> to vector<16xf32>
        %parallel_loop3A_126 = arith.index_cast %parallel_loop3A_107 : i32 to index
        %parallel_loop3A_127 = arith.constant 16 : index
        %parallel_loop3A_128 = tpu.vector_load %arg12[%parallel_loop3A_126, %parallel_loop3A_127] {strides = array<i32>} : memref<128x128xf32, #tpu.memory_space<vmem>>, vector<1x16xf32>,
        %parallel_loop3A_129 = vector.shape_cast %parallel_loop3A_128 : vector<1x16xf32> to vector<16xf32>
        %parallel_loop3A_130 = arith.mulf %parallel_loop3A_125, %parallel_loop3A_129 : vector<16xf32>
        %parallel_loop3A_131 = arith.index_cast %parallel_loop3A_107 : i32 to index
        %parallel_loop3A_132 = arith.constant 16 : index
        %parallel_loop3A_133 = tpu.vector_load %arg14[%parallel_loop3A_131, %parallel_loop3A_132] {strides = array<i32>} : memref<128x128xf32, #tpu.memory_space<vmem>>, vector<1x16xf32>,
        %parallel_loop3A_134 = vector.shape_cast %parallel_loop3A_133 : vector<1x16xf32> to vector<16xf32>
        %parallel_loop3A_135 = vector.shape_cast %parallel_loop3A_130 : vector<16xf32> to vector<1x16xf32>
        tpu.vector_store %arg14[%parallel_loop3A_131, %parallel_loop3A_132], %parallel_loop3A_135 {strides = array<i32>} : memref<128x128xf32, #tpu.memory_space<vmem>>, vector<1x16xf32>,
        %parallel_loop3A_136 = arith.index_cast %parallel_loop3A_107 : i32 to index
        %parallel_loop3A_137 = arith.constant 32 : index
        %parallel_loop3A_138 = tpu.vector_load %arg10[%parallel_loop3A_136, %parallel_loop3A_137] {strides = array<i32>} : memref<128x128xf32, #tpu.memory_space<vmem>>, vector<1x16xf32>,
        %parallel_loop3A_139 = vector.shape_cast %parallel_loop3A_138 : vector<1x16xf32> to vector<16xf32>
        %parallel_loop3A_140 = arith.index_cast %parallel_loop3A_107 : i32 to index
        %parallel_loop3A_141 = arith.constant 32 : index
        %parallel_loop3A_142 = tpu.vector_load %arg12[%parallel_loop3A_140, %parallel_loop3A_141] {strides = array<i32>} : memref<128x128xf32, #tpu.memory_space<vmem>>, vector<1x16xf32>,
        %parallel_loop3A_143 = vector.shape_cast %parallel_loop3A_142 : vector<1x16xf32> to vector<16xf32>
        %parallel_loop3A_144 = arith.mulf %parallel_loop3A_139, %parallel_loop3A_143 : vector<16xf32>
        %parallel_loop3A_145 = arith.index_cast %parallel_loop3A_107 : i32 to index
        %parallel_loop3A_146 = arith.constant 32 : index
        %parallel_loop3A_147 = tpu.vector_load %arg14[%parallel_loop3A_145, %parallel_loop3A_146] {strides = array<i32>} : memref<128x128xf32, #tpu.memory_space<vmem>>, vector<1x16xf32>,
        %parallel_loop3A_148 = vector.shape_cast %parallel_loop3A_147 : vector<1x16xf32> to vector<16xf32>
        %parallel_loop3A_149 = vector.shape_cast %parallel_loop3A_144 : vector<16xf32> to vector<1x16xf32>
        tpu.vector_store %arg14[%parallel_loop3A_145, %parallel_loop3A_146], %parallel_loop3A_149 {strides = array<i32>} : memref<128x128xf32, #tpu.memory_space<vmem>>, vector<1x16xf32>,
        %parallel_loop3A_150 = arith.index_cast %parallel_loop3A_107 : i32 to index
        %parallel_loop3A_151 = arith.constant 48 : index
        %parallel_loop3A_152 = tpu.vector_load %arg10[%parallel_loop3A_150, %parallel_loop3A_151] {strides = array<i32>} : memref<128x128xf32, #tpu.memory_space<vmem>>, vector<1x16xf32>,
        %parallel_loop3A_153 = vector.shape_cast %parallel_loop3A_152 : vector<1x16xf32> to vector<16xf32>
        %parallel_loop3A_154 = arith.index_cast %parallel_loop3A_107 : i32 to index
        %parallel_loop3A_155 = arith.constant 48 : index
        %parallel_loop3A_156 = tpu.vector_load %arg12[%parallel_loop3A_154, %parallel_loop3A_155] {strides = array<i32>} : memref<128x128xf32, #tpu.memory_space<vmem>>, vector<1x16xf32>,
        %parallel_loop3A_157 = vector.shape_cast %parallel_loop3A_156 : vector<1x16xf32> to vector<16xf32>
        %parallel_loop3A_158 = arith.mulf %parallel_loop3A_153, %parallel_loop3A_157 : vector<16xf32>
        %parallel_loop3A_159 = arith.index_cast %parallel_loop3A_107 : i32 to index
        %parallel_loop3A_160 = arith.constant 48 : index
        %parallel_loop3A_161 = tpu.vector_load %arg14[%parallel_loop3A_159, %parallel_loop3A_160] {strides = array<i32>} : memref<128x128xf32, #tpu.memory_space<vmem>>, vector<1x16xf32>,
        %parallel_loop3A_162 = vector.shape_cast %parallel_loop3A_161 : vector<1x16xf32> to vector<16xf32>
        %parallel_loop3A_163 = vector.shape_cast %parallel_loop3A_158 : vector<16xf32> to vector<1x16xf32>
        tpu.vector_store %arg14[%parallel_loop3A_159, %parallel_loop3A_160], %parallel_loop3A_163 {strides = array<i32>} : memref<128x128xf32, #tpu.memory_space<vmem>>, vector<1x16xf32>,
        %parallel_loop3A_164 = arith.index_cast %parallel_loop3A_107 : i32 to index
        %parallel_loop3A_165 = arith.constant 64 : index
        %parallel_loop3A_166 = tpu.vector_load %arg10[%parallel_loop3A_164, %parallel_loop3A_165] {strides = array<i32>} : memref<128x128xf32, #tpu.memory_space<vmem>>, vector<1x16xf32>,
        %parallel_loop3A_167 = vector.shape_cast %parallel_loop3A_166 : vector<1x16xf32> to vector<16xf32>
        %parallel_loop3A_168 = arith.index_cast %parallel_loop3A_107 : i32 to index
        %parallel_loop3A_169 = arith.constant 64 : index
        %parallel_loop3A_170 = tpu.vector_load %arg12[%parallel_loop3A_168, %parallel_loop3A_169] {strides = array<i32>} : memref<128x128xf32, #tpu.memory_space<vmem>>, vector<1x16xf32>,
        %parallel_loop3A_171 = vector.shape_cast %parallel_loop3A_170 : vector<1x16xf32> to vector<16xf32>
        %parallel_loop3A_172 = arith.mulf %parallel_loop3A_167, %parallel_loop3A_171 : vector<16xf32>
        %parallel_loop3A_173 = arith.index_cast %parallel_loop3A_107 : i32 to index
        %parallel_loop3A_174 = arith.constant 64 : index
        %parallel_loop3A_175 = tpu.vector_load %arg14[%parallel_loop3A_173, %parallel_loop3A_174] {strides = array<i32>} : memref<128x128xf32, #tpu.memory_space<vmem>>, vector<1x16xf32>,
        %parallel_loop3A_176 = vector.shape_cast %parallel_loop3A_175 : vector<1x16xf32> to vector<16xf32>
        %parallel_loop3A_177 = vector.shape_cast %parallel_loop3A_172 : vector<16xf32> to vector<1x16xf32>
        tpu.vector_store %arg14[%parallel_loop3A_173, %parallel_loop3A_174], %parallel_loop3A_177 {strides = array<i32>} : memref<128x128xf32, #tpu.memory_space<vmem>>, vector<1x16xf32>,
        %parallel_loop3A_178 = arith.index_cast %parallel_loop3A_107 : i32 to index
        %parallel_loop3A_179 = arith.constant 80 : index
        %parallel_loop3A_180 = tpu.vector_load %arg10[%parallel_loop3A_178, %parallel_loop3A_179] {strides = array<i32>} : memref<128x128xf32, #tpu.memory_space<vmem>>, vector<1x16xf32>,
        %parallel_loop3A_181 = vector.shape_cast %parallel_loop3A_180 : vector<1x16xf32> to vector<16xf32>
        %parallel_loop3A_182 = arith.index_cast %parallel_loop3A_107 : i32 to index
        %parallel_loop3A_183 = arith.constant 80 : index
        %parallel_loop3A_184 = tpu.vector_load %arg12[%parallel_loop3A_182, %parallel_loop3A_183] {strides = array<i32>} : memref<128x128xf32, #tpu.memory_space<vmem>>, vector<1x16xf32>,
        %parallel_loop3A_185 = vector.shape_cast %parallel_loop3A_184 : vector<1x16xf32> to vector<16xf32>
        %parallel_loop3A_186 = arith.mulf %parallel_loop3A_181, %parallel_loop3A_185 : vector<16xf32>
        %parallel_loop3A_187 = arith.index_cast %parallel_loop3A_107 : i32 to index
        %parallel_loop3A_188 = arith.constant 80 : index
        %parallel_loop3A_189 = tpu.vector_load %arg14[%parallel_loop3A_187, %parallel_loop3A_188] {strides = array<i32>} : memref<128x128xf32, #tpu.memory_space<vmem>>, vector<1x16xf32>,
        %parallel_loop3A_190 = vector.shape_cast %parallel_loop3A_189 : vector<1x16xf32> to vector<16xf32>
        %parallel_loop3A_191 = vector.shape_cast %parallel_loop3A_186 : vector<16xf32> to vector<1x16xf32>
        tpu.vector_store %arg14[%parallel_loop3A_187, %parallel_loop3A_188], %parallel_loop3A_191 {strides = array<i32>} : memref<128x128xf32, #tpu.memory_space<vmem>>, vector<1x16xf32>,
        %parallel_loop3A_192 = arith.index_cast %parallel_loop3A_107 : i32 to index
        %parallel_loop3A_193 = arith.constant 96 : index
        %parallel_loop3A_194 = tpu.vector_load %arg10[%parallel_loop3A_192, %parallel_loop3A_193] {strides = array<i32>} : memref<128x128xf32, #tpu.memory_space<vmem>>, vector<1x16xf32>,
        %parallel_loop3A_195 = vector.shape_cast %parallel_loop3A_194 : vector<1x16xf32> to vector<16xf32>
        %parallel_loop3A_196 = arith.index_cast %parallel_loop3A_107 : i32 to index
        %parallel_loop3A_197 = arith.constant 96 : index
        %parallel_loop3A_198 = tpu.vector_load %arg12[%parallel_loop3A_196, %parallel_loop3A_197] {strides = array<i32>} : memref<128x128xf32, #tpu.memory_space<vmem>>, vector<1x16xf32>,
        %parallel_loop3A_199 = vector.shape_cast %parallel_loop3A_198 : vector<1x16xf32> to vector<16xf32>
        %parallel_loop3A_200 = arith.mulf %parallel_loop3A_195, %parallel_loop3A_199 : vector<16xf32>
        %parallel_loop3A_201 = arith.index_cast %parallel_loop3A_107 : i32 to index
        %parallel_loop3A_202 = arith.constant 96 : index
        %parallel_loop3A_203 = tpu.vector_load %arg14[%parallel_loop3A_201, %parallel_loop3A_202] {strides = array<i32>} : memref<128x128xf32, #tpu.memory_space<vmem>>, vector<1x16xf32>,
        %parallel_loop3A_204 = vector.shape_cast %parallel_loop3A_203 : vector<1x16xf32> to vector<16xf32>
        %parallel_loop3A_205 = vector.shape_cast %parallel_loop3A_200 : vector<16xf32> to vector<1x16xf32>
        tpu.vector_store %arg14[%parallel_loop3A_201, %parallel_loop3A_202], %parallel_loop3A_205 {strides = array<i32>} : memref<128x128xf32, #tpu.memory_space<vmem>>, vector<1x16xf32>,
        %parallel_loop3A_206 = arith.index_cast %parallel_loop3A_107 : i32 to index
        %parallel_loop3A_207 = arith.constant 112 : index
        %parallel_loop3A_208 = tpu.vector_load %arg10[%parallel_loop3A_206, %parallel_loop3A_207] {strides = array<i32>} : memref<128x128xf32, #tpu.memory_space<vmem>>, vector<1x16xf32>,
        %parallel_loop3A_209 = vector.shape_cast %parallel_loop3A_208 : vector<1x16xf32> to vector<16xf32>
        %parallel_loop3A_210 = arith.index_cast %parallel_loop3A_107 : i32 to index
        %parallel_loop3A_211 = arith.constant 112 : index
        %parallel_loop3A_212 = tpu.vector_load %arg12[%parallel_loop3A_210, %parallel_loop3A_211] {strides = array<i32>} : memref<128x128xf32, #tpu.memory_space<vmem>>, vector<1x16xf32>,
        %parallel_loop3A_213 = vector.shape_cast %parallel_loop3A_212 : vector<1x16xf32> to vector<16xf32>
        %parallel_loop3A_214 = arith.mulf %parallel_loop3A_209, %parallel_loop3A_213 : vector<16xf32>
        %parallel_loop3A_215 = arith.index_cast %parallel_loop3A_107 : i32 to index
        %parallel_loop3A_216 = arith.constant 112 : index
        %parallel_loop3A_217 = tpu.vector_load %arg14[%parallel_loop3A_215, %parallel_loop3A_216] {strides = array<i32>} : memref<128x128xf32, #tpu.memory_space<vmem>>, vector<1x16xf32>,
        %parallel_loop3A_218 = vector.shape_cast %parallel_loop3A_217 : vector<1x16xf32> to vector<16xf32>
        %parallel_loop3A_219 = vector.shape_cast %parallel_loop3A_214 : vector<16xf32> to vector<1x16xf32>
        tpu.vector_store %arg14[%parallel_loop3A_215, %parallel_loop3A_216], %parallel_loop3A_219 {strides = array<i32>} : memref<128x128xf32, #tpu.memory_space<vmem>>, vector<1x16xf32>,
      } {sc.loop_unroll_factor = 8 : i64, sc.parallel_access}
      %mul3A_95 = arith.constant 128 : i32
      %mul3A_96 = arith.muli %add3A_69, %mul3A_95 : i32
      %min3A_97 = arith.constant 4872 : i32
      %min3A_98 = arith.minsi %mul3A_96, %min3A_97 : i32
      %multiple_of3A_99 = tpu.assume_multiple %min3A_98, 8 : i32
      %add3A_100 = arith.addi %mul3A_2, %multiple_of3A_99 : i32
      %multiple_of3A_101 = tpu.assume_multiple %add3A_100, 8 : i32
      %dma_start3A_102 = arith.constant 0 : i32
      %dma_start3A_103 = tpu.memref_slice %arg6[%multiple_of3A_101, %dma_start3A_102] : memref<160000x128xf32, #tpu.memory_space<hbm>> -> memref<128x128xf32, #tpu.memory_space<hbm>>
      %dma_start3A_104 = arith.constant 0 : i32
      %dma_start3A_105 = tpu.memref_slice %arg6[%multiple_of3A_101, %dma_start3A_104] : memref<160000x128xf32, #tpu.memory_space<hbm>> -> memref<128x128xf32, #tpu.memory_space<hbm>>
      tpu.enqueue_dma source(%arg14 : memref<128x128xf32, #tpu.memory_space<vmem>>) target(%dma_start3A_105 : memref<128x128xf32, #tpu.memory_space<hbm>>) target_semaphore(%arg18 : memref<!tpu.dma_semaphore, #tpu.memory_space<semaphore_mem>>)
      %scan3A_106 = arith.constant 0 : i32
      scf.yield %scan3A_106 : i32
    }
    %scan3A_17 = arith.constant 20 : i32
    %dma_wait3A = arith.constant 0 : i32
    %dma_wait3A_18 = arith.constant 0 : i32
    %dma_wait3A_19 = tpu.memref_slice %arg6[%dma_wait3A, %dma_wait3A_18] : memref<160000x128xf32, #tpu.memory_space<hbm>> -> memref<128x128xf32, #tpu.memory_space<hbm>>
    %dma_wait3A_20 = arith.constant 0 : i32
    %dma_wait3A_21 = arith.constant 0 : i32
    %dma_wait3A_22 = tpu.memref_slice %arg6[%dma_wait3A_20, %dma_wait3A_21] : memref<160000x128xf32, #tpu.memory_space<hbm>> -> memref<128x128xf32, #tpu.memory_space<hbm>>
    tpu.wait_dma2 semaphore(%arg17 : memref<!tpu.dma_semaphore, #tpu.memory_space<semaphore_mem>>) src(%arg13 : memref<128x128xf32, #tpu.memory_space<vmem>>) dst(%dma_wait3A_22 : memref<128x128xf32, #tpu.memory_space<hbm>>)
    %dma_wait3A_23 = arith.constant 0 : i32
    %dma_wait3A_24 = arith.constant 0 : i32
    %dma_wait3A_25 = tpu.memref_slice %arg6[%dma_wait3A_23, %dma_wait3A_24] : memref<160000x128xf32, #tpu.memory_space<hbm>> -> memref<128x128xf32, #tpu.memory_space<hbm>>
    %dma_wait3A_26 = arith.constant 0 : i32
    %dma_wait3A_27 = arith.constant 0 : i32
    %dma_wait3A_28 = tpu.memref_slice %arg6[%dma_wait3A_26, %dma_wait3A_27] : memref<160000x128xf32, #tpu.memory_space<hbm>> -> memref<128x128xf32, #tpu.memory_space<hbm>>
    tpu.wait_dma2 semaphore(%arg18 : memref<!tpu.dma_semaphore, #tpu.memory_space<semaphore_mem>>) src(%arg14 : memref<128x128xf32, #tpu.memory_space<vmem>>) dst(%dma_wait3A_28 : memref<128x128xf32, #tpu.memory_space<hbm>>)
    return
  }
}

#map = affine_map<(d0, d1) -> (0, 0)>
#map1 = affine_map<(d0, d1) -> (0, 0, 0)>
module attributes {stable_mosaic.version = 14 : i64} {
  func.func @scatter(%arg0: i32, %arg1: i32, %arg2: memref<160000x128xf32, #tpu.memory_space<hbm>>, %arg3: memref<32x39x128xi32, #tpu.memory_space<hbm>>, %arg4: memref<32x1x8xi32, #tpu.memory_space<hbm>>, %arg5: memref<10000x128xf32, #tpu.memory_space<hbm>>, %arg6: memref<2x10000x128xf32, #tpu.memory_space<hbm>>, %arg7: memref<39x128xi32, #tpu.memory_space<vmem>>, %arg8: memref<1x8xi32, #tpu.memory_space<vmem>>, %arg9: memref<128x128xf32, #tpu.memory_space<vmem>>, %arg10: memref<128x128xf32, #tpu.memory_space<vmem>>, %arg11: memref<8x128xf32, #tpu.memory_space<vmem>>, %arg12: memref<10000x128xf32, #tpu.memory_space<vmem_shared>>, %arg13: memref<!tpu.dma_semaphore, #tpu.memory_space<semaphore_mem>>, %arg14: memref<!tpu.dma_semaphore, #tpu.memory_space<semaphore_mem>>, %arg15: memref<!tpu.dma_semaphore, #tpu.memory_space<semaphore_mem>>, %arg16: memref<!tpu.dma_semaphore, #tpu.memory_space<semaphore_mem>>) attributes {dimension_semantics = [#tpu.dimension_semantics<core_parallel>, #tpu.dimension_semantics<subcore_parallel>], iteration_bounds = array<i64: 2, 16>, scalar_prefetch = 0 : i64, scratch_operands = 10 : i64, tpu.core_type = #tpu.core_type<sc_vector_subcore>, window_params = [{transform_indices = #map}, {transform_indices = #map1}, {transform_indices = #map1}, {transform_indices = #map}, {transform_indices = #map1}]} {
    %mul3A = arith.constant 2 : i32
    %mul3A_0 = arith.muli %arg1, %mul3A : i32
    %add3A = arith.addi %mul3A_0, %arg0 : i32
    %mul3A_1 = arith.constant 5000 : i32
    %mul3A_2 = arith.muli %add3A, %mul3A_1 : i32
    %lt3A = arith.constant 15 : i32
    %lt3A_3 = arith.cmpi slt, %arg1, %lt3A : i32
    %convert_element_type3A = arith.extui %lt3A_3 : i1 to i32
    %cond3A = arith.constant 0 : i32
    %cond3A_4 = arith.cmpi ne, %convert_element_type3A, %cond3A : i32
    scf.if %cond3A_4 {
      %mul3A_57 = arith.constant 624 : i32
      %mul3A_58 = arith.muli %arg1, %mul3A_57 : i32
      %multiple_of3A_59 = tpu.assume_multiple %mul3A_58, 8 : i32
      "tpu.region"() ({
        %run_scoped3A_60 = tpu.sem_alloc : memref<!tpu.dma_semaphore, #tpu.memory_space<semaphore_mem>>
        %dma_start3A_61 = arith.constant 0 : i32
        %dma_start3A_62 = tpu.memref_slice %arg12[%multiple_of3A_59, %dma_start3A_61] : memref<10000x128xf32, #tpu.memory_space<vmem_shared>> -> memref<624x128xf32, #tpu.memory_space<vmem_shared>>
        %dma_start3A_63 = arith.constant 0 : i32
        %dma_start3A_64 = tpu.memref_slice %arg5[%multiple_of3A_59, %dma_start3A_63] : memref<10000x128xf32, #tpu.memory_space<hbm>> -> memref<624x128xf32, #tpu.memory_space<hbm>>
        tpu.enqueue_dma source(%dma_start3A_64 : memref<624x128xf32, #tpu.memory_space<hbm>>) target(%dma_start3A_62 : memref<624x128xf32, #tpu.memory_space<vmem_shared>>) target_semaphore(%run_scoped3A_60 : memref<!tpu.dma_semaphore, #tpu.memory_space<semaphore_mem>>)
        %dma_wait3A_65 = arith.constant 0 : i32
        %dma_wait3A_66 = tpu.memref_slice %arg12[%multiple_of3A_59, %dma_wait3A_65] : memref<10000x128xf32, #tpu.memory_space<vmem_shared>> -> memref<624x128xf32, #tpu.memory_space<vmem_shared>>
        %dma_wait3A_67 = arith.constant 0 : i32
        %dma_wait3A_68 = tpu.memref_slice %arg5[%multiple_of3A_59, %dma_wait3A_67] : memref<10000x128xf32, #tpu.memory_space<hbm>> -> memref<624x128xf32, #tpu.memory_space<hbm>>
        tpu.wait_dma2 semaphore(%run_scoped3A_60 : memref<!tpu.dma_semaphore, #tpu.memory_space<semaphore_mem>>) src(%dma_wait3A_68 : memref<624x128xf32, #tpu.memory_space<hbm>>) dst(%dma_wait3A_66 : memref<624x128xf32, #tpu.memory_space<vmem_shared>>)
        tpu.yield
      }) : () -> ()
    } else {
    }
    %eq3A = arith.constant 15 : i32
    %eq3A_5 = arith.cmpi eq, %arg1, %eq3A : i32
    %convert_element_type3A_6 = arith.extui %eq3A_5 : i1 to i32
    %cond3A_7 = arith.constant 0 : i32
    %cond3A_8 = arith.cmpi ne, %convert_element_type3A_6, %cond3A_7 : i32
    scf.if %cond3A_8 {
      "tpu.region"() ({
        %run_scoped3A_57 = tpu.sem_alloc : memref<!tpu.dma_semaphore, #tpu.memory_space<semaphore_mem>>
        %dma_start3A_58 = arith.constant 9360 : i32
        %dma_start3A_59 = arith.constant 0 : i32
        %dma_start3A_60 = tpu.memref_slice %arg12[%dma_start3A_58, %dma_start3A_59] : memref<10000x128xf32, #tpu.memory_space<vmem_shared>> -> memref<640x128xf32, #tpu.memory_space<vmem_shared>>
        %dma_start3A_61 = arith.constant 9360 : i32
        %dma_start3A_62 = arith.constant 0 : i32
        %dma_start3A_63 = tpu.memref_slice %arg5[%dma_start3A_61, %dma_start3A_62] : memref<10000x128xf32, #tpu.memory_space<hbm>> -> memref<640x128xf32, #tpu.memory_space<hbm>>
        tpu.enqueue_dma source(%dma_start3A_63 : memref<640x128xf32, #tpu.memory_space<hbm>>) target(%dma_start3A_60 : memref<640x128xf32, #tpu.memory_space<vmem_shared>>) target_semaphore(%run_scoped3A_57 : memref<!tpu.dma_semaphore, #tpu.memory_space<semaphore_mem>>)
        %dma_wait3A_64 = arith.constant 9360 : i32
        %dma_wait3A_65 = arith.constant 0 : i32
        %dma_wait3A_66 = tpu.memref_slice %arg12[%dma_wait3A_64, %dma_wait3A_65] : memref<10000x128xf32, #tpu.memory_space<vmem_shared>> -> memref<640x128xf32, #tpu.memory_space<vmem_shared>>
        %dma_wait3A_67 = arith.constant 9360 : i32
        %dma_wait3A_68 = arith.constant 0 : i32
        %dma_wait3A_69 = tpu.memref_slice %arg5[%dma_wait3A_67, %dma_wait3A_68] : memref<10000x128xf32, #tpu.memory_space<hbm>> -> memref<640x128xf32, #tpu.memory_space<hbm>>
        tpu.wait_dma2 semaphore(%run_scoped3A_57 : memref<!tpu.dma_semaphore, #tpu.memory_space<semaphore_mem>>) src(%dma_wait3A_69 : memref<640x128xf32, #tpu.memory_space<hbm>>) dst(%dma_wait3A_66 : memref<640x128xf32, #tpu.memory_space<vmem_shared>>)
        tpu.yield
      }) : () -> ()
    } else {
    }
    "tpu.region"() ({
      %run_scoped3A_57 = tpu.sem_alloc : memref<!tpu.dma_semaphore, #tpu.memory_space<semaphore_mem>>
      %dma_start3A_58 = arith.constant 0 : i32
      %dma_start3A_59 = arith.constant 0 : i32
      %dma_start3A_60 = tpu.memref_slice %arg3[%add3A, %dma_start3A_58, %dma_start3A_59] : memref<32x39x128xi32, #tpu.memory_space<hbm>> -> memref<1x39x128xi32, #tpu.memory_space<hbm>>
      %dma_start3A_61 = tpu.memref_squeeze %dma_start3A_60 : memref<1x39x128xi32, #tpu.memory_space<hbm>> -> memref<39x128xi32, #tpu.memory_space<hbm>>
      %dma_start3A_62 = arith.constant 0 : i32
      %dma_start3A_63 = arith.constant 0 : i32
      %dma_start3A_64 = tpu.memref_slice %arg3[%add3A, %dma_start3A_62, %dma_start3A_63] : memref<32x39x128xi32, #tpu.memory_space<hbm>> -> memref<1x39x128xi32, #tpu.memory_space<hbm>>
      %dma_start3A_65 = tpu.memref_squeeze %dma_start3A_64 : memref<1x39x128xi32, #tpu.memory_space<hbm>> -> memref<39x128xi32, #tpu.memory_space<hbm>>
      tpu.enqueue_dma source(%dma_start3A_65 : memref<39x128xi32, #tpu.memory_space<hbm>>) target(%arg7 : memref<39x128xi32, #tpu.memory_space<vmem>>) target_semaphore(%run_scoped3A_57 : memref<!tpu.dma_semaphore, #tpu.memory_space<semaphore_mem>>)
      %dma_wait3A_66 = arith.constant 0 : i32
      %dma_wait3A_67 = arith.constant 0 : i32
      %dma_wait3A_68 = tpu.memref_slice %arg3[%add3A, %dma_wait3A_66, %dma_wait3A_67] : memref<32x39x128xi32, #tpu.memory_space<hbm>> -> memref<1x39x128xi32, #tpu.memory_space<hbm>>
      %dma_wait3A_69 = tpu.memref_squeeze %dma_wait3A_68 : memref<1x39x128xi32, #tpu.memory_space<hbm>> -> memref<39x128xi32, #tpu.memory_space<hbm>>
      %dma_wait3A_70 = arith.constant 0 : i32
      %dma_wait3A_71 = arith.constant 0 : i32
      %dma_wait3A_72 = tpu.memref_slice %arg3[%add3A, %dma_wait3A_70, %dma_wait3A_71] : memref<32x39x128xi32, #tpu.memory_space<hbm>> -> memref<1x39x128xi32, #tpu.memory_space<hbm>>
      %dma_wait3A_73 = tpu.memref_squeeze %dma_wait3A_72 : memref<1x39x128xi32, #tpu.memory_space<hbm>> -> memref<39x128xi32, #tpu.memory_space<hbm>>
      tpu.wait_dma2 semaphore(%run_scoped3A_57 : memref<!tpu.dma_semaphore, #tpu.memory_space<semaphore_mem>>) src(%dma_wait3A_73 : memref<39x128xi32, #tpu.memory_space<hbm>>) dst(%arg7 : memref<39x128xi32, #tpu.memory_space<vmem>>)
      tpu.yield
    }) : () -> ()
    "tpu.region"() ({
      %run_scoped3A_57 = tpu.sem_alloc : memref<!tpu.dma_semaphore, #tpu.memory_space<semaphore_mem>>
      %dma_start3A_58 = arith.constant 0 : i32
      %dma_start3A_59 = arith.constant 0 : i32
      %dma_start3A_60 = tpu.memref_slice %arg4[%add3A, %dma_start3A_58, %dma_start3A_59] : memref<32x1x8xi32, #tpu.memory_space<hbm>> -> memref<1x1x8xi32, #tpu.memory_space<hbm>>
      %dma_start3A_61 = tpu.memref_squeeze %dma_start3A_60 : memref<1x1x8xi32, #tpu.memory_space<hbm>> -> memref<1x8xi32, #tpu.memory_space<hbm>>
      %dma_start3A_62 = arith.constant 0 : i32
      %dma_start3A_63 = arith.constant 0 : i32
      %dma_start3A_64 = tpu.memref_slice %arg4[%add3A, %dma_start3A_62, %dma_start3A_63] : memref<32x1x8xi32, #tpu.memory_space<hbm>> -> memref<1x1x8xi32, #tpu.memory_space<hbm>>
      %dma_start3A_65 = tpu.memref_squeeze %dma_start3A_64 : memref<1x1x8xi32, #tpu.memory_space<hbm>> -> memref<1x8xi32, #tpu.memory_space<hbm>>
      tpu.enqueue_dma source(%dma_start3A_65 : memref<1x8xi32, #tpu.memory_space<hbm>>) target(%arg8 : memref<1x8xi32, #tpu.memory_space<vmem>>) target_semaphore(%run_scoped3A_57 : memref<!tpu.dma_semaphore, #tpu.memory_space<semaphore_mem>>)
      %dma_wait3A_66 = arith.constant 0 : i32
      %dma_wait3A_67 = arith.constant 0 : i32
      %dma_wait3A_68 = tpu.memref_slice %arg4[%add3A, %dma_wait3A_66, %dma_wait3A_67] : memref<32x1x8xi32, #tpu.memory_space<hbm>> -> memref<1x1x8xi32, #tpu.memory_space<hbm>>
      %dma_wait3A_69 = tpu.memref_squeeze %dma_wait3A_68 : memref<1x1x8xi32, #tpu.memory_space<hbm>> -> memref<1x8xi32, #tpu.memory_space<hbm>>
      %dma_wait3A_70 = arith.constant 0 : i32
      %dma_wait3A_71 = arith.constant 0 : i32
      %dma_wait3A_72 = tpu.memref_slice %arg4[%add3A, %dma_wait3A_70, %dma_wait3A_71] : memref<32x1x8xi32, #tpu.memory_space<hbm>> -> memref<1x1x8xi32, #tpu.memory_space<hbm>>
      %dma_wait3A_73 = tpu.memref_squeeze %dma_wait3A_72 : memref<1x1x8xi32, #tpu.memory_space<hbm>> -> memref<1x8xi32, #tpu.memory_space<hbm>>
      tpu.wait_dma2 semaphore(%run_scoped3A_57 : memref<!tpu.dma_semaphore, #tpu.memory_space<semaphore_mem>>) src(%dma_wait3A_73 : memref<1x8xi32, #tpu.memory_space<hbm>>) dst(%arg8 : memref<1x8xi32, #tpu.memory_space<vmem>>)
      tpu.yield
    }) : () -> ()
    %barrier3A = arith.constant 0 : index
    tpu.barrier barrier_id(%barrier3A)
    %add3A_9 = arith.constant 0 : i32
    %add3A_10 = arith.addi %mul3A_2, %add3A_9 : i32
    %multiple_of3A = tpu.assume_multiple %add3A_10, 8 : i32
    %dma_start3A = arith.constant 0 : i32
    %dma_start3A_11 = tpu.memref_slice %arg2[%multiple_of3A, %dma_start3A] : memref<160000x128xf32, #tpu.memory_space<hbm>> -> memref<128x128xf32, #tpu.memory_space<hbm>>
    %dma_start3A_12 = arith.constant 0 : i32
    %dma_start3A_13 = tpu.memref_slice %arg2[%multiple_of3A, %dma_start3A_12] : memref<160000x128xf32, #tpu.memory_space<hbm>> -> memref<128x128xf32, #tpu.memory_space<hbm>>
    tpu.enqueue_dma source(%dma_start3A_13 : memref<128x128xf32, #tpu.memory_space<hbm>>) target(%arg9 : memref<128x128xf32, #tpu.memory_space<vmem>>) target_semaphore(%arg13 : memref<!tpu.dma_semaphore, #tpu.memory_space<semaphore_mem>>)
    %scan3A = arith.constant 0 : i32
    %scan3A_14 = arith.constant 0 : i32
    %scan3A_15 = arith.constant 19 : i32
    %scan3A_16 = arith.addi %scan3A_14, %scan3A_15 : i32
    %scan3A_17 = arith.constant 1 : i32
    %scan3A_18 = scf.for %scan3A_57 = %scan3A_14 to %scan3A_16 step %scan3A_17 iter_args(%scan3A_58 = %scan3A) -> (i32)  : i32 {
      %mul3A_59 = arith.constant 2 : i32
      %mul3A_60 = arith.muli %scan3A_57, %mul3A_59 : i32
      %add3A_61 = arith.constant 0 : i32
      %add3A_62 = arith.addi %mul3A_60, %add3A_61 : i32
      %dma_wait3A_63 = arith.constant 0 : i32
      %dma_wait3A_64 = tpu.memref_slice %arg2[%mul3A_2, %dma_wait3A_63] : memref<160000x128xf32, #tpu.memory_space<hbm>> -> memref<128x128xf32, #tpu.memory_space<hbm>>
      %dma_wait3A_65 = arith.constant 0 : i32
      %dma_wait3A_66 = tpu.memref_slice %arg2[%mul3A_2, %dma_wait3A_65] : memref<160000x128xf32, #tpu.memory_space<hbm>> -> memref<128x128xf32, #tpu.memory_space<hbm>>
      tpu.wait_dma2 semaphore(%arg13 : memref<!tpu.dma_semaphore, #tpu.memory_space<semaphore_mem>>) src(%dma_wait3A_66 : memref<128x128xf32, #tpu.memory_space<hbm>>) dst(%arg9 : memref<128x128xf32, #tpu.memory_space<vmem>>)
      %dma_start3A_67 = arith.constant 0 : i32
      %dma_start3A_68 = tpu.memref_slice %arg7[%add3A_62, %dma_start3A_67] : memref<39x128xi32, #tpu.memory_space<vmem>> -> memref<1x128xi32, #tpu.memory_space<vmem>>
      %dma_start3A_69 = tpu.memref_squeeze %dma_start3A_68 : memref<1x128xi32, #tpu.memory_space<vmem>> -> memref<128xi32, #tpu.memory_space<vmem>>
      %dma_start3A_70 = arith.constant 0 : i32
      %dma_start3A_71 = arith.constant 0 : i32
      %dma_start3A_72 = tpu.memref_slice %arg12[%dma_start3A_70, %dma_start3A_71] : memref<10000x128xf32, #tpu.memory_space<vmem_shared>> -> memref<10000x128xf32, #tpu.memory_space<vmem_shared>>
      tpu.enqueue_indirect_dma source(%arg9 : memref<128x128xf32, #tpu.memory_space<vmem>>) target(%dma_start3A_72 : memref<10000x128xf32, #tpu.memory_space<vmem_shared>>) offsets(%dma_start3A_69 : memref<128xi32, #tpu.memory_space<vmem>>) semaphore(%arg15 : memref<!tpu.dma_semaphore, #tpu.memory_space<semaphore_mem>>) {add = true}
      %ge3A = arith.constant 1 : i32
      %ge3A_73 = arith.cmpi sge, %add3A_62, %ge3A : i32
      %convert_element_type3A_74 = arith.extui %ge3A_73 : i1 to i32
      %cond3A_75 = arith.constant 0 : i32
      %cond3A_76 = arith.cmpi ne, %convert_element_type3A_74, %cond3A_75 : i32
      scf.if %cond3A_76 {
        %dma_wait3A_114 = arith.constant 0 : i32
        %dma_wait3A_115 = arith.constant 0 : i32
        %dma_wait3A_116 = tpu.memref_slice %arg7[%dma_wait3A_114, %dma_wait3A_115] : memref<39x128xi32, #tpu.memory_space<vmem>> -> memref<1x128xi32, #tpu.memory_space<vmem>>
        %dma_wait3A_117 = tpu.memref_squeeze %dma_wait3A_116 : memref<1x128xi32, #tpu.memory_space<vmem>> -> memref<128xi32, #tpu.memory_space<vmem>>
        %dma_wait3A_118 = arith.constant 0 : i32
        %dma_wait3A_119 = arith.constant 0 : i32
        %dma_wait3A_120 = tpu.memref_slice %arg12[%dma_wait3A_118, %dma_wait3A_119] : memref<10000x128xf32, #tpu.memory_space<vmem_shared>> -> memref<10000x128xf32, #tpu.memory_space<vmem_shared>>
        tpu.wait_indirect_dma semaphore(%arg16 : memref<!tpu.dma_semaphore, #tpu.memory_space<semaphore_mem>>) src(%arg10 : memref<128x128xf32, #tpu.memory_space<vmem>>) dst(%dma_wait3A_120 : memref<10000x128xf32, #tpu.memory_space<vmem_shared>>)
      } else {
      }
      %add3A_77 = arith.constant 2 : i32
      %add3A_78 = arith.addi %add3A_62, %add3A_77 : i32
      %sub3A = arith.constant 1 : i32
      %sub3A_79 = arith.subi %add3A_78, %sub3A : i32
      %lt3A_80 = arith.constant 39 : i32
      %lt3A_81 = arith.cmpi slt, %sub3A_79, %lt3A_80 : i32
      %convert_element_type3A_82 = arith.extui %lt3A_81 : i1 to i32
      %cond3A_83 = arith.constant 0 : i32
      %cond3A_84 = arith.cmpi ne, %convert_element_type3A_82, %cond3A_83 : i32
      scf.if %cond3A_84 {
        %add3A_114 = arith.constant 2 : i32
        %add3A_115 = arith.addi %add3A_62, %add3A_114 : i32
        %sub3A_116 = arith.constant 1 : i32
        %sub3A_117 = arith.subi %add3A_115, %sub3A_116 : i32
        %mul3A_118 = arith.constant 128 : i32
        %mul3A_119 = arith.muli %sub3A_117, %mul3A_118 : i32
        %add3A_120 = arith.addi %mul3A_2, %mul3A_119 : i32
        %multiple_of3A_121 = tpu.assume_multiple %add3A_120, 8 : i32
        %dma_start3A_122 = arith.constant 0 : i32
        %dma_start3A_123 = tpu.memref_slice %arg2[%multiple_of3A_121, %dma_start3A_122] : memref<160000x128xf32, #tpu.memory_space<hbm>> -> memref<128x128xf32, #tpu.memory_space<hbm>>
        %dma_start3A_124 = arith.constant 0 : i32
        %dma_start3A_125 = tpu.memref_slice %arg2[%multiple_of3A_121, %dma_start3A_124] : memref<160000x128xf32, #tpu.memory_space<hbm>> -> memref<128x128xf32, #tpu.memory_space<hbm>>
        tpu.enqueue_dma source(%dma_start3A_125 : memref<128x128xf32, #tpu.memory_space<hbm>>) target(%arg10 : memref<128x128xf32, #tpu.memory_space<vmem>>) target_semaphore(%arg14 : memref<!tpu.dma_semaphore, #tpu.memory_space<semaphore_mem>>)
      } else {
      }
      %mul3A_85 = arith.constant 2 : i32
      %mul3A_86 = arith.muli %scan3A_57, %mul3A_85 : i32
      %add3A_87 = arith.constant 1 : i32
      %add3A_88 = arith.addi %mul3A_86, %add3A_87 : i32
      %dma_wait3A_89 = arith.constant 0 : i32
      %dma_wait3A_90 = tpu.memref_slice %arg2[%mul3A_2, %dma_wait3A_89] : memref<160000x128xf32, #tpu.memory_space<hbm>> -> memref<128x128xf32, #tpu.memory_space<hbm>>
      %dma_wait3A_91 = arith.constant 0 : i32
      %dma_wait3A_92 = tpu.memref_slice %arg2[%mul3A_2, %dma_wait3A_91] : memref<160000x128xf32, #tpu.memory_space<hbm>> -> memref<128x128xf32, #tpu.memory_space<hbm>>
      tpu.wait_dma2 semaphore(%arg14 : memref<!tpu.dma_semaphore, #tpu.memory_space<semaphore_mem>>) src(%dma_wait3A_92 : memref<128x128xf32, #tpu.memory_space<hbm>>) dst(%arg10 : memref<128x128xf32, #tpu.memory_space<vmem>>)
      %dma_start3A_93 = arith.constant 0 : i32
      %dma_start3A_94 = tpu.memref_slice %arg7[%add3A_88, %dma_start3A_93] : memref<39x128xi32, #tpu.memory_space<vmem>> -> memref<1x128xi32, #tpu.memory_space<vmem>>
      %dma_start3A_95 = tpu.memref_squeeze %dma_start3A_94 : memref<1x128xi32, #tpu.memory_space<vmem>> -> memref<128xi32, #tpu.memory_space<vmem>>
      %dma_start3A_96 = arith.constant 0 : i32
      %dma_start3A_97 = arith.constant 0 : i32
      %dma_start3A_98 = tpu.memref_slice %arg12[%dma_start3A_96, %dma_start3A_97] : memref<10000x128xf32, #tpu.memory_space<vmem_shared>> -> memref<10000x128xf32, #tpu.memory_space<vmem_shared>>
      tpu.enqueue_indirect_dma source(%arg10 : memref<128x128xf32, #tpu.memory_space<vmem>>) target(%dma_start3A_98 : memref<10000x128xf32, #tpu.memory_space<vmem_shared>>) offsets(%dma_start3A_95 : memref<128xi32, #tpu.memory_space<vmem>>) semaphore(%arg16 : memref<!tpu.dma_semaphore, #tpu.memory_space<semaphore_mem>>) {add = true}
      %ge3A_99 = arith.constant 1 : i32
      %ge3A_100 = arith.cmpi sge, %add3A_88, %ge3A_99 : i32
      %convert_element_type3A_101 = arith.extui %ge3A_100 : i1 to i32
      %cond3A_102 = arith.constant 0 : i32
      %cond3A_103 = arith.cmpi ne, %convert_element_type3A_101, %cond3A_102 : i32
      scf.if %cond3A_103 {
        %dma_wait3A_114 = arith.constant 0 : i32
        %dma_wait3A_115 = arith.constant 0 : i32
        %dma_wait3A_116 = tpu.memref_slice %arg7[%dma_wait3A_114, %dma_wait3A_115] : memref<39x128xi32, #tpu.memory_space<vmem>> -> memref<1x128xi32, #tpu.memory_space<vmem>>
        %dma_wait3A_117 = tpu.memref_squeeze %dma_wait3A_116 : memref<1x128xi32, #tpu.memory_space<vmem>> -> memref<128xi32, #tpu.memory_space<vmem>>
        %dma_wait3A_118 = arith.constant 0 : i32
        %dma_wait3A_119 = arith.constant 0 : i32
        %dma_wait3A_120 = tpu.memref_slice %arg12[%dma_wait3A_118, %dma_wait3A_119] : memref<10000x128xf32, #tpu.memory_space<vmem_shared>> -> memref<10000x128xf32, #tpu.memory_space<vmem_shared>>
        tpu.wait_indirect_dma semaphore(%arg15 : memref<!tpu.dma_semaphore, #tpu.memory_space<semaphore_mem>>) src(%arg9 : memref<128x128xf32, #tpu.memory_space<vmem>>) dst(%dma_wait3A_120 : memref<10000x128xf32, #tpu.memory_space<vmem_shared>>)
      } else {
      }
      %add3A_104 = arith.constant 2 : i32
      %add3A_105 = arith.addi %add3A_88, %add3A_104 : i32
      %sub3A_106 = arith.constant 1 : i32
      %sub3A_107 = arith.subi %add3A_105, %sub3A_106 : i32
      %lt3A_108 = arith.constant 39 : i32
      %lt3A_109 = arith.cmpi slt, %sub3A_107, %lt3A_108 : i32
      %convert_element_type3A_110 = arith.extui %lt3A_109 : i1 to i32
      %cond3A_111 = arith.constant 0 : i32
      %cond3A_112 = arith.cmpi ne, %convert_element_type3A_110, %cond3A_111 : i32
      scf.if %cond3A_112 {
        %add3A_114 = arith.constant 2 : i32
        %add3A_115 = arith.addi %add3A_88, %add3A_114 : i32
        %sub3A_116 = arith.constant 1 : i32
        %sub3A_117 = arith.subi %add3A_115, %sub3A_116 : i32
        %mul3A_118 = arith.constant 128 : i32
        %mul3A_119 = arith.muli %sub3A_117, %mul3A_118 : i32
        %add3A_120 = arith.addi %mul3A_2, %mul3A_119 : i32
        %multiple_of3A_121 = tpu.assume_multiple %add3A_120, 8 : i32
        %dma_start3A_122 = arith.constant 0 : i32
        %dma_start3A_123 = tpu.memref_slice %arg2[%multiple_of3A_121, %dma_start3A_122] : memref<160000x128xf32, #tpu.memory_space<hbm>> -> memref<128x128xf32, #tpu.memory_space<hbm>>
        %dma_start3A_124 = arith.constant 0 : i32
        %dma_start3A_125 = tpu.memref_slice %arg2[%multiple_of3A_121, %dma_start3A_124] : memref<160000x128xf32, #tpu.memory_space<hbm>> -> memref<128x128xf32, #tpu.memory_space<hbm>>
        tpu.enqueue_dma source(%dma_start3A_125 : memref<128x128xf32, #tpu.memory_space<hbm>>) target(%arg9 : memref<128x128xf32, #tpu.memory_space<vmem>>) target_semaphore(%arg13 : memref<!tpu.dma_semaphore, #tpu.memory_space<semaphore_mem>>)
      } else {
      }
      %scan3A_113 = arith.constant 0 : i32
      scf.yield %scan3A_113 : i32
    }
    %scan3A_19 = arith.constant 19 : i32
    %dma_wait3A = arith.constant 0 : i32
    %dma_wait3A_20 = tpu.memref_slice %arg2[%mul3A_2, %dma_wait3A] : memref<160000x128xf32, #tpu.memory_space<hbm>> -> memref<128x128xf32, #tpu.memory_space<hbm>>
    %dma_wait3A_21 = arith.constant 0 : i32
    %dma_wait3A_22 = tpu.memref_slice %arg2[%mul3A_2, %dma_wait3A_21] : memref<160000x128xf32, #tpu.memory_space<hbm>> -> memref<128x128xf32, #tpu.memory_space<hbm>>
    tpu.wait_dma2 semaphore(%arg13 : memref<!tpu.dma_semaphore, #tpu.memory_space<semaphore_mem>>) src(%dma_wait3A_22 : memref<128x128xf32, #tpu.memory_space<hbm>>) dst(%arg9 : memref<128x128xf32, #tpu.memory_space<vmem>>)
    %dma_start3A_23 = arith.constant 38 : i32
    %dma_start3A_24 = arith.constant 0 : i32
    %dma_start3A_25 = tpu.memref_slice %arg7[%dma_start3A_23, %dma_start3A_24] : memref<39x128xi32, #tpu.memory_space<vmem>> -> memref<1x128xi32, #tpu.memory_space<vmem>>
    %dma_start3A_26 = tpu.memref_squeeze %dma_start3A_25 : memref<1x128xi32, #tpu.memory_space<vmem>> -> memref<128xi32, #tpu.memory_space<vmem>>
    %dma_start3A_27 = arith.constant 0 : i32
    %dma_start3A_28 = arith.constant 0 : i32
    %dma_start3A_29 = tpu.memref_slice %arg12[%dma_start3A_27, %dma_start3A_28] : memref<10000x128xf32, #tpu.memory_space<vmem_shared>> -> memref<10000x128xf32, #tpu.memory_space<vmem_shared>>
    tpu.enqueue_indirect_dma source(%arg9 : memref<128x128xf32, #tpu.memory_space<vmem>>) target(%dma_start3A_29 : memref<10000x128xf32, #tpu.memory_space<vmem_shared>>) offsets(%dma_start3A_26 : memref<128xi32, #tpu.memory_space<vmem>>) semaphore(%arg15 : memref<!tpu.dma_semaphore, #tpu.memory_space<semaphore_mem>>) {add = true}
    %dma_wait3A_30 = arith.constant 0 : i32
    %dma_wait3A_31 = arith.constant 0 : i32
    %dma_wait3A_32 = tpu.memref_slice %arg7[%dma_wait3A_30, %dma_wait3A_31] : memref<39x128xi32, #tpu.memory_space<vmem>> -> memref<1x128xi32, #tpu.memory_space<vmem>>
    %dma_wait3A_33 = tpu.memref_squeeze %dma_wait3A_32 : memref<1x128xi32, #tpu.memory_space<vmem>> -> memref<128xi32, #tpu.memory_space<vmem>>
    %dma_wait3A_34 = arith.constant 0 : i32
    %dma_wait3A_35 = arith.constant 0 : i32
    %dma_wait3A_36 = tpu.memref_slice %arg12[%dma_wait3A_34, %dma_wait3A_35] : memref<10000x128xf32, #tpu.memory_space<vmem_shared>> -> memref<10000x128xf32, #tpu.memory_space<vmem_shared>>
    tpu.wait_indirect_dma semaphore(%arg16 : memref<!tpu.dma_semaphore, #tpu.memory_space<semaphore_mem>>) src(%arg10 : memref<128x128xf32, #tpu.memory_space<vmem>>) dst(%dma_wait3A_36 : memref<10000x128xf32, #tpu.memory_space<vmem_shared>>)
    %dma_wait3A_37 = arith.constant 0 : i32
    %dma_wait3A_38 = arith.constant 0 : i32
    %dma_wait3A_39 = tpu.memref_slice %arg7[%dma_wait3A_37, %dma_wait3A_38] : memref<39x128xi32, #tpu.memory_space<vmem>> -> memref<1x128xi32, #tpu.memory_space<vmem>>
    %dma_wait3A_40 = tpu.memref_squeeze %dma_wait3A_39 : memref<1x128xi32, #tpu.memory_space<vmem>> -> memref<128xi32, #tpu.memory_space<vmem>>
    %dma_wait3A_41 = arith.constant 0 : i32
    %dma_wait3A_42 = arith.constant 0 : i32
    %dma_wait3A_43 = tpu.memref_slice %arg12[%dma_wait3A_41, %dma_wait3A_42] : memref<10000x128xf32, #tpu.memory_space<vmem_shared>> -> memref<10000x128xf32, #tpu.memory_space<vmem_shared>>
    tpu.wait_indirect_dma semaphore(%arg15 : memref<!tpu.dma_semaphore, #tpu.memory_space<semaphore_mem>>) src(%arg9 : memref<128x128xf32, #tpu.memory_space<vmem>>) dst(%dma_wait3A_43 : memref<10000x128xf32, #tpu.memory_space<vmem_shared>>)
    %add3A_44 = arith.constant 4992 : i32
    %add3A_45 = arith.addi %mul3A_2, %add3A_44 : i32
    "tpu.region"() ({
      %run_scoped3A_57 = tpu.sem_alloc : memref<!tpu.dma_semaphore, #tpu.memory_space<semaphore_mem>>
      %dma_start3A_58 = arith.constant 0 : i32
      %dma_start3A_59 = tpu.memref_slice %arg2[%add3A_45, %dma_start3A_58] : memref<160000x128xf32, #tpu.memory_space<hbm>> -> memref<8x128xf32, #tpu.memory_space<hbm>>
      %dma_start3A_60 = arith.constant 0 : i32
      %dma_start3A_61 = tpu.memref_slice %arg2[%add3A_45, %dma_start3A_60] : memref<160000x128xf32, #tpu.memory_space<hbm>> -> memref<8x128xf32, #tpu.memory_space<hbm>>
      tpu.enqueue_dma source(%dma_start3A_61 : memref<8x128xf32, #tpu.memory_space<hbm>>) target(%arg11 : memref<8x128xf32, #tpu.memory_space<vmem>>) target_semaphore(%run_scoped3A_57 : memref<!tpu.dma_semaphore, #tpu.memory_space<semaphore_mem>>)
      %dma_wait3A_62 = arith.constant 0 : i32
      %dma_wait3A_63 = tpu.memref_slice %arg2[%add3A_45, %dma_wait3A_62] : memref<160000x128xf32, #tpu.memory_space<hbm>> -> memref<8x128xf32, #tpu.memory_space<hbm>>
      %dma_wait3A_64 = arith.constant 0 : i32
      %dma_wait3A_65 = tpu.memref_slice %arg2[%add3A_45, %dma_wait3A_64] : memref<160000x128xf32, #tpu.memory_space<hbm>> -> memref<8x128xf32, #tpu.memory_space<hbm>>
      tpu.wait_dma2 semaphore(%run_scoped3A_57 : memref<!tpu.dma_semaphore, #tpu.memory_space<semaphore_mem>>) src(%dma_wait3A_65 : memref<8x128xf32, #tpu.memory_space<hbm>>) dst(%arg11 : memref<8x128xf32, #tpu.memory_space<vmem>>)
      tpu.yield
    }) : () -> ()
    %run_scoped3A = arith.constant 0 : i32
    "tpu.region"() ({
      %run_scoped3A_57 = tpu.sem_alloc : memref<!tpu.dma_semaphore, #tpu.memory_space<semaphore_mem>>
      %dma_start3A_58 = arith.constant 0 : i32
      %dma_start3A_59 = tpu.memref_slice %arg8[%run_scoped3A, %dma_start3A_58] : memref<1x8xi32, #tpu.memory_space<vmem>> -> memref<1x8xi32, #tpu.memory_space<vmem>>
      %dma_start3A_60 = tpu.memref_squeeze %dma_start3A_59 : memref<1x8xi32, #tpu.memory_space<vmem>> -> memref<8xi32, #tpu.memory_space<vmem>>
      %dma_start3A_61 = arith.constant 0 : i32
      %dma_start3A_62 = arith.constant 0 : i32
      %dma_start3A_63 = tpu.memref_slice %arg12[%dma_start3A_61, %dma_start3A_62] : memref<10000x128xf32, #tpu.memory_space<vmem_shared>> -> memref<10000x128xf32, #tpu.memory_space<vmem_shared>>
      tpu.enqueue_indirect_dma source(%arg11 : memref<8x128xf32, #tpu.memory_space<vmem>>) target(%dma_start3A_63 : memref<10000x128xf32, #tpu.memory_space<vmem_shared>>) offsets(%dma_start3A_60 : memref<8xi32, #tpu.memory_space<vmem>>) semaphore(%run_scoped3A_57 : memref<!tpu.dma_semaphore, #tpu.memory_space<semaphore_mem>>) {add = true}
      %dma_wait3A_64 = arith.constant 0 : i32
      %dma_wait3A_65 = tpu.memref_slice %arg8[%run_scoped3A, %dma_wait3A_64] : memref<1x8xi32, #tpu.memory_space<vmem>> -> memref<1x8xi32, #tpu.memory_space<vmem>>
      %dma_wait3A_66 = tpu.memref_squeeze %dma_wait3A_65 : memref<1x8xi32, #tpu.memory_space<vmem>> -> memref<8xi32, #tpu.memory_space<vmem>>
      %dma_wait3A_67 = arith.constant 0 : i32
      %dma_wait3A_68 = arith.constant 0 : i32
      %dma_wait3A_69 = tpu.memref_slice %arg12[%dma_wait3A_67, %dma_wait3A_68] : memref<10000x128xf32, #tpu.memory_space<vmem_shared>> -> memref<10000x128xf32, #tpu.memory_space<vmem_shared>>
      tpu.wait_indirect_dma semaphore(%run_scoped3A_57 : memref<!tpu.dma_semaphore, #tpu.memory_space<semaphore_mem>>) src(%arg11 : memref<8x128xf32, #tpu.memory_space<vmem>>) dst(%dma_wait3A_69 : memref<10000x128xf32, #tpu.memory_space<vmem_shared>>)
      tpu.yield
    }) : () -> ()
    %barrier3A_46 = arith.constant 0 : index
    tpu.barrier barrier_id(%barrier3A_46)
    %lt3A_47 = arith.constant 15 : i32
    %lt3A_48 = arith.cmpi slt, %arg1, %lt3A_47 : i32
    %convert_element_type3A_49 = arith.extui %lt3A_48 : i1 to i32
    %cond3A_50 = arith.constant 0 : i32
    %cond3A_51 = arith.cmpi ne, %convert_element_type3A_49, %cond3A_50 : i32
    scf.if %cond3A_51 {
      %mul3A_57 = arith.constant 624 : i32
      %mul3A_58 = arith.muli %arg1, %mul3A_57 : i32
      %multiple_of3A_59 = tpu.assume_multiple %mul3A_58, 8 : i32
      "tpu.region"() ({
        %run_scoped3A_60 = tpu.sem_alloc : memref<!tpu.dma_semaphore, #tpu.memory_space<semaphore_mem>>
        %dma_start3A_61 = arith.constant 0 : i32
        %dma_start3A_62 = tpu.memref_slice %arg6[%arg0, %multiple_of3A_59, %dma_start3A_61] : memref<2x10000x128xf32, #tpu.memory_space<hbm>> -> memref<1x624x128xf32, #tpu.memory_space<hbm>>
        %dma_start3A_63 = tpu.memref_squeeze %dma_start3A_62 : memref<1x624x128xf32, #tpu.memory_space<hbm>> -> memref<624x128xf32, #tpu.memory_space<hbm>>
        %dma_start3A_64 = arith.constant 0 : i32
        %dma_start3A_65 = tpu.memref_slice %arg12[%multiple_of3A_59, %dma_start3A_64] : memref<10000x128xf32, #tpu.memory_space<vmem_shared>> -> memref<624x128xf32, #tpu.memory_space<vmem_shared>>
        tpu.enqueue_dma source(%dma_start3A_65 : memref<624x128xf32, #tpu.memory_space<vmem_shared>>) target(%dma_start3A_63 : memref<624x128xf32, #tpu.memory_space<hbm>>) target_semaphore(%run_scoped3A_60 : memref<!tpu.dma_semaphore, #tpu.memory_space<semaphore_mem>>)
        %dma_wait3A_66 = arith.constant 0 : i32
        %dma_wait3A_67 = tpu.memref_slice %arg6[%arg0, %multiple_of3A_59, %dma_wait3A_66] : memref<2x10000x128xf32, #tpu.memory_space<hbm>> -> memref<1x624x128xf32, #tpu.memory_space<hbm>>
        %dma_wait3A_68 = tpu.memref_squeeze %dma_wait3A_67 : memref<1x624x128xf32, #tpu.memory_space<hbm>> -> memref<624x128xf32, #tpu.memory_space<hbm>>
        %dma_wait3A_69 = arith.constant 0 : i32
        %dma_wait3A_70 = tpu.memref_slice %arg12[%multiple_of3A_59, %dma_wait3A_69] : memref<10000x128xf32, #tpu.memory_space<vmem_shared>> -> memref<624x128xf32, #tpu.memory_space<vmem_shared>>
        tpu.wait_dma2 semaphore(%run_scoped3A_60 : memref<!tpu.dma_semaphore, #tpu.memory_space<semaphore_mem>>) src(%dma_wait3A_70 : memref<624x128xf32, #tpu.memory_space<vmem_shared>>) dst(%dma_wait3A_68 : memref<624x128xf32, #tpu.memory_space<hbm>>)
        tpu.yield
      }) : () -> ()
    } else {
    }
    %eq3A_52 = arith.constant 15 : i32
    %eq3A_53 = arith.cmpi eq, %arg1, %eq3A_52 : i32
    %convert_element_type3A_54 = arith.extui %eq3A_53 : i1 to i32
    %cond3A_55 = arith.constant 0 : i32
    %cond3A_56 = arith.cmpi ne, %convert_element_type3A_54, %cond3A_55 : i32
    scf.if %cond3A_56 {
      "tpu.region"() ({
        %run_scoped3A_57 = tpu.sem_alloc : memref<!tpu.dma_semaphore, #tpu.memory_space<semaphore_mem>>
        %dma_start3A_58 = arith.constant 9360 : i32
        %dma_start3A_59 = arith.constant 0 : i32
        %dma_start3A_60 = tpu.memref_slice %arg6[%arg0, %dma_start3A_58, %dma_start3A_59] : memref<2x10000x128xf32, #tpu.memory_space<hbm>> -> memref<1x640x128xf32, #tpu.memory_space<hbm>>
        %dma_start3A_61 = tpu.memref_squeeze %dma_start3A_60 : memref<1x640x128xf32, #tpu.memory_space<hbm>> -> memref<640x128xf32, #tpu.memory_space<hbm>>
        %dma_start3A_62 = arith.constant 9360 : i32
        %dma_start3A_63 = arith.constant 0 : i32
        %dma_start3A_64 = tpu.memref_slice %arg12[%dma_start3A_62, %dma_start3A_63] : memref<10000x128xf32, #tpu.memory_space<vmem_shared>> -> memref<640x128xf32, #tpu.memory_space<vmem_shared>>
        tpu.enqueue_dma source(%dma_start3A_64 : memref<640x128xf32, #tpu.memory_space<vmem_shared>>) target(%dma_start3A_61 : memref<640x128xf32, #tpu.memory_space<hbm>>) target_semaphore(%run_scoped3A_57 : memref<!tpu.dma_semaphore, #tpu.memory_space<semaphore_mem>>)
        %dma_wait3A_65 = arith.constant 9360 : i32
        %dma_wait3A_66 = arith.constant 0 : i32
        %dma_wait3A_67 = tpu.memref_slice %arg6[%arg0, %dma_wait3A_65, %dma_wait3A_66] : memref<2x10000x128xf32, #tpu.memory_space<hbm>> -> memref<1x640x128xf32, #tpu.memory_space<hbm>>
        %dma_wait3A_68 = tpu.memref_squeeze %dma_wait3A_67 : memref<1x640x128xf32, #tpu.memory_space<hbm>> -> memref<640x128xf32, #tpu.memory_space<hbm>>
        %dma_wait3A_69 = arith.constant 9360 : i32
        %dma_wait3A_70 = arith.constant 0 : i32
        %dma_wait3A_71 = tpu.memref_slice %arg12[%dma_wait3A_69, %dma_wait3A_70] : memref<10000x128xf32, #tpu.memory_space<vmem_shared>> -> memref<640x128xf32, #tpu.memory_space<vmem_shared>>
        tpu.wait_dma2 semaphore(%run_scoped3A_57 : memref<!tpu.dma_semaphore, #tpu.memory_space<semaphore_mem>>) src(%dma_wait3A_71 : memref<640x128xf32, #tpu.memory_space<vmem_shared>>) dst(%dma_wait3A_68 : memref<640x128xf32, #tpu.memory_space<hbm>>)
        tpu.yield
      }) : () -> ()
    } else {
    }
    return
  }
}

#map = affine_map<(d0, d1) -> (0, 0)>
#map1 = affine_map<(d0, d1) -> (0, 0, 0)>
module attributes {stable_mosaic.version = 14 : i64} {
  func.func @scatter(%arg0: i32, %arg1: i32, %arg2: memref<160000x128xf32, #tpu.memory_space<hbm>>, %arg3: memref<32x39x128xi32, #tpu.memory_space<hbm>>, %arg4: memref<32x1x8xi32, #tpu.memory_space<hbm>>, %arg5: memref<10000x128xf32, #tpu.memory_space<hbm>>, %arg6: memref<2x10000x128xf32, #tpu.memory_space<hbm>>, %arg7: memref<39x128xi32, #tpu.memory_space<vmem>>, %arg8: memref<1x8xi32, #tpu.memory_space<vmem>>, %arg9: memref<128x128xf32, #tpu.memory_space<vmem>>, %arg10: memref<128x128xf32, #tpu.memory_space<vmem>>, %arg11: memref<8x128xf32, #tpu.memory_space<vmem>>, %arg12: memref<10000x128xf32, #tpu.memory_space<vmem_shared>>, %arg13: memref<!tpu.dma_semaphore, #tpu.memory_space<semaphore_mem>>, %arg14: memref<!tpu.dma_semaphore, #tpu.memory_space<semaphore_mem>>, %arg15: memref<!tpu.dma_semaphore, #tpu.memory_space<semaphore_mem>>, %arg16: memref<!tpu.dma_semaphore, #tpu.memory_space<semaphore_mem>>) attributes {dimension_semantics = [#tpu.dimension_semantics<core_parallel>, #tpu.dimension_semantics<subcore_parallel>], iteration_bounds = array<i64: 2, 16>, scalar_prefetch = 0 : i64, scratch_operands = 10 : i64, tpu.core_type = #tpu.core_type<sc_vector_subcore>, window_params = [{transform_indices = #map}, {transform_indices = #map1}, {transform_indices = #map1}, {transform_indices = #map}, {transform_indices = #map1}]} {
    %mul3A = arith.constant 2 : i32
    %mul3A_0 = arith.muli %arg1, %mul3A : i32
    %add3A = arith.addi %mul3A_0, %arg0 : i32
    %mul3A_1 = arith.constant 5000 : i32
    %mul3A_2 = arith.muli %add3A, %mul3A_1 : i32
    %lt3A = arith.constant 15 : i32
    %lt3A_3 = arith.cmpi slt, %arg1, %lt3A : i32
    %convert_element_type3A = arith.extui %lt3A_3 : i1 to i32
    %cond3A = arith.constant 0 : i32
    %cond3A_4 = arith.cmpi ne, %convert_element_type3A, %cond3A : i32
    scf.if %cond3A_4 {
      %mul3A_57 = arith.constant 624 : i32
      %mul3A_58 = arith.muli %arg1, %mul3A_57 : i32
      %multiple_of3A_59 = tpu.assume_multiple %mul3A_58, 8 : i32
      "tpu.region"() ({
        %run_scoped3A_60 = tpu.sem_alloc : memref<!tpu.dma_semaphore, #tpu.memory_space<semaphore_mem>>
        %dma_start3A_61 = arith.constant 0 : i32
        %dma_start3A_62 = tpu.memref_slice %arg12[%multiple_of3A_59, %dma_start3A_61] : memref<10000x128xf32, #tpu.memory_space<vmem_shared>> -> memref<624x128xf32, #tpu.memory_space<vmem_shared>>
        %dma_start3A_63 = arith.constant 0 : i32
        %dma_start3A_64 = tpu.memref_slice %arg5[%multiple_of3A_59, %dma_start3A_63] : memref<10000x128xf32, #tpu.memory_space<hbm>> -> memref<624x128xf32, #tpu.memory_space<hbm>>
        tpu.enqueue_dma source(%dma_start3A_64 : memref<624x128xf32, #tpu.memory_space<hbm>>) target(%dma_start3A_62 : memref<624x128xf32, #tpu.memory_space<vmem_shared>>) target_semaphore(%run_scoped3A_60 : memref<!tpu.dma_semaphore, #tpu.memory_space<semaphore_mem>>)
        %dma_wait3A_65 = arith.constant 0 : i32
        %dma_wait3A_66 = tpu.memref_slice %arg12[%multiple_of3A_59, %dma_wait3A_65] : memref<10000x128xf32, #tpu.memory_space<vmem_shared>> -> memref<624x128xf32, #tpu.memory_space<vmem_shared>>
        %dma_wait3A_67 = arith.constant 0 : i32
        %dma_wait3A_68 = tpu.memref_slice %arg5[%multiple_of3A_59, %dma_wait3A_67] : memref<10000x128xf32, #tpu.memory_space<hbm>> -> memref<624x128xf32, #tpu.memory_space<hbm>>
        tpu.wait_dma2 semaphore(%run_scoped3A_60 : memref<!tpu.dma_semaphore, #tpu.memory_space<semaphore_mem>>) src(%dma_wait3A_68 : memref<624x128xf32, #tpu.memory_space<hbm>>) dst(%dma_wait3A_66 : memref<624x128xf32, #tpu.memory_space<vmem_shared>>)
        tpu.yield
      }) : () -> ()
    } else {
    }
    %eq3A = arith.constant 15 : i32
    %eq3A_5 = arith.cmpi eq, %arg1, %eq3A : i32
    %convert_element_type3A_6 = arith.extui %eq3A_5 : i1 to i32
    %cond3A_7 = arith.constant 0 : i32
    %cond3A_8 = arith.cmpi ne, %convert_element_type3A_6, %cond3A_7 : i32
    scf.if %cond3A_8 {
      "tpu.region"() ({
        %run_scoped3A_57 = tpu.sem_alloc : memref<!tpu.dma_semaphore, #tpu.memory_space<semaphore_mem>>
        %dma_start3A_58 = arith.constant 9360 : i32
        %dma_start3A_59 = arith.constant 0 : i32
        %dma_start3A_60 = tpu.memref_slice %arg12[%dma_start3A_58, %dma_start3A_59] : memref<10000x128xf32, #tpu.memory_space<vmem_shared>> -> memref<640x128xf32, #tpu.memory_space<vmem_shared>>
        %dma_start3A_61 = arith.constant 9360 : i32
        %dma_start3A_62 = arith.constant 0 : i32
        %dma_start3A_63 = tpu.memref_slice %arg5[%dma_start3A_61, %dma_start3A_62] : memref<10000x128xf32, #tpu.memory_space<hbm>> -> memref<640x128xf32, #tpu.memory_space<hbm>>
        tpu.enqueue_dma source(%dma_start3A_63 : memref<640x128xf32, #tpu.memory_space<hbm>>) target(%dma_start3A_60 : memref<640x128xf32, #tpu.memory_space<vmem_shared>>) target_semaphore(%run_scoped3A_57 : memref<!tpu.dma_semaphore, #tpu.memory_space<semaphore_mem>>)
        %dma_wait3A_64 = arith.constant 9360 : i32
        %dma_wait3A_65 = arith.constant 0 : i32
        %dma_wait3A_66 = tpu.memref_slice %arg12[%dma_wait3A_64, %dma_wait3A_65] : memref<10000x128xf32, #tpu.memory_space<vmem_shared>> -> memref<640x128xf32, #tpu.memory_space<vmem_shared>>
        %dma_wait3A_67 = arith.constant 9360 : i32
        %dma_wait3A_68 = arith.constant 0 : i32
        %dma_wait3A_69 = tpu.memref_slice %arg5[%dma_wait3A_67, %dma_wait3A_68] : memref<10000x128xf32, #tpu.memory_space<hbm>> -> memref<640x128xf32, #tpu.memory_space<hbm>>
        tpu.wait_dma2 semaphore(%run_scoped3A_57 : memref<!tpu.dma_semaphore, #tpu.memory_space<semaphore_mem>>) src(%dma_wait3A_69 : memref<640x128xf32, #tpu.memory_space<hbm>>) dst(%dma_wait3A_66 : memref<640x128xf32, #tpu.memory_space<vmem_shared>>)
        tpu.yield
      }) : () -> ()
    } else {
    }
    "tpu.region"() ({
      %run_scoped3A_57 = tpu.sem_alloc : memref<!tpu.dma_semaphore, #tpu.memory_space<semaphore_mem>>
      %dma_start3A_58 = arith.constant 0 : i32
      %dma_start3A_59 = arith.constant 0 : i32
      %dma_start3A_60 = tpu.memref_slice %arg3[%add3A, %dma_start3A_58, %dma_start3A_59] : memref<32x39x128xi32, #tpu.memory_space<hbm>> -> memref<1x39x128xi32, #tpu.memory_space<hbm>>
      %dma_start3A_61 = tpu.memref_squeeze %dma_start3A_60 : memref<1x39x128xi32, #tpu.memory_space<hbm>> -> memref<39x128xi32, #tpu.memory_space<hbm>>
      %dma_start3A_62 = arith.constant 0 : i32
      %dma_start3A_63 = arith.constant 0 : i32
      %dma_start3A_64 = tpu.memref_slice %arg3[%add3A, %dma_start3A_62, %dma_start3A_63] : memref<32x39x128xi32, #tpu.memory_space<hbm>> -> memref<1x39x128xi32, #tpu.memory_space<hbm>>
      %dma_start3A_65 = tpu.memref_squeeze %dma_start3A_64 : memref<1x39x128xi32, #tpu.memory_space<hbm>> -> memref<39x128xi32, #tpu.memory_space<hbm>>
      tpu.enqueue_dma source(%dma_start3A_65 : memref<39x128xi32, #tpu.memory_space<hbm>>) target(%arg7 : memref<39x128xi32, #tpu.memory_space<vmem>>) target_semaphore(%run_scoped3A_57 : memref<!tpu.dma_semaphore, #tpu.memory_space<semaphore_mem>>)
      %dma_wait3A_66 = arith.constant 0 : i32
      %dma_wait3A_67 = arith.constant 0 : i32
      %dma_wait3A_68 = tpu.memref_slice %arg3[%add3A, %dma_wait3A_66, %dma_wait3A_67] : memref<32x39x128xi32, #tpu.memory_space<hbm>> -> memref<1x39x128xi32, #tpu.memory_space<hbm>>
      %dma_wait3A_69 = tpu.memref_squeeze %dma_wait3A_68 : memref<1x39x128xi32, #tpu.memory_space<hbm>> -> memref<39x128xi32, #tpu.memory_space<hbm>>
      %dma_wait3A_70 = arith.constant 0 : i32
      %dma_wait3A_71 = arith.constant 0 : i32
      %dma_wait3A_72 = tpu.memref_slice %arg3[%add3A, %dma_wait3A_70, %dma_wait3A_71] : memref<32x39x128xi32, #tpu.memory_space<hbm>> -> memref<1x39x128xi32, #tpu.memory_space<hbm>>
      %dma_wait3A_73 = tpu.memref_squeeze %dma_wait3A_72 : memref<1x39x128xi32, #tpu.memory_space<hbm>> -> memref<39x128xi32, #tpu.memory_space<hbm>>
      tpu.wait_dma2 semaphore(%run_scoped3A_57 : memref<!tpu.dma_semaphore, #tpu.memory_space<semaphore_mem>>) src(%dma_wait3A_73 : memref<39x128xi32, #tpu.memory_space<hbm>>) dst(%arg7 : memref<39x128xi32, #tpu.memory_space<vmem>>)
      tpu.yield
    }) : () -> ()
    "tpu.region"() ({
      %run_scoped3A_57 = tpu.sem_alloc : memref<!tpu.dma_semaphore, #tpu.memory_space<semaphore_mem>>
      %dma_start3A_58 = arith.constant 0 : i32
      %dma_start3A_59 = arith.constant 0 : i32
      %dma_start3A_60 = tpu.memref_slice %arg4[%add3A, %dma_start3A_58, %dma_start3A_59] : memref<32x1x8xi32, #tpu.memory_space<hbm>> -> memref<1x1x8xi32, #tpu.memory_space<hbm>>
      %dma_start3A_61 = tpu.memref_squeeze %dma_start3A_60 : memref<1x1x8xi32, #tpu.memory_space<hbm>> -> memref<1x8xi32, #tpu.memory_space<hbm>>
      %dma_start3A_62 = arith.constant 0 : i32
      %dma_start3A_63 = arith.constant 0 : i32
      %dma_start3A_64 = tpu.memref_slice %arg4[%add3A, %dma_start3A_62, %dma_start3A_63] : memref<32x1x8xi32, #tpu.memory_space<hbm>> -> memref<1x1x8xi32, #tpu.memory_space<hbm>>
      %dma_start3A_65 = tpu.memref_squeeze %dma_start3A_64 : memref<1x1x8xi32, #tpu.memory_space<hbm>> -> memref<1x8xi32, #tpu.memory_space<hbm>>
      tpu.enqueue_dma source(%dma_start3A_65 : memref<1x8xi32, #tpu.memory_space<hbm>>) target(%arg8 : memref<1x8xi32, #tpu.memory_space<vmem>>) target_semaphore(%run_scoped3A_57 : memref<!tpu.dma_semaphore, #tpu.memory_space<semaphore_mem>>)
      %dma_wait3A_66 = arith.constant 0 : i32
      %dma_wait3A_67 = arith.constant 0 : i32
      %dma_wait3A_68 = tpu.memref_slice %arg4[%add3A, %dma_wait3A_66, %dma_wait3A_67] : memref<32x1x8xi32, #tpu.memory_space<hbm>> -> memref<1x1x8xi32, #tpu.memory_space<hbm>>
      %dma_wait3A_69 = tpu.memref_squeeze %dma_wait3A_68 : memref<1x1x8xi32, #tpu.memory_space<hbm>> -> memref<1x8xi32, #tpu.memory_space<hbm>>
      %dma_wait3A_70 = arith.constant 0 : i32
      %dma_wait3A_71 = arith.constant 0 : i32
      %dma_wait3A_72 = tpu.memref_slice %arg4[%add3A, %dma_wait3A_70, %dma_wait3A_71] : memref<32x1x8xi32, #tpu.memory_space<hbm>> -> memref<1x1x8xi32, #tpu.memory_space<hbm>>
      %dma_wait3A_73 = tpu.memref_squeeze %dma_wait3A_72 : memref<1x1x8xi32, #tpu.memory_space<hbm>> -> memref<1x8xi32, #tpu.memory_space<hbm>>
      tpu.wait_dma2 semaphore(%run_scoped3A_57 : memref<!tpu.dma_semaphore, #tpu.memory_space<semaphore_mem>>) src(%dma_wait3A_73 : memref<1x8xi32, #tpu.memory_space<hbm>>) dst(%arg8 : memref<1x8xi32, #tpu.memory_space<vmem>>)
      tpu.yield
    }) : () -> ()
    %barrier3A = arith.constant 0 : index
    tpu.barrier barrier_id(%barrier3A)
    %add3A_9 = arith.constant 0 : i32
    %add3A_10 = arith.addi %mul3A_2, %add3A_9 : i32
    %multiple_of3A = tpu.assume_multiple %add3A_10, 8 : i32
    %dma_start3A = arith.constant 0 : i32
    %dma_start3A_11 = tpu.memref_slice %arg2[%multiple_of3A, %dma_start3A] : memref<160000x128xf32, #tpu.memory_space<hbm>> -> memref<128x128xf32, #tpu.memory_space<hbm>>
    %dma_start3A_12 = arith.constant 0 : i32
    %dma_start3A_13 = tpu.memref_slice %arg2[%multiple_of3A, %dma_start3A_12] : memref<160000x128xf32, #tpu.memory_space<hbm>> -> memref<128x128xf32, #tpu.memory_space<hbm>>
    tpu.enqueue_dma source(%dma_start3A_13 : memref<128x128xf32, #tpu.memory_space<hbm>>) target(%arg9 : memref<128x128xf32, #tpu.memory_space<vmem>>) target_semaphore(%arg13 : memref<!tpu.dma_semaphore, #tpu.memory_space<semaphore_mem>>)
    %scan3A = arith.constant 0 : i32
    %scan3A_14 = arith.constant 0 : i32
    %scan3A_15 = arith.constant 19 : i32
    %scan3A_16 = arith.addi %scan3A_14, %scan3A_15 : i32
    %scan3A_17 = arith.constant 1 : i32
    %scan3A_18 = scf.for %scan3A_57 = %scan3A_14 to %scan3A_16 step %scan3A_17 iter_args(%scan3A_58 = %scan3A) -> (i32)  : i32 {
      %mul3A_59 = arith.constant 2 : i32
      %mul3A_60 = arith.muli %scan3A_57, %mul3A_59 : i32
      %add3A_61 = arith.constant 0 : i32
      %add3A_62 = arith.addi %mul3A_60, %add3A_61 : i32
      %dma_wait3A_63 = arith.constant 0 : i32
      %dma_wait3A_64 = tpu.memref_slice %arg2[%mul3A_2, %dma_wait3A_63] : memref<160000x128xf32, #tpu.memory_space<hbm>> -> memref<128x128xf32, #tpu.memory_space<hbm>>
      %dma_wait3A_65 = arith.constant 0 : i32
      %dma_wait3A_66 = tpu.memref_slice %arg2[%mul3A_2, %dma_wait3A_65] : memref<160000x128xf32, #tpu.memory_space<hbm>> -> memref<128x128xf32, #tpu.memory_space<hbm>>
      tpu.wait_dma2 semaphore(%arg13 : memref<!tpu.dma_semaphore, #tpu.memory_space<semaphore_mem>>) src(%dma_wait3A_66 : memref<128x128xf32, #tpu.memory_space<hbm>>) dst(%arg9 : memref<128x128xf32, #tpu.memory_space<vmem>>)
      %dma_start3A_67 = arith.constant 0 : i32
      %dma_start3A_68 = tpu.memref_slice %arg7[%add3A_62, %dma_start3A_67] : memref<39x128xi32, #tpu.memory_space<vmem>> -> memref<1x128xi32, #tpu.memory_space<vmem>>
      %dma_start3A_69 = tpu.memref_squeeze %dma_start3A_68 : memref<1x128xi32, #tpu.memory_space<vmem>> -> memref<128xi32, #tpu.memory_space<vmem>>
      %dma_start3A_70 = arith.constant 0 : i32
      %dma_start3A_71 = arith.constant 0 : i32
      %dma_start3A_72 = tpu.memref_slice %arg12[%dma_start3A_70, %dma_start3A_71] : memref<10000x128xf32, #tpu.memory_space<vmem_shared>> -> memref<10000x128xf32, #tpu.memory_space<vmem_shared>>
      tpu.enqueue_indirect_dma source(%arg9 : memref<128x128xf32, #tpu.memory_space<vmem>>) target(%dma_start3A_72 : memref<10000x128xf32, #tpu.memory_space<vmem_shared>>) offsets(%dma_start3A_69 : memref<128xi32, #tpu.memory_space<vmem>>) semaphore(%arg15 : memref<!tpu.dma_semaphore, #tpu.memory_space<semaphore_mem>>) {add = true}
      %ge3A = arith.constant 1 : i32
      %ge3A_73 = arith.cmpi sge, %add3A_62, %ge3A : i32
      %convert_element_type3A_74 = arith.extui %ge3A_73 : i1 to i32
      %cond3A_75 = arith.constant 0 : i32
      %cond3A_76 = arith.cmpi ne, %convert_element_type3A_74, %cond3A_75 : i32
      scf.if %cond3A_76 {
        %dma_wait3A_114 = arith.constant 0 : i32
        %dma_wait3A_115 = arith.constant 0 : i32
        %dma_wait3A_116 = tpu.memref_slice %arg7[%dma_wait3A_114, %dma_wait3A_115] : memref<39x128xi32, #tpu.memory_space<vmem>> -> memref<1x128xi32, #tpu.memory_space<vmem>>
        %dma_wait3A_117 = tpu.memref_squeeze %dma_wait3A_116 : memref<1x128xi32, #tpu.memory_space<vmem>> -> memref<128xi32, #tpu.memory_space<vmem>>
        %dma_wait3A_118 = arith.constant 0 : i32
        %dma_wait3A_119 = arith.constant 0 : i32
        %dma_wait3A_120 = tpu.memref_slice %arg12[%dma_wait3A_118, %dma_wait3A_119] : memref<10000x128xf32, #tpu.memory_space<vmem_shared>> -> memref<10000x128xf32, #tpu.memory_space<vmem_shared>>
        tpu.wait_indirect_dma semaphore(%arg16 : memref<!tpu.dma_semaphore, #tpu.memory_space<semaphore_mem>>) src(%arg10 : memref<128x128xf32, #tpu.memory_space<vmem>>) dst(%dma_wait3A_120 : memref<10000x128xf32, #tpu.memory_space<vmem_shared>>)
      } else {
      }
      %add3A_77 = arith.constant 2 : i32
      %add3A_78 = arith.addi %add3A_62, %add3A_77 : i32
      %sub3A = arith.constant 1 : i32
      %sub3A_79 = arith.subi %add3A_78, %sub3A : i32
      %lt3A_80 = arith.constant 39 : i32
      %lt3A_81 = arith.cmpi slt, %sub3A_79, %lt3A_80 : i32
      %convert_element_type3A_82 = arith.extui %lt3A_81 : i1 to i32
      %cond3A_83 = arith.constant 0 : i32
      %cond3A_84 = arith.cmpi ne, %convert_element_type3A_82, %cond3A_83 : i32
      scf.if %cond3A_84 {
        %add3A_114 = arith.constant 2 : i32
        %add3A_115 = arith.addi %add3A_62, %add3A_114 : i32
        %sub3A_116 = arith.constant 1 : i32
        %sub3A_117 = arith.subi %add3A_115, %sub3A_116 : i32
        %mul3A_118 = arith.constant 128 : i32
        %mul3A_119 = arith.muli %sub3A_117, %mul3A_118 : i32
        %add3A_120 = arith.addi %mul3A_2, %mul3A_119 : i32
        %multiple_of3A_121 = tpu.assume_multiple %add3A_120, 8 : i32
        %dma_start3A_122 = arith.constant 0 : i32
        %dma_start3A_123 = tpu.memref_slice %arg2[%multiple_of3A_121, %dma_start3A_122] : memref<160000x128xf32, #tpu.memory_space<hbm>> -> memref<128x128xf32, #tpu.memory_space<hbm>>
        %dma_start3A_124 = arith.constant 0 : i32
        %dma_start3A_125 = tpu.memref_slice %arg2[%multiple_of3A_121, %dma_start3A_124] : memref<160000x128xf32, #tpu.memory_space<hbm>> -> memref<128x128xf32, #tpu.memory_space<hbm>>
        tpu.enqueue_dma source(%dma_start3A_125 : memref<128x128xf32, #tpu.memory_space<hbm>>) target(%arg10 : memref<128x128xf32, #tpu.memory_space<vmem>>) target_semaphore(%arg14 : memref<!tpu.dma_semaphore, #tpu.memory_space<semaphore_mem>>)
      } else {
      }
      %mul3A_85 = arith.constant 2 : i32
      %mul3A_86 = arith.muli %scan3A_57, %mul3A_85 : i32
      %add3A_87 = arith.constant 1 : i32
      %add3A_88 = arith.addi %mul3A_86, %add3A_87 : i32
      %dma_wait3A_89 = arith.constant 0 : i32
      %dma_wait3A_90 = tpu.memref_slice %arg2[%mul3A_2, %dma_wait3A_89] : memref<160000x128xf32, #tpu.memory_space<hbm>> -> memref<128x128xf32, #tpu.memory_space<hbm>>
      %dma_wait3A_91 = arith.constant 0 : i32
      %dma_wait3A_92 = tpu.memref_slice %arg2[%mul3A_2, %dma_wait3A_91] : memref<160000x128xf32, #tpu.memory_space<hbm>> -> memref<128x128xf32, #tpu.memory_space<hbm>>
      tpu.wait_dma2 semaphore(%arg14 : memref<!tpu.dma_semaphore, #tpu.memory_space<semaphore_mem>>) src(%dma_wait3A_92 : memref<128x128xf32, #tpu.memory_space<hbm>>) dst(%arg10 : memref<128x128xf32, #tpu.memory_space<vmem>>)
      %dma_start3A_93 = arith.constant 0 : i32
      %dma_start3A_94 = tpu.memref_slice %arg7[%add3A_88, %dma_start3A_93] : memref<39x128xi32, #tpu.memory_space<vmem>> -> memref<1x128xi32, #tpu.memory_space<vmem>>
      %dma_start3A_95 = tpu.memref_squeeze %dma_start3A_94 : memref<1x128xi32, #tpu.memory_space<vmem>> -> memref<128xi32, #tpu.memory_space<vmem>>
      %dma_start3A_96 = arith.constant 0 : i32
      %dma_start3A_97 = arith.constant 0 : i32
      %dma_start3A_98 = tpu.memref_slice %arg12[%dma_start3A_96, %dma_start3A_97] : memref<10000x128xf32, #tpu.memory_space<vmem_shared>> -> memref<10000x128xf32, #tpu.memory_space<vmem_shared>>
      tpu.enqueue_indirect_dma source(%arg10 : memref<128x128xf32, #tpu.memory_space<vmem>>) target(%dma_start3A_98 : memref<10000x128xf32, #tpu.memory_space<vmem_shared>>) offsets(%dma_start3A_95 : memref<128xi32, #tpu.memory_space<vmem>>) semaphore(%arg16 : memref<!tpu.dma_semaphore, #tpu.memory_space<semaphore_mem>>) {add = true}
      %ge3A_99 = arith.constant 1 : i32
      %ge3A_100 = arith.cmpi sge, %add3A_88, %ge3A_99 : i32
      %convert_element_type3A_101 = arith.extui %ge3A_100 : i1 to i32
      %cond3A_102 = arith.constant 0 : i32
      %cond3A_103 = arith.cmpi ne, %convert_element_type3A_101, %cond3A_102 : i32
      scf.if %cond3A_103 {
        %dma_wait3A_114 = arith.constant 0 : i32
        %dma_wait3A_115 = arith.constant 0 : i32
        %dma_wait3A_116 = tpu.memref_slice %arg7[%dma_wait3A_114, %dma_wait3A_115] : memref<39x128xi32, #tpu.memory_space<vmem>> -> memref<1x128xi32, #tpu.memory_space<vmem>>
        %dma_wait3A_117 = tpu.memref_squeeze %dma_wait3A_116 : memref<1x128xi32, #tpu.memory_space<vmem>> -> memref<128xi32, #tpu.memory_space<vmem>>
        %dma_wait3A_118 = arith.constant 0 : i32
        %dma_wait3A_119 = arith.constant 0 : i32
        %dma_wait3A_120 = tpu.memref_slice %arg12[%dma_wait3A_118, %dma_wait3A_119] : memref<10000x128xf32, #tpu.memory_space<vmem_shared>> -> memref<10000x128xf32, #tpu.memory_space<vmem_shared>>
        tpu.wait_indirect_dma semaphore(%arg15 : memref<!tpu.dma_semaphore, #tpu.memory_space<semaphore_mem>>) src(%arg9 : memref<128x128xf32, #tpu.memory_space<vmem>>) dst(%dma_wait3A_120 : memref<10000x128xf32, #tpu.memory_space<vmem_shared>>)
      } else {
      }
      %add3A_104 = arith.constant 2 : i32
      %add3A_105 = arith.addi %add3A_88, %add3A_104 : i32
      %sub3A_106 = arith.constant 1 : i32
      %sub3A_107 = arith.subi %add3A_105, %sub3A_106 : i32
      %lt3A_108 = arith.constant 39 : i32
      %lt3A_109 = arith.cmpi slt, %sub3A_107, %lt3A_108 : i32
      %convert_element_type3A_110 = arith.extui %lt3A_109 : i1 to i32
      %cond3A_111 = arith.constant 0 : i32
      %cond3A_112 = arith.cmpi ne, %convert_element_type3A_110, %cond3A_111 : i32
      scf.if %cond3A_112 {
        %add3A_114 = arith.constant 2 : i32
        %add3A_115 = arith.addi %add3A_88, %add3A_114 : i32
        %sub3A_116 = arith.constant 1 : i32
        %sub3A_117 = arith.subi %add3A_115, %sub3A_116 : i32
        %mul3A_118 = arith.constant 128 : i32
        %mul3A_119 = arith.muli %sub3A_117, %mul3A_118 : i32
        %add3A_120 = arith.addi %mul3A_2, %mul3A_119 : i32
        %multiple_of3A_121 = tpu.assume_multiple %add3A_120, 8 : i32
        %dma_start3A_122 = arith.constant 0 : i32
        %dma_start3A_123 = tpu.memref_slice %arg2[%multiple_of3A_121, %dma_start3A_122] : memref<160000x128xf32, #tpu.memory_space<hbm>> -> memref<128x128xf32, #tpu.memory_space<hbm>>
        %dma_start3A_124 = arith.constant 0 : i32
        %dma_start3A_125 = tpu.memref_slice %arg2[%multiple_of3A_121, %dma_start3A_124] : memref<160000x128xf32, #tpu.memory_space<hbm>> -> memref<128x128xf32, #tpu.memory_space<hbm>>
        tpu.enqueue_dma source(%dma_start3A_125 : memref<128x128xf32, #tpu.memory_space<hbm>>) target(%arg9 : memref<128x128xf32, #tpu.memory_space<vmem>>) target_semaphore(%arg13 : memref<!tpu.dma_semaphore, #tpu.memory_space<semaphore_mem>>)
      } else {
      }
      %scan3A_113 = arith.constant 0 : i32
      scf.yield %scan3A_113 : i32
    }
    %scan3A_19 = arith.constant 19 : i32
    %dma_wait3A = arith.constant 0 : i32
    %dma_wait3A_20 = tpu.memref_slice %arg2[%mul3A_2, %dma_wait3A] : memref<160000x128xf32, #tpu.memory_space<hbm>> -> memref<128x128xf32, #tpu.memory_space<hbm>>
    %dma_wait3A_21 = arith.constant 0 : i32
    %dma_wait3A_22 = tpu.memref_slice %arg2[%mul3A_2, %dma_wait3A_21] : memref<160000x128xf32, #tpu.memory_space<hbm>> -> memref<128x128xf32, #tpu.memory_space<hbm>>
    tpu.wait_dma2 semaphore(%arg13 : memref<!tpu.dma_semaphore, #tpu.memory_space<semaphore_mem>>) src(%dma_wait3A_22 : memref<128x128xf32, #tpu.memory_space<hbm>>) dst(%arg9 : memref<128x128xf32, #tpu.memory_space<vmem>>)
    %dma_start3A_23 = arith.constant 38 : i32
    %dma_start3A_24 = arith.constant 0 : i32
    %dma_start3A_25 = tpu.memref_slice %arg7[%dma_start3A_23, %dma_start3A_24] : memref<39x128xi32, #tpu.memory_space<vmem>> -> memref<1x128xi32, #tpu.memory_space<vmem>>
    %dma_start3A_26 = tpu.memref_squeeze %dma_start3A_25 : memref<1x128xi32, #tpu.memory_space<vmem>> -> memref<128xi32, #tpu.memory_space<vmem>>
    %dma_start3A_27 = arith.constant 0 : i32
    %dma_start3A_28 = arith.constant 0 : i32
    %dma_start3A_29 = tpu.memref_slice %arg12[%dma_start3A_27, %dma_start3A_28] : memref<10000x128xf32, #tpu.memory_space<vmem_shared>> -> memref<10000x128xf32, #tpu.memory_space<vmem_shared>>
    tpu.enqueue_indirect_dma source(%arg9 : memref<128x128xf32, #tpu.memory_space<vmem>>) target(%dma_start3A_29 : memref<10000x128xf32, #tpu.memory_space<vmem_shared>>) offsets(%dma_start3A_26 : memref<128xi32, #tpu.memory_space<vmem>>) semaphore(%arg15 : memref<!tpu.dma_semaphore, #tpu.memory_space<semaphore_mem>>) {add = true}
    %dma_wait3A_30 = arith.constant 0 : i32
    %dma_wait3A_31 = arith.constant 0 : i32
    %dma_wait3A_32 = tpu.memref_slice %arg7[%dma_wait3A_30, %dma_wait3A_31] : memref<39x128xi32, #tpu.memory_space<vmem>> -> memref<1x128xi32, #tpu.memory_space<vmem>>
    %dma_wait3A_33 = tpu.memref_squeeze %dma_wait3A_32 : memref<1x128xi32, #tpu.memory_space<vmem>> -> memref<128xi32, #tpu.memory_space<vmem>>
    %dma_wait3A_34 = arith.constant 0 : i32
    %dma_wait3A_35 = arith.constant 0 : i32
    %dma_wait3A_36 = tpu.memref_slice %arg12[%dma_wait3A_34, %dma_wait3A_35] : memref<10000x128xf32, #tpu.memory_space<vmem_shared>> -> memref<10000x128xf32, #tpu.memory_space<vmem_shared>>
    tpu.wait_indirect_dma semaphore(%arg16 : memref<!tpu.dma_semaphore, #tpu.memory_space<semaphore_mem>>) src(%arg10 : memref<128x128xf32, #tpu.memory_space<vmem>>) dst(%dma_wait3A_36 : memref<10000x128xf32, #tpu.memory_space<vmem_shared>>)
    %dma_wait3A_37 = arith.constant 0 : i32
    %dma_wait3A_38 = arith.constant 0 : i32
    %dma_wait3A_39 = tpu.memref_slice %arg7[%dma_wait3A_37, %dma_wait3A_38] : memref<39x128xi32, #tpu.memory_space<vmem>> -> memref<1x128xi32, #tpu.memory_space<vmem>>
    %dma_wait3A_40 = tpu.memref_squeeze %dma_wait3A_39 : memref<1x128xi32, #tpu.memory_space<vmem>> -> memref<128xi32, #tpu.memory_space<vmem>>
    %dma_wait3A_41 = arith.constant 0 : i32
    %dma_wait3A_42 = arith.constant 0 : i32
    %dma_wait3A_43 = tpu.memref_slice %arg12[%dma_wait3A_41, %dma_wait3A_42] : memref<10000x128xf32, #tpu.memory_space<vmem_shared>> -> memref<10000x128xf32, #tpu.memory_space<vmem_shared>>
    tpu.wait_indirect_dma semaphore(%arg15 : memref<!tpu.dma_semaphore, #tpu.memory_space<semaphore_mem>>) src(%arg9 : memref<128x128xf32, #tpu.memory_space<vmem>>) dst(%dma_wait3A_43 : memref<10000x128xf32, #tpu.memory_space<vmem_shared>>)
    %add3A_44 = arith.constant 4992 : i32
    %add3A_45 = arith.addi %mul3A_2, %add3A_44 : i32
    "tpu.region"() ({
      %run_scoped3A_57 = tpu.sem_alloc : memref<!tpu.dma_semaphore, #tpu.memory_space<semaphore_mem>>
      %dma_start3A_58 = arith.constant 0 : i32
      %dma_start3A_59 = tpu.memref_slice %arg2[%add3A_45, %dma_start3A_58] : memref<160000x128xf32, #tpu.memory_space<hbm>> -> memref<8x128xf32, #tpu.memory_space<hbm>>
      %dma_start3A_60 = arith.constant 0 : i32
      %dma_start3A_61 = tpu.memref_slice %arg2[%add3A_45, %dma_start3A_60] : memref<160000x128xf32, #tpu.memory_space<hbm>> -> memref<8x128xf32, #tpu.memory_space<hbm>>
      tpu.enqueue_dma source(%dma_start3A_61 : memref<8x128xf32, #tpu.memory_space<hbm>>) target(%arg11 : memref<8x128xf32, #tpu.memory_space<vmem>>) target_semaphore(%run_scoped3A_57 : memref<!tpu.dma_semaphore, #tpu.memory_space<semaphore_mem>>)
      %dma_wait3A_62 = arith.constant 0 : i32
      %dma_wait3A_63 = tpu.memref_slice %arg2[%add3A_45, %dma_wait3A_62] : memref<160000x128xf32, #tpu.memory_space<hbm>> -> memref<8x128xf32, #tpu.memory_space<hbm>>
      %dma_wait3A_64 = arith.constant 0 : i32
      %dma_wait3A_65 = tpu.memref_slice %arg2[%add3A_45, %dma_wait3A_64] : memref<160000x128xf32, #tpu.memory_space<hbm>> -> memref<8x128xf32, #tpu.memory_space<hbm>>
      tpu.wait_dma2 semaphore(%run_scoped3A_57 : memref<!tpu.dma_semaphore, #tpu.memory_space<semaphore_mem>>) src(%dma_wait3A_65 : memref<8x128xf32, #tpu.memory_space<hbm>>) dst(%arg11 : memref<8x128xf32, #tpu.memory_space<vmem>>)
      tpu.yield
    }) : () -> ()
    %run_scoped3A = arith.constant 0 : i32
    "tpu.region"() ({
      %run_scoped3A_57 = tpu.sem_alloc : memref<!tpu.dma_semaphore, #tpu.memory_space<semaphore_mem>>
      %dma_start3A_58 = arith.constant 0 : i32
      %dma_start3A_59 = tpu.memref_slice %arg8[%run_scoped3A, %dma_start3A_58] : memref<1x8xi32, #tpu.memory_space<vmem>> -> memref<1x8xi32, #tpu.memory_space<vmem>>
      %dma_start3A_60 = tpu.memref_squeeze %dma_start3A_59 : memref<1x8xi32, #tpu.memory_space<vmem>> -> memref<8xi32, #tpu.memory_space<vmem>>
      %dma_start3A_61 = arith.constant 0 : i32
      %dma_start3A_62 = arith.constant 0 : i32
      %dma_start3A_63 = tpu.memref_slice %arg12[%dma_start3A_61, %dma_start3A_62] : memref<10000x128xf32, #tpu.memory_space<vmem_shared>> -> memref<10000x128xf32, #tpu.memory_space<vmem_shared>>
      tpu.enqueue_indirect_dma source(%arg11 : memref<8x128xf32, #tpu.memory_space<vmem>>) target(%dma_start3A_63 : memref<10000x128xf32, #tpu.memory_space<vmem_shared>>) offsets(%dma_start3A_60 : memref<8xi32, #tpu.memory_space<vmem>>) semaphore(%run_scoped3A_57 : memref<!tpu.dma_semaphore, #tpu.memory_space<semaphore_mem>>) {add = true}
      %dma_wait3A_64 = arith.constant 0 : i32
      %dma_wait3A_65 = tpu.memref_slice %arg8[%run_scoped3A, %dma_wait3A_64] : memref<1x8xi32, #tpu.memory_space<vmem>> -> memref<1x8xi32, #tpu.memory_space<vmem>>
      %dma_wait3A_66 = tpu.memref_squeeze %dma_wait3A_65 : memref<1x8xi32, #tpu.memory_space<vmem>> -> memref<8xi32, #tpu.memory_space<vmem>>
      %dma_wait3A_67 = arith.constant 0 : i32
      %dma_wait3A_68 = arith.constant 0 : i32
      %dma_wait3A_69 = tpu.memref_slice %arg12[%dma_wait3A_67, %dma_wait3A_68] : memref<10000x128xf32, #tpu.memory_space<vmem_shared>> -> memref<10000x128xf32, #tpu.memory_space<vmem_shared>>
      tpu.wait_indirect_dma semaphore(%run_scoped3A_57 : memref<!tpu.dma_semaphore, #tpu.memory_space<semaphore_mem>>) src(%arg11 : memref<8x128xf32, #tpu.memory_space<vmem>>) dst(%dma_wait3A_69 : memref<10000x128xf32, #tpu.memory_space<vmem_shared>>)
      tpu.yield
    }) : () -> ()
    %barrier3A_46 = arith.constant 0 : index
    tpu.barrier barrier_id(%barrier3A_46)
    %lt3A_47 = arith.constant 15 : i32
    %lt3A_48 = arith.cmpi slt, %arg1, %lt3A_47 : i32
    %convert_element_type3A_49 = arith.extui %lt3A_48 : i1 to i32
    %cond3A_50 = arith.constant 0 : i32
    %cond3A_51 = arith.cmpi ne, %convert_element_type3A_49, %cond3A_50 : i32
    scf.if %cond3A_51 {
      %mul3A_57 = arith.constant 624 : i32
      %mul3A_58 = arith.muli %arg1, %mul3A_57 : i32
      %multiple_of3A_59 = tpu.assume_multiple %mul3A_58, 8 : i32
      "tpu.region"() ({
        %run_scoped3A_60 = tpu.sem_alloc : memref<!tpu.dma_semaphore, #tpu.memory_space<semaphore_mem>>
        %dma_start3A_61 = arith.constant 0 : i32
        %dma_start3A_62 = tpu.memref_slice %arg6[%arg0, %multiple_of3A_59, %dma_start3A_61] : memref<2x10000x128xf32, #tpu.memory_space<hbm>> -> memref<1x624x128xf32, #tpu.memory_space<hbm>>
        %dma_start3A_63 = tpu.memref_squeeze %dma_start3A_62 : memref<1x624x128xf32, #tpu.memory_space<hbm>> -> memref<624x128xf32, #tpu.memory_space<hbm>>
        %dma_start3A_64 = arith.constant 0 : i32
        %dma_start3A_65 = tpu.memref_slice %arg12[%multiple_of3A_59, %dma_start3A_64] : memref<10000x128xf32, #tpu.memory_space<vmem_shared>> -> memref<624x128xf32, #tpu.memory_space<vmem_shared>>
        tpu.enqueue_dma source(%dma_start3A_65 : memref<624x128xf32, #tpu.memory_space<vmem_shared>>) target(%dma_start3A_63 : memref<624x128xf32, #tpu.memory_space<hbm>>) target_semaphore(%run_scoped3A_60 : memref<!tpu.dma_semaphore, #tpu.memory_space<semaphore_mem>>)
        %dma_wait3A_66 = arith.constant 0 : i32
        %dma_wait3A_67 = tpu.memref_slice %arg6[%arg0, %multiple_of3A_59, %dma_wait3A_66] : memref<2x10000x128xf32, #tpu.memory_space<hbm>> -> memref<1x624x128xf32, #tpu.memory_space<hbm>>
        %dma_wait3A_68 = tpu.memref_squeeze %dma_wait3A_67 : memref<1x624x128xf32, #tpu.memory_space<hbm>> -> memref<624x128xf32, #tpu.memory_space<hbm>>
        %dma_wait3A_69 = arith.constant 0 : i32
        %dma_wait3A_70 = tpu.memref_slice %arg12[%multiple_of3A_59, %dma_wait3A_69] : memref<10000x128xf32, #tpu.memory_space<vmem_shared>> -> memref<624x128xf32, #tpu.memory_space<vmem_shared>>
        tpu.wait_dma2 semaphore(%run_scoped3A_60 : memref<!tpu.dma_semaphore, #tpu.memory_space<semaphore_mem>>) src(%dma_wait3A_70 : memref<624x128xf32, #tpu.memory_space<vmem_shared>>) dst(%dma_wait3A_68 : memref<624x128xf32, #tpu.memory_space<hbm>>)
        tpu.yield
      }) : () -> ()
    } else {
    }
    %eq3A_52 = arith.constant 15 : i32
    %eq3A_53 = arith.cmpi eq, %arg1, %eq3A_52 : i32
    %convert_element_type3A_54 = arith.extui %eq3A_53 : i1 to i32
    %cond3A_55 = arith.constant 0 : i32
    %cond3A_56 = arith.cmpi ne, %convert_element_type3A_54, %cond3A_55 : i32
    scf.if %cond3A_56 {
      "tpu.region"() ({
        %run_scoped3A_57 = tpu.sem_alloc : memref<!tpu.dma_semaphore, #tpu.memory_space<semaphore_mem>>
        %dma_start3A_58 = arith.constant 9360 : i32
        %dma_start3A_59 = arith.constant 0 : i32
        %dma_start3A_60 = tpu.memref_slice %arg6[%arg0, %dma_start3A_58, %dma_start3A_59] : memref<2x10000x128xf32, #tpu.memory_space<hbm>> -> memref<1x640x128xf32, #tpu.memory_space<hbm>>
        %dma_start3A_61 = tpu.memref_squeeze %dma_start3A_60 : memref<1x640x128xf32, #tpu.memory_space<hbm>> -> memref<640x128xf32, #tpu.memory_space<hbm>>
        %dma_start3A_62 = arith.constant 9360 : i32
        %dma_start3A_63 = arith.constant 0 : i32
        %dma_start3A_64 = tpu.memref_slice %arg12[%dma_start3A_62, %dma_start3A_63] : memref<10000x128xf32, #tpu.memory_space<vmem_shared>> -> memref<640x128xf32, #tpu.memory_space<vmem_shared>>
        tpu.enqueue_dma source(%dma_start3A_64 : memref<640x128xf32, #tpu.memory_space<vmem_shared>>) target(%dma_start3A_61 : memref<640x128xf32, #tpu.memory_space<hbm>>) target_semaphore(%run_scoped3A_57 : memref<!tpu.dma_semaphore, #tpu.memory_space<semaphore_mem>>)
        %dma_wait3A_65 = arith.constant 9360 : i32
        %dma_wait3A_66 = arith.constant 0 : i32
        %dma_wait3A_67 = tpu.memref_slice %arg6[%arg0, %dma_wait3A_65, %dma_wait3A_66] : memref<2x10000x128xf32, #tpu.memory_space<hbm>> -> memref<1x640x128xf32, #tpu.memory_space<hbm>>
        %dma_wait3A_68 = tpu.memref_squeeze %dma_wait3A_67 : memref<1x640x128xf32, #tpu.memory_space<hbm>> -> memref<640x128xf32, #tpu.memory_space<hbm>>
        %dma_wait3A_69 = arith.constant 9360 : i32
        %dma_wait3A_70 = arith.constant 0 : i32
        %dma_wait3A_71 = tpu.memref_slice %arg12[%dma_wait3A_69, %dma_wait3A_70] : memref<10000x128xf32, #tpu.memory_space<vmem_shared>> -> memref<640x128xf32, #tpu.memory_space<vmem_shared>>
        tpu.wait_dma2 semaphore(%run_scoped3A_57 : memref<!tpu.dma_semaphore, #tpu.memory_space<semaphore_mem>>) src(%dma_wait3A_71 : memref<640x128xf32, #tpu.memory_space<vmem_shared>>) dst(%dma_wait3A_68 : memref<640x128xf32, #tpu.memory_space<hbm>>)
        tpu.yield
      }) : () -> ()
    } else {
    }
    return
  }
}

module attributes {stable_mosaic.version = 14 : i64} {
  func.func @body(%arg0: i32, %arg1: memref<2000x128xf32, #tpu.memory_space<vmem>>, %arg2: memref<128x128xf32, #tpu.memory_space<vmem>>, %arg3: memref<1x128xf32, #tpu.memory_space<vmem>>, %arg4: memref<2000x128xf32, #tpu.memory_space<vmem>>) attributes {dimension_semantics = [#tpu.dimension_semantics<arbitrary>], iteration_bounds = array<i64: 80>, scalar_prefetch = 0 : i64, scratch_operands = 0 : i64, tpu.core_type = #tpu.core_type<tc>, window_params = [{transform_indices = @transform_0, window_bounds = array<i64: 2000, 128>}, {pipeline_mode = #tpu.pipeline_mode<synchronous>, transform_indices = @transform_1, window_bounds = array<i64: 128, 128>}, {pipeline_mode = #tpu.pipeline_mode<synchronous>, transform_indices = @transform_2, window_bounds = array<i64: 1, 128>}, {transform_indices = @transform_3, window_bounds = array<i64: 2000, 128>}]} {
    %get3A = arith.constant 0 : index
    %get3A_0 = arith.constant 0 : index
    %get3A_1 = vector.load %arg1[%get3A, %get3A_0] : memref<2000x128xf32, #tpu.memory_space<vmem>>, vector<2000x128xf32>
    %get3A_2 = arith.constant 0 : index
    %get3A_3 = arith.constant 0 : index
    %get3A_4 = vector.load %arg2[%get3A_2, %get3A_3] : memref<128x128xf32, #tpu.memory_space<vmem>>, vector<128x128xf32>
    %dot_general3A = arith.constant dense<0.000000e+00> : vector<2000x128xf32>
    %dot_general3A_5 = tpu.matmul %get3A_1, %get3A_4, %dot_general3A {dimension_numbers = #tpu.dot_dimension_numbers<[1], [1], [0], [0], [0, 0, 1, 0], [], []>, transpose_lhs_hint = false} : vector<2000x128xf32>, vector<128x128xf32>, vector<2000x128xf32> -> vector<2000x128xf32>
    %get3A_6 = arith.constant 0 : index
    %get3A_7 = arith.constant 0 : index
    %get3A_8 = vector.load %arg3[%get3A_6, %get3A_7] : memref<1x128xf32, #tpu.memory_space<vmem>>, vector<1x128xf32>
    %add3A = vector.broadcast %get3A_8 : vector<1x128xf32> to vector<2000x128xf32>
    %add3A_9 = arith.addf %dot_general3A_5, %add3A : vector<2000x128xf32>
    %ge3A = arith.constant 0.000000e+00 : f32
    %ge3A_10 = vector.broadcast %ge3A : f32 to vector<2000x128xf32>
    %ge3A_11 = arith.cmpf oge, %add3A_9, %ge3A_10 : vector<2000x128xf32>
    %mul3A = arith.constant 0.00999999977 : f32
    %mul3A_12 = vector.broadcast %mul3A : f32 to vector<2000x128xf32>
    %mul3A_13 = arith.mulf %mul3A_12, %add3A_9 : vector<2000x128xf32>
    %select_n3A = arith.select %ge3A_11, %add3A_9, %mul3A_13 : vector<2000x128xi1>, vector<2000x128xf32>
    %swap3A = arith.constant 0 : index
    %swap3A_14 = arith.constant 0 : index
    %swap3A_15 = vector.load %arg4[%swap3A, %swap3A_14] : memref<2000x128xf32, #tpu.memory_space<vmem>>, vector<2000x128xf32>
    tpu.vector_store %arg4[%swap3A, %swap3A_14], %select_n3A {strides = array<i32>} : memref<2000x128xf32, #tpu.memory_space<vmem>>, vector<2000x128xf32>,
    return
  }
  func.func @transform_0(%arg0: i32) -> (i32, i32) {
    %c0_i32 = arith.constant 0 : i32
    %c0_i32_0 = arith.constant 0 : i32
    return %arg0, %c0_i32 : i32, i32
  }
  func.func @transform_1(%arg0: i32) -> (i32, i32) {
    %c0_i32 = arith.constant 0 : i32
    %c0_i32_0 = arith.constant 0 : i32
    %c0_i32_1 = arith.constant 0 : i32
    return %c0_i32, %c0_i32_0 : i32, i32
  }
  func.func @transform_2(%arg0: i32) -> (i32, i32) {
    %c0_i32 = arith.constant 0 : i32
    %c0_i32_0 = arith.constant 0 : i32
    %c0_i32_1 = arith.constant 0 : i32
    return %c0_i32, %c0_i32_0 : i32, i32
  }
  func.func @transform_3(%arg0: i32) -> (i32, i32) {
    %c0_i32 = arith.constant 0 : i32
    %c0_i32_0 = arith.constant 0 : i32
    return %arg0, %c0_i32 : i32, i32
  }
}

module attributes {stable_mosaic.version = 14 : i64} {
  func.func @body(%arg0: i32, %arg1: memref<2x2000x128xf32, #tpu.memory_space<vmem>>, %arg2: memref<1x128xf32, #tpu.memory_space<vmem>>, %arg3: memref<1x128xf32, #tpu.memory_space<vmem>>, %arg4: memref<2000x128xf32, #tpu.memory_space<vmem>>) attributes {dimension_semantics = [#tpu.dimension_semantics<arbitrary>], iteration_bounds = array<i64: 5>, scalar_prefetch = 0 : i64, scratch_operands = 0 : i64, tpu.core_type = #tpu.core_type<tc>, window_params = [{transform_indices = @transform_0, window_bounds = array<i64: 2, 2000, 128>}, {pipeline_mode = #tpu.pipeline_mode<synchronous>, transform_indices = @transform_1, window_bounds = array<i64: 1, 128>}, {pipeline_mode = #tpu.pipeline_mode<synchronous>, transform_indices = @transform_2, window_bounds = array<i64: 1, 128>}, {transform_indices = @transform_3, window_bounds = array<i64: 2000, 128>}]} {
    %get3A = arith.constant 0 : index
    %get3A_0 = arith.constant 0 : index
    %get3A_1 = arith.constant 0 : index
    %get3A_2 = vector.load %arg1[%get3A, %get3A_0, %get3A_1] : memref<2x2000x128xf32, #tpu.memory_space<vmem>>, vector<1x2000x128xf32>
    %get3A_3 = vector.shape_cast %get3A_2 : vector<1x2000x128xf32> to vector<2000x128xf32>
    %get3A_4 = arith.constant 1 : index
    %get3A_5 = arith.constant 0 : index
    %get3A_6 = arith.constant 0 : index
    %get3A_7 = vector.load %arg1[%get3A_4, %get3A_5, %get3A_6] : memref<2x2000x128xf32, #tpu.memory_space<vmem>>, vector<1x2000x128xf32>
    %get3A_8 = vector.shape_cast %get3A_7 : vector<1x2000x128xf32> to vector<2000x128xf32>
    %add3A = arith.addf %get3A_3, %get3A_8 : vector<2000x128xf32>
    %reduce_sum3A = arith.constant dense<0.000000e+00> : vector<2000xf32>
    %reduce_sum3A_9 = vector.multi_reduction <add>, %add3A, %reduce_sum3A [1] : vector<2000x128xf32> to vector<2000xf32>
    %broadcast_in_dim3A = vector.shape_cast %reduce_sum3A_9 : vector<2000xf32> to vector<2000x1xf32>
    %div3A = arith.constant 1.280000e+02 : f32
    %div3A_10 = vector.broadcast %div3A : f32 to vector<2000x1xf32>
    %div3A_11 = arith.divf %broadcast_in_dim3A, %div3A_10 : vector<2000x1xf32>
    %sub3A = vector.broadcast %div3A_11 : vector<2000x1xf32> to vector<2000x128xf32>
    %sub3A_12 = arith.subf %add3A, %sub3A : vector<2000x128xf32>
    %integer_pow3A = arith.mulf %sub3A_12, %sub3A_12 : vector<2000x128xf32>
    %reduce_sum3A_13 = arith.constant dense<0.000000e+00> : vector<2000xf32>
    %reduce_sum3A_14 = vector.multi_reduction <add>, %integer_pow3A, %reduce_sum3A_13 [1] : vector<2000x128xf32> to vector<2000xf32>
    %broadcast_in_dim3A_15 = vector.shape_cast %reduce_sum3A_14 : vector<2000xf32> to vector<2000x1xf32>
    %div3A_16 = arith.constant 1.280000e+02 : f32
    %div3A_17 = vector.broadcast %div3A_16 : f32 to vector<2000x1xf32>
    %div3A_18 = arith.divf %broadcast_in_dim3A_15, %div3A_17 : vector<2000x1xf32>
    %sub3A_19 = vector.broadcast %div3A_11 : vector<2000x1xf32> to vector<2000x128xf32>
    %sub3A_20 = arith.subf %add3A, %sub3A_19 : vector<2000x128xf32>
    %add3A_21 = arith.constant 9.99999974E-6 : f32
    %add3A_22 = vector.broadcast %add3A_21 : f32 to vector<2000x1xf32>
    %add3A_23 = arith.addf %div3A_18, %add3A_22 : vector<2000x1xf32>
    %sqrt3A = math.sqrt %add3A_23 : vector<2000x1xf32>
    %div3A_24 = vector.broadcast %sqrt3A : vector<2000x1xf32> to vector<2000x128xf32>
    %div3A_25 = arith.divf %sub3A_20, %div3A_24 : vector<2000x128xf32>
    %get3A_26 = arith.constant 0 : index
    %get3A_27 = arith.constant 0 : index
    %get3A_28 = vector.load %arg2[%get3A_26, %get3A_27] : memref<1x128xf32, #tpu.memory_space<vmem>>, vector<1x128xf32>
    %mul3A = vector.broadcast %get3A_28 : vector<1x128xf32> to vector<2000x128xf32>
    %mul3A_29 = arith.mulf %div3A_25, %mul3A : vector<2000x128xf32>
    %get3A_30 = arith.constant 0 : index
    %get3A_31 = arith.constant 0 : index
    %get3A_32 = vector.load %arg3[%get3A_30, %get3A_31] : memref<1x128xf32, #tpu.memory_space<vmem>>, vector<1x128xf32>
    %add3A_33 = vector.broadcast %get3A_32 : vector<1x128xf32> to vector<2000x128xf32>
    %add3A_34 = arith.addf %mul3A_29, %add3A_33 : vector<2000x128xf32>
    %max3A = arith.constant 0.000000e+00 : f32
    %max3A_35 = vector.broadcast %max3A : f32 to vector<2000x128xf32>
    %max3A_36 = arith.maximumf %add3A_34, %max3A_35 : vector<2000x128xf32>
    %swap3A = arith.constant 0 : index
    %swap3A_37 = arith.constant 0 : index
    %swap3A_38 = vector.load %arg4[%swap3A, %swap3A_37] : memref<2000x128xf32, #tpu.memory_space<vmem>>, vector<2000x128xf32>
    tpu.vector_store %arg4[%swap3A, %swap3A_37], %max3A_36 {strides = array<i32>} : memref<2000x128xf32, #tpu.memory_space<vmem>>, vector<2000x128xf32>,
    return
  }
  func.func @transform_0(%arg0: i32) -> (i32, i32, i32) {
    %c0_i32 = arith.constant 0 : i32
    %c0_i32_0 = arith.constant 0 : i32
    %c0_i32_1 = arith.constant 0 : i32
    return %c0_i32, %arg0, %c0_i32_0 : i32, i32, i32
  }
  func.func @transform_1(%arg0: i32) -> (i32, i32) {
    %c0_i32 = arith.constant 0 : i32
    %c0_i32_0 = arith.constant 0 : i32
    %c0_i32_1 = arith.constant 0 : i32
    return %c0_i32, %c0_i32_0 : i32, i32
  }
  func.func @transform_2(%arg0: i32) -> (i32, i32) {
    %c0_i32 = arith.constant 0 : i32
    %c0_i32_0 = arith.constant 0 : i32
    %c0_i32_1 = arith.constant 0 : i32
    return %c0_i32, %c0_i32_0 : i32, i32
  }
  func.func @transform_3(%arg0: i32) -> (i32, i32) {
    %c0_i32 = arith.constant 0 : i32
    %c0_i32_0 = arith.constant 0 : i32
    return %arg0, %c0_i32 : i32, i32
  }
}

</mosaic_0001>

<sc_bundles>
// kernel: kernel.10.cloned.1.call-start
scs
__scs_entry_jumppad:
0x0: {  	(pc) =	sbr.rel $0x88, $3  }
0x1: {  	(tag) =	ssettag $0x0;
	lr =	simm.s32 $0x1  }
0x2: {  	[smem:$0x3F95] =	sst lr;
	_ =	strace $0xD0000000  }
0x3: {  	_ = 	snop  }
0x4: {  	_ = 	snop  }
0x5: {  	_ = 	snop  }
0x6: {  	_ = 	snop  }
0x7: {  	_ = 	snop  }
__scs_overlays_trampoline_lowered:
0x8: {  	[smem:$0x3FA4] =	sst s0  }
0x9: {  	[smem:$0x3FA5] =	sst s1  }
0xa: {  	[smem:$0x3FA6] =	sst s2  }
0xb: {  	[smem:$0x3FA7] =	sst s3  }
0xc: {  	[smem:$0x3FA8] =	sst s4  }
0xd: {  	[smem:$0x3FA9] =	sst s5  }
0xe: {  	[smem:$0x3FAA] =	sst s6  }
0xf: {  	[smem:$0x3FAB] =	sst s7  }
0x10: {  	[smem:$0x3FAC] =	sst s8  }
0x11: {  	[smem:$0x3FAD] =	sst s9;
	s0 =	simm.s32 @!p0 $0x0  }
0x12: {  	s1 =	sld [smem:$0x3F93];
	s0 =	simm.s32 @p0 $0x1  }
0x13: {  	[smem:$0x3FAE] =	sst s0;
	s0 =	simm.s32 @!p1 $0x0  }
0x14: {  	s2 =	sld [smem:$0x3F92];
	s0 =	simm.s32 @p1 $0x1  }
0x15: {  	[smem:$0x3FAF] =	sst s0;
	s0 =	simm.s32 @!p2 $0x0  }
0x16: {  	s3 =	sld [smem:$0x3FDB];
	s0 =	simm.s32 @p2 $0x1  }
0x17: {  	s4 =	simm.s32 $0x1BF5;
	[smem:$0x3FB1] =	sst s0  }
0x18: {  	s0 =	sld [smem:$0x3F94];
	_ =	swait.ge [sflag:s4], $0x0  }
0x19: {  	s7 =	sld [smem:$0x3F95]  }
0x1a: {  	s8 =	sadd.s32 $0xFFFFE003, lr  }
0x1b: {  	s9 =	sadd.s32 $0xFFFFFEF7, lr;
	s5 =	simm.s32 $0xFFFFFFFF;
	p2 =	slt.u32 s8, $0xFFFFF086  }
0x1c: {  	p1 =	slt.u32 s9, $0xF7A;
	s5 =	simm.s32 @!p2 $0x0  }
0x1d: {  	s5 =	simm.s32 @p1 $0x1;
	p0 =	seq.s32 s7, s2  }
0x1e: {  	s7 =	smul.u32 @!p0 $0xF7A, s2;
	p2 =	seq.s32 @!p0 s5, $0x0  }
0x1f: {  	s9 =	smul.u32 $0xF7A, s1;
	s8 =	simm.s32 @!p0 $0x1BF5;
	p2 =	por !p2, p0  }
0x20: {  	[sflag:s8] =	ssyncset.s32 @!p0 $0xFFFFF086;
	s6 =	sadd.s32 @!p0 s3, s7;
	s7 =	simm.s32 @!p0 $0x108  }
0x21: {  	s3 =	sadd.s32 s3, s9;
	s6 =	sadd.s32 @!p0 $0x88, s6;
	s7 =	simm.s32 @p2 $0x1082  }
0x22: {  	[simem:s7], [sflag:s8] =	dma.local @!p0 [hbm:s6], $0xF7A  }
0x23: {  	s9 =	sor.u32 $0xD0000000, s2;
	s6 =	simm.s32 $0x108;
	_ =	swait.ge @!p0 [sflag:s8], $0x0  }
0x24: {  	s3 =	sadd.s32 $0x88, s3;
	s6 =	simm.s32 @!p1 $0x1082;
	[sflag:s4] =	ssyncset.s32 $0xFFFFF086  }
0x25: {  	[simem:s6], [sflag:s4] =	dma.local [hbm:s3], $0xF7A  }
0x26: {  	[smem:$0x3F95] =	sst s1;
	(tag) =	ssettag s2;
	_ =	strace s9  }
0x27: {  	s1 =	sld [smem:$0x3FA5]  }
0x28: {  	s2 =	sld [smem:$0x3FA6]  }
0x29: {  	s4 =	sld [smem:$0x3FA8]  }
0x2a: {  	p0 =	seq.s32 s5, $0x0;
	s5 =	sld [smem:$0x3FA9]  }
0x2b: {  	s6 =	sld [smem:$0x3FAA]  }
0x2c: {  	s7 =	sld [smem:$0x3FAB]  }
0x2d: {  	s3 =	simm.s32 $0x108;
	s8 =	sld [smem:$0x3FAC]  }
0x2e: {  	s3 =	simm.s32 @!p0 $0x1082;
	s9 =	sld [smem:$0x3FAD]  }
0x2f: {  	lr =	sadd.s32 s0, s3;
	s0 =	sld [smem:$0x3FA4]  }
0x30: {  	s3 =	sld [smem:$0x3FA7]  }
0x31: {  	[smem:$0x3FB0] =	sst s10  }
0x32: {  	s10 =	sld [smem:$0x3FAE];
	_ =	sdelay $0x3  }
0x33: {  	p0 =	seq.s32 s10, $0x1;
	s10 =	sld [smem:$0x3FB0];
	_ =	sdelay $0x3  }
0x34: {  	[smem:$0x3FB0] =	sst s10  }
0x35: {  	s10 =	sld [smem:$0x3FAF];
	_ =	sdelay $0x3  }
0x36: {  	p1 =	seq.s32 s10, $0x1;
	s10 =	sld [smem:$0x3FB0];
	_ =	sdelay $0x3  }
0x37: {  	[smem:$0x3FB0] =	sst s10  }
0x38: {  	s10 =	sld [smem:$0x3FB1]  }
0x39: {  	_ = 	snop;
	(pc) =	sbr.ind lr, $3  }
0x3a: {  	_ = 	snop  }
0x3b: {  	_ = 	snop  }
0x3c: {  	p2 =	seq.s32 s10, $0x1;
	s10 =	sld [smem:$0x3FB0]  }
0x3d: {  	_ =	shalt  }
0x3e: {  	_ =	shalt  }
0x3f: {  	_ =	shalt  }
0x40: {  	_ =	shalt  }
0x41: {  	_ =	shalt  }
0x42: {  	_ =	shalt  }
0x43: {  	_ =	shalt  }
0x44: {  	_ =	shalt  }
0x45: {  	_ =	shalt  }
0x46: {  	_ =	shalt  }
0x47: {  	_ =	shalt  }
0x48: {  	_ =	shalt  }
0x49: {  	_ =	shalt  }
0x4a: {  	_ =	shalt  }
0x4b: {  	_ =	shalt  }
0x4c: {  	_ =	shalt  }
0x4d: {  	_ =	shalt  }
0x4e: {  	_ =	shalt  }
0x4f: {  	_ =	shalt  }
0x50: {  	_ =	shalt  }
0x51: {  	_ =	shalt  }
0x52: {  	_ =	shalt  }
0x53: {  	_ =	shalt  }
0x54: {  	_ =	shalt  }
0x55: {  	_ =	shalt  }
0x56: {  	_ =	shalt  }
0x57: {  	_ =	shalt  }
0x58: {  	_ =	shalt  }
0x59: {  	_ =	shalt  }
0x5a: {  	_ =	shalt  }
0x5b: {  	_ =	shalt  }
0x5c: {  	_ =	shalt  }
0x5d: {  	_ =	shalt  }
0x5e: {  	_ =	shalt  }
0x5f: {  	_ =	shalt  }
0x60: {  	_ =	shalt  }
0x61: {  	_ =	shalt  }
0x62: {  	_ =	shalt  }
0x63: {  	_ =	shalt  }
0x64: {  	_ =	shalt  }
0x65: {  	_ =	shalt  }
0x66: {  	_ =	shalt  }
0x67: {  	_ =	shalt  }
0x68: {  	_ =	shalt  }
0x69: {  	_ =	shalt  }
0x6a: {  	_ =	shalt  }
0x6b: {  	_ =	shalt  }
0x6c: {  	_ =	shalt  }
0x6d: {  	_ =	shalt  }
0x6e: {  	_ =	shalt  }
0x6f: {  	_ =	shalt  }
0x70: {  	_ =	shalt  }
0x71: {  	_ =	shalt  }
0x72: {  	_ =	shalt  }
0x73: {  	_ =	shalt  }
0x74: {  	_ =	shalt  }
0x75: {  	_ =	shalt  }
0x76: {  	_ =	shalt  }
0x77: {  	_ =	shalt  }
0x78: {  	_ =	shalt  }
0x79: {  	_ =	shalt  }
0x7a: {  	_ =	shalt  }
0x7b: {  	_ =	shalt  }
0x7c: {  	_ =	shalt  }
0x7d: {  	_ =	shalt  }
0x7e: {  	_ =	shalt  }
0x7f: {  	_ =	shalt  }
0x80: {  	_ =	shalt  }
0x81: {  	_ =	shalt  }
0x82: {  	_ =	shalt  }
0x83: {  	_ =	shalt  }
0x84: {  	_ =	shalt  }
0x85: {  	_ =	shalt  }
0x86: {  	_ =	shalt  }
0x87: {  	_ =	shalt  }
.Lfunc_end0:
.L_simem_size_0:
called_computation_lowered:
.L_overlay_start_0:
0x88: {  	s2 =	sld [smem:$0x3FD9]  }
0x89: {  	s3 =	sld [smem:$0x3FFE];
	_ =	sdelay $0x1  }
0x8a: {  	s1 =	srdreg.scid  }
0x8b: {  	s0 =	sand.u32 $0x1, s1  }
0x8c: {  	s14 =	sshll.u32 s0, $0xA;
	s2 =	sadd.s32 s3, s2  }
0x8d: {  	s2 =	sadd.s32 s2, s14  }
0x8e: {  	[smem:$0x3FBC] =	sst s2  }
0x8f: {  	_ = 	snop  }
0x90: {  	s2 =	sld [smem:$0x3FD0];
	_ =	sdelay $0x1  }
0x91: {  	s15 =	sld [smem:$0x3FC9]  }
0x92: {  	s5 =	simm.s32 $0xB;
	s6 =	simm.s32 $0x10;
	s4 =	sld [smem:$0x3FC8]  }
0x93: {  	[smem:s6], [sflag:s5] =	dma.local [hbm:s2], $0x1  }
0x94: {  	_ =	swait.eq [sflag:s5], $0x1  }
0x95: {  	[sflag:s5] =	ssyncset.done $0x0  }
0x96: {  	[sflag:s5] =	ssyncadd.s32 $0xFFFFFFFF  }
0x97: {  	s16 =	sld [smem:$0x10];
	(tm) =	ssettm $0x1  }
0x98: {  	s17 =	sld [smem:$0x3FFB];
	_ =	sdelay $0x3  }
0x99: {  	_ =	strace s17  }
0x9a: {  	s5 =	sld [smem:$0x3FFC];
	_ =	sdelay $0x3  }
0x9b: {  	_ =	strace s5  }
0x9c: {  	s5 =	sld [smem:$0x3FFD];
	_ =	sdelay $0x3  }
0x9d: {  	_ =	strace s5  }
0x9e: {  	_ =	strace $0x8FFFFFFF  }
0x9f: {  	s18 =	sld [smem:$0x3FDB];
	_ =	sdelay $0x1  }
0xa0: {  	s19 =	simm.s32 $_scs_section_size  }
0xa1: {  	s7 =	simm.s32 $_size__tile_overlayer_lowered;
	s8 =	simm.s32 $_tile_overlayer_lowered  }
0xa2: {  	s22 =	simm.s32 $0x1BFF;
	s21 =	sshll.u32 s8, $0x1;
	s5 =	sadd.s32 s19, s18  }
0xa3: {  	s9 =	simm.s32 $0x0;
	s20 =	sshll.u32 s7, $0x1;
	s7 =	sadd.s32 s21, s5  }
0xa4: {  	[timem:s9], [sflag:s22] =	dma.local [hbm:s7], s20  }
0xa5: {  	_ =	swait.ge [sflag:s22], s20  }
0xa6: {  	s6 =	ssub.s32 $0x0, s20;
	[sflag:s22] =	ssyncset.done $0x0  }
0xa7: {  	[sflag:s22] =	ssyncadd.s32 s6;
	_ =	sdelay $0x1  }
0xa8: {  	s23 =	simm.s32 $0x1B8B  }
0xa9: {  	_ =	swait.ge [sflag:s23], $0x1  }
0xaa: {  	[sflag:s23] =	ssyncset.done $0x0  }
0xab: {  	s25 =	simm.s32 $0x1B8E;
	s24 =	sld [smem:$0x3FFE];
	[sflag:s23] =	ssyncadd.s32 $0xFFFFFFFF  }
0xac: {  	s26 =	simm.s32 $execute0_lowered;
	[smem:$0x3FD2] =	sst s25  }
0xad: {  	s7 =	sshll.u32 s26, $0x1;
	_ =	strace $0x80000046;
	[dreg:$0x1] =	wrdreg $0xFFFFFFFF  }
0xae: {  	s28 =	simm.s32 $_size_execute0_lowered;
	s5 =	sadd.s32 s5, s7;
	[dreg:$0x0] =	wrdreg $0x0  }
0xaf: {  	s7 =	sshll.u32 s28, $0x1;
	[dreg:$0x2] =	wrdreg s5  }
0xb0: {  	[dreg:$0x3] =	wrdreg s7  }
0xb1: {  	[dreg:$0x4] =	wrdreg $0xC0  }
0xb2: {  	_ =	task [dreg:s9], $0x5FFFF  }
0xb3: {  	[dreg:$0x1] =	wrdreg $0xFFFFFFFF  }
0xb4: {  	[dreg:$0x0] =	wrdreg $0x60  }
0xb5: {  	[dreg:$0x2] =	wrdreg s15  }
0xb6: {  	[dreg:$0x3] =	wrdreg s4  }
0xb7: {  	[dreg:$0x4] =	wrdreg s24  }
0xb8: {  	[dreg:$0x5] =	wrdreg s16  }
0xb9: {  	[dreg:$0x6] =	wrdreg $0xA  }
0xba: {  	_ =	task.clear_ibuf [dreg:s9], $0x7FFFF;
	_ =	strace $0x90000046  }
0xbb: {  	s29 =	simm.s32 $0xA;
	_ =	strace $0x80000048  }
0xbc: {  	_ =	swait.ge [sflag:s29], $0x1  }
0xbd: {  	[sflag:s29] =	ssyncadd.s32 $0xFFFFFFFF  }
0xbe: {  	_ =	strace $0x90000048  }
0xbf: {  	_ =	sfence  }
0xc0: {  	s30 =	sld [smem:$0x0];
	_ =	sdelay $0x2  }
0xc1: {  	s31 =	sshll.u32 s1, $0xD;
	s1 =	sshrl.u32 s1, $0x2  }
0xc2: {  	s3 =	sand.u32 $0x4000, s31;
	s1 =	sadd.s32 s1, s30  }
0xc3: {  	s0 =	sor.u32 s3, s0;
	s1 =	sshll.u32 s1, $0x11  }
0xc4: {  	s0 =	sor.u32 s1, s0  }
0xc5: {  	s0 =	sadd.s32 $0x8F2B, s0  }
0xc6: {  	[sflag:s0] =	ssyncadd.remote.s32 $0x1  }
0xc7: {  	_ =	sfence.sel $0xFFFF  }
0xc8: {  	[dreg:$0x0] =	wrdreg $0xFFFFFFFF;
	(pc) =	sbr.abs _section_cstart, $3  }
0xc9: {  	[dreg:$0x1] =	wrdreg $0xFFFFFFFF  }
0xca: {  	_ =	task.clear_ibuf [dreg:s9], $0x2FFFF;
	_ =	strace $0x9FFFFFFF  }
0xcb: {  	(tm) =	ssettm $0x7FFFFFFF  }
tec
execute0_lowered:
.L_overlay_start_1:
0x0: {  	(tag) =	ssettag $0x1  }
0x1: {  	s1 =	rddreg [dreg:$0x0]  }
0x2: {  	s2 =	rddreg [dreg:$0x1]  }
0x3: {  	s3 =	srdreg.scid;
	s6 =	rddreg [dreg:$0x2]  }
0x4: {  	s0 =	stileid.u32;
	s8 =	rddreg [dreg:$0x3];
	s4 =	simm.s32 $0x0  }
0x5: {  	s12 =	simm.s32 $0x80;
	s13 =	simm.s32 $0x2800;
	s14 =	simm.s32 $0xA800  }
0x6: {  	s15 =	simm.s32 $0x6800;
	s16 =	simm.s32 $0xE800;
	s17 =	simm.s32 $0x1  }
0x7: {  	s18 =	simm.s32 $0x12800;
	s7 =	sand.u32 $0x1, s3;
	s31 =	sshll.u32 s0, $0x1  }
0x8: {  	s19 =	simm.s32 $0x2;
	s20 =	simm.s32 $0x16800;
	s5 =	sor.u32 s7, s31  }
0x9: {  	s21 =	simm.s32 $0x3;
	s22 =	simm.s32 $0x4;
	s5 =	smul.u32 $0x1388, s5  }
0xa: {  	s23 =	simm.s32 $0x0;
	s3 =	rddreg [dreg:$0x4];
	s7 =	ssub.s32 $0x2, s7  }
0xb: {  	[smem:$0x7FF] =	sst s4;
	s11 =	sshrl.u32 s7, $0x1;
	s9 =	sshrl.u32 s5, $0x3  }
0xc: {  	_ =	strace $0x80000047;
	s11 =	ssub.s32 s7, s11;
	s10 =	sadd.s32 s9, s6  }
0xd: {  	s6 =	sadd.s32 $0x6800, s6;
	s8 =	sadd.s32 s8, s9;
	s9 =	smax.u32 s11, $0x1  }
0xe: {  	s11 =	simm.s32 $0x1400;
	s7 =	sadd.s32 $0x1800, s10;
	s10 =	simm.s32 $0x5  }
.LBB2_1:
0xf: {  	[tilespmem:s4], [sflag:$0x5] =	stream.linear.gather [hbm4b:s7+s4], $0x1388, $0x38;
	[tilespmem:$0x1A800] =	vst v63  }
0x10: {  	_ =	swait.ge [sflag:s10], $0x1388  }
0x11: {  	[sflag:s10] =	ssyncset.done $0x0  }
0x12: {  	[sflag:s10] =	ssyncadd.s32 $0xFFFFEC78  }
0x13: {  	[tilespmem:s11], [sflag:$0x5] =	stream.linear.gather [hbm4b:s8+s4], $0x1388, $0x38;
	[tilespmem:$0x1A800] =	vst v63  }
0x14: {  	_ =	swait.ge [sflag:s10], $0x1388  }
0x15: {  	[sflag:s10] =	ssyncset.done $0x0  }
0x16: {  	[sflag:s10] =	ssyncadd.s32 $0xFFFFEC78  }
0x17: {  	[tilespmem:s13], [sflag:$0x1] =	stream.indirect.gather [hbm4b:s1+s12], $0x80, s4, s12, $0xb8;
	[tilespmem:$0x1A800] =	vst v63  }
0x18: {  	s24 =	simm.s32 $0x0  }
0x19: {  	[tilespmem:s14], [sflag:$0x1] =	stream.indirect.gather [hbm4b:s2+s12], $0x80, s11, s12, $0xb8;
	[tilespmem:$0x1A800] =	vst v63  }
.LBB2_2:
0x1a: {  	s26 =	sshll.u32 s24, $0x8  }
0x1b: {  	s25 =	sor.u32 $0x80, s26  }
0x1c: {  	s25 =	smin.u32 s25, $0x1308  }
0x1d: {  	[tilespmem:s15], [sflag:$0x2] =	stream.indirect.gather [hbm4b:s1+s12], $0x80, s25, s12, $0xb8;
	[tilespmem:$0x1A800] =	vst v63  }
0x1e: {  	s28 =	sadd.s32 $0x1400, s25  }
0x1f: {  	[tilespmem:s16], [sflag:$0x2] =	stream.indirect.gather [hbm4b:s2+s12], $0x80, s28, s12, $0xb8;
	[tilespmem:$0x1A800] =	vst v63  }
0x20: {  	_ =	swait.ge [sflag:s17], $0x4000  }
0x21: {  	[sflag:s17] =	ssyncset.done $0x0  }
0x22: {  	[sflag:s17] =	ssyncadd.s32 $0xFFFFC000  }
0x23: {  	_ =	swait.ge [sflag:s17], $0x4000  }
0x24: {  	p0 =	seq.s32 s24, $0x0;
	[sflag:s17] =	ssyncset.done $0x0  }
0x25: {  	s28 =	simm.s32 @!p0 $0x3;
	[sflag:s17] =	ssyncadd.s32 $0xFFFFC000  }
0x26: {  	_ =	swait.ge @!p0 [sflag:s28], $0x4000  }
0x27: {  	[sflag:s28] =	ssyncset.done @!p0 $0x0  }
0x28: {  	s30 =	simm.s32 $0x2A00;
	[sflag:s28] =	ssyncadd.s32 @!p0 $0xFFFFC000  }
0x29: {  	s29 =	simm.s32 $0xAA00;
	v0 =	vld [tilespmem:s30+$0x180]  }
0x2a: {  	v1 =	vld [tilespmem:s29+$0x180]  }
0x2b: {  	v2 =	vld [tilespmem:s29+$0xFFFFFE00]  }
0x2c: {  	v3 =	vld [tilespmem:s30+$0xFFFFFE80]  }
0x2d: {  	v4 =	vld [tilespmem:s29+$0xFFFFFE80]  }
0x2e: {  	v5 =	vld [tilespmem:s30+$0xFFFFFF00]  }
0x2f: {  	v6 =	vld [tilespmem:s29+$0xFFFFFF00]  }
0x30: {  	v7 =	vld [tilespmem:s29+$0xFFFFFF80]  }
0x31: {  	v9 =	vld [tilespmem:s30+$0x0]  }
0x32: {  	v10 =	vld [tilespmem:s29+$0x0]  }
0x33: {  	v11 =	vld [tilespmem:s30+$0x80]  }
0x34: {  	v12 =	vld [tilespmem:s29+$0x80];
	v0 =	vmul.f32 v1, v0  }
0x35: {  	s28 =	simm.s32 $0x12A00;
	v1 =	vld [tilespmem:s30+$0xFFFFFF80]  }
0x36: {  	v3 =	vmul.f32 v4, v3;
	v4 =	vld [tilespmem:s30+$0xFFFFFE00];
	[tilespmem:s28+$0x180] =	vst v0  }
0x37: {  	v0 =	vld [tilespmem:s30+$0x190]  }
0x38: {  	v8 =	vld [tilespmem:s29+$0x190]  }
0x39: {  	v13 =	vld [tilespmem:s30+$0x100];
	[tilespmem:s28+$0xFFFFFE80] =	vst v3;
	v3 =	vmul.f32 v6, v5  }
0x3a: {  	v6 =	vld [tilespmem:s30+$0xFFFFFE90]  }
0x3b: {  	[tilespmem:s28+$0xFFFFFF00] =	vst v3;
	v3 =	vld [tilespmem:s29+$0xFFFFFE90];
	v1 =	vmul.f32 v7, v1  }
0x3c: {  	v2 =	vmul.f32 v2, v4;
	v4 =	vld [tilespmem:s30+$0xFFFFFF10]  }
0x3d: {  	[tilespmem:s28+$0xFFFFFF80] =	vst v1;
	v1 =	vld [tilespmem:s29+$0xFFFFFF10];
	v0 =	vmul.f32 v8, v0  }
0x3e: {  	[tilespmem:s28+$0xFFFFFE00] =	vst v2;
	v2 =	vld [tilespmem:s30+$0xFFFFFF90]  }
0x3f: {  	v32 =	vld [tilespmem:s29+$0xFFFFFF90];
	[tilespmem:s28+$0x190] =	vst v0  }
0x40: {  	v0 =	vld [tilespmem:s30+$0x1A0]  }
0x41: {  	v3 =	vmul.f32 v3, v6;
	v5 =	vld [tilespmem:s29+$0x1A0]  }
0x42: {  	v8 =	vld [tilespmem:s29+$0x100]  }
0x43: {  	v7 =	vld [tilespmem:s29+$0xFFFFFE10];
	[tilespmem:s28+$0xFFFFFE90] =	vst v3;
	v1 =	vmul.f32 v1, v4  }
0x44: {  	v4 =	vld [tilespmem:s30+$0xFFFFFEA0]  }
0x45: {  	[tilespmem:s28+$0xFFFFFF10] =	vst v1;
	v1 =	vmul.f32 v32, v2;
	v2 =	vld [tilespmem:s29+$0xFFFFFEA0]  }
0x46: {  	v0 =	vmul.f32 v5, v0;
	v5 =	vld [tilespmem:s30+$0xFFFFFE10]  }
0x47: {  	v36 =	vld [tilespmem:s30+$0xFFFFFF20];
	[tilespmem:s28+$0xFFFFFF90] =	vst v1  }
0x48: {  	v1 =	vld [tilespmem:s29+$0xFFFFFF20];
	[tilespmem:s28+$0x1A0] =	vst v0;
	v0 =	vmul.f32 v10, v9  }
0x49: {  	v37 =	vld [tilespmem:s30+$0xFFFFFFA0]  }
0x4a: {  	v30 =	vld [tilespmem:s30+$0x1B0];
	[tilespmem:s28+$0x0] =	vst v0;
	v0 =	vmul.f32 v12, v11  }
0x4b: {  	v31 =	vld [tilespmem:s29+$0x1B0];
	v5 =	vmul.f32 v7, v5  }
0x4c: {  	v33 =	vld [tilespmem:s30+$0x10];
	[tilespmem:s28+$0x80] =	vst v0;
	v0 =	vmul.f32 v8, v13  }
0x4d: {  	v34 =	vld [tilespmem:s30+$0x90];
	[tilespmem:s28+$0xFFFFFE10] =	vst v5  }
0x4e: {  	[tilespmem:s28+$0x100] =	vst v0;
	v0 =	vld [tilespmem:s29+$0x90]  }
0x4f: {  	v6 =	vld [tilespmem:s30+$0xFFFFFE20]  }
0x50: {  	v9 =	vmul.f32 v31, v30;
	v3 =	vld [tilespmem:s29+$0xFFFFFE20]  }
0x51: {  	v35 =	vld [tilespmem:s30+$0x110]  }
0x52: {  	v7 =	vld [tilespmem:s29+$0x110];
	[tilespmem:s28+$0x1B0] =	vst v9  }
0x53: {  	v2 =	vmul.f32 v2, v4;
	v9 =	vld [tilespmem:s30+$0x1C0]  }
0x54: {  	v1 =	vmul.f32 v1, v36;
	v5 =	vld [tilespmem:s29+$0x1C0]  }
0x55: {  	[tilespmem:s28+$0xFFFFFEA0] =	vst v2;
	v8 =	vld [tilespmem:s29+$0x10];
	v0 =	vmul.f32 v0, v34  }
0x56: {  	v42 =	vld [tilespmem:s30+$0xFFFFFEB0];
	[tilespmem:s28+$0xFFFFFF20] =	vst v1;
	v3 =	vmul.f32 v3, v6  }
0x57: {  	v43 =	vld [tilespmem:s30+$0xFFFFFF30];
	[tilespmem:s28+$0x90] =	vst v0  }
0x58: {  	v0 =	vmul.f32 v7, v35;
	[tilespmem:s28+$0xFFFFFE20] =	vst v3;
	v40 =	vld [tilespmem:s30+$0xA0]  }
0x59: {  	v5 =	vmul.f32 v5, v9;
	v4 =	vld [tilespmem:s30+$0xFFFFFE30]  }
0x5a: {  	[tilespmem:s28+$0x110] =	vst v0;
	v0 =	vld [tilespmem:s29+$0xA0]  }
0x5b: {  	[tilespmem:s28+$0x1C0] =	vst v5;
	v41 =	vld [tilespmem:s30+$0x120]  }
0x5c: {  	v5 =	vmul.f32 v8, v33;
	v8 =	vld [tilespmem:s30+$0x1D0]  }
0x5d: {  	v38 =	vld [tilespmem:s29+$0x1D0]  }
0x5e: {  	[tilespmem:s28+$0x10] =	vst v5;
	v5 =	vld [tilespmem:s29+$0xFFFFFFA0]  }
0x5f: {  	v6 =	vld [tilespmem:s29+$0x120]  }
0x60: {  	v2 =	vld [tilespmem:s29+$0xFFFFFE30]  }
0x61: {  	v39 =	vld [tilespmem:s30+$0x20];
	v0 =	vmul.f32 v0, v40  }
0x62: {  	v7 =	vld [tilespmem:s29+$0x20];
	v8 =	vmul.f32 v38, v8  }
0x63: {  	[tilespmem:s28+$0xA0] =	vst v0;
	v1 =	vmul.f32 v5, v37;
	v5 =	vld [tilespmem:s29+$0xFFFFFEB0]  }
0x64: {  	v0 =	vmul.f32 v6, v41;
	v46 =	vld [tilespmem:s30+$0xB0];
	[tilespmem:s28+$0x1D0] =	vst v8  }
0x65: {  	v8 =	vld [tilespmem:s30+$0x1E0]  }
0x66: {  	[tilespmem:s28+$0x120] =	vst v0;
	v3 =	vld [tilespmem:s29+$0x1E0]  }
0x67: {  	v0 =	vmul.f32 v2, v4;
	[tilespmem:s28+$0xFFFFFFA0] =	vst v1;
	v1 =	vld [tilespmem:s29+$0xFFFFFF30]  }
0x68: {  	v2 =	vld [tilespmem:s29+$0xB0]  }
0x69: {  	v4 =	vld [tilespmem:s30+$0x130];
	[tilespmem:s28+$0xFFFFFE30] =	vst v0  }
0x6a: {  	v47 =	vld [tilespmem:s30+$0xFFFFFE40];
	v0 =	vmul.f32 v5, v42  }
0x6b: {  	v5 =	vld [tilespmem:s29+$0x130]  }
0x6c: {  	v3 =	vmul.f32 v3, v8;
	[tilespmem:s28+$0xFFFFFEB0] =	vst v0;
	v0 =	vmul.f32 v1, v43;
	v1 =	vld [tilespmem:s29+$0xFFFFFE40]  }
0x6d: {  	v8 =	vld [tilespmem:s30+$0xFFFFFFB0]  }
0x6e: {  	v48 =	vld [tilespmem:s30+$0xFFFFFEC0];
	[tilespmem:s28+$0x1E0] =	vst v3;
	v3 =	vmul.f32 v7, v39  }
0x6f: {  	v7 =	vld [tilespmem:s30+$0x1F0]  }
0x70: {  	[tilespmem:s28+$0x20] =	vst v3;
	v3 =	vld [tilespmem:s29+$0xFFFFFFB0]  }
0x71: {  	v45 =	vld [tilespmem:s30+$0x30];
	v1 =	vmul.f32 v1, v47  }
0x72: {  	v6 =	vld [tilespmem:s29+$0x30]  }
0x73: {  	v44 =	vld [tilespmem:s29+$0x1F0];
	[tilespmem:s28+$0xFFFFFE40] =	vst v1  }
0x74: {  	v52 =	vld [tilespmem:s30+$0xFFFFFE50]  }
0x75: {  	[tilespmem:s28+$0xFFFFFF30] =	vst v0;
	v0 =	vmul.f32 v3, v8;
	v3 =	vld [tilespmem:s29+$0xFFFFFEC0]  }
0x76: {  	v8 =	vld [tilespmem:s30+$0xFFFFFF40]  }
0x77: {  	[tilespmem:s28+$0xFFFFFFB0] =	vst v0;
	v0 =	vmul.f32 v6, v45;
	v6 =	vld [tilespmem:s29+$0xFFFFFF40]  }
0x78: {  	v49 =	vld [tilespmem:s30+$0xFFFFFFC0]  }
0x79: {  	[tilespmem:s28+$0x30] =	vst v0;
	v0 =	vmul.f32 v2, v46;
	v2 =	vld [tilespmem:s29+$0xFFFFFFC0]  }
0x7a: {  	v50 =	vld [tilespmem:s30+$0x40]  }
0x7b: {  	v1 =	vmul.f32 v3, v48;
	[tilespmem:s28+$0xB0] =	vst v0;
	v0 =	vmul.f32 v5, v4;
	v4 =	vld [tilespmem:s29+$0x40]  }
0x7c: {  	v5 =	vld [tilespmem:s30+$0xC0]  }
0x7d: {  	[tilespmem:s28+$0xFFFFFEC0] =	vst v1;
	v1 =	vmul.f32 v6, v8;
	v6 =	vld [tilespmem:s29+$0xFFFFFE50]  }
0x7e: {  	[tilespmem:s28+$0x130] =	vst v0;
	v0 =	vld [tilespmem:s29+$0xC0]  }
0x7f: {  	v8 =	vld [tilespmem:s30+$0xFFFFFED0]  }
0x80: {  	v51 =	vld [tilespmem:s30+$0x140]  }
0x81: {  	v3 =	vld [tilespmem:s29+$0x140]  }
0x82: {  	[tilespmem:s28+$0xFFFFFF40] =	vst v1;
	v1 =	vmul.f32 v2, v49;
	v2 =	vld [tilespmem:s29+$0xFFFFFED0]  }
0x83: {  	v53 =	vld [tilespmem:s30+$0xFFFFFF50]  }
0x84: {  	[tilespmem:s28+$0xFFFFFFC0] =	vst v1;
	v1 =	vmul.f32 v4, v50;
	v4 =	vld [tilespmem:s29+$0xFFFFFF50]  }
0x85: {  	v54 =	vld [tilespmem:s30+$0xFFFFFFD0];
	v6 =	vmul.f32 v6, v52  }
0x86: {  	[tilespmem:s28+$0x40] =	vst v1;
	v0 =	vmul.f32 v0, v5;
	v1 =	vld [tilespmem:s29+$0xFFFFFFD0]  }
0x87: {  	v5 =	vld [tilespmem:s30+$0x50];
	[tilespmem:s28+$0xFFFFFE50] =	vst v6  }
0x88: {  	[tilespmem:s28+$0xC0] =	vst v0;
	v0 =	vmul.f32 v3, v51;
	v3 =	vld [tilespmem:s29+$0x50]  }
0x89: {  	v2 =	vmul.f32 v2, v8;
	v8 =	vld [tilespmem:s30+$0xFFFFFE60]  }
0x8a: {  	v55 =	vld [tilespmem:s30+$0xD0]  }
0x8b: {  	[tilespmem:s28+$0xFFFFFED0] =	vst v2;
	v2 =	vmul.f32 v4, v53;
	v4 =	vld [tilespmem:s29+$0xFFFFFE60]  }
0x8c: {  	[tilespmem:s28+$0x140] =	vst v0;
	v0 =	vld [tilespmem:s29+$0xD0]  }
0x8d: {  	v57 =	vld [tilespmem:s30+$0xFFFFFEE0]  }
0x8e: {  	v56 =	vld [tilespmem:s30+$0x150]  }
0x8f: {  	v6 =	vld [tilespmem:s29+$0x150]  }
0x90: {  	[tilespmem:s28+$0xFFFFFF50] =	vst v2;
	v1 =	vmul.f32 v1, v54;
	v2 =	vld [tilespmem:s29+$0xFFFFFEE0]  }
0x91: {  	v58 =	vld [tilespmem:s30+$0xFFFFFF60]  }
0x92: {  	[tilespmem:s28+$0xFFFFFFD0] =	vst v1;
	v1 =	vmul.f32 v3, v5;
	v3 =	vld [tilespmem:s29+$0xFFFFFF60]  }
0x93: {  	v5 =	vld [tilespmem:s30+$0xFFFFFFE0];
	v4 =	vmul.f32 v4, v8  }
0x94: {  	[tilespmem:s28+$0x50] =	vst v1;
	v0 =	vmul.f32 v0, v55;
	v1 =	vld [tilespmem:s29+$0xFFFFFFE0]  }
0x95: {  	v59 =	vld [tilespmem:s30+$0x60];
	[tilespmem:s28+$0xFFFFFE60] =	vst v4  }
0x96: {  	[tilespmem:s28+$0xD0] =	vst v0;
	v0 =	vmul.f32 v6, v56;
	v6 =	vld [tilespmem:s29+$0x60]  }
0x97: {  	v2 =	vmul.f32 v2, v57;
	v61 =	vld [tilespmem:s30+$0xFFFFFE70]  }
0x98: {  	v60 =	vld [tilespmem:s30+$0xE0]  }
0x99: {  	[tilespmem:s28+$0xFFFFFEE0] =	vst v2;
	v2 =	vmul.f32 v3, v58;
	v3 =	vld [tilespmem:s29+$0xFFFFFE70]  }
0x9a: {  	[tilespmem:s28+$0x150] =	vst v0;
	v0 =	vld [tilespmem:s29+$0xE0]  }
0x9b: {  	v62 =	vld [tilespmem:s30+$0xFFFFFEF0]  }
0x9c: {  	v8 =	vld [tilespmem:s30+$0x160]  }
0x9d: {  	v4 =	vld [tilespmem:s29+$0x160]  }
0x9e: {  	[tilespmem:s28+$0xFFFFFF60] =	vst v2;
	v1 =	vmul.f32 v1, v5;
	v5 =	vld [tilespmem:s29+$0xFFFFFEF0]  }
0x9f: {  	v14 =	vld [tilespmem:s30+$0xFFFFFF70]  }
0xa0: {  	[tilespmem:s28+$0xFFFFFFE0] =	vst v1;
	v1 =	vmul.f32 v6, v59;
	v6 =	vld [tilespmem:s29+$0xFFFFFF70]  }
0xa1: {  	v2 =	vmul.f32 v44, v7;
	v7 =	vld [tilespmem:s30+$0xFFFFFFF0]  }
0xa2: {  	v63 =	vld [tilespmem:s29+$0xFFFFFFF0];
	[tilespmem:s28+$0x60] =	vst v1;
	v1 =	vmul.f32 v0, v60  }
0xa3: {  	[tilespmem:s28+$0x1F0] =	vst v2;
	v3 =	vmul.f32 v3, v61;
	v0 =	vld [tilespmem:s30+$0x70]  }
0xa4: {  	v4 =	vmul.f32 v4, v8;
	v2 =	vld [tilespmem:s29+$0x70];
	[tilespmem:s28+$0xE0] =	vst v1  }
0xa5: {  	[tilespmem:s28+$0xFFFFFE70] =	vst v3;
	v1 =	vld [tilespmem:s30+$0xF0];
	v6 =	vmul.f32 v6, v14  }
0xa6: {  	v5 =	vmul.f32 v5, v62;
	[tilespmem:s28+$0x160] =	vst v4;
	v4 =	vld [tilespmem:s29+$0xF0]  }
0xa7: {  	v3 =	vld [tilespmem:s30+$0x170];
	[tilespmem:s28+$0xFFFFFF70] =	vst v6;
	v6 =	vmul.f32 v63, v7  }
0xa8: {  	s31 =	simm.s32 $0x2E00;
	[tilespmem:s28+$0xFFFFFEF0] =	vst v5;
	s30 =	simm.s32 $0x0;
	v5 =	vld [tilespmem:s29+$0x170]  }
.LBB2_3:
0xa9: {  	v7 =	vld [tilespmem:s31+$0x180];
	[tilespmem:s28+$0xFFFFFFF0] =	vst v6;
	v0 =	vmul.f32 v2, v0;
	s29 =	sadd.s32 $0x400, s29  }
0xaa: {  	v2 =	vld [tilespmem:s29+$0x180]  }
0xab: {  	v6 =	vld [tilespmem:s29+$0xFFFFFE00];
	[tilespmem:s28+$0x70] =	vst v0;
	v0 =	vmul.f32 v4, v1  }
0xac: {  	v1 =	vld [tilespmem:s31+$0xFFFFFE80]  }
0xad: {  	v4 =	vld [tilespmem:s29+$0xFFFFFE80];
	[tilespmem:s28+$0xF0] =	vst v0;
	v0 =	vmul.f32 v5, v3  }
0xae: {  	v3 =	vld [tilespmem:s31+$0xFFFFFF00]  }
0xaf: {  	v5 =	vld [tilespmem:s29+$0xFFFFFF00];
	v2 =	vmul.f32 v2, v7;
	[tilespmem:s28+$0x170] =	vst v0  }
0xb0: {  	s28 =	sadd.s32 $0x400, s28;
	v0 =	vld [tilespmem:s31+$0xFFFFFF80]  }
0xb1: {  	s30 =	sadd.s32 $0x8, s30;
	v7 =	vld [tilespmem:s29+$0xFFFFFF80];
	[tilespmem:s28+$0x180] =	vst v2  }
0xb2: {  	p1 =	slt.u32 s30, $0x78;
	v1 =	vmul.f32 v4, v1;
	v2 =	vld [tilespmem:s31+$0x190]  }
0xb3: {  	v4 =	vld [tilespmem:s29+$0x190]  }
0xb4: {  	[tilespmem:s28+$0xFFFFFE80] =	vst v1;
	v1 =	vmul.f32 v5, v3;
	v3 =	vld [tilespmem:s31+$0x0]  }
0xb5: {  	v5 =	vld [tilespmem:s29+$0x0]  }
0xb6: {  	[tilespmem:s28+$0xFFFFFF00] =	vst v1;
	v0 =	vmul.f32 v7, v0;
	v1 =	vld [tilespmem:s31+$0x80]  }
0xb7: {  	v7 =	vld [tilespmem:s29+$0x80]  }
0xb8: {  	[tilespmem:s28+$0xFFFFFF80] =	vst v0;
	v0 =	vld [tilespmem:s31+$0x100];
	v2 =	vmul.f32 v4, v2  }
0xb9: {  	v4 =	vld [tilespmem:s29+$0x100]  }
0xba: {  	v8 =	vld [tilespmem:s31+$0xFFFFFE00];
	v3 =	vmul.f32 v5, v3;
	[tilespmem:s28+$0x190] =	vst v2  }
0xbb: {  	v2 =	vld [tilespmem:s31+$0x1A0]  }
0xbc: {  	[tilespmem:s28+$0x0] =	vst v3;
	v1 =	vmul.f32 v7, v1;
	v3 =	vld [tilespmem:s29+$0x1A0]  }
0xbd: {  	v5 =	vld [tilespmem:s31+$0xFFFFFE90]  }
0xbe: {  	v7 =	vld [tilespmem:s29+$0xFFFFFE90];
	[tilespmem:s28+$0x80] =	vst v1;
	v0 =	vmul.f32 v4, v0  }
0xbf: {  	v1 =	vmul.f32 v6, v8;
	v4 =	vld [tilespmem:s31+$0xFFFFFF10]  }
0xc0: {  	v6 =	vld [tilespmem:s29+$0xFFFFFF10];
	[tilespmem:s28+$0x100] =	vst v0  }
0xc1: {  	[tilespmem:s28+$0xFFFFFE00] =	vst v1;
	v0 =	vld [tilespmem:s31+$0xFFFFFF90];
	v1 =	vmul.f32 v3, v2  }
0xc2: {  	v2 =	vld [tilespmem:s31+$0xFFFFFE10]  }
0xc3: {  	v3 =	vld [tilespmem:s29+$0xFFFFFE10];
	v5 =	vmul.f32 v7, v5;
	[tilespmem:s28+$0x1A0] =	vst v1  }
0xc4: {  	v1 =	vld [tilespmem:s31+$0x1B0]  }
0xc5: {  	[tilespmem:s28+$0xFFFFFE90] =	vst v5;
	v4 =	vmul.f32 v6, v4;
	v5 =	vld [tilespmem:s29+$0x1B0]  }
0xc6: {  	v6 =	vld [tilespmem:s29+$0xFFFFFF90]  }
0xc7: {  	[tilespmem:s28+$0xFFFFFF10] =	vst v4;
	v4 =	vld [tilespmem:s31+$0x10]  }
0xc8: {  	v2 =	vmul.f32 v3, v2;
	v3 =	vld [tilespmem:s29+$0x10]  }
0xc9: {  	v7 =	vld [tilespmem:s31+$0x90]  }
0xca: {  	[tilespmem:s28+$0xFFFFFE10] =	vst v2;
	v2 =	vld [tilespmem:s29+$0x90];
	v1 =	vmul.f32 v5, v1  }
0xcb: {  	v0 =	vmul.f32 v6, v0;
	v5 =	vld [tilespmem:s31+$0x110]  }
0xcc: {  	v6 =	vld [tilespmem:s29+$0x110];
	[tilespmem:s28+$0x1B0] =	vst v1  }
0xcd: {  	[tilespmem:s28+$0xFFFFFF90] =	vst v0;
	v0 =	vmul.f32 v3, v4;
	v1 =	vld [tilespmem:s31+$0x1C0]  }
0xce: {  	v3 =	vld [tilespmem:s29+$0x1C0]  }
0xcf: {  	v4 =	vld [tilespmem:s31+$0xFFFFFE20];
	[tilespmem:s28+$0x10] =	vst v0;
	v0 =	vmul.f32 v2, v7  }
0xd0: {  	v2 =	vld [tilespmem:s29+$0xFFFFFE20]  }
0xd1: {  	v7 =	vld [tilespmem:s31+$0xFFFFFEA0];
	[tilespmem:s28+$0x90] =	vst v0;
	v0 =	vmul.f32 v6, v5  }
0xd2: {  	v5 =	vld [tilespmem:s29+$0xFFFFFEA0]  }
0xd3: {  	v6 =	vld [tilespmem:s31+$0xFFFFFF20];
	[tilespmem:s28+$0x110] =	vst v0;
	v0 =	vmul.f32 v3, v1  }
0xd4: {  	v1 =	vld [tilespmem:s29+$0xFFFFFF20]  }
0xd5: {  	v2 =	vmul.f32 v2, v4;
	v3 =	vld [tilespmem:s31+$0xFFFFFFA0];
	[tilespmem:s28+$0x1C0] =	vst v0  }
0xd6: {  	v0 =	vld [tilespmem:s31+$0x1D0]  }
0xd7: {  	[tilespmem:s28+$0xFFFFFE20] =	vst v2;
	v2 =	vmul.f32 v5, v7;
	v4 =	vld [tilespmem:s29+$0x1D0]  }
0xd8: {  	v5 =	vld [tilespmem:s29+$0xFFFFFFA0]  }
0xd9: {  	[tilespmem:s28+$0xFFFFFEA0] =	vst v2;
	v1 =	vmul.f32 v1, v6;
	v2 =	vld [tilespmem:s31+$0x20]  }
0xda: {  	v6 =	vld [tilespmem:s29+$0x20]  }
0xdb: {  	[tilespmem:s28+$0xFFFFFF20] =	vst v1;
	v1 =	vld [tilespmem:s31+$0xA0]  }
0xdc: {  	v7 =	vld [tilespmem:s29+$0xA0];
	v0 =	vmul.f32 v4, v0  }
0xdd: {  	v3 =	vmul.f32 v5, v3;
	v4 =	vld [tilespmem:s31+$0x120]  }
0xde: {  	v5 =	vld [tilespmem:s29+$0x120];
	[tilespmem:s28+$0x1D0] =	vst v0  }
0xdf: {  	[tilespmem:s28+$0xFFFFFFA0] =	vst v3;
	v0 =	vmul.f32 v6, v2;
	v2 =	vld [tilespmem:s31+$0x1E0]  }
0xe0: {  	v3 =	vld [tilespmem:s29+$0x1E0]  }
0xe1: {  	v6 =	vld [tilespmem:s31+$0xFFFFFE30];
	[tilespmem:s28+$0x20] =	vst v0;
	v0 =	vmul.f32 v7, v1  }
0xe2: {  	v1 =	vld [tilespmem:s29+$0xFFFFFE30]  }
0xe3: {  	v7 =	vld [tilespmem:s31+$0xFFFFFEB0];
	[tilespmem:s28+$0xA0] =	vst v0;
	v0 =	vmul.f32 v5, v4  }
0xe4: {  	v4 =	vld [tilespmem:s29+$0xFFFFFEB0]  }
0xe5: {  	v5 =	vld [tilespmem:s31+$0xFFFFFF30];
	[tilespmem:s28+$0x120] =	vst v0;
	v0 =	vmul.f32 v3, v2  }
0xe6: {  	v2 =	vld [tilespmem:s29+$0xFFFFFF30]  }
0xe7: {  	v1 =	vmul.f32 v1, v6;
	v3 =	vld [tilespmem:s31+$0xFFFFFFB0];
	[tilespmem:s28+$0x1E0] =	vst v0  }
0xe8: {  	v0 =	vld [tilespmem:s31+$0x1F0]  }
0xe9: {  	[tilespmem:s28+$0xFFFFFE30] =	vst v1;
	v1 =	vmul.f32 v4, v7;
	v4 =	vld [tilespmem:s29+$0x1F0]  }
0xea: {  	v6 =	vld [tilespmem:s29+$0xFFFFFFB0]  }
0xeb: {  	[tilespmem:s28+$0xFFFFFEB0] =	vst v1;
	v1 =	vmul.f32 v2, v5;
	v2 =	vld [tilespmem:s31+$0x30]  }
0xec: {  	v5 =	vld [tilespmem:s29+$0x30]  }
0xed: {  	[tilespmem:s28+$0xFFFFFF30] =	vst v1;
	v1 =	vld [tilespmem:s31+$0xB0]  }
0xee: {  	v7 =	vld [tilespmem:s29+$0xB0];
	v0 =	vmul.f32 v4, v0  }
0xef: {  	v3 =	vmul.f32 v6, v3;
	v4 =	vld [tilespmem:s31+$0x130]  }
0xf0: {  	v6 =	vld [tilespmem:s29+$0x130];
	[tilespmem:s28+$0x1F0] =	vst v0  }
0xf1: {  	v0 =	vld [tilespmem:s31+$0xFFFFFE40];
	[tilespmem:s28+$0xFFFFFFB0] =	vst v3;
	v2 =	vmul.f32 v5, v2  }
0xf2: {  	v3 =	vld [tilespmem:s29+$0xFFFFFE40]  }
0xf3: {  	v5 =	vld [tilespmem:s31+$0xFFFFFEC0];
	[tilespmem:s28+$0x30] =	vst v2;
	v1 =	vmul.f32 v7, v1  }
0xf4: {  	v2 =	vld [tilespmem:s29+$0xFFFFFEC0]  }
0xf5: {  	v7 =	vld [tilespmem:s31+$0xFFFFFF40];
	[tilespmem:s28+$0xB0] =	vst v1;
	v1 =	vmul.f32 v6, v4  }
0xf6: {  	v4 =	vld [tilespmem:s29+$0xFFFFFF40]  }
0xf7: {  	v0 =	vmul.f32 v3, v0;
	v3 =	vld [tilespmem:s31+$0xFFFFFFC0];
	[tilespmem:s28+$0x130] =	vst v1  }
0xf8: {  	v1 =	vld [tilespmem:s29+$0xFFFFFFC0]  }
0xf9: {  	[tilespmem:s28+$0xFFFFFE40] =	vst v0;
	v0 =	vmul.f32 v2, v5;
	v2 =	vld [tilespmem:s31+$0x40]  }
0xfa: {  	v5 =	vld [tilespmem:s29+$0x40]  }
0xfb: {  	[tilespmem:s28+$0xFFFFFEC0] =	vst v0;
	v0 =	vmul.f32 v4, v7;
	v4 =	vld [tilespmem:s31+$0xC0]  }
0xfc: {  	v6 =	vld [tilespmem:s29+$0xC0]  }
0xfd: {  	[tilespmem:s28+$0xFFFFFF40] =	vst v0;
	v0 =	vmul.f32 v1, v3;
	v1 =	vld [tilespmem:s31+$0x140]  }
0xfe: {  	v3 =	vld [tilespmem:s29+$0x140]  }
0xff: {  	v7 =	vld [tilespmem:s31+$0xFFFFFE50];
	[tilespmem:s28+$0xFFFFFFC0] =	vst v0;
	v0 =	vmul.f32 v5, v2  }
0x100: {  	v2 =	vld [tilespmem:s29+$0xFFFFFE50]  }
0x101: {  	v5 =	vld [tilespmem:s31+$0xFFFFFED0];
	[tilespmem:s28+$0x40] =	vst v0;
	v0 =	vmul.f32 v6, v4  }
0x102: {  	v4 =	vld [tilespmem:s29+$0xFFFFFED0]  }
0x103: {  	v6 =	vld [tilespmem:s31+$0xFFFFFF50];
	[tilespmem:s28+$0xC0] =	vst v0;
	v0 =	vmul.f32 v3, v1  }
0x104: {  	v1 =	vld [tilespmem:s29+$0xFFFFFF50]  }
0x105: {  	v2 =	vmul.f32 v2, v7;
	v3 =	vld [tilespmem:s31+$0xFFFFFFD0];
	[tilespmem:s28+$0x140] =	vst v0  }
0x106: {  	v0 =	vld [tilespmem:s29+$0xFFFFFFD0]  }
0x107: {  	[tilespmem:s28+$0xFFFFFE50] =	vst v2;
	v2 =	vmul.f32 v4, v5;
	v4 =	vld [tilespmem:s31+$0x50]  }
0x108: {  	v5 =	vld [tilespmem:s29+$0x50]  }
0x109: {  	[tilespmem:s28+$0xFFFFFED0] =	vst v2;
	v1 =	vmul.f32 v1, v6;
	v2 =	vld [tilespmem:s31+$0xD0]  }
0x10a: {  	v6 =	vld [tilespmem:s29+$0xD0]  }
0x10b: {  	[tilespmem:s28+$0xFFFFFF50] =	vst v1;
	v0 =	vmul.f32 v0, v3;
	v1 =	vld [tilespmem:s31+$0x150]  }
0x10c: {  	v3 =	vld [tilespmem:s29+$0x150]  }
0x10d: {  	v7 =	vld [tilespmem:s31+$0xFFFFFE60];
	[tilespmem:s28+$0xFFFFFFD0] =	vst v0;
	v0 =	vmul.f32 v5, v4  }
0x10e: {  	v4 =	vld [tilespmem:s29+$0xFFFFFE60]  }
0x10f: {  	v5 =	vld [tilespmem:s31+$0xFFFFFEE0];
	[tilespmem:s28+$0x50] =	vst v0;
	v0 =	vmul.f32 v6, v2  }
0x110: {  	v2 =	vld [tilespmem:s29+$0xFFFFFEE0]  }
0x111: {  	v6 =	vld [tilespmem:s31+$0xFFFFFF60];
	[tilespmem:s28+$0xD0] =	vst v0;
	v0 =	vmul.f32 v3, v1  }
0x112: {  	v1 =	vld [tilespmem:s29+$0xFFFFFF60]  }
0x113: {  	v3 =	vmul.f32 v4, v7;
	v4 =	vld [tilespmem:s31+$0xFFFFFFE0];
	[tilespmem:s28+$0x150] =	vst v0  }
0x114: {  	v0 =	vld [tilespmem:s29+$0xFFFFFFE0]  }
0x115: {  	[tilespmem:s28+$0xFFFFFE60] =	vst v3;
	v2 =	vmul.f32 v2, v5;
	v3 =	vld [tilespmem:s31+$0x60]  }
0x116: {  	v5 =	vld [tilespmem:s29+$0x60]  }
0x117: {  	[tilespmem:s28+$0xFFFFFEE0] =	vst v2;
	v1 =	vmul.f32 v1, v6;
	v2 =	vld [tilespmem:s31+$0xE0]  }
0x118: {  	v6 =	vld [tilespmem:s29+$0xE0]  }
0x119: {  	[tilespmem:s28+$0xFFFFFF60] =	vst v1;
	v0 =	vmul.f32 v0, v4;
	v1 =	vld [tilespmem:s31+$0x160]  }
0x11a: {  	v4 =	vld [tilespmem:s29+$0x160]  }
0x11b: {  	v7 =	vld [tilespmem:s31+$0xFFFFFE70];
	[tilespmem:s28+$0xFFFFFFE0] =	vst v0;
	v0 =	vmul.f32 v5, v3  }
0x11c: {  	v3 =	vld [tilespmem:s29+$0xFFFFFE70]  }
0x11d: {  	v5 =	vld [tilespmem:s31+$0xFFFFFEF0];
	[tilespmem:s28+$0x60] =	vst v0;
	v0 =	vmul.f32 v6, v2  }
0x11e: {  	v2 =	vld [tilespmem:s29+$0xFFFFFEF0]  }
0x11f: {  	v6 =	vld [tilespmem:s31+$0xFFFFFF70];
	[tilespmem:s28+$0xE0] =	vst v0;
	v0 =	vmul.f32 v4, v1  }
0x120: {  	v1 =	vld [tilespmem:s29+$0xFFFFFF70]  }
0x121: {  	v3 =	vmul.f32 v3, v7;
	v7 =	vld [tilespmem:s31+$0xFFFFFFF0];
	[tilespmem:s28+$0x160] =	vst v0  }
0x122: {  	v8 =	vld [tilespmem:s29+$0xFFFFFFF0]  }
0x123: {  	[tilespmem:s28+$0xFFFFFE70] =	vst v3;
	v3 =	vmul.f32 v2, v5;
	v0 =	vld [tilespmem:s31+$0x70]  }
.Ltmp0:
0x124: {  	v2 =	vld [tilespmem:s29+$0x70];
	(pc) =	sbr.rel @p1 .LBB2_3-.Ltmp0, $4  }
0x125: {  	[tilespmem:s28+$0xFFFFFEF0] =	vst v3;
	v3 =	vmul.f32 v1, v6;
	v1 =	vld [tilespmem:s31+$0xF0]  }
0x126: {  	v4 =	vld [tilespmem:s29+$0xF0]  }
0x127: {  	[tilespmem:s28+$0xFFFFFF70] =	vst v3;
	v6 =	vmul.f32 v8, v7;
	v3 =	vld [tilespmem:s31+$0x170]  }
0x128: {  	s31 =	sadd.s32 $0x400, s31;
	v5 =	vld [tilespmem:s29+$0x170]  }
0x129: {  	_ =	sdelay $0x1  }
0x12a: {  	v0 =	vmul.f32 v2, v0  }
0x12b: {  	[tilespmem:s28+$0xFFFFFFF0] =	vst v6;
	v1 =	vmul.f32 v4, v1  }
0x12c: {  	s29 =	sadd.s32 s5, s26;
	[tilespmem:s28+$0x70] =	vst v0;
	v0 =	vmul.f32 v5, v3  }
0x12d: {  	p1 =	seq.s32 s24, $0x13;
	s29 =	sshll.u32 s29, $0x4;
	[tilespmem:s28+$0xF0] =	vst v1  }
0x12e: {  	s26 =	smin.u32 @!p1 s26, $0x1208;
	[tilespmem:s28+$0x170] =	vst v0;
	s28 =	sadd.s32 s6, s29  }
0x12f: {  	[hbm4b:s28+s4] =	stream.linear.scatter [tilespmem:s18], [sflag:$0x3], $0x4000, $0x38;
	[tilespmem:$0x1A800] =	vst v63  }
0x130: {  	s30 =	simm.s32 @!p1 $0x2800;
	s29 =	simm.s32 @!p1 $0x80;
	s28 =	sadd.s32 @!p1 $0x100, s26  }
0x131: {  	[tilespmem:s30], [sflag:$0x1] =	stream.indirect.gather @!p1 [hbm4b:s1+s29], $0x80, s28, s29, $0xb8;
	[tilespmem:$0x1A800] =	vst v63  }
0x132: {  	s26 =	sadd.s32 @!p1 $0x1500, s26;
	s28 =	simm.s32 @!p1 $0xA800  }
0x133: {  	[tilespmem:s28], [sflag:$0x1] =	stream.indirect.gather @!p1 [hbm4b:s2+s29], $0x80, s26, s29, $0xb8;
	[tilespmem:$0x1A800] =	vst v63  }
0x134: {  	_ =	swait.ge [sflag:s19], $0x4000  }
0x135: {  	[sflag:s19] =	ssyncset.done $0x0  }
0x136: {  	[sflag:s19] =	ssyncadd.s32 $0xFFFFC000  }
0x137: {  	_ =	swait.ge [sflag:s19], $0x4000  }
0x138: {  	[sflag:s19] =	ssyncset.done $0x0  }
0x139: {  	s26 =	simm.s32 @!p0 $0x4;
	[sflag:s19] =	ssyncadd.s32 $0xFFFFC000  }
0x13a: {  	_ =	swait.ge @!p0 [sflag:s26], $0x4000  }
0x13b: {  	[sflag:s26] =	ssyncset.done @!p0 $0x0  }
0x13c: {  	s29 =	simm.s32 $0x6A00;
	[sflag:s26] =	ssyncadd.s32 @!p0 $0xFFFFC000  }
0x13d: {  	s28 =	simm.s32 $0xEA00;
	v0 =	vld [tilespmem:s29+$0x180]  }
0x13e: {  	v1 =	vld [tilespmem:s28+$0x180]  }
0x13f: {  	v2 =	vld [tilespmem:s28+$0xFFFFFE00]  }
0x140: {  	v3 =	vld [tilespmem:s29+$0xFFFFFE80]  }
0x141: {  	v4 =	vld [tilespmem:s28+$0xFFFFFE80]  }
0x142: {  	v5 =	vld [tilespmem:s29+$0xFFFFFF00]  }
0x143: {  	v6 =	vld [tilespmem:s28+$0xFFFFFF00]  }
0x144: {  	v7 =	vld [tilespmem:s28+$0xFFFFFF80]  }
0x145: {  	v9 =	vld [tilespmem:s29+$0x0]  }
0x146: {  	v10 =	vld [tilespmem:s28+$0x0]  }
0x147: {  	v11 =	vld [tilespmem:s29+$0x80]  }
0x148: {  	v12 =	vld [tilespmem:s28+$0x80];
	v0 =	vmul.f32 v1, v0  }
0x149: {  	s26 =	simm.s32 $0x16A00;
	v1 =	vld [tilespmem:s29+$0xFFFFFF80]  }
0x14a: {  	v3 =	vmul.f32 v4, v3;
	v4 =	vld [tilespmem:s29+$0xFFFFFE00];
	[tilespmem:s26+$0x180] =	vst v0  }
0x14b: {  	v0 =	vld [tilespmem:s29+$0x190]  }
0x14c: {  	v8 =	vld [tilespmem:s28+$0x190]  }
0x14d: {  	v13 =	vld [tilespmem:s29+$0x100];
	[tilespmem:s26+$0xFFFFFE80] =	vst v3;
	v3 =	vmul.f32 v6, v5  }
0x14e: {  	v6 =	vld [tilespmem:s29+$0xFFFFFE90]  }
0x14f: {  	[tilespmem:s26+$0xFFFFFF00] =	vst v3;
	v3 =	vld [tilespmem:s28+$0xFFFFFE90];
	v1 =	vmul.f32 v7, v1  }
0x150: {  	v2 =	vmul.f32 v2, v4;
	v4 =	vld [tilespmem:s29+$0xFFFFFF10]  }
0x151: {  	[tilespmem:s26+$0xFFFFFF80] =	vst v1;
	v1 =	vld [tilespmem:s28+$0xFFFFFF10];
	v0 =	vmul.f32 v8, v0  }
0x152: {  	[tilespmem:s26+$0xFFFFFE00] =	vst v2;
	v2 =	vld [tilespmem:s29+$0xFFFFFF90]  }
0x153: {  	v32 =	vld [tilespmem:s28+$0xFFFFFF90];
	[tilespmem:s26+$0x190] =	vst v0  }
0x154: {  	v0 =	vld [tilespmem:s29+$0x1A0]  }
0x155: {  	v3 =	vmul.f32 v3, v6;
	v5 =	vld [tilespmem:s28+$0x1A0]  }
0x156: {  	v8 =	vld [tilespmem:s28+$0x100]  }
0x157: {  	v7 =	vld [tilespmem:s28+$0xFFFFFE10];
	[tilespmem:s26+$0xFFFFFE90] =	vst v3;
	v1 =	vmul.f32 v1, v4  }
0x158: {  	v4 =	vld [tilespmem:s29+$0xFFFFFEA0]  }
0x159: {  	[tilespmem:s26+$0xFFFFFF10] =	vst v1;
	v1 =	vmul.f32 v32, v2;
	v2 =	vld [tilespmem:s28+$0xFFFFFEA0]  }
0x15a: {  	v0 =	vmul.f32 v5, v0;
	v5 =	vld [tilespmem:s29+$0xFFFFFE10]  }
0x15b: {  	v36 =	vld [tilespmem:s29+$0xFFFFFF20];
	[tilespmem:s26+$0xFFFFFF90] =	vst v1  }
0x15c: {  	v1 =	vld [tilespmem:s28+$0xFFFFFF20];
	[tilespmem:s26+$0x1A0] =	vst v0;
	v0 =	vmul.f32 v10, v9  }
0x15d: {  	v37 =	vld [tilespmem:s29+$0xFFFFFFA0]  }
0x15e: {  	v30 =	vld [tilespmem:s29+$0x1B0];
	[tilespmem:s26+$0x0] =	vst v0;
	v0 =	vmul.f32 v12, v11  }
0x15f: {  	v31 =	vld [tilespmem:s28+$0x1B0];
	v5 =	vmul.f32 v7, v5  }
0x160: {  	v33 =	vld [tilespmem:s29+$0x10];
	[tilespmem:s26+$0x80] =	vst v0;
	v0 =	vmul.f32 v8, v13  }
0x161: {  	v34 =	vld [tilespmem:s29+$0x90];
	[tilespmem:s26+$0xFFFFFE10] =	vst v5  }
0x162: {  	[tilespmem:s26+$0x100] =	vst v0;
	v0 =	vld [tilespmem:s28+$0x90]  }
0x163: {  	v6 =	vld [tilespmem:s29+$0xFFFFFE20]  }
0x164: {  	v9 =	vmul.f32 v31, v30;
	v3 =	vld [tilespmem:s28+$0xFFFFFE20]  }
0x165: {  	v35 =	vld [tilespmem:s29+$0x110]  }
0x166: {  	v7 =	vld [tilespmem:s28+$0x110];
	[tilespmem:s26+$0x1B0] =	vst v9  }
0x167: {  	v2 =	vmul.f32 v2, v4;
	v9 =	vld [tilespmem:s29+$0x1C0]  }
0x168: {  	v1 =	vmul.f32 v1, v36;
	v5 =	vld [tilespmem:s28+$0x1C0]  }
0x169: {  	[tilespmem:s26+$0xFFFFFEA0] =	vst v2;
	v8 =	vld [tilespmem:s28+$0x10];
	v0 =	vmul.f32 v0, v34  }
0x16a: {  	v42 =	vld [tilespmem:s29+$0xFFFFFEB0];
	[tilespmem:s26+$0xFFFFFF20] =	vst v1;
	v3 =	vmul.f32 v3, v6  }
0x16b: {  	v43 =	vld [tilespmem:s29+$0xFFFFFF30];
	[tilespmem:s26+$0x90] =	vst v0  }
0x16c: {  	v0 =	vmul.f32 v7, v35;
	[tilespmem:s26+$0xFFFFFE20] =	vst v3;
	v40 =	vld [tilespmem:s29+$0xA0]  }
0x16d: {  	v5 =	vmul.f32 v5, v9;
	v4 =	vld [tilespmem:s29+$0xFFFFFE30]  }
0x16e: {  	[tilespmem:s26+$0x110] =	vst v0;
	v0 =	vld [tilespmem:s28+$0xA0]  }
0x16f: {  	[tilespmem:s26+$0x1C0] =	vst v5;
	v41 =	vld [tilespmem:s29+$0x120]  }
0x170: {  	v5 =	vmul.f32 v8, v33;
	v8 =	vld [tilespmem:s29+$0x1D0]  }
0x171: {  	v38 =	vld [tilespmem:s28+$0x1D0]  }
0x172: {  	[tilespmem:s26+$0x10] =	vst v5;
	v5 =	vld [tilespmem:s28+$0xFFFFFFA0]  }
0x173: {  	v6 =	vld [tilespmem:s28+$0x120]  }
0x174: {  	v2 =	vld [tilespmem:s28+$0xFFFFFE30]  }
0x175: {  	v39 =	vld [tilespmem:s29+$0x20];
	v0 =	vmul.f32 v0, v40  }
0x176: {  	v7 =	vld [tilespmem:s28+$0x20];
	v8 =	vmul.f32 v38, v8  }
0x177: {  	[tilespmem:s26+$0xA0] =	vst v0;
	v1 =	vmul.f32 v5, v37;
	v5 =	vld [tilespmem:s28+$0xFFFFFEB0]  }
0x178: {  	v0 =	vmul.f32 v6, v41;
	v46 =	vld [tilespmem:s29+$0xB0];
	[tilespmem:s26+$0x1D0] =	vst v8  }
0x179: {  	v8 =	vld [tilespmem:s29+$0x1E0]  }
0x17a: {  	[tilespmem:s26+$0x120] =	vst v0;
	v3 =	vld [tilespmem:s28+$0x1E0]  }
0x17b: {  	v0 =	vmul.f32 v2, v4;
	[tilespmem:s26+$0xFFFFFFA0] =	vst v1;
	v1 =	vld [tilespmem:s28+$0xFFFFFF30]  }
0x17c: {  	v2 =	vld [tilespmem:s28+$0xB0]  }
0x17d: {  	v4 =	vld [tilespmem:s29+$0x130];
	[tilespmem:s26+$0xFFFFFE30] =	vst v0  }
0x17e: {  	v47 =	vld [tilespmem:s29+$0xFFFFFE40];
	v0 =	vmul.f32 v5, v42  }
0x17f: {  	v5 =	vld [tilespmem:s28+$0x130]  }
0x180: {  	v3 =	vmul.f32 v3, v8;
	[tilespmem:s26+$0xFFFFFEB0] =	vst v0;
	v0 =	vmul.f32 v1, v43;
	v1 =	vld [tilespmem:s28+$0xFFFFFE40]  }
0x181: {  	v8 =	vld [tilespmem:s29+$0xFFFFFFB0]  }
0x182: {  	v48 =	vld [tilespmem:s29+$0xFFFFFEC0];
	[tilespmem:s26+$0x1E0] =	vst v3;
	v3 =	vmul.f32 v7, v39  }
0x183: {  	v7 =	vld [tilespmem:s29+$0x1F0]  }
0x184: {  	[tilespmem:s26+$0x20] =	vst v3;
	v3 =	vld [tilespmem:s28+$0xFFFFFFB0]  }
0x185: {  	v45 =	vld [tilespmem:s29+$0x30];
	v1 =	vmul.f32 v1, v47  }
0x186: {  	v6 =	vld [tilespmem:s28+$0x30]  }
0x187: {  	v44 =	vld [tilespmem:s28+$0x1F0];
	[tilespmem:s26+$0xFFFFFE40] =	vst v1  }
0x188: {  	v52 =	vld [tilespmem:s29+$0xFFFFFE50]  }
0x189: {  	[tilespmem:s26+$0xFFFFFF30] =	vst v0;
	v0 =	vmul.f32 v3, v8;
	v3 =	vld [tilespmem:s28+$0xFFFFFEC0]  }
0x18a: {  	v8 =	vld [tilespmem:s29+$0xFFFFFF40]  }
0x18b: {  	[tilespmem:s26+$0xFFFFFFB0] =	vst v0;
	v0 =	vmul.f32 v6, v45;
	v6 =	vld [tilespmem:s28+$0xFFFFFF40]  }
0x18c: {  	v49 =	vld [tilespmem:s29+$0xFFFFFFC0]  }
0x18d: {  	[tilespmem:s26+$0x30] =	vst v0;
	v0 =	vmul.f32 v2, v46;
	v2 =	vld [tilespmem:s28+$0xFFFFFFC0]  }
0x18e: {  	v50 =	vld [tilespmem:s29+$0x40]  }
0x18f: {  	v1 =	vmul.f32 v3, v48;
	[tilespmem:s26+$0xB0] =	vst v0;
	v0 =	vmul.f32 v5, v4;
	v4 =	vld [tilespmem:s28+$0x40]  }
0x190: {  	v5 =	vld [tilespmem:s29+$0xC0]  }
0x191: {  	[tilespmem:s26+$0xFFFFFEC0] =	vst v1;
	v1 =	vmul.f32 v6, v8;
	v6 =	vld [tilespmem:s28+$0xFFFFFE50]  }
0x192: {  	[tilespmem:s26+$0x130] =	vst v0;
	v0 =	vld [tilespmem:s28+$0xC0]  }
0x193: {  	v8 =	vld [tilespmem:s29+$0xFFFFFED0]  }
0x194: {  	v51 =	vld [tilespmem:s29+$0x140]  }
0x195: {  	v3 =	vld [tilespmem:s28+$0x140]  }
0x196: {  	[tilespmem:s26+$0xFFFFFF40] =	vst v1;
	v1 =	vmul.f32 v2, v49;
	v2 =	vld [tilespmem:s28+$0xFFFFFED0]  }
0x197: {  	v53 =	vld [tilespmem:s29+$0xFFFFFF50]  }
0x198: {  	[tilespmem:s26+$0xFFFFFFC0] =	vst v1;
	v1 =	vmul.f32 v4, v50;
	v4 =	vld [tilespmem:s28+$0xFFFFFF50]  }
0x199: {  	v54 =	vld [tilespmem:s29+$0xFFFFFFD0];
	v6 =	vmul.f32 v6, v52  }
0x19a: {  	[tilespmem:s26+$0x40] =	vst v1;
	v0 =	vmul.f32 v0, v5;
	v1 =	vld [tilespmem:s28+$0xFFFFFFD0]  }
0x19b: {  	v5 =	vld [tilespmem:s29+$0x50];
	[tilespmem:s26+$0xFFFFFE50] =	vst v6  }
0x19c: {  	[tilespmem:s26+$0xC0] =	vst v0;
	v0 =	vmul.f32 v3, v51;
	v3 =	vld [tilespmem:s28+$0x50]  }
0x19d: {  	v2 =	vmul.f32 v2, v8;
	v8 =	vld [tilespmem:s29+$0xFFFFFE60]  }
0x19e: {  	v55 =	vld [tilespmem:s29+$0xD0]  }
0x19f: {  	[tilespmem:s26+$0xFFFFFED0] =	vst v2;
	v2 =	vmul.f32 v4, v53;
	v4 =	vld [tilespmem:s28+$0xFFFFFE60]  }
0x1a0: {  	[tilespmem:s26+$0x140] =	vst v0;
	v0 =	vld [tilespmem:s28+$0xD0]  }
0x1a1: {  	v57 =	vld [tilespmem:s29+$0xFFFFFEE0]  }
0x1a2: {  	v56 =	vld [tilespmem:s29+$0x150]  }
0x1a3: {  	v6 =	vld [tilespmem:s28+$0x150]  }
0x1a4: {  	[tilespmem:s26+$0xFFFFFF50] =	vst v2;
	v1 =	vmul.f32 v1, v54;
	v2 =	vld [tilespmem:s28+$0xFFFFFEE0]  }
0x1a5: {  	v58 =	vld [tilespmem:s29+$0xFFFFFF60]  }
0x1a6: {  	[tilespmem:s26+$0xFFFFFFD0] =	vst v1;
	v1 =	vmul.f32 v3, v5;
	v3 =	vld [tilespmem:s28+$0xFFFFFF60]  }
0x1a7: {  	v5 =	vld [tilespmem:s29+$0xFFFFFFE0];
	v4 =	vmul.f32 v4, v8  }
0x1a8: {  	[tilespmem:s26+$0x50] =	vst v1;
	v0 =	vmul.f32 v0, v55;
	v1 =	vld [tilespmem:s28+$0xFFFFFFE0]  }
0x1a9: {  	v59 =	vld [tilespmem:s29+$0x60];
	[tilespmem:s26+$0xFFFFFE60] =	vst v4  }
0x1aa: {  	[tilespmem:s26+$0xD0] =	vst v0;
	v0 =	vmul.f32 v6, v56;
	v6 =	vld [tilespmem:s28+$0x60]  }
0x1ab: {  	v2 =	vmul.f32 v2, v57;
	v61 =	vld [tilespmem:s29+$0xFFFFFE70]  }
0x1ac: {  	v60 =	vld [tilespmem:s29+$0xE0]  }
0x1ad: {  	[tilespmem:s26+$0xFFFFFEE0] =	vst v2;
	v2 =	vmul.f32 v3, v58;
	v3 =	vld [tilespmem:s28+$0xFFFFFE70]  }
0x1ae: {  	[tilespmem:s26+$0x150] =	vst v0;
	v0 =	vld [tilespmem:s28+$0xE0]  }
0x1af: {  	v62 =	vld [tilespmem:s29+$0xFFFFFEF0]  }
0x1b0: {  	v8 =	vld [tilespmem:s29+$0x160]  }
0x1b1: {  	v4 =	vld [tilespmem:s28+$0x160]  }
0x1b2: {  	[tilespmem:s26+$0xFFFFFF60] =	vst v2;
	v1 =	vmul.f32 v1, v5;
	v5 =	vld [tilespmem:s28+$0xFFFFFEF0]  }
0x1b3: {  	v14 =	vld [tilespmem:s29+$0xFFFFFF70]  }
0x1b4: {  	[tilespmem:s26+$0xFFFFFFE0] =	vst v1;
	v1 =	vmul.f32 v6, v59;
	v6 =	vld [tilespmem:s28+$0xFFFFFF70]  }
0x1b5: {  	v2 =	vmul.f32 v44, v7;
	v7 =	vld [tilespmem:s29+$0xFFFFFFF0]  }
0x1b6: {  	v63 =	vld [tilespmem:s28+$0xFFFFFFF0];
	[tilespmem:s26+$0x60] =	vst v1;
	v1 =	vmul.f32 v0, v60  }
0x1b7: {  	[tilespmem:s26+$0x1F0] =	vst v2;
	v3 =	vmul.f32 v3, v61;
	v0 =	vld [tilespmem:s29+$0x70]  }
0x1b8: {  	v4 =	vmul.f32 v4, v8;
	v2 =	vld [tilespmem:s28+$0x70];
	[tilespmem:s26+$0xE0] =	vst v1  }
0x1b9: {  	[tilespmem:s26+$0xFFFFFE70] =	vst v3;
	v1 =	vld [tilespmem:s29+$0xF0];
	v6 =	vmul.f32 v6, v14  }
0x1ba: {  	v5 =	vmul.f32 v5, v62;
	[tilespmem:s26+$0x160] =	vst v4;
	v4 =	vld [tilespmem:s28+$0xF0]  }
0x1bb: {  	v3 =	vld [tilespmem:s29+$0x170];
	[tilespmem:s26+$0xFFFFFF70] =	vst v6;
	v6 =	vmul.f32 v63, v7  }
0x1bc: {  	s30 =	simm.s32 $0x6E00;
	[tilespmem:s26+$0xFFFFFEF0] =	vst v5;
	s29 =	simm.s32 $0x0;
	v5 =	vld [tilespmem:s28+$0x170]  }
.LBB2_5:
0x1bd: {  	v7 =	vld [tilespmem:s30+$0x180];
	[tilespmem:s26+$0xFFFFFFF0] =	vst v6;
	v0 =	vmul.f32 v2, v0;
	s28 =	sadd.s32 $0x400, s28  }
0x1be: {  	v2 =	vld [tilespmem:s28+$0x180]  }
0x1bf: {  	v6 =	vld [tilespmem:s28+$0xFFFFFE00];
	[tilespmem:s26+$0x70] =	vst v0;
	v0 =	vmul.f32 v4, v1  }
0x1c0: {  	v1 =	vld [tilespmem:s30+$0xFFFFFE80]  }
0x1c1: {  	v4 =	vld [tilespmem:s28+$0xFFFFFE80];
	[tilespmem:s26+$0xF0] =	vst v0;
	v0 =	vmul.f32 v5, v3  }
0x1c2: {  	v3 =	vld [tilespmem:s30+$0xFFFFFF00]  }
0x1c3: {  	v5 =	vld [tilespmem:s28+$0xFFFFFF00];
	v2 =	vmul.f32 v2, v7;
	[tilespmem:s26+$0x170] =	vst v0  }
0x1c4: {  	s26 =	sadd.s32 $0x400, s26;
	v0 =	vld [tilespmem:s30+$0xFFFFFF80]  }
0x1c5: {  	s29 =	sadd.s32 $0x8, s29;
	v7 =	vld [tilespmem:s28+$0xFFFFFF80];
	[tilespmem:s26+$0x180] =	vst v2  }
0x1c6: {  	p0 =	slt.u32 s29, $0x78;
	v1 =	vmul.f32 v4, v1;
	v2 =	vld [tilespmem:s30+$0x190]  }
0x1c7: {  	v4 =	vld [tilespmem:s28+$0x190]  }
0x1c8: {  	[tilespmem:s26+$0xFFFFFE80] =	vst v1;
	v1 =	vmul.f32 v5, v3;
	v3 =	vld [tilespmem:s30+$0x0]  }
0x1c9: {  	v5 =	vld [tilespmem:s28+$0x0]  }
0x1ca: {  	[tilespmem:s26+$0xFFFFFF00] =	vst v1;
	v0 =	vmul.f32 v7, v0;
	v1 =	vld [tilespmem:s30+$0x80]  }
0x1cb: {  	v7 =	vld [tilespmem:s28+$0x80]  }
0x1cc: {  	[tilespmem:s26+$0xFFFFFF80] =	vst v0;
	v0 =	vld [tilespmem:s30+$0x100];
	v2 =	vmul.f32 v4, v2  }
0x1cd: {  	v4 =	vld [tilespmem:s28+$0x100]  }
0x1ce: {  	v8 =	vld [tilespmem:s30+$0xFFFFFE00];
	v3 =	vmul.f32 v5, v3;
	[tilespmem:s26+$0x190] =	vst v2  }
0x1cf: {  	v2 =	vld [tilespmem:s30+$0x1A0]  }
0x1d0: {  	[tilespmem:s26+$0x0] =	vst v3;
	v1 =	vmul.f32 v7, v1;
	v3 =	vld [tilespmem:s28+$0x1A0]  }
0x1d1: {  	v5 =	vld [tilespmem:s30+$0xFFFFFE90]  }
0x1d2: {  	v7 =	vld [tilespmem:s28+$0xFFFFFE90];
	[tilespmem:s26+$0x80] =	vst v1;
	v0 =	vmul.f32 v4, v0  }
0x1d3: {  	v1 =	vmul.f32 v6, v8;
	v4 =	vld [tilespmem:s30+$0xFFFFFF10]  }
0x1d4: {  	v6 =	vld [tilespmem:s28+$0xFFFFFF10];
	[tilespmem:s26+$0x100] =	vst v0  }
0x1d5: {  	[tilespmem:s26+$0xFFFFFE00] =	vst v1;
	v0 =	vld [tilespmem:s30+$0xFFFFFF90];
	v1 =	vmul.f32 v3, v2  }
0x1d6: {  	v2 =	vld [tilespmem:s30+$0xFFFFFE10]  }
0x1d7: {  	v3 =	vld [tilespmem:s28+$0xFFFFFE10];
	v5 =	vmul.f32 v7, v5;
	[tilespmem:s26+$0x1A0] =	vst v1  }
0x1d8: {  	v1 =	vld [tilespmem:s30+$0x1B0]  }
0x1d9: {  	[tilespmem:s26+$0xFFFFFE90] =	vst v5;
	v4 =	vmul.f32 v6, v4;
	v5 =	vld [tilespmem:s28+$0x1B0]  }
0x1da: {  	v6 =	vld [tilespmem:s28+$0xFFFFFF90]  }
0x1db: {  	[tilespmem:s26+$0xFFFFFF10] =	vst v4;
	v4 =	vld [tilespmem:s30+$0x10]  }
0x1dc: {  	v2 =	vmul.f32 v3, v2;
	v3 =	vld [tilespmem:s28+$0x10]  }
0x1dd: {  	v7 =	vld [tilespmem:s30+$0x90]  }
0x1de: {  	[tilespmem:s26+$0xFFFFFE10] =	vst v2;
	v2 =	vld [tilespmem:s28+$0x90];
	v1 =	vmul.f32 v5, v1  }
0x1df: {  	v0 =	vmul.f32 v6, v0;
	v5 =	vld [tilespmem:s30+$0x110]  }
0x1e0: {  	v6 =	vld [tilespmem:s28+$0x110];
	[tilespmem:s26+$0x1B0] =	vst v1  }
0x1e1: {  	[tilespmem:s26+$0xFFFFFF90] =	vst v0;
	v0 =	vmul.f32 v3, v4;
	v1 =	vld [tilespmem:s30+$0x1C0]  }
0x1e2: {  	v3 =	vld [tilespmem:s28+$0x1C0]  }
0x1e3: {  	v4 =	vld [tilespmem:s30+$0xFFFFFE20];
	[tilespmem:s26+$0x10] =	vst v0;
	v0 =	vmul.f32 v2, v7  }
0x1e4: {  	v2 =	vld [tilespmem:s28+$0xFFFFFE20]  }
0x1e5: {  	v7 =	vld [tilespmem:s30+$0xFFFFFEA0];
	[tilespmem:s26+$0x90] =	vst v0;
	v0 =	vmul.f32 v6, v5  }
0x1e6: {  	v5 =	vld [tilespmem:s28+$0xFFFFFEA0]  }
0x1e7: {  	v6 =	vld [tilespmem:s30+$0xFFFFFF20];
	[tilespmem:s26+$0x110] =	vst v0;
	v0 =	vmul.f32 v3, v1  }
0x1e8: {  	v1 =	vld [tilespmem:s28+$0xFFFFFF20]  }
0x1e9: {  	v2 =	vmul.f32 v2, v4;
	v3 =	vld [tilespmem:s30+$0xFFFFFFA0];
	[tilespmem:s26+$0x1C0] =	vst v0  }
0x1ea: {  	v0 =	vld [tilespmem:s30+$0x1D0]  }
0x1eb: {  	[tilespmem:s26+$0xFFFFFE20] =	vst v2;
	v2 =	vmul.f32 v5, v7;
	v4 =	vld [tilespmem:s28+$0x1D0]  }
0x1ec: {  	v5 =	vld [tilespmem:s28+$0xFFFFFFA0]  }
0x1ed: {  	[tilespmem:s26+$0xFFFFFEA0] =	vst v2;
	v1 =	vmul.f32 v1, v6;
	v2 =	vld [tilespmem:s30+$0x20]  }
0x1ee: {  	v6 =	vld [tilespmem:s28+$0x20]  }
0x1ef: {  	[tilespmem:s26+$0xFFFFFF20] =	vst v1;
	v1 =	vld [tilespmem:s30+$0xA0]  }
0x1f0: {  	v7 =	vld [tilespmem:s28+$0xA0];
	v0 =	vmul.f32 v4, v0  }
0x1f1: {  	v3 =	vmul.f32 v5, v3;
	v4 =	vld [tilespmem:s30+$0x120]  }
0x1f2: {  	v5 =	vld [tilespmem:s28+$0x120];
	[tilespmem:s26+$0x1D0] =	vst v0  }
0x1f3: {  	[tilespmem:s26+$0xFFFFFFA0] =	vst v3;
	v0 =	vmul.f32 v6, v2;
	v2 =	vld [tilespmem:s30+$0x1E0]  }
0x1f4: {  	v3 =	vld [tilespmem:s28+$0x1E0]  }
0x1f5: {  	v6 =	vld [tilespmem:s30+$0xFFFFFE30];
	[tilespmem:s26+$0x20] =	vst v0;
	v0 =	vmul.f32 v7, v1  }
0x1f6: {  	v1 =	vld [tilespmem:s28+$0xFFFFFE30]  }
0x1f7: {  	v7 =	vld [tilespmem:s30+$0xFFFFFEB0];
	[tilespmem:s26+$0xA0] =	vst v0;
	v0 =	vmul.f32 v5, v4  }
0x1f8: {  	v4 =	vld [tilespmem:s28+$0xFFFFFEB0]  }
0x1f9: {  	v5 =	vld [tilespmem:s30+$0xFFFFFF30];
	[tilespmem:s26+$0x120] =	vst v0;
	v0 =	vmul.f32 v3, v2  }
0x1fa: {  	v2 =	vld [tilespmem:s28+$0xFFFFFF30]  }
0x1fb: {  	v1 =	vmul.f32 v1, v6;
	v3 =	vld [tilespmem:s30+$0xFFFFFFB0];
	[tilespmem:s26+$0x1E0] =	vst v0  }
0x1fc: {  	v0 =	vld [tilespmem:s30+$0x1F0]  }
0x1fd: {  	[tilespmem:s26+$0xFFFFFE30] =	vst v1;
	v1 =	vmul.f32 v4, v7;
	v4 =	vld [tilespmem:s28+$0x1F0]  }
0x1fe: {  	v6 =	vld [tilespmem:s28+$0xFFFFFFB0]  }
0x1ff: {  	[tilespmem:s26+$0xFFFFFEB0] =	vst v1;
	v1 =	vmul.f32 v2, v5;
	v2 =	vld [tilespmem:s30+$0x30]  }
0x200: {  	v5 =	vld [tilespmem:s28+$0x30]  }
0x201: {  	[tilespmem:s26+$0xFFFFFF30] =	vst v1;
	v1 =	vld [tilespmem:s30+$0xB0]  }
0x202: {  	v7 =	vld [tilespmem:s28+$0xB0];
	v0 =	vmul.f32 v4, v0  }
0x203: {  	v3 =	vmul.f32 v6, v3;
	v4 =	vld [tilespmem:s30+$0x130]  }
0x204: {  	v6 =	vld [tilespmem:s28+$0x130];
	[tilespmem:s26+$0x1F0] =	vst v0  }
0x205: {  	v0 =	vld [tilespmem:s30+$0xFFFFFE40];
	[tilespmem:s26+$0xFFFFFFB0] =	vst v3;
	v2 =	vmul.f32 v5, v2  }
0x206: {  	v3 =	vld [tilespmem:s28+$0xFFFFFE40]  }
0x207: {  	v5 =	vld [tilespmem:s30+$0xFFFFFEC0];
	[tilespmem:s26+$0x30] =	vst v2;
	v1 =	vmul.f32 v7, v1  }
0x208: {  	v2 =	vld [tilespmem:s28+$0xFFFFFEC0]  }
0x209: {  	v7 =	vld [tilespmem:s30+$0xFFFFFF40];
	[tilespmem:s26+$0xB0] =	vst v1;
	v1 =	vmul.f32 v6, v4  }
0x20a: {  	v4 =	vld [tilespmem:s28+$0xFFFFFF40]  }
0x20b: {  	v0 =	vmul.f32 v3, v0;
	v3 =	vld [tilespmem:s30+$0xFFFFFFC0];
	[tilespmem:s26+$0x130] =	vst v1  }
0x20c: {  	v1 =	vld [tilespmem:s28+$0xFFFFFFC0]  }
0x20d: {  	[tilespmem:s26+$0xFFFFFE40] =	vst v0;
	v0 =	vmul.f32 v2, v5;
	v2 =	vld [tilespmem:s30+$0x40]  }
0x20e: {  	v5 =	vld [tilespmem:s28+$0x40]  }
0x20f: {  	[tilespmem:s26+$0xFFFFFEC0] =	vst v0;
	v0 =	vmul.f32 v4, v7;
	v4 =	vld [tilespmem:s30+$0xC0]  }
0x210: {  	v6 =	vld [tilespmem:s28+$0xC0]  }
0x211: {  	[tilespmem:s26+$0xFFFFFF40] =	vst v0;
	v0 =	vmul.f32 v1, v3;
	v1 =	vld [tilespmem:s30+$0x140]  }
0x212: {  	v3 =	vld [tilespmem:s28+$0x140]  }
0x213: {  	v7 =	vld [tilespmem:s30+$0xFFFFFE50];
	[tilespmem:s26+$0xFFFFFFC0] =	vst v0;
	v0 =	vmul.f32 v5, v2  }
0x214: {  	v2 =	vld [tilespmem:s28+$0xFFFFFE50]  }
0x215: {  	v5 =	vld [tilespmem:s30+$0xFFFFFED0];
	[tilespmem:s26+$0x40] =	vst v0;
	v0 =	vmul.f32 v6, v4  }
0x216: {  	v4 =	vld [tilespmem:s28+$0xFFFFFED0]  }
0x217: {  	v6 =	vld [tilespmem:s30+$0xFFFFFF50];
	[tilespmem:s26+$0xC0] =	vst v0;
	v0 =	vmul.f32 v3, v1  }
0x218: {  	v1 =	vld [tilespmem:s28+$0xFFFFFF50]  }
0x219: {  	v2 =	vmul.f32 v2, v7;
	v3 =	vld [tilespmem:s30+$0xFFFFFFD0];
	[tilespmem:s26+$0x140] =	vst v0  }
0x21a: {  	v0 =	vld [tilespmem:s28+$0xFFFFFFD0]  }
0x21b: {  	[tilespmem:s26+$0xFFFFFE50] =	vst v2;
	v2 =	vmul.f32 v4, v5;
	v4 =	vld [tilespmem:s30+$0x50]  }
0x21c: {  	v5 =	vld [tilespmem:s28+$0x50]  }
0x21d: {  	[tilespmem:s26+$0xFFFFFED0] =	vst v2;
	v1 =	vmul.f32 v1, v6;
	v2 =	vld [tilespmem:s30+$0xD0]  }
0x21e: {  	v6 =	vld [tilespmem:s28+$0xD0]  }
0x21f: {  	[tilespmem:s26+$0xFFFFFF50] =	vst v1;
	v0 =	vmul.f32 v0, v3;
	v1 =	vld [tilespmem:s30+$0x150]  }
0x220: {  	v3 =	vld [tilespmem:s28+$0x150]  }
0x221: {  	v7 =	vld [tilespmem:s30+$0xFFFFFE60];
	[tilespmem:s26+$0xFFFFFFD0] =	vst v0;
	v0 =	vmul.f32 v5, v4  }
0x222: {  	v4 =	vld [tilespmem:s28+$0xFFFFFE60]  }
0x223: {  	v5 =	vld [tilespmem:s30+$0xFFFFFEE0];
	[tilespmem:s26+$0x50] =	vst v0;
	v0 =	vmul.f32 v6, v2  }
0x224: {  	v2 =	vld [tilespmem:s28+$0xFFFFFEE0]  }
0x225: {  	v6 =	vld [tilespmem:s30+$0xFFFFFF60];
	[tilespmem:s26+$0xD0] =	vst v0;
	v0 =	vmul.f32 v3, v1  }
0x226: {  	v1 =	vld [tilespmem:s28+$0xFFFFFF60]  }
0x227: {  	v3 =	vmul.f32 v4, v7;
	v4 =	vld [tilespmem:s30+$0xFFFFFFE0];
	[tilespmem:s26+$0x150] =	vst v0  }
0x228: {  	v0 =	vld [tilespmem:s28+$0xFFFFFFE0]  }
0x229: {  	[tilespmem:s26+$0xFFFFFE60] =	vst v3;
	v2 =	vmul.f32 v2, v5;
	v3 =	vld [tilespmem:s30+$0x60]  }
0x22a: {  	v5 =	vld [tilespmem:s28+$0x60]  }
0x22b: {  	[tilespmem:s26+$0xFFFFFEE0] =	vst v2;
	v1 =	vmul.f32 v1, v6;
	v2 =	vld [tilespmem:s30+$0xE0]  }
0x22c: {  	v6 =	vld [tilespmem:s28+$0xE0]  }
0x22d: {  	[tilespmem:s26+$0xFFFFFF60] =	vst v1;
	v0 =	vmul.f32 v0, v4;
	v1 =	vld [tilespmem:s30+$0x160]  }
0x22e: {  	v4 =	vld [tilespmem:s28+$0x160]  }
0x22f: {  	v7 =	vld [tilespmem:s30+$0xFFFFFE70];
	[tilespmem:s26+$0xFFFFFFE0] =	vst v0;
	v0 =	vmul.f32 v5, v3  }
0x230: {  	v3 =	vld [tilespmem:s28+$0xFFFFFE70]  }
0x231: {  	v5 =	vld [tilespmem:s30+$0xFFFFFEF0];
	[tilespmem:s26+$0x60] =	vst v0;
	v0 =	vmul.f32 v6, v2  }
0x232: {  	v2 =	vld [tilespmem:s28+$0xFFFFFEF0]  }
0x233: {  	v6 =	vld [tilespmem:s30+$0xFFFFFF70];
	[tilespmem:s26+$0xE0] =	vst v0;
	v0 =	vmul.f32 v4, v1  }
0x234: {  	v1 =	vld [tilespmem:s28+$0xFFFFFF70]  }
0x235: {  	v3 =	vmul.f32 v3, v7;
	v7 =	vld [tilespmem:s30+$0xFFFFFFF0];
	[tilespmem:s26+$0x160] =	vst v0  }
0x236: {  	v8 =	vld [tilespmem:s28+$0xFFFFFFF0]  }
0x237: {  	[tilespmem:s26+$0xFFFFFE70] =	vst v3;
	v3 =	vmul.f32 v2, v5;
	v0 =	vld [tilespmem:s30+$0x70]  }
.Ltmp1:
0x238: {  	v2 =	vld [tilespmem:s28+$0x70];
	(pc) =	sbr.rel @p0 .LBB2_5-.Ltmp1, $4  }
0x239: {  	[tilespmem:s26+$0xFFFFFEF0] =	vst v3;
	v3 =	vmul.f32 v1, v6;
	v1 =	vld [tilespmem:s30+$0xF0]  }
0x23a: {  	v4 =	vld [tilespmem:s28+$0xF0]  }
0x23b: {  	[tilespmem:s26+$0xFFFFFF70] =	vst v3;
	v6 =	vmul.f32 v8, v7;
	v3 =	vld [tilespmem:s30+$0x170]  }
0x23c: {  	s30 =	sadd.s32 $0x400, s30;
	v5 =	vld [tilespmem:s28+$0x170]  }
0x23d: {  	_ = 	snop  }
0x23e: {  	s24 =	sadd.s32 $0x1, s24  }
0x23f: {  	v0 =	vmul.f32 v2, v0;
	p0 =	sne.s32 s24, $0x14  }
.Ltmp2:
0x240: {  	[tilespmem:s26+$0xFFFFFFF0] =	vst v6;
	v1 =	vmul.f32 v4, v1;
	(pc) =	sbr.rel @p0 .LBB2_2-.Ltmp2, $4  }
0x241: {  	s25 =	sadd.s32 s5, s25;
	[tilespmem:s26+$0x70] =	vst v0;
	v63 =	vmul.f32 v5, v3  }
0x242: {  	s25 =	sshll.u32 s25, $0x4;
	[tilespmem:s26+$0xF0] =	vst v1  }
0x243: {  	s25 =	sadd.s32 s6, s25;
	[tilespmem:s26+$0x170] =	vst v63  }
0x244: {  	[hbm4b:s25+s4] =	stream.linear.scatter [tilespmem:s20], [sflag:$0x4], $0x4000, $0x38;
	[tilespmem:$0x1A800] =	vst v63  }
0x245: {  	s23 =	sadd.s32 $0x1, s23  }
0x246: {  	_ =	swait.ge [sflag:s21], $0x4000;
	p0 =	sne.s32 s23, s9  }
.Ltmp3:
0x247: {  	[sflag:s21] =	ssyncset.done $0x0;
	(pc) =	sbr.rel @p0 .LBB2_1-.Ltmp3, $4  }
0x248: {  	[sflag:s21] =	ssyncadd.s32 $0xFFFFC000  }
0x249: {  	_ =	swait.ge [sflag:s22], $0x4000  }
0x24a: {  	[sflag:s22] =	ssyncset.done $0x0  }
0x24b: {  	[sflag:s22] =	ssyncadd.s32 $0xFFFFC000  }
0x24c: {  	_ =	sfence.sel $0x180000  }
0x24d: {  	[bflag:$0x0] =	sbarrier.arrive $0xFFFF  }
0x24e: {  	p0 =	sne.s32 s0, $0x0;
	_ =	strace $0x90000047  }
0x24f: {  	s0 =	sadd.s32 @!p0 $0x100000, s3;
	[bflag:$0x2] =	sbarrier.arrive $0xFFFF  }
0x250: {  	[sflag:s0] =	ssyncadd.tile.s32 @!p0 $0x1;
	_ =	shalt  }
.Lfunc_end2:
_tile_overlayer_lowered:
.L_overlay_start_2:
0x251: {  	(tag) =	ssettag $0x2  }
0x252: {  	s0 =	rddreg [dreg:$0x0];
	s2 =	stileid.u32  }
0x253: {  	s1 =	rddreg [dreg:$0x1];
	p0 =	sne.s32 s2, $0x0  }
0x254: {  	s3 =	rddreg [dreg:$0x2];
	[bflag:$0x3] =	sbarrier.arrive $0xFFFF;
	s2 =	simm.s32 @!p0 $0x1C05  }
0x255: {  	[timem:s3], [sflag:s2] =	dma.local @!p0 [hbm:s0], s1  }
0x256: {  	s0 =	simm.s32 @!p0 $0x5  }
0x257: {  	_ =	swait.ge @!p0 [sflag:s0], s1  }
0x258: {  	s1 =	ssub.s32 @!p0 $0x0, s1;
	[sflag:s0] =	ssyncset.done @!p0 $0x0  }
0x259: {  	[sflag:s0] =	ssyncadd.s32 @!p0 s1  }
0x25a: {  	[bflag:$0x3] =	sbarrier.arrive $0xFFFF  }
0x25b: {  	_ =	shalt  }

// kernel: kernel.13.cloned.1.call-start
scs
__scs_entry_jumppad:
0x0: {  	(pc) =	sbr.rel $0x88, $3  }
0x1: {  	(tag) =	ssettag $0x0;
	lr =	simm.s32 $0x1  }
0x2: {  	[smem:$0x3F95] =	sst lr;
	_ =	strace $0xD0000000  }
0x3: {  	_ = 	snop  }
0x4: {  	_ = 	snop  }
0x5: {  	_ = 	snop  }
0x6: {  	_ = 	snop  }
0x7: {  	_ = 	snop  }
__scs_overlays_trampoline_lowered:
0x8: {  	[smem:$0x3FA4] =	sst s0  }
0x9: {  	[smem:$0x3FA5] =	sst s1  }
0xa: {  	[smem:$0x3FA6] =	sst s2  }
0xb: {  	[smem:$0x3FA7] =	sst s3  }
0xc: {  	[smem:$0x3FA8] =	sst s4  }
0xd: {  	[smem:$0x3FA9] =	sst s5  }
0xe: {  	[smem:$0x3FAA] =	sst s6  }
0xf: {  	[smem:$0x3FAB] =	sst s7  }
0x10: {  	[smem:$0x3FAC] =	sst s8  }
0x11: {  	[smem:$0x3FAD] =	sst s9;
	s0 =	simm.s32 @!p0 $0x0  }
0x12: {  	s1 =	sld [smem:$0x3F93];
	s0 =	simm.s32 @p0 $0x1  }
0x13: {  	[smem:$0x3FAE] =	sst s0;
	s0 =	simm.s32 @!p1 $0x0  }
0x14: {  	s2 =	sld [smem:$0x3F92];
	s0 =	simm.s32 @p1 $0x1  }
0x15: {  	[smem:$0x3FAF] =	sst s0;
	s0 =	simm.s32 @!p2 $0x0  }
0x16: {  	s3 =	sld [smem:$0x3FDB];
	s0 =	simm.s32 @p2 $0x1  }
0x17: {  	s4 =	simm.s32 $0x1BF5;
	[smem:$0x3FB1] =	sst s0  }
0x18: {  	s0 =	sld [smem:$0x3F94];
	_ =	swait.ge [sflag:s4], $0x0  }
0x19: {  	s7 =	sld [smem:$0x3F95]  }
0x1a: {  	s8 =	sadd.s32 $0xFFFFE003, lr  }
0x1b: {  	s9 =	sadd.s32 $0xFFFFFEF7, lr;
	s5 =	simm.s32 $0xFFFFFFFF;
	p2 =	slt.u32 s8, $0xFFFFF086  }
0x1c: {  	p1 =	slt.u32 s9, $0xF7A;
	s5 =	simm.s32 @!p2 $0x0  }
0x1d: {  	s5 =	simm.s32 @p1 $0x1;
	p0 =	seq.s32 s7, s2  }
0x1e: {  	s7 =	smul.u32 @!p0 $0xF7A, s2;
	p2 =	seq.s32 @!p0 s5, $0x0  }
0x1f: {  	s9 =	smul.u32 $0xF7A, s1;
	s8 =	simm.s32 @!p0 $0x1BF5;
	p2 =	por !p2, p0  }
0x20: {  	[sflag:s8] =	ssyncset.s32 @!p0 $0xFFFFF086;
	s6 =	sadd.s32 @!p0 s3, s7;
	s7 =	simm.s32 @!p0 $0x108  }
0x21: {  	s3 =	sadd.s32 s3, s9;
	s6 =	sadd.s32 @!p0 $0x88, s6;
	s7 =	simm.s32 @p2 $0x1082  }
0x22: {  	[simem:s7], [sflag:s8] =	dma.local @!p0 [hbm:s6], $0xF7A  }
0x23: {  	s9 =	sor.u32 $0xD0000000, s2;
	s6 =	simm.s32 $0x108;
	_ =	swait.ge @!p0 [sflag:s8], $0x0  }
0x24: {  	s3 =	sadd.s32 $0x88, s3;
	s6 =	simm.s32 @!p1 $0x1082;
	[sflag:s4] =	ssyncset.s32 $0xFFFFF086  }
0x25: {  	[simem:s6], [sflag:s4] =	dma.local [hbm:s3], $0xF7A  }
0x26: {  	[smem:$0x3F95] =	sst s1;
	(tag) =	ssettag s2;
	_ =	strace s9  }
0x27: {  	s1 =	sld [smem:$0x3FA5]  }
0x28: {  	s2 =	sld [smem:$0x3FA6]  }
0x29: {  	s4 =	sld [smem:$0x3FA8]  }
0x2a: {  	p0 =	seq.s32 s5, $0x0;
	s5 =	sld [smem:$0x3FA9]  }
0x2b: {  	s6 =	sld [smem:$0x3FAA]  }
0x2c: {  	s7 =	sld [smem:$0x3FAB]  }
0x2d: {  	s3 =	simm.s32 $0x108;
	s8 =	sld [smem:$0x3FAC]  }
0x2e: {  	s3 =	simm.s32 @!p0 $0x1082;
	s9 =	sld [smem:$0x3FAD]  }
0x2f: {  	lr =	sadd.s32 s0, s3;
	s0 =	sld [smem:$0x3FA4]  }
0x30: {  	s3 =	sld [smem:$0x3FA7]  }
0x31: {  	[smem:$0x3FB0] =	sst s10  }
0x32: {  	s10 =	sld [smem:$0x3FAE];
	_ =	sdelay $0x3  }
0x33: {  	p0 =	seq.s32 s10, $0x1;
	s10 =	sld [smem:$0x3FB0];
	_ =	sdelay $0x3  }
0x34: {  	[smem:$0x3FB0] =	sst s10  }
0x35: {  	s10 =	sld [smem:$0x3FAF];
	_ =	sdelay $0x3  }
0x36: {  	p1 =	seq.s32 s10, $0x1;
	s10 =	sld [smem:$0x3FB0];
	_ =	sdelay $0x3  }
0x37: {  	[smem:$0x3FB0] =	sst s10  }
0x38: {  	s10 =	sld [smem:$0x3FB1]  }
0x39: {  	_ = 	snop;
	(pc) =	sbr.ind lr, $3  }
0x3a: {  	_ = 	snop  }
0x3b: {  	_ = 	snop  }
0x3c: {  	p2 =	seq.s32 s10, $0x1;
	s10 =	sld [smem:$0x3FB0]  }
0x3d: {  	_ =	shalt  }
0x3e: {  	_ =	shalt  }
0x3f: {  	_ =	shalt  }
0x40: {  	_ =	shalt  }
0x41: {  	_ =	shalt  }
0x42: {  	_ =	shalt  }
0x43: {  	_ =	shalt  }
0x44: {  	_ =	shalt  }
0x45: {  	_ =	shalt  }
0x46: {  	_ =	shalt  }
0x47: {  	_ =	shalt  }
0x48: {  	_ =	shalt  }
0x49: {  	_ =	shalt  }
0x4a: {  	_ =	shalt  }
0x4b: {  	_ =	shalt  }
0x4c: {  	_ =	shalt  }
0x4d: {  	_ =	shalt  }
0x4e: {  	_ =	shalt  }
0x4f: {  	_ =	shalt  }
0x50: {  	_ =	shalt  }
0x51: {  	_ =	shalt  }
0x52: {  	_ =	shalt  }
0x53: {  	_ =	shalt  }
0x54: {  	_ =	shalt  }
0x55: {  	_ =	shalt  }
0x56: {  	_ =	shalt  }
0x57: {  	_ =	shalt  }
0x58: {  	_ =	shalt  }
0x59: {  	_ =	shalt  }
0x5a: {  	_ =	shalt  }
0x5b: {  	_ =	shalt  }
0x5c: {  	_ =	shalt  }
0x5d: {  	_ =	shalt  }
0x5e: {  	_ =	shalt  }
0x5f: {  	_ =	shalt  }
0x60: {  	_ =	shalt  }
0x61: {  	_ =	shalt  }
0x62: {  	_ =	shalt  }
0x63: {  	_ =	shalt  }
0x64: {  	_ =	shalt  }
0x65: {  	_ =	shalt  }
0x66: {  	_ =	shalt  }
0x67: {  	_ =	shalt  }
0x68: {  	_ =	shalt  }
0x69: {  	_ =	shalt  }
0x6a: {  	_ =	shalt  }
0x6b: {  	_ =	shalt  }
0x6c: {  	_ =	shalt  }
0x6d: {  	_ =	shalt  }
0x6e: {  	_ =	shalt  }
0x6f: {  	_ =	shalt  }
0x70: {  	_ =	shalt  }
0x71: {  	_ =	shalt  }
0x72: {  	_ =	shalt  }
0x73: {  	_ =	shalt  }
0x74: {  	_ =	shalt  }
0x75: {  	_ =	shalt  }
0x76: {  	_ =	shalt  }
0x77: {  	_ =	shalt  }
0x78: {  	_ =	shalt  }
0x79: {  	_ =	shalt  }
0x7a: {  	_ =	shalt  }
0x7b: {  	_ =	shalt  }
0x7c: {  	_ =	shalt  }
0x7d: {  	_ =	shalt  }
0x7e: {  	_ =	shalt  }
0x7f: {  	_ =	shalt  }
0x80: {  	_ =	shalt  }
0x81: {  	_ =	shalt  }
0x82: {  	_ =	shalt  }
0x83: {  	_ =	shalt  }
0x84: {  	_ =	shalt  }
0x85: {  	_ =	shalt  }
0x86: {  	_ =	shalt  }
0x87: {  	_ =	shalt  }
.Lfunc_end0:
.L_simem_size_0:
called_computation.1_lowered:
.L_overlay_start_0:
0x88: {  	s2 =	sld [smem:$0x3FD9]  }
0x89: {  	s3 =	sld [smem:$0x3FFE];
	_ =	sdelay $0x1  }
0x8a: {  	s1 =	srdreg.scid  }
0x8b: {  	s0 =	sand.u32 $0x1, s1  }
0x8c: {  	s17 =	sshll.u32 s0, $0xA;
	s2 =	sadd.s32 s3, s2  }
0x8d: {  	s2 =	sadd.s32 s2, s17  }
0x8e: {  	[smem:$0x3FBC] =	sst s2  }
0x8f: {  	_ = 	snop  }
0x90: {  	s18 =	sld [smem:$0x3FC9]  }
0x91: {  	s4 =	sld [smem:$0x3FC8];
	(tm) =	ssettm $0x1  }
0x92: {  	s19 =	sld [smem:$0x3FFB];
	_ =	sdelay $0x3  }
0x93: {  	_ =	strace s19  }
0x94: {  	s2 =	sld [smem:$0x3FFC];
	_ =	sdelay $0x3  }
0x95: {  	_ =	strace s2  }
0x96: {  	s2 =	sld [smem:$0x3FFD];
	_ =	sdelay $0x3  }
0x97: {  	_ =	strace s2  }
0x98: {  	_ =	strace $0x8FFFFFFF  }
0x99: {  	s20 =	sld [smem:$0x3FDB];
	_ =	sdelay $0x1  }
0x9a: {  	s5 =	simm.s32 $_scs_section_size  }
0x9b: {  	s6 =	simm.s32 $_size__tile_overlayer_lowered;
	s7 =	simm.s32 $_tile_overlayer_lowered  }
0x9c: {  	s8 =	simm.s32 $0x1BFF;
	s21 =	sshll.u32 s7, $0x1;
	s5 =	sadd.s32 s5, s20  }
0x9d: {  	s22 =	simm.s32 $0x0;
	s6 =	sshll.u32 s6, $0x1;
	s7 =	sadd.s32 s21, s5  }
0x9e: {  	[timem:s22], [sflag:s8] =	dma.local [hbm:s7], s6  }
0x9f: {  	_ =	swait.ge [sflag:s8], s6  }
0xa0: {  	s6 =	ssub.s32 $0x0, s6;
	[sflag:s8] =	ssyncset.done $0x0  }
0xa1: {  	[sflag:s8] =	ssyncadd.s32 s6;
	_ =	sdelay $0x1  }
0xa2: {  	s23 =	simm.s32 $0x1B8B  }
0xa3: {  	_ =	swait.ge [sflag:s23], $0x1  }
0xa4: {  	[sflag:s23] =	ssyncset.done $0x0  }
0xa5: {  	[sflag:s23] =	ssyncadd.s32 $0xFFFFFFFF  }
0xa6: {  	s6 =	sld [smem:$0x0]  }
0xa7: {  	s7 =	sand.u32 $0xFFFFFFFE, s1  }
0xa8: {  	p0 =	sne.s32 s1, s7  }
0xa9: {  	s7 =	sshll.u32 @p0 s7, $0xE  }
0xaa: {  	s7 =	sadd.s32 @p0 $0x11B8D, s7;
	s8 =	sshll.u32 @p0 s6, $0x11  }
0xab: {  	s7 =	sor.u32 @p0 s8, s7  }
0xac: {  	[sflag:s7] =	ssyncadd.remote.s32 @p0 $0x1;
	_ =	sdelay $0x1  }
0xad: {  	s7 =	simm.s32 @p0 $0x1B8D  }
0xae: {  	_ =	swait.eq @p0 [sflag:s7], $0x1  }
0xaf: {  	[sflag:s7] =	ssyncadd.s32 @p0 $0xFFFFFFFF  }
0xb0: {  	s8 =	sshll.u32 @!p0 s1, $0xE  }
0xb1: {  	s8 =	sor.u32 @!p0 $0x4000, s8;
	s7 =	simm.s32 @!p0 $0x1B8D  }
0xb2: {  	s6 =	sshll.u32 @!p0 s6, $0x11;
	s8 =	sadd.s32 @!p0 $0x11B8D, s8;
	_ =	swait.eq @!p0 [sflag:s7], $0x1  }
0xb3: {  	s6 =	sor.u32 @!p0 s6, s8;
	[sflag:s7] =	ssyncadd.s32 @!p0 $0xFFFFFFFF  }
0xb4: {  	s25 =	simm.s32 $0x1B8E;
	s24 =	sld [smem:$0x3FFE];
	[sflag:s6] =	ssyncadd.remote.s32 @!p0 $0x1  }
0xb5: {  	s26 =	simm.s32 $execute0_lowered;
	[smem:$0x3FD2] =	sst s25  }
0xb6: {  	s7 =	sshll.u32 s26, $0x1;
	_ =	strace $0x80000049;
	[dreg:$0x1] =	wrdreg $0xFFFFFFFF  }
0xb7: {  	s28 =	simm.s32 $_size_execute0_lowered;
	s5 =	sadd.s32 s5, s7;
	[dreg:$0x0] =	wrdreg $0x0  }
0xb8: {  	s7 =	sshll.u32 s28, $0x1;
	[dreg:$0x2] =	wrdreg s5  }
0xb9: {  	[dreg:$0x3] =	wrdreg s7  }
0xba: {  	[dreg:$0x4] =	wrdreg $0xC0  }
0xbb: {  	_ =	task [dreg:s22], $0x5FFFF  }
0xbc: {  	[dreg:$0x1] =	wrdreg $0xFFFFFFFF  }
0xbd: {  	[dreg:$0x0] =	wrdreg $0x60  }
0xbe: {  	[dreg:$0x2] =	wrdreg s4  }
0xbf: {  	[dreg:$0x3] =	wrdreg s18  }
0xc0: {  	[dreg:$0x4] =	wrdreg s24  }
0xc1: {  	[dreg:$0x5] =	wrdreg $0x9  }
0xc2: {  	_ =	task.clear_ibuf [dreg:s22], $0x6FFFF;
	_ =	strace $0x90000049  }
0xc3: {  	s29 =	simm.s32 $0x9;
	_ =	strace $0x8000004B  }
0xc4: {  	_ =	swait.ge [sflag:s29], $0x1  }
0xc5: {  	[sflag:s29] =	ssyncadd.s32 $0xFFFFFFFF  }
0xc6: {  	_ =	strace $0x9000004B  }
0xc7: {  	_ =	sfence  }
0xc8: {  	s30 =	sld [smem:$0x0];
	_ =	sdelay $0x2  }
0xc9: {  	s31 =	sshll.u32 s1, $0xD;
	s1 =	sshrl.u32 s1, $0x2  }
0xca: {  	s4 =	sand.u32 $0x4000, s31;
	s1 =	sadd.s32 s1, s30  }
0xcb: {  	s0 =	sor.u32 s4, s0;
	s1 =	sshll.u32 s1, $0x11  }
0xcc: {  	s0 =	sor.u32 s1, s0  }
0xcd: {  	s0 =	sadd.s32 $0x8F2B, s0  }
0xce: {  	[sflag:s0] =	ssyncadd.remote.s32 $0x1  }
0xcf: {  	_ =	sfence.sel $0xFFFF  }
0xd0: {  	[dreg:$0x0] =	wrdreg $0xFFFFFFFF;
	(pc) =	sbr.abs _section_cstart, $3  }
0xd1: {  	[dreg:$0x1] =	wrdreg $0xFFFFFFFF  }
0xd2: {  	_ =	task.clear_ibuf [dreg:s22], $0x2FFFF;
	_ =	strace $0x9FFFFFFF  }
0xd3: {  	(tm) =	ssettm $0x7FFFFFFF  }
tec
execute0_lowered:
.L_overlay_start_1:
0x0: {  	(tag) =	ssettag $0x1  }
0x1: {  	s1 =	rddreg [dreg:$0x0]  }
0x2: {  	s2 =	srdreg.scid;
	s3 =	rddreg [dreg:$0x1]  }
0x3: {  	s0 =	stileid.u32;
	s7 =	rddreg [dreg:$0x2];
	s4 =	simm.s32 $0x0  }
0x4: {  	s10 =	simm.s32 $0x5;
	s11 =	simm.s32 $0x1400;
	s12 =	simm.s32 $0x80  }
0x5: {  	s13 =	simm.s32 $0x2800;
	s14 =	simm.s32 $0xA800;
	s15 =	simm.s32 $0x6800  }
0x6: {  	s16 =	simm.s32 $0xE800;
	s17 =	simm.s32 $0x1;
	s18 =	simm.s32 $0x12800  }
0x7: {  	s19 =	simm.s32 $0x2;
	s6 =	sand.u32 $0x1, s2;
	s30 =	sshll.u32 s0, $0x1  }
0x8: {  	s20 =	simm.s32 $0x16800;
	s21 =	simm.s32 $0x3;
	s5 =	sor.u32 s6, s30  }
0x9: {  	s22 =	simm.s32 $0x4;
	s2 =	rddreg [dreg:$0x3];
	s5 =	smul.u32 $0x1388, s5  }
0xa: {  	s23 =	simm.s32 $0x0;
	[smem:$0x7FF] =	sst s4;
	s9 =	ssub.s32 $0x2, s6  }
0xb: {  	_ =	strace $0x8000004A;
	s31 =	sshrl.u32 s9, $0x1;
	s8 =	sshrl.u32 s5, $0x3  }
0xc: {  	s6 =	sadd.s32 $0x281800, s7;
	s9 =	ssub.s32 s9, s31;
	s8 =	sadd.s32 s8, s7  }
0xd: {  	s9 =	smax.u32 s9, $0x1;
	s7 =	sadd.s32 $0x27C800, s8;
	s8 =	sadd.s32 $0x277800, s8  }
.LBB2_1:
0xe: {  	[tilespmem:s4], [sflag:$0x5] =	stream.linear.gather [hbm4b:s7+s4], $0x1388, $0x38;
	[tilespmem:$0x1A800] =	vst v63  }
0xf: {  	_ =	swait.ge [sflag:s10], $0x1388  }
0x10: {  	[sflag:s10] =	ssyncset.done $0x0  }
0x11: {  	[sflag:s10] =	ssyncadd.s32 $0xFFFFEC78  }
0x12: {  	[tilespmem:s11], [sflag:$0x5] =	stream.linear.gather [hbm4b:s8+s4], $0x1388, $0x38;
	[tilespmem:$0x1A800] =	vst v63  }
0x13: {  	_ =	swait.ge [sflag:s10], $0x1388  }
0x14: {  	[sflag:s10] =	ssyncset.done $0x0  }
0x15: {  	[sflag:s10] =	ssyncadd.s32 $0xFFFFEC78  }
0x16: {  	[tilespmem:s13], [sflag:$0x1] =	stream.indirect.gather [hbm4b:s1+s12], $0x80, s4, s12, $0xb8;
	[tilespmem:$0x1A800] =	vst v63  }
0x17: {  	s24 =	simm.s32 $0x0  }
0x18: {  	[tilespmem:s14], [sflag:$0x1] =	stream.indirect.gather [hbm4b:s3+s12], $0x80, s11, s12, $0xb8;
	[tilespmem:$0x1A800] =	vst v63  }
.LBB2_2:
0x19: {  	s26 =	sshll.u32 s24, $0x8  }
0x1a: {  	s25 =	sor.u32 $0x80, s26  }
0x1b: {  	s25 =	smin.u32 s25, $0x1308  }
0x1c: {  	[tilespmem:s15], [sflag:$0x2] =	stream.indirect.gather [hbm4b:s1+s12], $0x80, s25, s12, $0xb8;
	[tilespmem:$0x1A800] =	vst v63  }
0x1d: {  	s28 =	sadd.s32 $0x1400, s25  }
0x1e: {  	[tilespmem:s16], [sflag:$0x2] =	stream.indirect.gather [hbm4b:s3+s12], $0x80, s28, s12, $0xb8;
	[tilespmem:$0x1A800] =	vst v63  }
0x1f: {  	_ =	swait.ge [sflag:s17], $0x4000  }
0x20: {  	[sflag:s17] =	ssyncset.done $0x0  }
0x21: {  	[sflag:s17] =	ssyncadd.s32 $0xFFFFC000  }
0x22: {  	_ =	swait.ge [sflag:s17], $0x4000  }
0x23: {  	p0 =	seq.s32 s24, $0x0;
	[sflag:s17] =	ssyncset.done $0x0  }
0x24: {  	s28 =	simm.s32 @!p0 $0x3;
	[sflag:s17] =	ssyncadd.s32 $0xFFFFC000  }
0x25: {  	_ =	swait.ge @!p0 [sflag:s28], $0x4000  }
0x26: {  	[sflag:s28] =	ssyncset.done @!p0 $0x0  }
0x27: {  	s30 =	simm.s32 $0x2A00;
	[sflag:s28] =	ssyncadd.s32 @!p0 $0xFFFFC000  }
0x28: {  	s29 =	simm.s32 $0xAA00;
	v0 =	vld [tilespmem:s30+$0x180]  }
0x29: {  	v1 =	vld [tilespmem:s29+$0x180]  }
0x2a: {  	v2 =	vld [tilespmem:s29+$0xFFFFFE00]  }
0x2b: {  	v3 =	vld [tilespmem:s30+$0xFFFFFE80]  }
0x2c: {  	v4 =	vld [tilespmem:s29+$0xFFFFFE80]  }
0x2d: {  	v5 =	vld [tilespmem:s30+$0xFFFFFF00]  }
0x2e: {  	v6 =	vld [tilespmem:s29+$0xFFFFFF00]  }
0x2f: {  	v7 =	vld [tilespmem:s29+$0xFFFFFF80]  }
0x30: {  	v9 =	vld [tilespmem:s30+$0x0]  }
0x31: {  	v10 =	vld [tilespmem:s29+$0x0]  }
0x32: {  	v11 =	vld [tilespmem:s30+$0x80]  }
0x33: {  	v12 =	vld [tilespmem:s29+$0x80];
	v0 =	vmul.f32 v1, v0  }
0x34: {  	s28 =	simm.s32 $0x12A00;
	v1 =	vld [tilespmem:s30+$0xFFFFFF80]  }
0x35: {  	v3 =	vmul.f32 v4, v3;
	v4 =	vld [tilespmem:s30+$0xFFFFFE00];
	[tilespmem:s28+$0x180] =	vst v0  }
0x36: {  	v0 =	vld [tilespmem:s30+$0x190]  }
0x37: {  	v8 =	vld [tilespmem:s29+$0x190]  }
0x38: {  	v13 =	vld [tilespmem:s30+$0x100];
	[tilespmem:s28+$0xFFFFFE80] =	vst v3;
	v3 =	vmul.f32 v6, v5  }
0x39: {  	v6 =	vld [tilespmem:s30+$0xFFFFFE90]  }
0x3a: {  	[tilespmem:s28+$0xFFFFFF00] =	vst v3;
	v3 =	vld [tilespmem:s29+$0xFFFFFE90];
	v1 =	vmul.f32 v7, v1  }
0x3b: {  	v2 =	vmul.f32 v2, v4;
	v4 =	vld [tilespmem:s30+$0xFFFFFF10]  }
0x3c: {  	[tilespmem:s28+$0xFFFFFF80] =	vst v1;
	v1 =	vld [tilespmem:s29+$0xFFFFFF10];
	v0 =	vmul.f32 v8, v0  }
0x3d: {  	[tilespmem:s28+$0xFFFFFE00] =	vst v2;
	v2 =	vld [tilespmem:s30+$0xFFFFFF90]  }
0x3e: {  	v32 =	vld [tilespmem:s29+$0xFFFFFF90];
	[tilespmem:s28+$0x190] =	vst v0  }
0x3f: {  	v0 =	vld [tilespmem:s30+$0x1A0]  }
0x40: {  	v3 =	vmul.f32 v3, v6;
	v5 =	vld [tilespmem:s29+$0x1A0]  }
0x41: {  	v8 =	vld [tilespmem:s29+$0x100]  }
0x42: {  	v7 =	vld [tilespmem:s29+$0xFFFFFE10];
	[tilespmem:s28+$0xFFFFFE90] =	vst v3;
	v1 =	vmul.f32 v1, v4  }
0x43: {  	v4 =	vld [tilespmem:s30+$0xFFFFFEA0]  }
0x44: {  	[tilespmem:s28+$0xFFFFFF10] =	vst v1;
	v1 =	vmul.f32 v32, v2;
	v2 =	vld [tilespmem:s29+$0xFFFFFEA0]  }
0x45: {  	v0 =	vmul.f32 v5, v0;
	v5 =	vld [tilespmem:s30+$0xFFFFFE10]  }
0x46: {  	v36 =	vld [tilespmem:s30+$0xFFFFFF20];
	[tilespmem:s28+$0xFFFFFF90] =	vst v1  }
0x47: {  	v1 =	vld [tilespmem:s29+$0xFFFFFF20];
	[tilespmem:s28+$0x1A0] =	vst v0;
	v0 =	vmul.f32 v10, v9  }
0x48: {  	v37 =	vld [tilespmem:s30+$0xFFFFFFA0]  }
0x49: {  	v30 =	vld [tilespmem:s30+$0x1B0];
	[tilespmem:s28+$0x0] =	vst v0;
	v0 =	vmul.f32 v12, v11  }
0x4a: {  	v31 =	vld [tilespmem:s29+$0x1B0];
	v5 =	vmul.f32 v7, v5  }
0x4b: {  	v33 =	vld [tilespmem:s30+$0x10];
	[tilespmem:s28+$0x80] =	vst v0;
	v0 =	vmul.f32 v8, v13  }
0x4c: {  	v34 =	vld [tilespmem:s30+$0x90];
	[tilespmem:s28+$0xFFFFFE10] =	vst v5  }
0x4d: {  	[tilespmem:s28+$0x100] =	vst v0;
	v0 =	vld [tilespmem:s29+$0x90]  }
0x4e: {  	v6 =	vld [tilespmem:s30+$0xFFFFFE20]  }
0x4f: {  	v9 =	vmul.f32 v31, v30;
	v3 =	vld [tilespmem:s29+$0xFFFFFE20]  }
0x50: {  	v35 =	vld [tilespmem:s30+$0x110]  }
0x51: {  	v7 =	vld [tilespmem:s29+$0x110];
	[tilespmem:s28+$0x1B0] =	vst v9  }
0x52: {  	v2 =	vmul.f32 v2, v4;
	v9 =	vld [tilespmem:s30+$0x1C0]  }
0x53: {  	v1 =	vmul.f32 v1, v36;
	v5 =	vld [tilespmem:s29+$0x1C0]  }
0x54: {  	[tilespmem:s28+$0xFFFFFEA0] =	vst v2;
	v8 =	vld [tilespmem:s29+$0x10];
	v0 =	vmul.f32 v0, v34  }
0x55: {  	v42 =	vld [tilespmem:s30+$0xFFFFFEB0];
	[tilespmem:s28+$0xFFFFFF20] =	vst v1;
	v3 =	vmul.f32 v3, v6  }
0x56: {  	v43 =	vld [tilespmem:s30+$0xFFFFFF30];
	[tilespmem:s28+$0x90] =	vst v0  }
0x57: {  	v0 =	vmul.f32 v7, v35;
	[tilespmem:s28+$0xFFFFFE20] =	vst v3;
	v40 =	vld [tilespmem:s30+$0xA0]  }
0x58: {  	v5 =	vmul.f32 v5, v9;
	v4 =	vld [tilespmem:s30+$0xFFFFFE30]  }
0x59: {  	[tilespmem:s28+$0x110] =	vst v0;
	v0 =	vld [tilespmem:s29+$0xA0]  }
0x5a: {  	[tilespmem:s28+$0x1C0] =	vst v5;
	v41 =	vld [tilespmem:s30+$0x120]  }
0x5b: {  	v5 =	vmul.f32 v8, v33;
	v8 =	vld [tilespmem:s30+$0x1D0]  }
0x5c: {  	v38 =	vld [tilespmem:s29+$0x1D0]  }
0x5d: {  	[tilespmem:s28+$0x10] =	vst v5;
	v5 =	vld [tilespmem:s29+$0xFFFFFFA0]  }
0x5e: {  	v6 =	vld [tilespmem:s29+$0x120]  }
0x5f: {  	v2 =	vld [tilespmem:s29+$0xFFFFFE30]  }
0x60: {  	v39 =	vld [tilespmem:s30+$0x20];
	v0 =	vmul.f32 v0, v40  }
0x61: {  	v7 =	vld [tilespmem:s29+$0x20];
	v8 =	vmul.f32 v38, v8  }
0x62: {  	[tilespmem:s28+$0xA0] =	vst v0;
	v1 =	vmul.f32 v5, v37;
	v5 =	vld [tilespmem:s29+$0xFFFFFEB0]  }
0x63: {  	v0 =	vmul.f32 v6, v41;
	v46 =	vld [tilespmem:s30+$0xB0];
	[tilespmem:s28+$0x1D0] =	vst v8  }
0x64: {  	v8 =	vld [tilespmem:s30+$0x1E0]  }
0x65: {  	[tilespmem:s28+$0x120] =	vst v0;
	v3 =	vld [tilespmem:s29+$0x1E0]  }
0x66: {  	v0 =	vmul.f32 v2, v4;
	[tilespmem:s28+$0xFFFFFFA0] =	vst v1;
	v1 =	vld [tilespmem:s29+$0xFFFFFF30]  }
0x67: {  	v2 =	vld [tilespmem:s29+$0xB0]  }
0x68: {  	v4 =	vld [tilespmem:s30+$0x130];
	[tilespmem:s28+$0xFFFFFE30] =	vst v0  }
0x69: {  	v47 =	vld [tilespmem:s30+$0xFFFFFE40];
	v0 =	vmul.f32 v5, v42  }
0x6a: {  	v5 =	vld [tilespmem:s29+$0x130]  }
0x6b: {  	v3 =	vmul.f32 v3, v8;
	[tilespmem:s28+$0xFFFFFEB0] =	vst v0;
	v0 =	vmul.f32 v1, v43;
	v1 =	vld [tilespmem:s29+$0xFFFFFE40]  }
0x6c: {  	v8 =	vld [tilespmem:s30+$0xFFFFFFB0]  }
0x6d: {  	v48 =	vld [tilespmem:s30+$0xFFFFFEC0];
	[tilespmem:s28+$0x1E0] =	vst v3;
	v3 =	vmul.f32 v7, v39  }
0x6e: {  	v7 =	vld [tilespmem:s30+$0x1F0]  }
0x6f: {  	[tilespmem:s28+$0x20] =	vst v3;
	v3 =	vld [tilespmem:s29+$0xFFFFFFB0]  }
0x70: {  	v45 =	vld [tilespmem:s30+$0x30];
	v1 =	vmul.f32 v1, v47  }
0x71: {  	v6 =	vld [tilespmem:s29+$0x30]  }
0x72: {  	v44 =	vld [tilespmem:s29+$0x1F0];
	[tilespmem:s28+$0xFFFFFE40] =	vst v1  }
0x73: {  	v52 =	vld [tilespmem:s30+$0xFFFFFE50]  }
0x74: {  	[tilespmem:s28+$0xFFFFFF30] =	vst v0;
	v0 =	vmul.f32 v3, v8;
	v3 =	vld [tilespmem:s29+$0xFFFFFEC0]  }
0x75: {  	v8 =	vld [tilespmem:s30+$0xFFFFFF40]  }
0x76: {  	[tilespmem:s28+$0xFFFFFFB0] =	vst v0;
	v0 =	vmul.f32 v6, v45;
	v6 =	vld [tilespmem:s29+$0xFFFFFF40]  }
0x77: {  	v49 =	vld [tilespmem:s30+$0xFFFFFFC0]  }
0x78: {  	[tilespmem:s28+$0x30] =	vst v0;
	v0 =	vmul.f32 v2, v46;
	v2 =	vld [tilespmem:s29+$0xFFFFFFC0]  }
0x79: {  	v50 =	vld [tilespmem:s30+$0x40]  }
0x7a: {  	v1 =	vmul.f32 v3, v48;
	[tilespmem:s28+$0xB0] =	vst v0;
	v0 =	vmul.f32 v5, v4;
	v4 =	vld [tilespmem:s29+$0x40]  }
0x7b: {  	v5 =	vld [tilespmem:s30+$0xC0]  }
0x7c: {  	[tilespmem:s28+$0xFFFFFEC0] =	vst v1;
	v1 =	vmul.f32 v6, v8;
	v6 =	vld [tilespmem:s29+$0xFFFFFE50]  }
0x7d: {  	[tilespmem:s28+$0x130] =	vst v0;
	v0 =	vld [tilespmem:s29+$0xC0]  }
0x7e: {  	v8 =	vld [tilespmem:s30+$0xFFFFFED0]  }
0x7f: {  	v51 =	vld [tilespmem:s30+$0x140]  }
0x80: {  	v3 =	vld [tilespmem:s29+$0x140]  }
0x81: {  	[tilespmem:s28+$0xFFFFFF40] =	vst v1;
	v1 =	vmul.f32 v2, v49;
	v2 =	vld [tilespmem:s29+$0xFFFFFED0]  }
0x82: {  	v53 =	vld [tilespmem:s30+$0xFFFFFF50]  }
0x83: {  	[tilespmem:s28+$0xFFFFFFC0] =	vst v1;
	v1 =	vmul.f32 v4, v50;
	v4 =	vld [tilespmem:s29+$0xFFFFFF50]  }
0x84: {  	v54 =	vld [tilespmem:s30+$0xFFFFFFD0];
	v6 =	vmul.f32 v6, v52  }
0x85: {  	[tilespmem:s28+$0x40] =	vst v1;
	v0 =	vmul.f32 v0, v5;
	v1 =	vld [tilespmem:s29+$0xFFFFFFD0]  }
0x86: {  	v5 =	vld [tilespmem:s30+$0x50];
	[tilespmem:s28+$0xFFFFFE50] =	vst v6  }
0x87: {  	[tilespmem:s28+$0xC0] =	vst v0;
	v0 =	vmul.f32 v3, v51;
	v3 =	vld [tilespmem:s29+$0x50]  }
0x88: {  	v2 =	vmul.f32 v2, v8;
	v8 =	vld [tilespmem:s30+$0xFFFFFE60]  }
0x89: {  	v55 =	vld [tilespmem:s30+$0xD0]  }
0x8a: {  	[tilespmem:s28+$0xFFFFFED0] =	vst v2;
	v2 =	vmul.f32 v4, v53;
	v4 =	vld [tilespmem:s29+$0xFFFFFE60]  }
0x8b: {  	[tilespmem:s28+$0x140] =	vst v0;
	v0 =	vld [tilespmem:s29+$0xD0]  }
0x8c: {  	v57 =	vld [tilespmem:s30+$0xFFFFFEE0]  }
0x8d: {  	v56 =	vld [tilespmem:s30+$0x150]  }
0x8e: {  	v6 =	vld [tilespmem:s29+$0x150]  }
0x8f: {  	[tilespmem:s28+$0xFFFFFF50] =	vst v2;
	v1 =	vmul.f32 v1, v54;
	v2 =	vld [tilespmem:s29+$0xFFFFFEE0]  }
0x90: {  	v58 =	vld [tilespmem:s30+$0xFFFFFF60]  }
0x91: {  	[tilespmem:s28+$0xFFFFFFD0] =	vst v1;
	v1 =	vmul.f32 v3, v5;
	v3 =	vld [tilespmem:s29+$0xFFFFFF60]  }
0x92: {  	v5 =	vld [tilespmem:s30+$0xFFFFFFE0];
	v4 =	vmul.f32 v4, v8  }
0x93: {  	[tilespmem:s28+$0x50] =	vst v1;
	v0 =	vmul.f32 v0, v55;
	v1 =	vld [tilespmem:s29+$0xFFFFFFE0]  }
0x94: {  	v59 =	vld [tilespmem:s30+$0x60];
	[tilespmem:s28+$0xFFFFFE60] =	vst v4  }
0x95: {  	[tilespmem:s28+$0xD0] =	vst v0;
	v0 =	vmul.f32 v6, v56;
	v6 =	vld [tilespmem:s29+$0x60]  }
0x96: {  	v2 =	vmul.f32 v2, v57;
	v61 =	vld [tilespmem:s30+$0xFFFFFE70]  }
0x97: {  	v60 =	vld [tilespmem:s30+$0xE0]  }
0x98: {  	[tilespmem:s28+$0xFFFFFEE0] =	vst v2;
	v2 =	vmul.f32 v3, v58;
	v3 =	vld [tilespmem:s29+$0xFFFFFE70]  }
0x99: {  	[tilespmem:s28+$0x150] =	vst v0;
	v0 =	vld [tilespmem:s29+$0xE0]  }
0x9a: {  	v62 =	vld [tilespmem:s30+$0xFFFFFEF0]  }
0x9b: {  	v8 =	vld [tilespmem:s30+$0x160]  }
0x9c: {  	v4 =	vld [tilespmem:s29+$0x160]  }
0x9d: {  	[tilespmem:s28+$0xFFFFFF60] =	vst v2;
	v1 =	vmul.f32 v1, v5;
	v5 =	vld [tilespmem:s29+$0xFFFFFEF0]  }
0x9e: {  	v14 =	vld [tilespmem:s30+$0xFFFFFF70]  }
0x9f: {  	[tilespmem:s28+$0xFFFFFFE0] =	vst v1;
	v1 =	vmul.f32 v6, v59;
	v6 =	vld [tilespmem:s29+$0xFFFFFF70]  }
0xa0: {  	v2 =	vmul.f32 v44, v7;
	v7 =	vld [tilespmem:s30+$0xFFFFFFF0]  }
0xa1: {  	v63 =	vld [tilespmem:s29+$0xFFFFFFF0];
	[tilespmem:s28+$0x60] =	vst v1;
	v1 =	vmul.f32 v0, v60  }
0xa2: {  	[tilespmem:s28+$0x1F0] =	vst v2;
	v3 =	vmul.f32 v3, v61;
	v0 =	vld [tilespmem:s30+$0x70]  }
0xa3: {  	v4 =	vmul.f32 v4, v8;
	v2 =	vld [tilespmem:s29+$0x70];
	[tilespmem:s28+$0xE0] =	vst v1  }
0xa4: {  	[tilespmem:s28+$0xFFFFFE70] =	vst v3;
	v1 =	vld [tilespmem:s30+$0xF0];
	v6 =	vmul.f32 v6, v14  }
0xa5: {  	v5 =	vmul.f32 v5, v62;
	[tilespmem:s28+$0x160] =	vst v4;
	v4 =	vld [tilespmem:s29+$0xF0]  }
0xa6: {  	v3 =	vld [tilespmem:s30+$0x170];
	[tilespmem:s28+$0xFFFFFF70] =	vst v6;
	v6 =	vmul.f32 v63, v7  }
0xa7: {  	s31 =	simm.s32 $0x2E00;
	[tilespmem:s28+$0xFFFFFEF0] =	vst v5;
	s30 =	simm.s32 $0x0;
	v5 =	vld [tilespmem:s29+$0x170]  }
.LBB2_3:
0xa8: {  	v7 =	vld [tilespmem:s31+$0x180];
	[tilespmem:s28+$0xFFFFFFF0] =	vst v6;
	v0 =	vmul.f32 v2, v0;
	s29 =	sadd.s32 $0x400, s29  }
0xa9: {  	v2 =	vld [tilespmem:s29+$0x180]  }
0xaa: {  	v6 =	vld [tilespmem:s29+$0xFFFFFE00];
	[tilespmem:s28+$0x70] =	vst v0;
	v0 =	vmul.f32 v4, v1  }
0xab: {  	v1 =	vld [tilespmem:s31+$0xFFFFFE80]  }
0xac: {  	v4 =	vld [tilespmem:s29+$0xFFFFFE80];
	[tilespmem:s28+$0xF0] =	vst v0;
	v0 =	vmul.f32 v5, v3  }
0xad: {  	v3 =	vld [tilespmem:s31+$0xFFFFFF00]  }
0xae: {  	v5 =	vld [tilespmem:s29+$0xFFFFFF00];
	v2 =	vmul.f32 v2, v7;
	[tilespmem:s28+$0x170] =	vst v0  }
0xaf: {  	s28 =	sadd.s32 $0x400, s28;
	v0 =	vld [tilespmem:s31+$0xFFFFFF80]  }
0xb0: {  	s30 =	sadd.s32 $0x8, s30;
	v7 =	vld [tilespmem:s29+$0xFFFFFF80];
	[tilespmem:s28+$0x180] =	vst v2  }
0xb1: {  	p1 =	slt.u32 s30, $0x78;
	v1 =	vmul.f32 v4, v1;
	v2 =	vld [tilespmem:s31+$0x190]  }
0xb2: {  	v4 =	vld [tilespmem:s29+$0x190]  }
0xb3: {  	[tilespmem:s28+$0xFFFFFE80] =	vst v1;
	v1 =	vmul.f32 v5, v3;
	v3 =	vld [tilespmem:s31+$0x0]  }
0xb4: {  	v5 =	vld [tilespmem:s29+$0x0]  }
0xb5: {  	[tilespmem:s28+$0xFFFFFF00] =	vst v1;
	v0 =	vmul.f32 v7, v0;
	v1 =	vld [tilespmem:s31+$0x80]  }
0xb6: {  	v7 =	vld [tilespmem:s29+$0x80]  }
0xb7: {  	[tilespmem:s28+$0xFFFFFF80] =	vst v0;
	v0 =	vld [tilespmem:s31+$0x100];
	v2 =	vmul.f32 v4, v2  }
0xb8: {  	v4 =	vld [tilespmem:s29+$0x100]  }
0xb9: {  	v8 =	vld [tilespmem:s31+$0xFFFFFE00];
	v3 =	vmul.f32 v5, v3;
	[tilespmem:s28+$0x190] =	vst v2  }
0xba: {  	v2 =	vld [tilespmem:s31+$0x1A0]  }
0xbb: {  	[tilespmem:s28+$0x0] =	vst v3;
	v1 =	vmul.f32 v7, v1;
	v3 =	vld [tilespmem:s29+$0x1A0]  }
0xbc: {  	v5 =	vld [tilespmem:s31+$0xFFFFFE90]  }
0xbd: {  	v7 =	vld [tilespmem:s29+$0xFFFFFE90];
	[tilespmem:s28+$0x80] =	vst v1;
	v0 =	vmul.f32 v4, v0  }
0xbe: {  	v1 =	vmul.f32 v6, v8;
	v4 =	vld [tilespmem:s31+$0xFFFFFF10]  }
0xbf: {  	v6 =	vld [tilespmem:s29+$0xFFFFFF10];
	[tilespmem:s28+$0x100] =	vst v0  }
0xc0: {  	[tilespmem:s28+$0xFFFFFE00] =	vst v1;
	v0 =	vld [tilespmem:s31+$0xFFFFFF90];
	v1 =	vmul.f32 v3, v2  }
0xc1: {  	v2 =	vld [tilespmem:s31+$0xFFFFFE10]  }
0xc2: {  	v3 =	vld [tilespmem:s29+$0xFFFFFE10];
	v5 =	vmul.f32 v7, v5;
	[tilespmem:s28+$0x1A0] =	vst v1  }
0xc3: {  	v1 =	vld [tilespmem:s31+$0x1B0]  }
0xc4: {  	[tilespmem:s28+$0xFFFFFE90] =	vst v5;
	v4 =	vmul.f32 v6, v4;
	v5 =	vld [tilespmem:s29+$0x1B0]  }
0xc5: {  	v6 =	vld [tilespmem:s29+$0xFFFFFF90]  }
0xc6: {  	[tilespmem:s28+$0xFFFFFF10] =	vst v4;
	v4 =	vld [tilespmem:s31+$0x10]  }
0xc7: {  	v2 =	vmul.f32 v3, v2;
	v3 =	vld [tilespmem:s29+$0x10]  }
0xc8: {  	v7 =	vld [tilespmem:s31+$0x90]  }
0xc9: {  	[tilespmem:s28+$0xFFFFFE10] =	vst v2;
	v2 =	vld [tilespmem:s29+$0x90];
	v1 =	vmul.f32 v5, v1  }
0xca: {  	v0 =	vmul.f32 v6, v0;
	v5 =	vld [tilespmem:s31+$0x110]  }
0xcb: {  	v6 =	vld [tilespmem:s29+$0x110];
	[tilespmem:s28+$0x1B0] =	vst v1  }
0xcc: {  	[tilespmem:s28+$0xFFFFFF90] =	vst v0;
	v0 =	vmul.f32 v3, v4;
	v1 =	vld [tilespmem:s31+$0x1C0]  }
0xcd: {  	v3 =	vld [tilespmem:s29+$0x1C0]  }
0xce: {  	v4 =	vld [tilespmem:s31+$0xFFFFFE20];
	[tilespmem:s28+$0x10] =	vst v0;
	v0 =	vmul.f32 v2, v7  }
0xcf: {  	v2 =	vld [tilespmem:s29+$0xFFFFFE20]  }
0xd0: {  	v7 =	vld [tilespmem:s31+$0xFFFFFEA0];
	[tilespmem:s28+$0x90] =	vst v0;
	v0 =	vmul.f32 v6, v5  }
0xd1: {  	v5 =	vld [tilespmem:s29+$0xFFFFFEA0]  }
0xd2: {  	v6 =	vld [tilespmem:s31+$0xFFFFFF20];
	[tilespmem:s28+$0x110] =	vst v0;
	v0 =	vmul.f32 v3, v1  }
0xd3: {  	v1 =	vld [tilespmem:s29+$0xFFFFFF20]  }
0xd4: {  	v2 =	vmul.f32 v2, v4;
	v3 =	vld [tilespmem:s31+$0xFFFFFFA0];
	[tilespmem:s28+$0x1C0] =	vst v0  }
0xd5: {  	v0 =	vld [tilespmem:s31+$0x1D0]  }
0xd6: {  	[tilespmem:s28+$0xFFFFFE20] =	vst v2;
	v2 =	vmul.f32 v5, v7;
	v4 =	vld [tilespmem:s29+$0x1D0]  }
0xd7: {  	v5 =	vld [tilespmem:s29+$0xFFFFFFA0]  }
0xd8: {  	[tilespmem:s28+$0xFFFFFEA0] =	vst v2;
	v1 =	vmul.f32 v1, v6;
	v2 =	vld [tilespmem:s31+$0x20]  }
0xd9: {  	v6 =	vld [tilespmem:s29+$0x20]  }
0xda: {  	[tilespmem:s28+$0xFFFFFF20] =	vst v1;
	v1 =	vld [tilespmem:s31+$0xA0]  }
0xdb: {  	v7 =	vld [tilespmem:s29+$0xA0];
	v0 =	vmul.f32 v4, v0  }
0xdc: {  	v3 =	vmul.f32 v5, v3;
	v4 =	vld [tilespmem:s31+$0x120]  }
0xdd: {  	v5 =	vld [tilespmem:s29+$0x120];
	[tilespmem:s28+$0x1D0] =	vst v0  }
0xde: {  	[tilespmem:s28+$0xFFFFFFA0] =	vst v3;
	v0 =	vmul.f32 v6, v2;
	v2 =	vld [tilespmem:s31+$0x1E0]  }
0xdf: {  	v3 =	vld [tilespmem:s29+$0x1E0]  }
0xe0: {  	v6 =	vld [tilespmem:s31+$0xFFFFFE30];
	[tilespmem:s28+$0x20] =	vst v0;
	v0 =	vmul.f32 v7, v1  }
0xe1: {  	v1 =	vld [tilespmem:s29+$0xFFFFFE30]  }
0xe2: {  	v7 =	vld [tilespmem:s31+$0xFFFFFEB0];
	[tilespmem:s28+$0xA0] =	vst v0;
	v0 =	vmul.f32 v5, v4  }
0xe3: {  	v4 =	vld [tilespmem:s29+$0xFFFFFEB0]  }
0xe4: {  	v5 =	vld [tilespmem:s31+$0xFFFFFF30];
	[tilespmem:s28+$0x120] =	vst v0;
	v0 =	vmul.f32 v3, v2  }
0xe5: {  	v2 =	vld [tilespmem:s29+$0xFFFFFF30]  }
0xe6: {  	v1 =	vmul.f32 v1, v6;
	v3 =	vld [tilespmem:s31+$0xFFFFFFB0];
	[tilespmem:s28+$0x1E0] =	vst v0  }
0xe7: {  	v0 =	vld [tilespmem:s31+$0x1F0]  }
0xe8: {  	[tilespmem:s28+$0xFFFFFE30] =	vst v1;
	v1 =	vmul.f32 v4, v7;
	v4 =	vld [tilespmem:s29+$0x1F0]  }
0xe9: {  	v6 =	vld [tilespmem:s29+$0xFFFFFFB0]  }
0xea: {  	[tilespmem:s28+$0xFFFFFEB0] =	vst v1;
	v1 =	vmul.f32 v2, v5;
	v2 =	vld [tilespmem:s31+$0x30]  }
0xeb: {  	v5 =	vld [tilespmem:s29+$0x30]  }
0xec: {  	[tilespmem:s28+$0xFFFFFF30] =	vst v1;
	v1 =	vld [tilespmem:s31+$0xB0]  }
0xed: {  	v7 =	vld [tilespmem:s29+$0xB0];
	v0 =	vmul.f32 v4, v0  }
0xee: {  	v3 =	vmul.f32 v6, v3;
	v4 =	vld [tilespmem:s31+$0x130]  }
0xef: {  	v6 =	vld [tilespmem:s29+$0x130];
	[tilespmem:s28+$0x1F0] =	vst v0  }
0xf0: {  	v0 =	vld [tilespmem:s31+$0xFFFFFE40];
	[tilespmem:s28+$0xFFFFFFB0] =	vst v3;
	v2 =	vmul.f32 v5, v2  }
0xf1: {  	v3 =	vld [tilespmem:s29+$0xFFFFFE40]  }
0xf2: {  	v5 =	vld [tilespmem:s31+$0xFFFFFEC0];
	[tilespmem:s28+$0x30] =	vst v2;
	v1 =	vmul.f32 v7, v1  }
0xf3: {  	v2 =	vld [tilespmem:s29+$0xFFFFFEC0]  }
0xf4: {  	v7 =	vld [tilespmem:s31+$0xFFFFFF40];
	[tilespmem:s28+$0xB0] =	vst v1;
	v1 =	vmul.f32 v6, v4  }
0xf5: {  	v4 =	vld [tilespmem:s29+$0xFFFFFF40]  }
0xf6: {  	v0 =	vmul.f32 v3, v0;
	v3 =	vld [tilespmem:s31+$0xFFFFFFC0];
	[tilespmem:s28+$0x130] =	vst v1  }
0xf7: {  	v1 =	vld [tilespmem:s29+$0xFFFFFFC0]  }
0xf8: {  	[tilespmem:s28+$0xFFFFFE40] =	vst v0;
	v0 =	vmul.f32 v2, v5;
	v2 =	vld [tilespmem:s31+$0x40]  }
0xf9: {  	v5 =	vld [tilespmem:s29+$0x40]  }
0xfa: {  	[tilespmem:s28+$0xFFFFFEC0] =	vst v0;
	v0 =	vmul.f32 v4, v7;
	v4 =	vld [tilespmem:s31+$0xC0]  }
0xfb: {  	v6 =	vld [tilespmem:s29+$0xC0]  }
0xfc: {  	[tilespmem:s28+$0xFFFFFF40] =	vst v0;
	v0 =	vmul.f32 v1, v3;
	v1 =	vld [tilespmem:s31+$0x140]  }
0xfd: {  	v3 =	vld [tilespmem:s29+$0x140]  }
0xfe: {  	v7 =	vld [tilespmem:s31+$0xFFFFFE50];
	[tilespmem:s28+$0xFFFFFFC0] =	vst v0;
	v0 =	vmul.f32 v5, v2  }
0xff: {  	v2 =	vld [tilespmem:s29+$0xFFFFFE50]  }
0x100: {  	v5 =	vld [tilespmem:s31+$0xFFFFFED0];
	[tilespmem:s28+$0x40] =	vst v0;
	v0 =	vmul.f32 v6, v4  }
0x101: {  	v4 =	vld [tilespmem:s29+$0xFFFFFED0]  }
0x102: {  	v6 =	vld [tilespmem:s31+$0xFFFFFF50];
	[tilespmem:s28+$0xC0] =	vst v0;
	v0 =	vmul.f32 v3, v1  }
0x103: {  	v1 =	vld [tilespmem:s29+$0xFFFFFF50]  }
0x104: {  	v2 =	vmul.f32 v2, v7;
	v3 =	vld [tilespmem:s31+$0xFFFFFFD0];
	[tilespmem:s28+$0x140] =	vst v0  }
0x105: {  	v0 =	vld [tilespmem:s29+$0xFFFFFFD0]  }
0x106: {  	[tilespmem:s28+$0xFFFFFE50] =	vst v2;
	v2 =	vmul.f32 v4, v5;
	v4 =	vld [tilespmem:s31+$0x50]  }
0x107: {  	v5 =	vld [tilespmem:s29+$0x50]  }
0x108: {  	[tilespmem:s28+$0xFFFFFED0] =	vst v2;
	v1 =	vmul.f32 v1, v6;
	v2 =	vld [tilespmem:s31+$0xD0]  }
0x109: {  	v6 =	vld [tilespmem:s29+$0xD0]  }
0x10a: {  	[tilespmem:s28+$0xFFFFFF50] =	vst v1;
	v0 =	vmul.f32 v0, v3;
	v1 =	vld [tilespmem:s31+$0x150]  }
0x10b: {  	v3 =	vld [tilespmem:s29+$0x150]  }
0x10c: {  	v7 =	vld [tilespmem:s31+$0xFFFFFE60];
	[tilespmem:s28+$0xFFFFFFD0] =	vst v0;
	v0 =	vmul.f32 v5, v4  }
0x10d: {  	v4 =	vld [tilespmem:s29+$0xFFFFFE60]  }
0x10e: {  	v5 =	vld [tilespmem:s31+$0xFFFFFEE0];
	[tilespmem:s28+$0x50] =	vst v0;
	v0 =	vmul.f32 v6, v2  }
0x10f: {  	v2 =	vld [tilespmem:s29+$0xFFFFFEE0]  }
0x110: {  	v6 =	vld [tilespmem:s31+$0xFFFFFF60];
	[tilespmem:s28+$0xD0] =	vst v0;
	v0 =	vmul.f32 v3, v1  }
0x111: {  	v1 =	vld [tilespmem:s29+$0xFFFFFF60]  }
0x112: {  	v3 =	vmul.f32 v4, v7;
	v4 =	vld [tilespmem:s31+$0xFFFFFFE0];
	[tilespmem:s28+$0x150] =	vst v0  }
0x113: {  	v0 =	vld [tilespmem:s29+$0xFFFFFFE0]  }
0x114: {  	[tilespmem:s28+$0xFFFFFE60] =	vst v3;
	v2 =	vmul.f32 v2, v5;
	v3 =	vld [tilespmem:s31+$0x60]  }
0x115: {  	v5 =	vld [tilespmem:s29+$0x60]  }
0x116: {  	[tilespmem:s28+$0xFFFFFEE0] =	vst v2;
	v1 =	vmul.f32 v1, v6;
	v2 =	vld [tilespmem:s31+$0xE0]  }
0x117: {  	v6 =	vld [tilespmem:s29+$0xE0]  }
0x118: {  	[tilespmem:s28+$0xFFFFFF60] =	vst v1;
	v0 =	vmul.f32 v0, v4;
	v1 =	vld [tilespmem:s31+$0x160]  }
0x119: {  	v4 =	vld [tilespmem:s29+$0x160]  }
0x11a: {  	v7 =	vld [tilespmem:s31+$0xFFFFFE70];
	[tilespmem:s28+$0xFFFFFFE0] =	vst v0;
	v0 =	vmul.f32 v5, v3  }
0x11b: {  	v3 =	vld [tilespmem:s29+$0xFFFFFE70]  }
0x11c: {  	v5 =	vld [tilespmem:s31+$0xFFFFFEF0];
	[tilespmem:s28+$0x60] =	vst v0;
	v0 =	vmul.f32 v6, v2  }
0x11d: {  	v2 =	vld [tilespmem:s29+$0xFFFFFEF0]  }
0x11e: {  	v6 =	vld [tilespmem:s31+$0xFFFFFF70];
	[tilespmem:s28+$0xE0] =	vst v0;
	v0 =	vmul.f32 v4, v1  }
0x11f: {  	v1 =	vld [tilespmem:s29+$0xFFFFFF70]  }
0x120: {  	v3 =	vmul.f32 v3, v7;
	v7 =	vld [tilespmem:s31+$0xFFFFFFF0];
	[tilespmem:s28+$0x160] =	vst v0  }
0x121: {  	v8 =	vld [tilespmem:s29+$0xFFFFFFF0]  }
0x122: {  	[tilespmem:s28+$0xFFFFFE70] =	vst v3;
	v3 =	vmul.f32 v2, v5;
	v0 =	vld [tilespmem:s31+$0x70]  }
.Ltmp0:
0x123: {  	v2 =	vld [tilespmem:s29+$0x70];
	(pc) =	sbr.rel @p1 .LBB2_3-.Ltmp0, $4  }
0x124: {  	[tilespmem:s28+$0xFFFFFEF0] =	vst v3;
	v3 =	vmul.f32 v1, v6;
	v1 =	vld [tilespmem:s31+$0xF0]  }
0x125: {  	v4 =	vld [tilespmem:s29+$0xF0]  }
0x126: {  	[tilespmem:s28+$0xFFFFFF70] =	vst v3;
	v6 =	vmul.f32 v8, v7;
	v3 =	vld [tilespmem:s31+$0x170]  }
0x127: {  	s31 =	sadd.s32 $0x400, s31;
	v5 =	vld [tilespmem:s29+$0x170]  }
0x128: {  	_ =	sdelay $0x1  }
0x129: {  	v0 =	vmul.f32 v2, v0  }
0x12a: {  	[tilespmem:s28+$0xFFFFFFF0] =	vst v6;
	v1 =	vmul.f32 v4, v1  }
0x12b: {  	s29 =	sadd.s32 s5, s26;
	[tilespmem:s28+$0x70] =	vst v0;
	v0 =	vmul.f32 v5, v3  }
0x12c: {  	p1 =	seq.s32 s24, $0x13;
	s29 =	sshll.u32 s29, $0x4;
	[tilespmem:s28+$0xF0] =	vst v1  }
0x12d: {  	s26 =	smin.u32 @!p1 s26, $0x1208;
	[tilespmem:s28+$0x170] =	vst v0;
	s28 =	sadd.s32 s6, s29  }
0x12e: {  	[hbm4b:s28+s4] =	stream.linear.scatter [tilespmem:s18], [sflag:$0x3], $0x4000, $0x38;
	[tilespmem:$0x1A800] =	vst v63  }
0x12f: {  	s30 =	simm.s32 @!p1 $0x2800;
	s29 =	simm.s32 @!p1 $0x80;
	s28 =	sadd.s32 @!p1 $0x100, s26  }
0x130: {  	[tilespmem:s30], [sflag:$0x1] =	stream.indirect.gather @!p1 [hbm4b:s1+s29], $0x80, s28, s29, $0xb8;
	[tilespmem:$0x1A800] =	vst v63  }
0x131: {  	s26 =	sadd.s32 @!p1 $0x1500, s26;
	s28 =	simm.s32 @!p1 $0xA800  }
0x132: {  	[tilespmem:s28], [sflag:$0x1] =	stream.indirect.gather @!p1 [hbm4b:s3+s29], $0x80, s26, s29, $0xb8;
	[tilespmem:$0x1A800] =	vst v63  }
0x133: {  	_ =	swait.ge [sflag:s19], $0x4000  }
0x134: {  	[sflag:s19] =	ssyncset.done $0x0  }
0x135: {  	[sflag:s19] =	ssyncadd.s32 $0xFFFFC000  }
0x136: {  	_ =	swait.ge [sflag:s19], $0x4000  }
0x137: {  	[sflag:s19] =	ssyncset.done $0x0  }
0x138: {  	s26 =	simm.s32 @!p0 $0x4;
	[sflag:s19] =	ssyncadd.s32 $0xFFFFC000  }
0x139: {  	_ =	swait.ge @!p0 [sflag:s26], $0x4000  }
0x13a: {  	[sflag:s26] =	ssyncset.done @!p0 $0x0  }
0x13b: {  	s29 =	simm.s32 $0x6A00;
	[sflag:s26] =	ssyncadd.s32 @!p0 $0xFFFFC000  }
0x13c: {  	s28 =	simm.s32 $0xEA00;
	v0 =	vld [tilespmem:s29+$0x180]  }
0x13d: {  	v1 =	vld [tilespmem:s28+$0x180]  }
0x13e: {  	v2 =	vld [tilespmem:s28+$0xFFFFFE00]  }
0x13f: {  	v3 =	vld [tilespmem:s29+$0xFFFFFE80]  }
0x140: {  	v4 =	vld [tilespmem:s28+$0xFFFFFE80]  }
0x141: {  	v5 =	vld [tilespmem:s29+$0xFFFFFF00]  }
0x142: {  	v6 =	vld [tilespmem:s28+$0xFFFFFF00]  }
0x143: {  	v7 =	vld [tilespmem:s28+$0xFFFFFF80]  }
0x144: {  	v9 =	vld [tilespmem:s29+$0x0]  }
0x145: {  	v10 =	vld [tilespmem:s28+$0x0]  }
0x146: {  	v11 =	vld [tilespmem:s29+$0x80]  }
0x147: {  	v12 =	vld [tilespmem:s28+$0x80];
	v0 =	vmul.f32 v1, v0  }
0x148: {  	s26 =	simm.s32 $0x16A00;
	v1 =	vld [tilespmem:s29+$0xFFFFFF80]  }
0x149: {  	v3 =	vmul.f32 v4, v3;
	v4 =	vld [tilespmem:s29+$0xFFFFFE00];
	[tilespmem:s26+$0x180] =	vst v0  }
0x14a: {  	v0 =	vld [tilespmem:s29+$0x190]  }
0x14b: {  	v8 =	vld [tilespmem:s28+$0x190]  }
0x14c: {  	v13 =	vld [tilespmem:s29+$0x100];
	[tilespmem:s26+$0xFFFFFE80] =	vst v3;
	v3 =	vmul.f32 v6, v5  }
0x14d: {  	v6 =	vld [tilespmem:s29+$0xFFFFFE90]  }
0x14e: {  	[tilespmem:s26+$0xFFFFFF00] =	vst v3;
	v3 =	vld [tilespmem:s28+$0xFFFFFE90];
	v1 =	vmul.f32 v7, v1  }
0x14f: {  	v2 =	vmul.f32 v2, v4;
	v4 =	vld [tilespmem:s29+$0xFFFFFF10]  }
0x150: {  	[tilespmem:s26+$0xFFFFFF80] =	vst v1;
	v1 =	vld [tilespmem:s28+$0xFFFFFF10];
	v0 =	vmul.f32 v8, v0  }
0x151: {  	[tilespmem:s26+$0xFFFFFE00] =	vst v2;
	v2 =	vld [tilespmem:s29+$0xFFFFFF90]  }
0x152: {  	v32 =	vld [tilespmem:s28+$0xFFFFFF90];
	[tilespmem:s26+$0x190] =	vst v0  }
0x153: {  	v0 =	vld [tilespmem:s29+$0x1A0]  }
0x154: {  	v3 =	vmul.f32 v3, v6;
	v5 =	vld [tilespmem:s28+$0x1A0]  }
0x155: {  	v8 =	vld [tilespmem:s28+$0x100]  }
0x156: {  	v7 =	vld [tilespmem:s28+$0xFFFFFE10];
	[tilespmem:s26+$0xFFFFFE90] =	vst v3;
	v1 =	vmul.f32 v1, v4  }
0x157: {  	v4 =	vld [tilespmem:s29+$0xFFFFFEA0]  }
0x158: {  	[tilespmem:s26+$0xFFFFFF10] =	vst v1;
	v1 =	vmul.f32 v32, v2;
	v2 =	vld [tilespmem:s28+$0xFFFFFEA0]  }
0x159: {  	v0 =	vmul.f32 v5, v0;
	v5 =	vld [tilespmem:s29+$0xFFFFFE10]  }
0x15a: {  	v36 =	vld [tilespmem:s29+$0xFFFFFF20];
	[tilespmem:s26+$0xFFFFFF90] =	vst v1  }
0x15b: {  	v1 =	vld [tilespmem:s28+$0xFFFFFF20];
	[tilespmem:s26+$0x1A0] =	vst v0;
	v0 =	vmul.f32 v10, v9  }
0x15c: {  	v37 =	vld [tilespmem:s29+$0xFFFFFFA0]  }
0x15d: {  	v30 =	vld [tilespmem:s29+$0x1B0];
	[tilespmem:s26+$0x0] =	vst v0;
	v0 =	vmul.f32 v12, v11  }
0x15e: {  	v31 =	vld [tilespmem:s28+$0x1B0];
	v5 =	vmul.f32 v7, v5  }
0x15f: {  	v33 =	vld [tilespmem:s29+$0x10];
	[tilespmem:s26+$0x80] =	vst v0;
	v0 =	vmul.f32 v8, v13  }
0x160: {  	v34 =	vld [tilespmem:s29+$0x90];
	[tilespmem:s26+$0xFFFFFE10] =	vst v5  }
0x161: {  	[tilespmem:s26+$0x100] =	vst v0;
	v0 =	vld [tilespmem:s28+$0x90]  }
0x162: {  	v6 =	vld [tilespmem:s29+$0xFFFFFE20]  }
0x163: {  	v9 =	vmul.f32 v31, v30;
	v3 =	vld [tilespmem:s28+$0xFFFFFE20]  }
0x164: {  	v35 =	vld [tilespmem:s29+$0x110]  }
0x165: {  	v7 =	vld [tilespmem:s28+$0x110];
	[tilespmem:s26+$0x1B0] =	vst v9  }
0x166: {  	v2 =	vmul.f32 v2, v4;
	v9 =	vld [tilespmem:s29+$0x1C0]  }
0x167: {  	v1 =	vmul.f32 v1, v36;
	v5 =	vld [tilespmem:s28+$0x1C0]  }
0x168: {  	[tilespmem:s26+$0xFFFFFEA0] =	vst v2;
	v8 =	vld [tilespmem:s28+$0x10];
	v0 =	vmul.f32 v0, v34  }
0x169: {  	v42 =	vld [tilespmem:s29+$0xFFFFFEB0];
	[tilespmem:s26+$0xFFFFFF20] =	vst v1;
	v3 =	vmul.f32 v3, v6  }
0x16a: {  	v43 =	vld [tilespmem:s29+$0xFFFFFF30];
	[tilespmem:s26+$0x90] =	vst v0  }
0x16b: {  	v0 =	vmul.f32 v7, v35;
	[tilespmem:s26+$0xFFFFFE20] =	vst v3;
	v40 =	vld [tilespmem:s29+$0xA0]  }
0x16c: {  	v5 =	vmul.f32 v5, v9;
	v4 =	vld [tilespmem:s29+$0xFFFFFE30]  }
0x16d: {  	[tilespmem:s26+$0x110] =	vst v0;
	v0 =	vld [tilespmem:s28+$0xA0]  }
0x16e: {  	[tilespmem:s26+$0x1C0] =	vst v5;
	v41 =	vld [tilespmem:s29+$0x120]  }
0x16f: {  	v5 =	vmul.f32 v8, v33;
	v8 =	vld [tilespmem:s29+$0x1D0]  }
0x170: {  	v38 =	vld [tilespmem:s28+$0x1D0]  }
0x171: {  	[tilespmem:s26+$0x10] =	vst v5;
	v5 =	vld [tilespmem:s28+$0xFFFFFFA0]  }
0x172: {  	v6 =	vld [tilespmem:s28+$0x120]  }
0x173: {  	v2 =	vld [tilespmem:s28+$0xFFFFFE30]  }
0x174: {  	v39 =	vld [tilespmem:s29+$0x20];
	v0 =	vmul.f32 v0, v40  }
0x175: {  	v7 =	vld [tilespmem:s28+$0x20];
	v8 =	vmul.f32 v38, v8  }
0x176: {  	[tilespmem:s26+$0xA0] =	vst v0;
	v1 =	vmul.f32 v5, v37;
	v5 =	vld [tilespmem:s28+$0xFFFFFEB0]  }
0x177: {  	v0 =	vmul.f32 v6, v41;
	v46 =	vld [tilespmem:s29+$0xB0];
	[tilespmem:s26+$0x1D0] =	vst v8  }
0x178: {  	v8 =	vld [tilespmem:s29+$0x1E0]  }
0x179: {  	[tilespmem:s26+$0x120] =	vst v0;
	v3 =	vld [tilespmem:s28+$0x1E0]  }
0x17a: {  	v0 =	vmul.f32 v2, v4;
	[tilespmem:s26+$0xFFFFFFA0] =	vst v1;
	v1 =	vld [tilespmem:s28+$0xFFFFFF30]  }
0x17b: {  	v2 =	vld [tilespmem:s28+$0xB0]  }
0x17c: {  	v4 =	vld [tilespmem:s29+$0x130];
	[tilespmem:s26+$0xFFFFFE30] =	vst v0  }
0x17d: {  	v47 =	vld [tilespmem:s29+$0xFFFFFE40];
	v0 =	vmul.f32 v5, v42  }
0x17e: {  	v5 =	vld [tilespmem:s28+$0x130]  }
0x17f: {  	v3 =	vmul.f32 v3, v8;
	[tilespmem:s26+$0xFFFFFEB0] =	vst v0;
	v0 =	vmul.f32 v1, v43;
	v1 =	vld [tilespmem:s28+$0xFFFFFE40]  }
0x180: {  	v8 =	vld [tilespmem:s29+$0xFFFFFFB0]  }
0x181: {  	v48 =	vld [tilespmem:s29+$0xFFFFFEC0];
	[tilespmem:s26+$0x1E0] =	vst v3;
	v3 =	vmul.f32 v7, v39  }
0x182: {  	v7 =	vld [tilespmem:s29+$0x1F0]  }
0x183: {  	[tilespmem:s26+$0x20] =	vst v3;
	v3 =	vld [tilespmem:s28+$0xFFFFFFB0]  }
0x184: {  	v45 =	vld [tilespmem:s29+$0x30];
	v1 =	vmul.f32 v1, v47  }
0x185: {  	v6 =	vld [tilespmem:s28+$0x30]  }
0x186: {  	v44 =	vld [tilespmem:s28+$0x1F0];
	[tilespmem:s26+$0xFFFFFE40] =	vst v1  }
0x187: {  	v52 =	vld [tilespmem:s29+$0xFFFFFE50]  }
0x188: {  	[tilespmem:s26+$0xFFFFFF30] =	vst v0;
	v0 =	vmul.f32 v3, v8;
	v3 =	vld [tilespmem:s28+$0xFFFFFEC0]  }
0x189: {  	v8 =	vld [tilespmem:s29+$0xFFFFFF40]  }
0x18a: {  	[tilespmem:s26+$0xFFFFFFB0] =	vst v0;
	v0 =	vmul.f32 v6, v45;
	v6 =	vld [tilespmem:s28+$0xFFFFFF40]  }
0x18b: {  	v49 =	vld [tilespmem:s29+$0xFFFFFFC0]  }
0x18c: {  	[tilespmem:s26+$0x30] =	vst v0;
	v0 =	vmul.f32 v2, v46;
	v2 =	vld [tilespmem:s28+$0xFFFFFFC0]  }
0x18d: {  	v50 =	vld [tilespmem:s29+$0x40]  }
0x18e: {  	v1 =	vmul.f32 v3, v48;
	[tilespmem:s26+$0xB0] =	vst v0;
	v0 =	vmul.f32 v5, v4;
	v4 =	vld [tilespmem:s28+$0x40]  }
0x18f: {  	v5 =	vld [tilespmem:s29+$0xC0]  }
0x190: {  	[tilespmem:s26+$0xFFFFFEC0] =	vst v1;
	v1 =	vmul.f32 v6, v8;
	v6 =	vld [tilespmem:s28+$0xFFFFFE50]  }
0x191: {  	[tilespmem:s26+$0x130] =	vst v0;
	v0 =	vld [tilespmem:s28+$0xC0]  }
0x192: {  	v8 =	vld [tilespmem:s29+$0xFFFFFED0]  }
0x193: {  	v51 =	vld [tilespmem:s29+$0x140]  }
0x194: {  	v3 =	vld [tilespmem:s28+$0x140]  }
0x195: {  	[tilespmem:s26+$0xFFFFFF40] =	vst v1;
	v1 =	vmul.f32 v2, v49;
	v2 =	vld [tilespmem:s28+$0xFFFFFED0]  }
0x196: {  	v53 =	vld [tilespmem:s29+$0xFFFFFF50]  }
0x197: {  	[tilespmem:s26+$0xFFFFFFC0] =	vst v1;
	v1 =	vmul.f32 v4, v50;
	v4 =	vld [tilespmem:s28+$0xFFFFFF50]  }
0x198: {  	v54 =	vld [tilespmem:s29+$0xFFFFFFD0];
	v6 =	vmul.f32 v6, v52  }
0x199: {  	[tilespmem:s26+$0x40] =	vst v1;
	v0 =	vmul.f32 v0, v5;
	v1 =	vld [tilespmem:s28+$0xFFFFFFD0]  }
0x19a: {  	v5 =	vld [tilespmem:s29+$0x50];
	[tilespmem:s26+$0xFFFFFE50] =	vst v6  }
0x19b: {  	[tilespmem:s26+$0xC0] =	vst v0;
	v0 =	vmul.f32 v3, v51;
	v3 =	vld [tilespmem:s28+$0x50]  }
0x19c: {  	v2 =	vmul.f32 v2, v8;
	v8 =	vld [tilespmem:s29+$0xFFFFFE60]  }
0x19d: {  	v55 =	vld [tilespmem:s29+$0xD0]  }
0x19e: {  	[tilespmem:s26+$0xFFFFFED0] =	vst v2;
	v2 =	vmul.f32 v4, v53;
	v4 =	vld [tilespmem:s28+$0xFFFFFE60]  }
0x19f: {  	[tilespmem:s26+$0x140] =	vst v0;
	v0 =	vld [tilespmem:s28+$0xD0]  }
0x1a0: {  	v57 =	vld [tilespmem:s29+$0xFFFFFEE0]  }
0x1a1: {  	v56 =	vld [tilespmem:s29+$0x150]  }
0x1a2: {  	v6 =	vld [tilespmem:s28+$0x150]  }
0x1a3: {  	[tilespmem:s26+$0xFFFFFF50] =	vst v2;
	v1 =	vmul.f32 v1, v54;
	v2 =	vld [tilespmem:s28+$0xFFFFFEE0]  }
0x1a4: {  	v58 =	vld [tilespmem:s29+$0xFFFFFF60]  }
0x1a5: {  	[tilespmem:s26+$0xFFFFFFD0] =	vst v1;
	v1 =	vmul.f32 v3, v5;
	v3 =	vld [tilespmem:s28+$0xFFFFFF60]  }
0x1a6: {  	v5 =	vld [tilespmem:s29+$0xFFFFFFE0];
	v4 =	vmul.f32 v4, v8  }
0x1a7: {  	[tilespmem:s26+$0x50] =	vst v1;
	v0 =	vmul.f32 v0, v55;
	v1 =	vld [tilespmem:s28+$0xFFFFFFE0]  }
0x1a8: {  	v59 =	vld [tilespmem:s29+$0x60];
	[tilespmem:s26+$0xFFFFFE60] =	vst v4  }
0x1a9: {  	[tilespmem:s26+$0xD0] =	vst v0;
	v0 =	vmul.f32 v6, v56;
	v6 =	vld [tilespmem:s28+$0x60]  }
0x1aa: {  	v2 =	vmul.f32 v2, v57;
	v61 =	vld [tilespmem:s29+$0xFFFFFE70]  }
0x1ab: {  	v60 =	vld [tilespmem:s29+$0xE0]  }
0x1ac: {  	[tilespmem:s26+$0xFFFFFEE0] =	vst v2;
	v2 =	vmul.f32 v3, v58;
	v3 =	vld [tilespmem:s28+$0xFFFFFE70]  }
0x1ad: {  	[tilespmem:s26+$0x150] =	vst v0;
	v0 =	vld [tilespmem:s28+$0xE0]  }
0x1ae: {  	v62 =	vld [tilespmem:s29+$0xFFFFFEF0]  }
0x1af: {  	v8 =	vld [tilespmem:s29+$0x160]  }
0x1b0: {  	v4 =	vld [tilespmem:s28+$0x160]  }
0x1b1: {  	[tilespmem:s26+$0xFFFFFF60] =	vst v2;
	v1 =	vmul.f32 v1, v5;
	v5 =	vld [tilespmem:s28+$0xFFFFFEF0]  }
0x1b2: {  	v14 =	vld [tilespmem:s29+$0xFFFFFF70]  }
0x1b3: {  	[tilespmem:s26+$0xFFFFFFE0] =	vst v1;
	v1 =	vmul.f32 v6, v59;
	v6 =	vld [tilespmem:s28+$0xFFFFFF70]  }
0x1b4: {  	v2 =	vmul.f32 v44, v7;
	v7 =	vld [tilespmem:s29+$0xFFFFFFF0]  }
0x1b5: {  	v63 =	vld [tilespmem:s28+$0xFFFFFFF0];
	[tilespmem:s26+$0x60] =	vst v1;
	v1 =	vmul.f32 v0, v60  }
0x1b6: {  	[tilespmem:s26+$0x1F0] =	vst v2;
	v3 =	vmul.f32 v3, v61;
	v0 =	vld [tilespmem:s29+$0x70]  }
0x1b7: {  	v4 =	vmul.f32 v4, v8;
	v2 =	vld [tilespmem:s28+$0x70];
	[tilespmem:s26+$0xE0] =	vst v1  }
0x1b8: {  	[tilespmem:s26+$0xFFFFFE70] =	vst v3;
	v1 =	vld [tilespmem:s29+$0xF0];
	v6 =	vmul.f32 v6, v14  }
0x1b9: {  	v5 =	vmul.f32 v5, v62;
	[tilespmem:s26+$0x160] =	vst v4;
	v4 =	vld [tilespmem:s28+$0xF0]  }
0x1ba: {  	v3 =	vld [tilespmem:s29+$0x170];
	[tilespmem:s26+$0xFFFFFF70] =	vst v6;
	v6 =	vmul.f32 v63, v7  }
0x1bb: {  	s30 =	simm.s32 $0x6E00;
	[tilespmem:s26+$0xFFFFFEF0] =	vst v5;
	s29 =	simm.s32 $0x0;
	v5 =	vld [tilespmem:s28+$0x170]  }
.LBB2_5:
0x1bc: {  	v7 =	vld [tilespmem:s30+$0x180];
	[tilespmem:s26+$0xFFFFFFF0] =	vst v6;
	v0 =	vmul.f32 v2, v0;
	s28 =	sadd.s32 $0x400, s28  }
0x1bd: {  	v2 =	vld [tilespmem:s28+$0x180]  }
0x1be: {  	v6 =	vld [tilespmem:s28+$0xFFFFFE00];
	[tilespmem:s26+$0x70] =	vst v0;
	v0 =	vmul.f32 v4, v1  }
0x1bf: {  	v1 =	vld [tilespmem:s30+$0xFFFFFE80]  }
0x1c0: {  	v4 =	vld [tilespmem:s28+$0xFFFFFE80];
	[tilespmem:s26+$0xF0] =	vst v0;
	v0 =	vmul.f32 v5, v3  }
0x1c1: {  	v3 =	vld [tilespmem:s30+$0xFFFFFF00]  }
0x1c2: {  	v5 =	vld [tilespmem:s28+$0xFFFFFF00];
	v2 =	vmul.f32 v2, v7;
	[tilespmem:s26+$0x170] =	vst v0  }
0x1c3: {  	s26 =	sadd.s32 $0x400, s26;
	v0 =	vld [tilespmem:s30+$0xFFFFFF80]  }
0x1c4: {  	s29 =	sadd.s32 $0x8, s29;
	v7 =	vld [tilespmem:s28+$0xFFFFFF80];
	[tilespmem:s26+$0x180] =	vst v2  }
0x1c5: {  	p0 =	slt.u32 s29, $0x78;
	v1 =	vmul.f32 v4, v1;
	v2 =	vld [tilespmem:s30+$0x190]  }
0x1c6: {  	v4 =	vld [tilespmem:s28+$0x190]  }
0x1c7: {  	[tilespmem:s26+$0xFFFFFE80] =	vst v1;
	v1 =	vmul.f32 v5, v3;
	v3 =	vld [tilespmem:s30+$0x0]  }
0x1c8: {  	v5 =	vld [tilespmem:s28+$0x0]  }
0x1c9: {  	[tilespmem:s26+$0xFFFFFF00] =	vst v1;
	v0 =	vmul.f32 v7, v0;
	v1 =	vld [tilespmem:s30+$0x80]  }
0x1ca: {  	v7 =	vld [tilespmem:s28+$0x80]  }
0x1cb: {  	[tilespmem:s26+$0xFFFFFF80] =	vst v0;
	v0 =	vld [tilespmem:s30+$0x100];
	v2 =	vmul.f32 v4, v2  }
0x1cc: {  	v4 =	vld [tilespmem:s28+$0x100]  }
0x1cd: {  	v8 =	vld [tilespmem:s30+$0xFFFFFE00];
	v3 =	vmul.f32 v5, v3;
	[tilespmem:s26+$0x190] =	vst v2  }
0x1ce: {  	v2 =	vld [tilespmem:s30+$0x1A0]  }
0x1cf: {  	[tilespmem:s26+$0x0] =	vst v3;
	v1 =	vmul.f32 v7, v1;
	v3 =	vld [tilespmem:s28+$0x1A0]  }
0x1d0: {  	v5 =	vld [tilespmem:s30+$0xFFFFFE90]  }
0x1d1: {  	v7 =	vld [tilespmem:s28+$0xFFFFFE90];
	[tilespmem:s26+$0x80] =	vst v1;
	v0 =	vmul.f32 v4, v0  }
0x1d2: {  	v1 =	vmul.f32 v6, v8;
	v4 =	vld [tilespmem:s30+$0xFFFFFF10]  }
0x1d3: {  	v6 =	vld [tilespmem:s28+$0xFFFFFF10];
	[tilespmem:s26+$0x100] =	vst v0  }
0x1d4: {  	[tilespmem:s26+$0xFFFFFE00] =	vst v1;
	v0 =	vld [tilespmem:s30+$0xFFFFFF90];
	v1 =	vmul.f32 v3, v2  }
0x1d5: {  	v2 =	vld [tilespmem:s30+$0xFFFFFE10]  }
0x1d6: {  	v3 =	vld [tilespmem:s28+$0xFFFFFE10];
	v5 =	vmul.f32 v7, v5;
	[tilespmem:s26+$0x1A0] =	vst v1  }
0x1d7: {  	v1 =	vld [tilespmem:s30+$0x1B0]  }
0x1d8: {  	[tilespmem:s26+$0xFFFFFE90] =	vst v5;
	v4 =	vmul.f32 v6, v4;
	v5 =	vld [tilespmem:s28+$0x1B0]  }
0x1d9: {  	v6 =	vld [tilespmem:s28+$0xFFFFFF90]  }
0x1da: {  	[tilespmem:s26+$0xFFFFFF10] =	vst v4;
	v4 =	vld [tilespmem:s30+$0x10]  }
0x1db: {  	v2 =	vmul.f32 v3, v2;
	v3 =	vld [tilespmem:s28+$0x10]  }
0x1dc: {  	v7 =	vld [tilespmem:s30+$0x90]  }
0x1dd: {  	[tilespmem:s26+$0xFFFFFE10] =	vst v2;
	v2 =	vld [tilespmem:s28+$0x90];
	v1 =	vmul.f32 v5, v1  }
0x1de: {  	v0 =	vmul.f32 v6, v0;
	v5 =	vld [tilespmem:s30+$0x110]  }
0x1df: {  	v6 =	vld [tilespmem:s28+$0x110];
	[tilespmem:s26+$0x1B0] =	vst v1  }
0x1e0: {  	[tilespmem:s26+$0xFFFFFF90] =	vst v0;
	v0 =	vmul.f32 v3, v4;
	v1 =	vld [tilespmem:s30+$0x1C0]  }
0x1e1: {  	v3 =	vld [tilespmem:s28+$0x1C0]  }
0x1e2: {  	v4 =	vld [tilespmem:s30+$0xFFFFFE20];
	[tilespmem:s26+$0x10] =	vst v0;
	v0 =	vmul.f32 v2, v7  }
0x1e3: {  	v2 =	vld [tilespmem:s28+$0xFFFFFE20]  }
0x1e4: {  	v7 =	vld [tilespmem:s30+$0xFFFFFEA0];
	[tilespmem:s26+$0x90] =	vst v0;
	v0 =	vmul.f32 v6, v5  }
0x1e5: {  	v5 =	vld [tilespmem:s28+$0xFFFFFEA0]  }
0x1e6: {  	v6 =	vld [tilespmem:s30+$0xFFFFFF20];
	[tilespmem:s26+$0x110] =	vst v0;
	v0 =	vmul.f32 v3, v1  }
0x1e7: {  	v1 =	vld [tilespmem:s28+$0xFFFFFF20]  }
0x1e8: {  	v2 =	vmul.f32 v2, v4;
	v3 =	vld [tilespmem:s30+$0xFFFFFFA0];
	[tilespmem:s26+$0x1C0] =	vst v0  }
0x1e9: {  	v0 =	vld [tilespmem:s30+$0x1D0]  }
0x1ea: {  	[tilespmem:s26+$0xFFFFFE20] =	vst v2;
	v2 =	vmul.f32 v5, v7;
	v4 =	vld [tilespmem:s28+$0x1D0]  }
0x1eb: {  	v5 =	vld [tilespmem:s28+$0xFFFFFFA0]  }
0x1ec: {  	[tilespmem:s26+$0xFFFFFEA0] =	vst v2;
	v1 =	vmul.f32 v1, v6;
	v2 =	vld [tilespmem:s30+$0x20]  }
0x1ed: {  	v6 =	vld [tilespmem:s28+$0x20]  }
0x1ee: {  	[tilespmem:s26+$0xFFFFFF20] =	vst v1;
	v1 =	vld [tilespmem:s30+$0xA0]  }
0x1ef: {  	v7 =	vld [tilespmem:s28+$0xA0];
	v0 =	vmul.f32 v4, v0  }
0x1f0: {  	v3 =	vmul.f32 v5, v3;
	v4 =	vld [tilespmem:s30+$0x120]  }
0x1f1: {  	v5 =	vld [tilespmem:s28+$0x120];
	[tilespmem:s26+$0x1D0] =	vst v0  }
0x1f2: {  	[tilespmem:s26+$0xFFFFFFA0] =	vst v3;
	v0 =	vmul.f32 v6, v2;
	v2 =	vld [tilespmem:s30+$0x1E0]  }
0x1f3: {  	v3 =	vld [tilespmem:s28+$0x1E0]  }
0x1f4: {  	v6 =	vld [tilespmem:s30+$0xFFFFFE30];
	[tilespmem:s26+$0x20] =	vst v0;
	v0 =	vmul.f32 v7, v1  }
0x1f5: {  	v1 =	vld [tilespmem:s28+$0xFFFFFE30]  }
0x1f6: {  	v7 =	vld [tilespmem:s30+$0xFFFFFEB0];
	[tilespmem:s26+$0xA0] =	vst v0;
	v0 =	vmul.f32 v5, v4  }
0x1f7: {  	v4 =	vld [tilespmem:s28+$0xFFFFFEB0]  }
0x1f8: {  	v5 =	vld [tilespmem:s30+$0xFFFFFF30];
	[tilespmem:s26+$0x120] =	vst v0;
	v0 =	vmul.f32 v3, v2  }
0x1f9: {  	v2 =	vld [tilespmem:s28+$0xFFFFFF30]  }
0x1fa: {  	v1 =	vmul.f32 v1, v6;
	v3 =	vld [tilespmem:s30+$0xFFFFFFB0];
	[tilespmem:s26+$0x1E0] =	vst v0  }
0x1fb: {  	v0 =	vld [tilespmem:s30+$0x1F0]  }
0x1fc: {  	[tilespmem:s26+$0xFFFFFE30] =	vst v1;
	v1 =	vmul.f32 v4, v7;
	v4 =	vld [tilespmem:s28+$0x1F0]  }
0x1fd: {  	v6 =	vld [tilespmem:s28+$0xFFFFFFB0]  }
0x1fe: {  	[tilespmem:s26+$0xFFFFFEB0] =	vst v1;
	v1 =	vmul.f32 v2, v5;
	v2 =	vld [tilespmem:s30+$0x30]  }
0x1ff: {  	v5 =	vld [tilespmem:s28+$0x30]  }
0x200: {  	[tilespmem:s26+$0xFFFFFF30] =	vst v1;
	v1 =	vld [tilespmem:s30+$0xB0]  }
0x201: {  	v7 =	vld [tilespmem:s28+$0xB0];
	v0 =	vmul.f32 v4, v0  }
0x202: {  	v3 =	vmul.f32 v6, v3;
	v4 =	vld [tilespmem:s30+$0x130]  }
0x203: {  	v6 =	vld [tilespmem:s28+$0x130];
	[tilespmem:s26+$0x1F0] =	vst v0  }
0x204: {  	v0 =	vld [tilespmem:s30+$0xFFFFFE40];
	[tilespmem:s26+$0xFFFFFFB0] =	vst v3;
	v2 =	vmul.f32 v5, v2  }
0x205: {  	v3 =	vld [tilespmem:s28+$0xFFFFFE40]  }
0x206: {  	v5 =	vld [tilespmem:s30+$0xFFFFFEC0];
	[tilespmem:s26+$0x30] =	vst v2;
	v1 =	vmul.f32 v7, v1  }
0x207: {  	v2 =	vld [tilespmem:s28+$0xFFFFFEC0]  }
0x208: {  	v7 =	vld [tilespmem:s30+$0xFFFFFF40];
	[tilespmem:s26+$0xB0] =	vst v1;
	v1 =	vmul.f32 v6, v4  }
0x209: {  	v4 =	vld [tilespmem:s28+$0xFFFFFF40]  }
0x20a: {  	v0 =	vmul.f32 v3, v0;
	v3 =	vld [tilespmem:s30+$0xFFFFFFC0];
	[tilespmem:s26+$0x130] =	vst v1  }
0x20b: {  	v1 =	vld [tilespmem:s28+$0xFFFFFFC0]  }
0x20c: {  	[tilespmem:s26+$0xFFFFFE40] =	vst v0;
	v0 =	vmul.f32 v2, v5;
	v2 =	vld [tilespmem:s30+$0x40]  }
0x20d: {  	v5 =	vld [tilespmem:s28+$0x40]  }
0x20e: {  	[tilespmem:s26+$0xFFFFFEC0] =	vst v0;
	v0 =	vmul.f32 v4, v7;
	v4 =	vld [tilespmem:s30+$0xC0]  }
0x20f: {  	v6 =	vld [tilespmem:s28+$0xC0]  }
0x210: {  	[tilespmem:s26+$0xFFFFFF40] =	vst v0;
	v0 =	vmul.f32 v1, v3;
	v1 =	vld [tilespmem:s30+$0x140]  }
0x211: {  	v3 =	vld [tilespmem:s28+$0x140]  }
0x212: {  	v7 =	vld [tilespmem:s30+$0xFFFFFE50];
	[tilespmem:s26+$0xFFFFFFC0] =	vst v0;
	v0 =	vmul.f32 v5, v2  }
0x213: {  	v2 =	vld [tilespmem:s28+$0xFFFFFE50]  }
0x214: {  	v5 =	vld [tilespmem:s30+$0xFFFFFED0];
	[tilespmem:s26+$0x40] =	vst v0;
	v0 =	vmul.f32 v6, v4  }
0x215: {  	v4 =	vld [tilespmem:s28+$0xFFFFFED0]  }
0x216: {  	v6 =	vld [tilespmem:s30+$0xFFFFFF50];
	[tilespmem:s26+$0xC0] =	vst v0;
	v0 =	vmul.f32 v3, v1  }
0x217: {  	v1 =	vld [tilespmem:s28+$0xFFFFFF50]  }
0x218: {  	v2 =	vmul.f32 v2, v7;
	v3 =	vld [tilespmem:s30+$0xFFFFFFD0];
	[tilespmem:s26+$0x140] =	vst v0  }
0x219: {  	v0 =	vld [tilespmem:s28+$0xFFFFFFD0]  }
0x21a: {  	[tilespmem:s26+$0xFFFFFE50] =	vst v2;
	v2 =	vmul.f32 v4, v5;
	v4 =	vld [tilespmem:s30+$0x50]  }
0x21b: {  	v5 =	vld [tilespmem:s28+$0x50]  }
0x21c: {  	[tilespmem:s26+$0xFFFFFED0] =	vst v2;
	v1 =	vmul.f32 v1, v6;
	v2 =	vld [tilespmem:s30+$0xD0]  }
0x21d: {  	v6 =	vld [tilespmem:s28+$0xD0]  }
0x21e: {  	[tilespmem:s26+$0xFFFFFF50] =	vst v1;
	v0 =	vmul.f32 v0, v3;
	v1 =	vld [tilespmem:s30+$0x150]  }
0x21f: {  	v3 =	vld [tilespmem:s28+$0x150]  }
0x220: {  	v7 =	vld [tilespmem:s30+$0xFFFFFE60];
	[tilespmem:s26+$0xFFFFFFD0] =	vst v0;
	v0 =	vmul.f32 v5, v4  }
0x221: {  	v4 =	vld [tilespmem:s28+$0xFFFFFE60]  }
0x222: {  	v5 =	vld [tilespmem:s30+$0xFFFFFEE0];
	[tilespmem:s26+$0x50] =	vst v0;
	v0 =	vmul.f32 v6, v2  }
0x223: {  	v2 =	vld [tilespmem:s28+$0xFFFFFEE0]  }
0x224: {  	v6 =	vld [tilespmem:s30+$0xFFFFFF60];
	[tilespmem:s26+$0xD0] =	vst v0;
	v0 =	vmul.f32 v3, v1  }
0x225: {  	v1 =	vld [tilespmem:s28+$0xFFFFFF60]  }
0x226: {  	v3 =	vmul.f32 v4, v7;
	v4 =	vld [tilespmem:s30+$0xFFFFFFE0];
	[tilespmem:s26+$0x150] =	vst v0  }
0x227: {  	v0 =	vld [tilespmem:s28+$0xFFFFFFE0]  }
0x228: {  	[tilespmem:s26+$0xFFFFFE60] =	vst v3;
	v2 =	vmul.f32 v2, v5;
	v3 =	vld [tilespmem:s30+$0x60]  }
0x229: {  	v5 =	vld [tilespmem:s28+$0x60]  }
0x22a: {  	[tilespmem:s26+$0xFFFFFEE0] =	vst v2;
	v1 =	vmul.f32 v1, v6;
	v2 =	vld [tilespmem:s30+$0xE0]  }
0x22b: {  	v6 =	vld [tilespmem:s28+$0xE0]  }
0x22c: {  	[tilespmem:s26+$0xFFFFFF60] =	vst v1;
	v0 =	vmul.f32 v0, v4;
	v1 =	vld [tilespmem:s30+$0x160]  }
0x22d: {  	v4 =	vld [tilespmem:s28+$0x160]  }
0x22e: {  	v7 =	vld [tilespmem:s30+$0xFFFFFE70];
	[tilespmem:s26+$0xFFFFFFE0] =	vst v0;
	v0 =	vmul.f32 v5, v3  }
0x22f: {  	v3 =	vld [tilespmem:s28+$0xFFFFFE70]  }
0x230: {  	v5 =	vld [tilespmem:s30+$0xFFFFFEF0];
	[tilespmem:s26+$0x60] =	vst v0;
	v0 =	vmul.f32 v6, v2  }
0x231: {  	v2 =	vld [tilespmem:s28+$0xFFFFFEF0]  }
0x232: {  	v6 =	vld [tilespmem:s30+$0xFFFFFF70];
	[tilespmem:s26+$0xE0] =	vst v0;
	v0 =	vmul.f32 v4, v1  }
0x233: {  	v1 =	vld [tilespmem:s28+$0xFFFFFF70]  }
0x234: {  	v3 =	vmul.f32 v3, v7;
	v7 =	vld [tilespmem:s30+$0xFFFFFFF0];
	[tilespmem:s26+$0x160] =	vst v0  }
0x235: {  	v8 =	vld [tilespmem:s28+$0xFFFFFFF0]  }
0x236: {  	[tilespmem:s26+$0xFFFFFE70] =	vst v3;
	v3 =	vmul.f32 v2, v5;
	v0 =	vld [tilespmem:s30+$0x70]  }
.Ltmp1:
0x237: {  	v2 =	vld [tilespmem:s28+$0x70];
	(pc) =	sbr.rel @p0 .LBB2_5-.Ltmp1, $4  }
0x238: {  	[tilespmem:s26+$0xFFFFFEF0] =	vst v3;
	v3 =	vmul.f32 v1, v6;
	v1 =	vld [tilespmem:s30+$0xF0]  }
0x239: {  	v4 =	vld [tilespmem:s28+$0xF0]  }
0x23a: {  	[tilespmem:s26+$0xFFFFFF70] =	vst v3;
	v6 =	vmul.f32 v8, v7;
	v3 =	vld [tilespmem:s30+$0x170]  }
0x23b: {  	s30 =	sadd.s32 $0x400, s30;
	v5 =	vld [tilespmem:s28+$0x170]  }
0x23c: {  	_ = 	snop  }
0x23d: {  	s24 =	sadd.s32 $0x1, s24  }
0x23e: {  	v0 =	vmul.f32 v2, v0;
	p0 =	sne.s32 s24, $0x14  }
.Ltmp2:
0x23f: {  	[tilespmem:s26+$0xFFFFFFF0] =	vst v6;
	v1 =	vmul.f32 v4, v1;
	(pc) =	sbr.rel @p0 .LBB2_2-.Ltmp2, $4  }
0x240: {  	s25 =	sadd.s32 s5, s25;
	[tilespmem:s26+$0x70] =	vst v0;
	v63 =	vmul.f32 v5, v3  }
0x241: {  	s25 =	sshll.u32 s25, $0x4;
	[tilespmem:s26+$0xF0] =	vst v1  }
0x242: {  	s25 =	sadd.s32 s6, s25;
	[tilespmem:s26+$0x170] =	vst v63  }
0x243: {  	[hbm4b:s25+s4] =	stream.linear.scatter [tilespmem:s20], [sflag:$0x4], $0x4000, $0x38;
	[tilespmem:$0x1A800] =	vst v63  }
0x244: {  	s23 =	sadd.s32 $0x1, s23  }
0x245: {  	_ =	swait.ge [sflag:s21], $0x4000;
	p0 =	sne.s32 s23, s9  }
.Ltmp3:
0x246: {  	[sflag:s21] =	ssyncset.done $0x0;
	(pc) =	sbr.rel @p0 .LBB2_1-.Ltmp3, $4  }
0x247: {  	[sflag:s21] =	ssyncadd.s32 $0xFFFFC000  }
0x248: {  	_ =	swait.ge [sflag:s22], $0x4000  }
0x249: {  	[sflag:s22] =	ssyncset.done $0x0  }
0x24a: {  	[sflag:s22] =	ssyncadd.s32 $0xFFFFC000  }
0x24b: {  	_ =	sfence.sel $0x180000  }
0x24c: {  	[bflag:$0x0] =	sbarrier.arrive $0xFFFF  }
0x24d: {  	p0 =	sne.s32 s0, $0x0;
	_ =	strace $0x9000004A  }
0x24e: {  	s0 =	sadd.s32 @!p0 $0x100000, s2;
	[bflag:$0x2] =	sbarrier.arrive $0xFFFF  }
0x24f: {  	[sflag:s0] =	ssyncadd.tile.s32 @!p0 $0x1;
	_ =	shalt  }
.Lfunc_end2:
_tile_overlayer_lowered:
.L_overlay_start_2:
0x250: {  	(tag) =	ssettag $0x2  }
0x251: {  	s0 =	rddreg [dreg:$0x0];
	s2 =	stileid.u32  }
0x252: {  	s1 =	rddreg [dreg:$0x1];
	p0 =	sne.s32 s2, $0x0  }
0x253: {  	s3 =	rddreg [dreg:$0x2];
	[bflag:$0x3] =	sbarrier.arrive $0xFFFF;
	s2 =	simm.s32 @!p0 $0x1C05  }
0x254: {  	[timem:s3], [sflag:s2] =	dma.local @!p0 [hbm:s0], s1  }
0x255: {  	s0 =	simm.s32 @!p0 $0x5  }
0x256: {  	_ =	swait.ge @!p0 [sflag:s0], s1  }
0x257: {  	s1 =	ssub.s32 @!p0 $0x0, s1;
	[sflag:s0] =	ssyncset.done @!p0 $0x0  }
0x258: {  	[sflag:s0] =	ssyncadd.s32 @!p0 s1  }
0x259: {  	[bflag:$0x3] =	sbarrier.arrive $0xFFFF  }
0x25a: {  	_ =	shalt  }

// kernel: kernel.16.cloned.1.call-start
scs
__scs_entry_jumppad:
0x0: {  	(pc) =	sbr.rel $0x88, $3  }
0x1: {  	(tag) =	ssettag $0x0;
	lr =	simm.s32 $0x1  }
0x2: {  	[smem:$0x3F95] =	sst lr;
	_ =	strace $0xD0000000  }
0x3: {  	_ = 	snop  }
0x4: {  	_ = 	snop  }
0x5: {  	_ = 	snop  }
0x6: {  	_ = 	snop  }
0x7: {  	_ = 	snop  }
__scs_overlays_trampoline_lowered:
0x8: {  	[smem:$0x3FA4] =	sst s0  }
0x9: {  	[smem:$0x3FA5] =	sst s1  }
0xa: {  	[smem:$0x3FA6] =	sst s2  }
0xb: {  	[smem:$0x3FA7] =	sst s3  }
0xc: {  	[smem:$0x3FA8] =	sst s4  }
0xd: {  	[smem:$0x3FA9] =	sst s5  }
0xe: {  	[smem:$0x3FAA] =	sst s6  }
0xf: {  	[smem:$0x3FAB] =	sst s7  }
0x10: {  	[smem:$0x3FAC] =	sst s8  }
0x11: {  	[smem:$0x3FAD] =	sst s9;
	s0 =	simm.s32 @!p0 $0x0  }
0x12: {  	s1 =	sld [smem:$0x3F93];
	s0 =	simm.s32 @p0 $0x1  }
0x13: {  	[smem:$0x3FAE] =	sst s0;
	s0 =	simm.s32 @!p1 $0x0  }
0x14: {  	s2 =	sld [smem:$0x3F92];
	s0 =	simm.s32 @p1 $0x1  }
0x15: {  	[smem:$0x3FAF] =	sst s0;
	s0 =	simm.s32 @!p2 $0x0  }
0x16: {  	s3 =	sld [smem:$0x3FDB];
	s0 =	simm.s32 @p2 $0x1  }
0x17: {  	s4 =	simm.s32 $0x1BF5;
	[smem:$0x3FB1] =	sst s0  }
0x18: {  	s0 =	sld [smem:$0x3F94];
	_ =	swait.ge [sflag:s4], $0x0  }
0x19: {  	s7 =	sld [smem:$0x3F95]  }
0x1a: {  	s8 =	sadd.s32 $0xFFFFE003, lr  }
0x1b: {  	s9 =	sadd.s32 $0xFFFFFEF7, lr;
	s5 =	simm.s32 $0xFFFFFFFF;
	p2 =	slt.u32 s8, $0xFFFFF086  }
0x1c: {  	p1 =	slt.u32 s9, $0xF7A;
	s5 =	simm.s32 @!p2 $0x0  }
0x1d: {  	s5 =	simm.s32 @p1 $0x1;
	p0 =	seq.s32 s7, s2  }
0x1e: {  	s7 =	smul.u32 @!p0 $0xF7A, s2;
	p2 =	seq.s32 @!p0 s5, $0x0  }
0x1f: {  	s9 =	smul.u32 $0xF7A, s1;
	s8 =	simm.s32 @!p0 $0x1BF5;
	p2 =	por !p2, p0  }
0x20: {  	[sflag:s8] =	ssyncset.s32 @!p0 $0xFFFFF086;
	s6 =	sadd.s32 @!p0 s3, s7;
	s7 =	simm.s32 @!p0 $0x108  }
0x21: {  	s3 =	sadd.s32 s3, s9;
	s6 =	sadd.s32 @!p0 $0x88, s6;
	s7 =	simm.s32 @p2 $0x1082  }
0x22: {  	[simem:s7], [sflag:s8] =	dma.local @!p0 [hbm:s6], $0xF7A  }
0x23: {  	s9 =	sor.u32 $0xD0000000, s2;
	s6 =	simm.s32 $0x108;
	_ =	swait.ge @!p0 [sflag:s8], $0x0  }
0x24: {  	s3 =	sadd.s32 $0x88, s3;
	s6 =	simm.s32 @!p1 $0x1082;
	[sflag:s4] =	ssyncset.s32 $0xFFFFF086  }
0x25: {  	[simem:s6], [sflag:s4] =	dma.local [hbm:s3], $0xF7A  }
0x26: {  	[smem:$0x3F95] =	sst s1;
	(tag) =	ssettag s2;
	_ =	strace s9  }
0x27: {  	s1 =	sld [smem:$0x3FA5]  }
0x28: {  	s2 =	sld [smem:$0x3FA6]  }
0x29: {  	s4 =	sld [smem:$0x3FA8]  }
0x2a: {  	p0 =	seq.s32 s5, $0x0;
	s5 =	sld [smem:$0x3FA9]  }
0x2b: {  	s6 =	sld [smem:$0x3FAA]  }
0x2c: {  	s7 =	sld [smem:$0x3FAB]  }
0x2d: {  	s3 =	simm.s32 $0x108;
	s8 =	sld [smem:$0x3FAC]  }
0x2e: {  	s3 =	simm.s32 @!p0 $0x1082;
	s9 =	sld [smem:$0x3FAD]  }
0x2f: {  	lr =	sadd.s32 s0, s3;
	s0 =	sld [smem:$0x3FA4]  }
0x30: {  	s3 =	sld [smem:$0x3FA7]  }
0x31: {  	[smem:$0x3FB0] =	sst s10  }
0x32: {  	s10 =	sld [smem:$0x3FAE];
	_ =	sdelay $0x3  }
0x33: {  	p0 =	seq.s32 s10, $0x1;
	s10 =	sld [smem:$0x3FB0];
	_ =	sdelay $0x3  }
0x34: {  	[smem:$0x3FB0] =	sst s10  }
0x35: {  	s10 =	sld [smem:$0x3FAF];
	_ =	sdelay $0x3  }
0x36: {  	p1 =	seq.s32 s10, $0x1;
	s10 =	sld [smem:$0x3FB0];
	_ =	sdelay $0x3  }
0x37: {  	[smem:$0x3FB0] =	sst s10  }
0x38: {  	s10 =	sld [smem:$0x3FB1]  }
0x39: {  	_ = 	snop;
	(pc) =	sbr.ind lr, $3  }
0x3a: {  	_ = 	snop  }
0x3b: {  	_ = 	snop  }
0x3c: {  	p2 =	seq.s32 s10, $0x1;
	s10 =	sld [smem:$0x3FB0]  }
0x3d: {  	_ =	shalt  }
0x3e: {  	_ =	shalt  }
0x3f: {  	_ =	shalt  }
0x40: {  	_ =	shalt  }
0x41: {  	_ =	shalt  }
0x42: {  	_ =	shalt  }
0x43: {  	_ =	shalt  }
0x44: {  	_ =	shalt  }
0x45: {  	_ =	shalt  }
0x46: {  	_ =	shalt  }
0x47: {  	_ =	shalt  }
0x48: {  	_ =	shalt  }
0x49: {  	_ =	shalt  }
0x4a: {  	_ =	shalt  }
0x4b: {  	_ =	shalt  }
0x4c: {  	_ =	shalt  }
0x4d: {  	_ =	shalt  }
0x4e: {  	_ =	shalt  }
0x4f: {  	_ =	shalt  }
0x50: {  	_ =	shalt  }
0x51: {  	_ =	shalt  }
0x52: {  	_ =	shalt  }
0x53: {  	_ =	shalt  }
0x54: {  	_ =	shalt  }
0x55: {  	_ =	shalt  }
0x56: {  	_ =	shalt  }
0x57: {  	_ =	shalt  }
0x58: {  	_ =	shalt  }
0x59: {  	_ =	shalt  }
0x5a: {  	_ =	shalt  }
0x5b: {  	_ =	shalt  }
0x5c: {  	_ =	shalt  }
0x5d: {  	_ =	shalt  }
0x5e: {  	_ =	shalt  }
0x5f: {  	_ =	shalt  }
0x60: {  	_ =	shalt  }
0x61: {  	_ =	shalt  }
0x62: {  	_ =	shalt  }
0x63: {  	_ =	shalt  }
0x64: {  	_ =	shalt  }
0x65: {  	_ =	shalt  }
0x66: {  	_ =	shalt  }
0x67: {  	_ =	shalt  }
0x68: {  	_ =	shalt  }
0x69: {  	_ =	shalt  }
0x6a: {  	_ =	shalt  }
0x6b: {  	_ =	shalt  }
0x6c: {  	_ =	shalt  }
0x6d: {  	_ =	shalt  }
0x6e: {  	_ =	shalt  }
0x6f: {  	_ =	shalt  }
0x70: {  	_ =	shalt  }
0x71: {  	_ =	shalt  }
0x72: {  	_ =	shalt  }
0x73: {  	_ =	shalt  }
0x74: {  	_ =	shalt  }
0x75: {  	_ =	shalt  }
0x76: {  	_ =	shalt  }
0x77: {  	_ =	shalt  }
0x78: {  	_ =	shalt  }
0x79: {  	_ =	shalt  }
0x7a: {  	_ =	shalt  }
0x7b: {  	_ =	shalt  }
0x7c: {  	_ =	shalt  }
0x7d: {  	_ =	shalt  }
0x7e: {  	_ =	shalt  }
0x7f: {  	_ =	shalt  }
0x80: {  	_ =	shalt  }
0x81: {  	_ =	shalt  }
0x82: {  	_ =	shalt  }
0x83: {  	_ =	shalt  }
0x84: {  	_ =	shalt  }
0x85: {  	_ =	shalt  }
0x86: {  	_ =	shalt  }
0x87: {  	_ =	shalt  }
.Lfunc_end0:
.L_simem_size_0:
called_computation.2_lowered:
.L_overlay_start_0:
0x88: {  	s2 =	sld [smem:$0x3FD9]  }
0x89: {  	s3 =	sld [smem:$0x3FFE];
	_ =	sdelay $0x1  }
0x8a: {  	s1 =	srdreg.scid  }
0x8b: {  	s0 =	sand.u32 $0x1, s1  }
0x8c: {  	s15 =	sshll.u32 s0, $0xA;
	s2 =	sadd.s32 s3, s2  }
0x8d: {  	s2 =	sadd.s32 s2, s15  }
0x8e: {  	[smem:$0x3FBC] =	sst s2  }
0x8f: {  	_ = 	snop  }
0x90: {  	s2 =	sld [smem:$0x3FD0];
	_ =	sdelay $0x2  }
0x91: {  	s4 =	simm.s32 $0xB;
	s16 =	simm.s32 $0x10  }
0x92: {  	[smem:s16], [sflag:s4] =	dma.local [hbm:s2], $0x1  }
0x93: {  	_ =	swait.eq [sflag:s4], $0x1  }
0x94: {  	[sflag:s4] =	ssyncset.done $0x0  }
0x95: {  	s17 =	sld [smem:$0x10];
	[sflag:s4] =	ssyncadd.s32 $0xFFFFFFFF  }
0x96: {  	s18 =	sld [smem:$0x11];
	(tm) =	ssettm $0x1  }
0x97: {  	s19 =	sld [smem:$0x3FFB];
	_ =	sdelay $0x3  }
0x98: {  	_ =	strace s19  }
0x99: {  	s2 =	sld [smem:$0x3FFC];
	_ =	sdelay $0x3  }
0x9a: {  	_ =	strace s2  }
0x9b: {  	s2 =	sld [smem:$0x3FFD];
	_ =	sdelay $0x3  }
0x9c: {  	_ =	strace s2  }
0x9d: {  	_ =	strace $0x8FFFFFFF  }
0x9e: {  	s20 =	sld [smem:$0x3FDB];
	_ =	sdelay $0x1  }
0x9f: {  	s5 =	simm.s32 $_scs_section_size  }
0xa0: {  	s6 =	simm.s32 $_size__tile_overlayer_lowered;
	s7 =	simm.s32 $_tile_overlayer_lowered  }
0xa1: {  	s8 =	simm.s32 $0x1BFF;
	s21 =	sshll.u32 s7, $0x1;
	s5 =	sadd.s32 s5, s20  }
0xa2: {  	s22 =	simm.s32 $0x0;
	s6 =	sshll.u32 s6, $0x1;
	s7 =	sadd.s32 s21, s5  }
0xa3: {  	[timem:s22], [sflag:s8] =	dma.local [hbm:s7], s6  }
0xa4: {  	_ =	swait.ge [sflag:s8], s6  }
0xa5: {  	s6 =	ssub.s32 $0x0, s6;
	[sflag:s8] =	ssyncset.done $0x0  }
0xa6: {  	[sflag:s8] =	ssyncadd.s32 s6;
	_ =	sdelay $0x1  }
0xa7: {  	s23 =	simm.s32 $0x1B8B  }
0xa8: {  	_ =	swait.ge [sflag:s23], $0x1  }
0xa9: {  	[sflag:s23] =	ssyncset.done $0x0  }
0xaa: {  	[sflag:s23] =	ssyncadd.s32 $0xFFFFFFFF  }
0xab: {  	s6 =	sld [smem:$0x0]  }
0xac: {  	s7 =	sand.u32 $0xFFFFFFFE, s1  }
0xad: {  	p0 =	sne.s32 s1, s7  }
0xae: {  	s7 =	sshll.u32 @p0 s7, $0xE  }
0xaf: {  	s7 =	sadd.s32 @p0 $0x11B8D, s7;
	s8 =	sshll.u32 @p0 s6, $0x11  }
0xb0: {  	s7 =	sor.u32 @p0 s8, s7  }
0xb1: {  	[sflag:s7] =	ssyncadd.remote.s32 @p0 $0x1;
	_ =	sdelay $0x1  }
0xb2: {  	s7 =	simm.s32 @p0 $0x1B8D  }
0xb3: {  	_ =	swait.eq @p0 [sflag:s7], $0x1  }
0xb4: {  	[sflag:s7] =	ssyncadd.s32 @p0 $0xFFFFFFFF  }
0xb5: {  	s8 =	sshll.u32 @!p0 s1, $0xE  }
0xb6: {  	s8 =	sor.u32 @!p0 $0x4000, s8;
	s7 =	simm.s32 @!p0 $0x1B8D  }
0xb7: {  	s6 =	sshll.u32 @!p0 s6, $0x11;
	s8 =	sadd.s32 @!p0 $0x11B8D, s8;
	_ =	swait.eq @!p0 [sflag:s7], $0x1  }
0xb8: {  	s6 =	sor.u32 @!p0 s6, s8;
	[sflag:s7] =	ssyncadd.s32 @!p0 $0xFFFFFFFF  }
0xb9: {  	s25 =	simm.s32 $0x1B8E;
	s24 =	sld [smem:$0x3FFE];
	[sflag:s6] =	ssyncadd.remote.s32 @!p0 $0x1  }
0xba: {  	s26 =	simm.s32 $execute0_lowered;
	[smem:$0x3FD2] =	sst s25  }
0xbb: {  	s7 =	sshll.u32 s26, $0x1;
	_ =	strace $0x8000004C;
	[dreg:$0x1] =	wrdreg $0xFFFFFFFF  }
0xbc: {  	s28 =	simm.s32 $_size_execute0_lowered;
	s5 =	sadd.s32 s5, s7;
	[dreg:$0x0] =	wrdreg $0x0  }
0xbd: {  	s7 =	sshll.u32 s28, $0x1;
	[dreg:$0x2] =	wrdreg s5  }
0xbe: {  	[dreg:$0x3] =	wrdreg s7  }
0xbf: {  	[dreg:$0x4] =	wrdreg $0xC0  }
0xc0: {  	_ =	task [dreg:s22], $0x5FFFF  }
0xc1: {  	[dreg:$0x1] =	wrdreg $0xFFFFFFFF  }
0xc2: {  	[dreg:$0x0] =	wrdreg $0x60  }
0xc3: {  	[dreg:$0x2] =	wrdreg s24  }
0xc4: {  	[dreg:$0x3] =	wrdreg s18  }
0xc5: {  	[dreg:$0x4] =	wrdreg s17  }
0xc6: {  	[dreg:$0x5] =	wrdreg $0x98800  }
0xc7: {  	[dreg:$0x6] =	wrdreg $0xA  }
0xc8: {  	_ =	task.clear_ibuf [dreg:s22], $0x7FFFF;
	_ =	strace $0x9000004C  }
0xc9: {  	s29 =	simm.s32 $0xA;
	_ =	strace $0x8000004E  }
0xca: {  	_ =	swait.ge [sflag:s29], $0x1  }
0xcb: {  	[sflag:s29] =	ssyncadd.s32 $0xFFFFFFFF  }
0xcc: {  	_ =	strace $0x9000004E  }
0xcd: {  	_ =	sfence  }
0xce: {  	s30 =	sld [smem:$0x0];
	_ =	sdelay $0x2  }
0xcf: {  	s31 =	sshll.u32 s1, $0xD;
	s1 =	sshrl.u32 s1, $0x2  }
0xd0: {  	s4 =	sand.u32 $0x4000, s31;
	s1 =	sadd.s32 s1, s30  }
0xd1: {  	s0 =	sor.u32 s4, s0;
	s1 =	sshll.u32 s1, $0x11  }
0xd2: {  	s0 =	sor.u32 s1, s0  }
0xd3: {  	s0 =	sadd.s32 $0x8F2B, s0  }
0xd4: {  	[sflag:s0] =	ssyncadd.remote.s32 $0x1  }
0xd5: {  	_ =	sfence.sel $0xFFFF  }
0xd6: {  	[dreg:$0x0] =	wrdreg $0xFFFFFFFF;
	(pc) =	sbr.abs _section_cstart, $3  }
0xd7: {  	[dreg:$0x1] =	wrdreg $0xFFFFFFFF  }
0xd8: {  	_ =	task.clear_ibuf [dreg:s22], $0x2FFFF;
	_ =	strace $0x9FFFFFFF  }
0xd9: {  	(tm) =	ssettm $0x7FFFFFFF  }
tec
execute0_lowered:
.L_overlay_start_1:
0x0: {  	(tag) =	ssettag $0x1  }
0x1: {  	s0 =	rddreg [dreg:$0x0]  }
0x2: {  	s1 =	rddreg [dreg:$0x1]  }
0x3: {  	s4 =	rddreg [dreg:$0x2]  }
0x4: {  	s2 =	rddreg [dreg:$0x3]  }
0x5: {  	s3 =	simm.s32 $0x0;
	s5 =	srdreg.scid;
	s19 =	stileid.u32  }
0x6: {  	s28 =	simm.s32 $0x3;
	s29 =	simm.s32 $0x4;
	s8 =	smul.u32 $0x4E000, s19  }
0x7: {  	s31 =	simm.s32 $0x9480;
	[smem:$0x7FF] =	sst s3;
	s10 =	smul.u32 $0x2700, s19  }
0x8: {  	s5 =	sand.u32 $0x1, s5;
	s17 =	sadd.s32 $0x4F2A00, s0;
	s24 =	smul.u32 $0x13800, s19  }
0x9: {  	s6 =	sshll.u32 s19, $0x1;
	s18 =	sadd.s32 $0x124800, s2;
	s22 =	smul.u32 $0x138800, s5  }
0xa: {  	s6 =	sor.u32 s5, s6;
	s14 =	ssub.s32 $0x2, s5;
	s5 =	smul.u32 $0x9C400, s5  }
0xb: {  	p0 =	seq.s32 s19, $0xF;
	_ =	strace $0x8000004D;
	s12 =	smul.u32 $0x280, s6  }
0xc: {  	s18 =	sshrl.u32 @p0 s18, $0x3;
	s7 =	sshll.u32 s6, $0x4;
	s16 =	smul.u32 $0x13880, s6  }
0xd: {  	s11 =	sshrl.u32 s14, $0x1;
	s15 =	sshrl.u32 s8, $0x2;
	s20 =	smul.u32 $0x9C400, s6  }
0xe: {  	s21 =	sadd.s32 s4, s10;
	s4 =	sadd.s32 $0x24900, s4;
	s9 =	sadd.s32 s7, s0  }
0xf: {  	s0 =	sadd.s32 $0x1800, s0;
	s13 =	ssub.s32 s14, s11;
	[dreg:$0x6] =	wrdreg s21  }
0x10: {  	s7 =	sadd.s32 s15, s2;
	[dreg:$0x7] =	wrdreg s4;
	s10 =	sadd.s32 s24, s22  }
0x11: {  	s4 =	sshrl.u32 s22, $0x3;
	s15 =	smul.u32 $0x138800, s19;
	s21 =	simm.s32 $0x1400  }
0x12: {  	s22 =	simm.s32 $0x1480;
	s24 =	simm.s32 $0x80;
	[dreg:$0x5] =	wrdreg s7  }
0x13: {  	s7 =	sadd.s32 s1, s12;
	s23 =	sshrl.u32 s20, $0x3;
	s8 =	sadd.s32 $0x4F2800, s9  }
0x14: {  	s9 =	sadd.s32 s17, s16;
	s25 =	sshrl.u32 s10, $0x3;
	s4 =	sadd.s32 s0, s4  }
0x15: {  	s13 =	smax.u32 s13, $0x1;
	s20 =	simm.s32 $0x5;
	s1 =	sadd.s32 s17, s23  }
0x16: {  	s11 =	sadd.s32 s0, s25;
	s12 =	sadd.s32 $0x24900, s4;
	s26 =	sadd.s32 s5, s15  }
0x17: {  	s23 =	simm.s32 $0x1;
	s25 =	simm.s32 $0x5480;
	s10 =	sadd.s32 $0x13800, s1  }
0x18: {  	s14 =	sadd.s32 $0x800, s1;
	s30 =	sadd.s32 $0x10000, s26;
	s0 =	sadd.s32 $0xC000, s26  }
0x19: {  	s15 =	sadd.s32 $0x1000, s1;
	s1 =	sshrl.u32 s30, $0x3;
	s0 =	sshrl.u32 s0, $0x3  }
0x1a: {  	s16 =	sadd.s32 s1, s17;
	s17 =	sadd.s32 s0, s17;
	s0 =	sshll.u32 @!p0 s19, $0x6  }
0x1b: {  	s26 =	simm.s32 $0x2;
	s1 =	simm.s32 $0x0;
	s19 =	sor.u32 @!p0 $0x1C05, s0  }
.LBB2_1:
0x1c: {  	s0 =	simm.s32 @p0 $0x1FC5;
	s4 =	rddreg [dreg:$0x7]  }
0x1d: {  	[spmem:s18], [sflag:s0] =	dma.local @p0 [hbm:s4], $0x2800  }
0x1e: {  	s0 =	simm.s32 @p0 $0x5  }
0x1f: {  	_ =	swait.ge @p0 [sflag:s0], $0x2800  }
0x20: {  	[sflag:s0] =	ssyncset.done @p0 $0x0  }
0x21: {  	[sflag:s0] =	ssyncadd.s32 @p0 $0xFFFFD800;
	s0 =	rddreg [dreg:$0x5]  }
0x22: {  	s30 =	sshrl.u32 @!p0 s0, $0x3;
	s0 =	rddreg [dreg:$0x6]  }
0x23: {  	[spmem:s30], [sflag:s19] =	dma.local @!p0 [hbm:s0], $0x2700  }
0x24: {  	s0 =	simm.s32 @!p0 $0x5  }
0x25: {  	_ =	swait.ge @!p0 [sflag:s0], $0x2700  }
0x26: {  	[sflag:s0] =	ssyncset.done @!p0 $0x0  }
0x27: {  	[sflag:s0] =	ssyncadd.s32 @!p0 $0xFFFFD900  }
0x28: {  	[tilespmem:s3], [sflag:$0x5] =	stream.linear.gather [hbm4b:s7+s3], $0x1380, $0x38;
	[tilespmem:$0x1D100] =	vst v63  }
0x29: {  	_ =	swait.ge [sflag:s20], $0x1380  }
0x2a: {  	[sflag:s20] =	ssyncset.done $0x0  }
0x2b: {  	[sflag:s20] =	ssyncadd.s32 $0xFFFFEC80  }
0x2c: {  	[tilespmem:s21], [sflag:$0x5] =	stream.linear.gather [hbm4b:s8+s3], $0x80, $0x38;
	[tilespmem:$0x1D100] =	vst v63  }
0x2d: {  	_ =	swait.ge [sflag:s20], $0x80  }
0x2e: {  	[sflag:s20] =	ssyncset.done $0x0  }
0x2f: {  	[sflag:s20] =	ssyncadd.s32 $0xFFFFFF80  }
0x30: {  	[bflag:$0x0] =	sbarrier.arrive $0xFFFF  }
0x31: {  	[tilespmem:s22], [sflag:$0x1] =	stream.linear.gather [hbm4b:s9+s3], $0x4000, $0x38;
	[tilespmem:$0x1D100] =	vst v63  }
0x32: {  	_ =	swait.ge [sflag:s23], $0x4000  }
0x33: {  	[sflag:s23] =	ssyncset.done $0x0  }
0x34: {  	[sflag:s23] =	ssyncadd.s32 $0xFFFFC000  }
0x35: {  	[spmem:s2] =	stream.indirect.scatter.add.f32 [tilespmem:s22], [sflag:$0x3], $0x80, s3, s24, $0xb8;
	[tilespmem:$0x1D100] =	vst v63  }
0x36: {  	_ = 	snop  }
0x37: {  	[tilespmem:s25], [sflag:$0x2] =	stream.linear.gather [hbm4b:s14+s3], $0x4000, $0x38;
	[tilespmem:$0x1D100] =	vst v63  }
0x38: {  	_ =	swait.ge [sflag:s26], $0x4000  }
0x39: {  	[sflag:s26] =	ssyncset.done $0x0  }
0x3a: {  	[sflag:s26] =	ssyncadd.s32 $0xFFFFC000  }
0x3b: {  	[spmem:s2] =	stream.indirect.scatter.add.f32 [tilespmem:s25], [sflag:$0x4], $0x80, s24, s24, $0xb8;
	[tilespmem:$0x1D100] =	vst v63  }
0x3c: {  	_ =	swait.ge [sflag:s28], $0x4000  }
0x3d: {  	[sflag:s28] =	ssyncset.done $0x0  }
0x3e: {  	[sflag:s28] =	ssyncadd.s32 $0xFFFFC000  }
0x3f: {  	[tilespmem:s22], [sflag:$0x1] =	stream.linear.gather [hbm4b:s15+s3], $0x4000, $0x38;
	[tilespmem:$0x1D100] =	vst v63  }
0x40: {  	_ =	swait.ge [sflag:s23], $0x4000  }
0x41: {  	[sflag:s23] =	ssyncset.done $0x0  }
0x42: {  	s4 =	simm.s32 $0x100;
	[sflag:s23] =	ssyncadd.s32 $0xFFFFC000  }
0x43: {  	[spmem:s2] =	stream.indirect.scatter.add.f32 [tilespmem:s22], [sflag:$0x3], $0x80, s4, s24, $0xb8;
	[tilespmem:$0x1D100] =	vst v63  }
0x44: {  	_ =	swait.ge [sflag:s29], $0x4000  }
0x45: {  	[sflag:s29] =	ssyncset.done $0x0  }
0x46: {  	s5 =	sadd.s32 $0x0, s17;
	[sflag:s29] =	ssyncadd.s32 $0xFFFFC000  }
0x47: {  	[tilespmem:s25], [sflag:$0x2] =	stream.linear.gather [hbm4b:s5+s3], $0x4000, $0x38;
	[tilespmem:$0x1D100] =	vst v63  }
0x48: {  	_ =	swait.ge [sflag:s26], $0x4000  }
0x49: {  	[sflag:s26] =	ssyncset.done $0x0  }
0x4a: {  	s6 =	simm.s32 $0x180;
	[sflag:s26] =	ssyncadd.s32 $0xFFFFC000  }
0x4b: {  	[spmem:s2] =	stream.indirect.scatter.add.f32 [tilespmem:s25], [sflag:$0x4], $0x80, s6, s24, $0xb8;
	[tilespmem:$0x1D100] =	vst v63  }
0x4c: {  	_ =	swait.ge [sflag:s28], $0x4000  }
0x4d: {  	s0 =	simm.s32 $0x1000;
	[sflag:s28] =	ssyncset.done $0x0  }
0x4e: {  	s4 =	simm.s32 $0x200;
	s5 =	sadd.s32 $0x0, s16;
	[sflag:s28] =	ssyncadd.s32 $0xFFFFC000  }
.LBB2_2:
0x4f: {  	[tilespmem:s22], [sflag:$0x1] =	stream.linear.gather [hbm4b:s5+s3], $0x4000, $0x38;
	[tilespmem:$0x1D100] =	vst v63  }
0x50: {  	s5 =	smov.u32 s0  }
0x51: {  	p1 =	sne.s32 s0, $0x11000;
	s0 =	sadd.s32 $0x1000, s0;
	_ =	swait.ge [sflag:s23], $0x4000  }
0x52: {  	[sflag:s23] =	ssyncset.done $0x0  }
0x53: {  	[sflag:s23] =	ssyncadd.s32 $0xFFFFC000  }
0x54: {  	[spmem:s2] =	stream.indirect.scatter.add.f32 [tilespmem:s22], [sflag:$0x3], $0x80, s4, s24, $0xb8;
	[tilespmem:$0x1D100] =	vst v63  }
0x55: {  	_ =	swait.ge [sflag:s29], $0x4000  }
0x56: {  	[sflag:s29] =	ssyncset.done $0x0  }
0x57: {  	s6 =	sadd.s32 s5, s17;
	[sflag:s29] =	ssyncadd.s32 $0xFFFFC000  }
0x58: {  	[tilespmem:s25], [sflag:$0x2] =	stream.linear.gather [hbm4b:s6+s3], $0x4000, $0x38;
	[tilespmem:$0x1D100] =	vst v63  }
0x59: {  	_ =	swait.ge [sflag:s26], $0x4000  }
0x5a: {  	[sflag:s26] =	ssyncset.done $0x0  }
.Ltmp0:
0x5b: {  	s6 =	sadd.s32 $0x80, s4;
	[sflag:s26] =	ssyncadd.s32 $0xFFFFC000;
	(pc) =	sbr.rel @p1 .LBB2_2-.Ltmp0, $4  }
0x5c: {  	[spmem:s2] =	stream.indirect.scatter.add.f32 [tilespmem:s25], [sflag:$0x4], $0x80, s6, s24, $0xb8;
	[tilespmem:$0x1D100] =	vst v63  }
0x5d: {  	_ =	swait.ge [sflag:s28], $0x4000  }
0x5e: {  	[sflag:s28] =	ssyncset.done $0x0  }
0x5f: {  	s5 =	sadd.s32 s5, s16;
	s4 =	sadd.s32 $0x100, s4;
	[sflag:s28] =	ssyncadd.s32 $0xFFFFC000  }
0x60: {  	[tilespmem:s22], [sflag:$0x1] =	stream.linear.gather [hbm4b:s5+s3], $0x4000, $0x38;
	[tilespmem:$0x1D100] =	vst v63  }
0x61: {  	_ =	swait.ge [sflag:s23], $0x4000  }
0x62: {  	[sflag:s23] =	ssyncset.done $0x0  }
0x63: {  	s0 =	simm.s32 $0x1300;
	[sflag:s23] =	ssyncadd.s32 $0xFFFFC000  }
0x64: {  	[spmem:s2] =	stream.indirect.scatter.add.f32 [tilespmem:s22], [sflag:$0x3], $0x80, s0, s24, $0xb8;
	[tilespmem:$0x1D100] =	vst v63  }
0x65: {  	_ =	swait.ge [sflag:s29], $0x4000  }
0x66: {  	[sflag:s29] =	ssyncset.done $0x0  }
0x67: {  	[sflag:s29] =	ssyncadd.s32 $0xFFFFC000  }
0x68: {  	_ =	swait.ge [sflag:s28], $0x4000  }
0x69: {  	[sflag:s28] =	ssyncset.done $0x0  }
0x6a: {  	[sflag:s28] =	ssyncadd.s32 $0xFFFFC000  }
0x6b: {  	[tilespmem:s31], [sflag:$0x5] =	stream.linear.gather [hbm4b:s10+s3], $0x400, $0x38;
	[tilespmem:$0x1D100] =	vst v63  }
0x6c: {  	_ =	swait.ge [sflag:s20], $0x400  }
0x6d: {  	[sflag:s20] =	ssyncset.done $0x0  }
0x6e: {  	s6 =	simm.s32 $0x8;
	[sflag:s20] =	ssyncadd.s32 $0xFFFFFC00  }
0x6f: {  	[spmem:s2] =	stream.indirect.scatter.add.f32 [tilespmem:s31], [sflag:$0x5], $0x80, s21, s6, $0xb8;
	[tilespmem:$0x1D100] =	vst v63  }
0x70: {  	_ =	swait.ge [sflag:s20], $0x400  }
0x71: {  	[sflag:s20] =	ssyncset.done $0x0  }
0x72: {  	[sflag:s20] =	ssyncadd.s32 $0xFFFFFC00  }
0x73: {  	s0 =	simm.s32 @p0 $0x1FC5;
	[bflag:$0x0] =	sbarrier.arrive $0xFFFF  }
0x74: {  	[hbm:s12], [sflag:s0] =	dma.local @p0 [spmem:s18], $0x2800  }
0x75: {  	s0 =	simm.s32 @p0 $0x5  }
0x76: {  	s1 =	sadd.s32 $0x1, s1;
	_ =	swait.ge @p0 [sflag:s0], $0x2800  }
0x77: {  	p1 =	sne.s32 s1, s13;
	[sflag:s0] =	ssyncset.done @p0 $0x0  }
.Ltmp1:
0x78: {  	[sflag:s0] =	ssyncadd.s32 @p0 $0xFFFFD800;
	s0 =	simm.s32 @!p0 $0x5;
	(pc) =	sbr.rel @p1 .LBB2_1-.Ltmp1, $4  }
0x79: {  	[hbm:s11], [sflag:s19] =	dma.local @!p0 [spmem:s30], $0x2700  }
0x7a: {  	_ =	swait.ge @!p0 [sflag:s0], $0x2700  }
0x7b: {  	[sflag:s0] =	ssyncset.done @!p0 $0x0  }
0x7c: {  	[sflag:s0] =	ssyncadd.s32 @!p0 $0xFFFFD900  }
0x7d: {  	_ =	sfence.sel $0x180000  }
0x7e: {  	[bflag:$0x0] =	sbarrier.arrive $0xFFFF  }
0x7f: {  	_ =	strace $0x9000004D  }
0x80: {  	s0 =	stileid.u32;
	[bflag:$0x2] =	sbarrier.arrive $0xFFFF  }
0x81: {  	p0 =	sne.s32 s0, $0x0;
	s0 =	rddreg [dreg:$0x4]  }
0x82: {  	s0 =	sadd.s32 @!p0 $0x100000, s0  }
0x83: {  	[sflag:s0] =	ssyncadd.tile.s32 @!p0 $0x1;
	_ =	shalt  }
.Lfunc_end2:
_tile_overlayer_lowered:
.L_overlay_start_2:
0x84: {  	(tag) =	ssettag $0x2  }
0x85: {  	s0 =	rddreg [dreg:$0x0];
	s2 =	stileid.u32  }
0x86: {  	s1 =	rddreg [dreg:$0x1];
	p0 =	sne.s32 s2, $0x0  }
0x87: {  	s3 =	rddreg [dreg:$0x2];
	[bflag:$0x3] =	sbarrier.arrive $0xFFFF;
	s2 =	simm.s32 @!p0 $0x1C05  }
0x88: {  	[timem:s3], [sflag:s2] =	dma.local @!p0 [hbm:s0], s1  }
0x89: {  	s0 =	simm.s32 @!p0 $0x5  }
0x8a: {  	_ =	swait.ge @!p0 [sflag:s0], s1  }
0x8b: {  	s1 =	ssub.s32 @!p0 $0x0, s1;
	[sflag:s0] =	ssyncset.done @!p0 $0x0  }
0x8c: {  	[sflag:s0] =	ssyncadd.s32 @!p0 s1  }
0x8d: {  	[bflag:$0x3] =	sbarrier.arrive $0xFFFF  }
0x8e: {  	_ =	shalt  }

// kernel: kernel.19.cloned.1.call-start
scs
__scs_entry_jumppad:
0x0: {  	(pc) =	sbr.rel $0x88, $3  }
0x1: {  	(tag) =	ssettag $0x0;
	lr =	simm.s32 $0x1  }
0x2: {  	[smem:$0x3F95] =	sst lr;
	_ =	strace $0xD0000000  }
0x3: {  	_ = 	snop  }
0x4: {  	_ = 	snop  }
0x5: {  	_ = 	snop  }
0x6: {  	_ = 	snop  }
0x7: {  	_ = 	snop  }
__scs_overlays_trampoline_lowered:
0x8: {  	[smem:$0x3FA4] =	sst s0  }
0x9: {  	[smem:$0x3FA5] =	sst s1  }
0xa: {  	[smem:$0x3FA6] =	sst s2  }
0xb: {  	[smem:$0x3FA7] =	sst s3  }
0xc: {  	[smem:$0x3FA8] =	sst s4  }
0xd: {  	[smem:$0x3FA9] =	sst s5  }
0xe: {  	[smem:$0x3FAA] =	sst s6  }
0xf: {  	[smem:$0x3FAB] =	sst s7  }
0x10: {  	[smem:$0x3FAC] =	sst s8  }
0x11: {  	[smem:$0x3FAD] =	sst s9;
	s0 =	simm.s32 @!p0 $0x0  }
0x12: {  	s1 =	sld [smem:$0x3F93];
	s0 =	simm.s32 @p0 $0x1  }
0x13: {  	[smem:$0x3FAE] =	sst s0;
	s0 =	simm.s32 @!p1 $0x0  }
0x14: {  	s2 =	sld [smem:$0x3F92];
	s0 =	simm.s32 @p1 $0x1  }
0x15: {  	[smem:$0x3FAF] =	sst s0;
	s0 =	simm.s32 @!p2 $0x0  }
0x16: {  	s3 =	sld [smem:$0x3FDB];
	s0 =	simm.s32 @p2 $0x1  }
0x17: {  	s4 =	simm.s32 $0x1BF5;
	[smem:$0x3FB1] =	sst s0  }
0x18: {  	s0 =	sld [smem:$0x3F94];
	_ =	swait.ge [sflag:s4], $0x0  }
0x19: {  	s7 =	sld [smem:$0x3F95]  }
0x1a: {  	s8 =	sadd.s32 $0xFFFFE003, lr  }
0x1b: {  	s9 =	sadd.s32 $0xFFFFFEF7, lr;
	s5 =	simm.s32 $0xFFFFFFFF;
	p2 =	slt.u32 s8, $0xFFFFF086  }
0x1c: {  	p1 =	slt.u32 s9, $0xF7A;
	s5 =	simm.s32 @!p2 $0x0  }
0x1d: {  	s5 =	simm.s32 @p1 $0x1;
	p0 =	seq.s32 s7, s2  }
0x1e: {  	s7 =	smul.u32 @!p0 $0xF7A, s2;
	p2 =	seq.s32 @!p0 s5, $0x0  }
0x1f: {  	s9 =	smul.u32 $0xF7A, s1;
	s8 =	simm.s32 @!p0 $0x1BF5;
	p2 =	por !p2, p0  }
0x20: {  	[sflag:s8] =	ssyncset.s32 @!p0 $0xFFFFF086;
	s6 =	sadd.s32 @!p0 s3, s7;
	s7 =	simm.s32 @!p0 $0x108  }
0x21: {  	s3 =	sadd.s32 s3, s9;
	s6 =	sadd.s32 @!p0 $0x88, s6;
	s7 =	simm.s32 @p2 $0x1082  }
0x22: {  	[simem:s7], [sflag:s8] =	dma.local @!p0 [hbm:s6], $0xF7A  }
0x23: {  	s9 =	sor.u32 $0xD0000000, s2;
	s6 =	simm.s32 $0x108;
	_ =	swait.ge @!p0 [sflag:s8], $0x0  }
0x24: {  	s3 =	sadd.s32 $0x88, s3;
	s6 =	simm.s32 @!p1 $0x1082;
	[sflag:s4] =	ssyncset.s32 $0xFFFFF086  }
0x25: {  	[simem:s6], [sflag:s4] =	dma.local [hbm:s3], $0xF7A  }
0x26: {  	[smem:$0x3F95] =	sst s1;
	(tag) =	ssettag s2;
	_ =	strace s9  }
0x27: {  	s1 =	sld [smem:$0x3FA5]  }
0x28: {  	s2 =	sld [smem:$0x3FA6]  }
0x29: {  	s4 =	sld [smem:$0x3FA8]  }
0x2a: {  	p0 =	seq.s32 s5, $0x0;
	s5 =	sld [smem:$0x3FA9]  }
0x2b: {  	s6 =	sld [smem:$0x3FAA]  }
0x2c: {  	s7 =	sld [smem:$0x3FAB]  }
0x2d: {  	s3 =	simm.s32 $0x108;
	s8 =	sld [smem:$0x3FAC]  }
0x2e: {  	s3 =	simm.s32 @!p0 $0x1082;
	s9 =	sld [smem:$0x3FAD]  }
0x2f: {  	lr =	sadd.s32 s0, s3;
	s0 =	sld [smem:$0x3FA4]  }
0x30: {  	s3 =	sld [smem:$0x3FA7]  }
0x31: {  	[smem:$0x3FB0] =	sst s10  }
0x32: {  	s10 =	sld [smem:$0x3FAE];
	_ =	sdelay $0x3  }
0x33: {  	p0 =	seq.s32 s10, $0x1;
	s10 =	sld [smem:$0x3FB0];
	_ =	sdelay $0x3  }
0x34: {  	[smem:$0x3FB0] =	sst s10  }
0x35: {  	s10 =	sld [smem:$0x3FAF];
	_ =	sdelay $0x3  }
0x36: {  	p1 =	seq.s32 s10, $0x1;
	s10 =	sld [smem:$0x3FB0];
	_ =	sdelay $0x3  }
0x37: {  	[smem:$0x3FB0] =	sst s10  }
0x38: {  	s10 =	sld [smem:$0x3FB1]  }
0x39: {  	_ = 	snop;
	(pc) =	sbr.ind lr, $3  }
0x3a: {  	_ = 	snop  }
0x3b: {  	_ = 	snop  }
0x3c: {  	p2 =	seq.s32 s10, $0x1;
	s10 =	sld [smem:$0x3FB0]  }
0x3d: {  	_ =	shalt  }
0x3e: {  	_ =	shalt  }
0x3f: {  	_ =	shalt  }
0x40: {  	_ =	shalt  }
0x41: {  	_ =	shalt  }
0x42: {  	_ =	shalt  }
0x43: {  	_ =	shalt  }
0x44: {  	_ =	shalt  }
0x45: {  	_ =	shalt  }
0x46: {  	_ =	shalt  }
0x47: {  	_ =	shalt  }
0x48: {  	_ =	shalt  }
0x49: {  	_ =	shalt  }
0x4a: {  	_ =	shalt  }
0x4b: {  	_ =	shalt  }
0x4c: {  	_ =	shalt  }
0x4d: {  	_ =	shalt  }
0x4e: {  	_ =	shalt  }
0x4f: {  	_ =	shalt  }
0x50: {  	_ =	shalt  }
0x51: {  	_ =	shalt  }
0x52: {  	_ =	shalt  }
0x53: {  	_ =	shalt  }
0x54: {  	_ =	shalt  }
0x55: {  	_ =	shalt  }
0x56: {  	_ =	shalt  }
0x57: {  	_ =	shalt  }
0x58: {  	_ =	shalt  }
0x59: {  	_ =	shalt  }
0x5a: {  	_ =	shalt  }
0x5b: {  	_ =	shalt  }
0x5c: {  	_ =	shalt  }
0x5d: {  	_ =	shalt  }
0x5e: {  	_ =	shalt  }
0x5f: {  	_ =	shalt  }
0x60: {  	_ =	shalt  }
0x61: {  	_ =	shalt  }
0x62: {  	_ =	shalt  }
0x63: {  	_ =	shalt  }
0x64: {  	_ =	shalt  }
0x65: {  	_ =	shalt  }
0x66: {  	_ =	shalt  }
0x67: {  	_ =	shalt  }
0x68: {  	_ =	shalt  }
0x69: {  	_ =	shalt  }
0x6a: {  	_ =	shalt  }
0x6b: {  	_ =	shalt  }
0x6c: {  	_ =	shalt  }
0x6d: {  	_ =	shalt  }
0x6e: {  	_ =	shalt  }
0x6f: {  	_ =	shalt  }
0x70: {  	_ =	shalt  }
0x71: {  	_ =	shalt  }
0x72: {  	_ =	shalt  }
0x73: {  	_ =	shalt  }
0x74: {  	_ =	shalt  }
0x75: {  	_ =	shalt  }
0x76: {  	_ =	shalt  }
0x77: {  	_ =	shalt  }
0x78: {  	_ =	shalt  }
0x79: {  	_ =	shalt  }
0x7a: {  	_ =	shalt  }
0x7b: {  	_ =	shalt  }
0x7c: {  	_ =	shalt  }
0x7d: {  	_ =	shalt  }
0x7e: {  	_ =	shalt  }
0x7f: {  	_ =	shalt  }
0x80: {  	_ =	shalt  }
0x81: {  	_ =	shalt  }
0x82: {  	_ =	shalt  }
0x83: {  	_ =	shalt  }
0x84: {  	_ =	shalt  }
0x85: {  	_ =	shalt  }
0x86: {  	_ =	shalt  }
0x87: {  	_ =	shalt  }
.Lfunc_end0:
.L_simem_size_0:
called_computation.3_lowered:
.L_overlay_start_0:
0x88: {  	s2 =	sld [smem:$0x3FD9]  }
0x89: {  	s3 =	sld [smem:$0x3FFE];
	_ =	sdelay $0x1  }
0x8a: {  	s1 =	srdreg.scid  }
0x8b: {  	s0 =	sand.u32 $0x1, s1  }
0x8c: {  	s15 =	sshll.u32 s0, $0xA;
	s2 =	sadd.s32 s3, s2  }
0x8d: {  	s2 =	sadd.s32 s2, s15  }
0x8e: {  	[smem:$0x3FBC] =	sst s2  }
0x8f: {  	_ = 	snop  }
0x90: {  	s2 =	sld [smem:$0x3FD0];
	_ =	sdelay $0x2  }
0x91: {  	s16 =	simm.s32 $0xB;
	s4 =	simm.s32 $0x10  }
0x92: {  	[smem:s4], [sflag:s16] =	dma.local [hbm:s2], $0x1  }
0x93: {  	_ =	swait.eq [sflag:s16], $0x1  }
0x94: {  	[sflag:s16] =	ssyncset.done $0x0  }
0x95: {  	[sflag:s16] =	ssyncadd.s32 $0xFFFFFFFF  }
0x96: {  	s17 =	sld [smem:$0x10];
	(tm) =	ssettm $0x1  }
0x97: {  	s18 =	sld [smem:$0x3FFB];
	_ =	sdelay $0x3  }
0x98: {  	_ =	strace s18  }
0x99: {  	s2 =	sld [smem:$0x3FFC];
	_ =	sdelay $0x3  }
0x9a: {  	_ =	strace s2  }
0x9b: {  	s2 =	sld [smem:$0x3FFD];
	_ =	sdelay $0x3  }
0x9c: {  	_ =	strace s2  }
0x9d: {  	_ =	strace $0x8FFFFFFF  }
0x9e: {  	s19 =	sld [smem:$0x3FDB];
	_ =	sdelay $0x1  }
0x9f: {  	s20 =	simm.s32 $_scs_section_size  }
0xa0: {  	s5 =	simm.s32 $_size__tile_overlayer_lowered;
	s6 =	simm.s32 $_tile_overlayer_lowered  }
0xa1: {  	s7 =	simm.s32 $0x1BFF;
	s21 =	sshll.u32 s6, $0x1;
	s4 =	sadd.s32 s20, s19  }
0xa2: {  	s22 =	simm.s32 $0x0;
	s5 =	sshll.u32 s5, $0x1;
	s6 =	sadd.s32 s21, s4  }
0xa3: {  	[timem:s22], [sflag:s7] =	dma.local [hbm:s6], s5  }
0xa4: {  	_ =	swait.ge [sflag:s7], s5  }
0xa5: {  	s5 =	ssub.s32 $0x0, s5;
	[sflag:s7] =	ssyncset.done $0x0  }
0xa6: {  	[sflag:s7] =	ssyncadd.s32 s5;
	_ =	sdelay $0x1  }
0xa7: {  	s23 =	simm.s32 $0x1B8B  }
0xa8: {  	_ =	swait.ge [sflag:s23], $0x1  }
0xa9: {  	[sflag:s23] =	ssyncset.done $0x0  }
0xaa: {  	[sflag:s23] =	ssyncadd.s32 $0xFFFFFFFF  }
0xab: {  	s5 =	sld [smem:$0x0]  }
0xac: {  	s6 =	sand.u32 $0xFFFFFFFE, s1  }
0xad: {  	p0 =	sne.s32 s1, s6  }
0xae: {  	s6 =	sshll.u32 @p0 s6, $0xE  }
0xaf: {  	s6 =	sadd.s32 @p0 $0x11B8D, s6;
	s7 =	sshll.u32 @p0 s5, $0x11  }
0xb0: {  	s6 =	sor.u32 @p0 s7, s6  }
0xb1: {  	[sflag:s6] =	ssyncadd.remote.s32 @p0 $0x1;
	_ =	sdelay $0x1  }
0xb2: {  	s6 =	simm.s32 @p0 $0x1B8D  }
0xb3: {  	_ =	swait.eq @p0 [sflag:s6], $0x1  }
0xb4: {  	[sflag:s6] =	ssyncadd.s32 @p0 $0xFFFFFFFF  }
0xb5: {  	s7 =	sshll.u32 @!p0 s1, $0xE  }
0xb6: {  	s7 =	sor.u32 @!p0 $0x4000, s7;
	s6 =	simm.s32 @!p0 $0x1B8D  }
0xb7: {  	s5 =	sshll.u32 @!p0 s5, $0x11;
	s7 =	sadd.s32 @!p0 $0x11B8D, s7;
	_ =	swait.eq @!p0 [sflag:s6], $0x1  }
0xb8: {  	s5 =	sor.u32 @!p0 s5, s7;
	[sflag:s6] =	ssyncadd.s32 @!p0 $0xFFFFFFFF  }
0xb9: {  	s25 =	simm.s32 $0x1B8E;
	s24 =	sld [smem:$0x3FFE];
	[sflag:s5] =	ssyncadd.remote.s32 @!p0 $0x1  }
0xba: {  	s26 =	simm.s32 $execute0_lowered;
	[smem:$0x3FD2] =	sst s25  }
0xbb: {  	s6 =	sshll.u32 s26, $0x1;
	_ =	strace $0x8000004F;
	[dreg:$0x1] =	wrdreg $0xFFFFFFFF  }
0xbc: {  	s28 =	simm.s32 $_size_execute0_lowered;
	s4 =	sadd.s32 s4, s6;
	[dreg:$0x0] =	wrdreg $0x0  }
0xbd: {  	s6 =	sshll.u32 s28, $0x1;
	[dreg:$0x2] =	wrdreg s4  }
0xbe: {  	[dreg:$0x3] =	wrdreg s6  }
0xbf: {  	[dreg:$0x4] =	wrdreg $0xC0  }
0xc0: {  	_ =	task [dreg:s22], $0x5FFFF  }
0xc1: {  	[dreg:$0x1] =	wrdreg $0xFFFFFFFF  }
0xc2: {  	[dreg:$0x0] =	wrdreg $0x60  }
0xc3: {  	[dreg:$0x2] =	wrdreg s24  }
0xc4: {  	[dreg:$0x3] =	wrdreg s17  }
0xc5: {  	[dreg:$0x4] =	wrdreg $0x98800  }
0xc6: {  	[dreg:$0x5] =	wrdreg $0x9  }
0xc7: {  	_ =	task.clear_ibuf [dreg:s22], $0x6FFFF;
	_ =	strace $0x9000004F  }
0xc8: {  	s29 =	simm.s32 $0x9;
	_ =	strace $0x80000051  }
0xc9: {  	_ =	swait.ge [sflag:s29], $0x1  }
0xca: {  	[sflag:s29] =	ssyncadd.s32 $0xFFFFFFFF  }
0xcb: {  	_ =	strace $0x90000051  }
0xcc: {  	_ =	sfence  }
0xcd: {  	s30 =	sld [smem:$0x0];
	_ =	sdelay $0x2  }
0xce: {  	s31 =	sshll.u32 s1, $0xD;
	s1 =	sshrl.u32 s1, $0x2  }
0xcf: {  	s4 =	sand.u32 $0x4000, s31;
	s1 =	sadd.s32 s1, s30  }
0xd0: {  	s0 =	sor.u32 s4, s0;
	s1 =	sshll.u32 s1, $0x11  }
0xd1: {  	s0 =	sor.u32 s1, s0  }
0xd2: {  	s0 =	sadd.s32 $0x8F2B, s0  }
0xd3: {  	[sflag:s0] =	ssyncadd.remote.s32 $0x1  }
0xd4: {  	_ =	sfence.sel $0xFFFF  }
0xd5: {  	[dreg:$0x0] =	wrdreg $0xFFFFFFFF;
	(pc) =	sbr.abs _section_cstart, $3  }
0xd6: {  	[dreg:$0x1] =	wrdreg $0xFFFFFFFF  }
0xd7: {  	_ =	task.clear_ibuf [dreg:s22], $0x2FFFF;
	_ =	strace $0x9FFFFFFF  }
0xd8: {  	(tm) =	ssettm $0x7FFFFFFF  }
0xd9: {  	_ =	shalt  }
tec
execute0_lowered:
.L_overlay_start_1:
0x0: {  	(tag) =	ssettag $0x1  }
0x1: {  	s0 =	rddreg [dreg:$0x0]  }
0x2: {  	s1 =	rddreg [dreg:$0x1]  }
0x3: {  	s3 =	srdreg.scid;
	s19 =	stileid.u32  }
0x4: {  	s2 =	rddreg [dreg:$0x2];
	s28 =	simm.s32 $0x3;
	s9 =	smul.u32 $0x4E000, s19  }
0x5: {  	s29 =	simm.s32 $0x4;
	s31 =	simm.s32 $0x9480;
	s11 =	smul.u32 $0x2700, s19  }
0x6: {  	s4 =	sand.u32 $0x1, s3;
	s5 =	sshll.u32 s19, $0x1;
	s24 =	smul.u32 $0x13800, s19  }
0x7: {  	s3 =	simm.s32 $0x0;
	s17 =	sadd.s32 $0x763A00, s0;
	s15 =	smul.u32 $0x138800, s19  }
0x8: {  	p0 =	seq.s32 s19, $0xF;
	s5 =	sor.u32 s4, s5;
	s23 =	smul.u32 $0x138800, s4  }
0x9: {  	[smem:$0x7FF] =	sst s3;
	s18 =	ssub.s32 $0x2, s4;
	s4 =	smul.u32 $0x9C400, s4  }
0xa: {  	s6 =	smul.u32 $0x280, s5;
	_ =	strace $0x80000050;
	s16 =	sshll.u32 s5, $0x4  }
0xb: {  	s10 =	sshrl.u32 s18, $0x1;
	s20 =	sshrl.u32 s9, $0x2;
	s21 =	smul.u32 $0x13880, s5  }
0xc: {  	s5 =	smul.u32 $0x9C400, s5;
	s22 =	sadd.s32 s1, s11;
	s1 =	sadd.s32 $0x24900, s1  }
0xd: {  	s8 =	sadd.s32 s16, s0;
	s13 =	ssub.s32 s18, s10;
	[dreg:$0x5] =	wrdreg s22  }
0xe: {  	s18 =	sadd.s32 $0x124800, s2;
	[dreg:$0x6] =	wrdreg s1;
	s10 =	sadd.s32 s24, s23  }
0xf: {  	s1 =	sshrl.u32 s23, $0x3;
	s26 =	sadd.s32 s4, s15;
	s22 =	simm.s32 $0x1480  }
0x10: {  	s23 =	simm.s32 $0x1;
	s24 =	simm.s32 $0x80;
	s7 =	sadd.s32 s6, s0  }
0x11: {  	s0 =	sadd.s32 $0x54C00, s0;
	s6 =	sadd.s32 s20, s2;
	s5 =	sshrl.u32 s5, $0x3  }
0x12: {  	s8 =	sadd.s32 $0x4FA00, s8;
	s9 =	sadd.s32 s17, s21;
	s25 =	sshrl.u32 s10, $0x3  }
0x13: {  	s13 =	smax.u32 s13, $0x1;
	s30 =	sadd.s32 $0x10000, s26;
	s18 =	sshrl.u32 @p0 s18, $0x3  }
0x14: {  	s20 =	simm.s32 $0x5;
	s21 =	simm.s32 $0x1400;
	[dreg:$0x4] =	wrdreg s6  }
0x15: {  	s7 =	sadd.s32 $0x4FC00, s7;
	s5 =	sadd.s32 s17, s5;
	s1 =	sadd.s32 s0, s1  }
0x16: {  	s11 =	sadd.s32 s0, s25;
	s0 =	sadd.s32 $0xC000, s26;
	s25 =	simm.s32 $0x5480  }
0x17: {  	s26 =	simm.s32 $0x2;
	s10 =	sadd.s32 $0x13800, s5;
	s12 =	sadd.s32 $0x24900, s1  }
0x18: {  	s14 =	sadd.s32 $0x800, s5;
	s1 =	sshrl.u32 s30, $0x3;
	s0 =	sshrl.u32 s0, $0x3  }
0x19: {  	s16 =	sadd.s32 s1, s17;
	s17 =	sadd.s32 s0, s17;
	s0 =	sshll.u32 @!p0 s19, $0x6  }
0x1a: {  	s15 =	sadd.s32 $0x1000, s5;
	s19 =	sor.u32 @!p0 $0x1C05, s0;
	s0 =	simm.s32 $0x0  }
.LBB2_1:
0x1b: {  	s1 =	simm.s32 @p0 $0x1FC5;
	s4 =	rddreg [dreg:$0x6]  }
0x1c: {  	[spmem:s18], [sflag:s1] =	dma.local @p0 [hbm:s4], $0x2800  }
0x1d: {  	s1 =	simm.s32 @p0 $0x5  }
0x1e: {  	_ =	swait.ge @p0 [sflag:s1], $0x2800  }
0x1f: {  	[sflag:s1] =	ssyncset.done @p0 $0x0  }
0x20: {  	[sflag:s1] =	ssyncadd.s32 @p0 $0xFFFFD800;
	s1 =	rddreg [dreg:$0x4]  }
0x21: {  	s30 =	sshrl.u32 @!p0 s1, $0x3;
	s1 =	rddreg [dreg:$0x5]  }
0x22: {  	[spmem:s30], [sflag:s19] =	dma.local @!p0 [hbm:s1], $0x2700  }
0x23: {  	s1 =	simm.s32 @!p0 $0x5  }
0x24: {  	_ =	swait.ge @!p0 [sflag:s1], $0x2700  }
0x25: {  	[sflag:s1] =	ssyncset.done @!p0 $0x0  }
0x26: {  	[sflag:s1] =	ssyncadd.s32 @!p0 $0xFFFFD900  }
0x27: {  	[tilespmem:s3], [sflag:$0x5] =	stream.linear.gather [hbm4b:s7+s3], $0x1380, $0x38;
	[tilespmem:$0x1D100] =	vst v63  }
0x28: {  	_ =	swait.ge [sflag:s20], $0x1380  }
0x29: {  	[sflag:s20] =	ssyncset.done $0x0  }
0x2a: {  	[sflag:s20] =	ssyncadd.s32 $0xFFFFEC80  }
0x2b: {  	[tilespmem:s21], [sflag:$0x5] =	stream.linear.gather [hbm4b:s8+s3], $0x80, $0x38;
	[tilespmem:$0x1D100] =	vst v63  }
0x2c: {  	_ =	swait.ge [sflag:s20], $0x80  }
0x2d: {  	[sflag:s20] =	ssyncset.done $0x0  }
0x2e: {  	[sflag:s20] =	ssyncadd.s32 $0xFFFFFF80  }
0x2f: {  	[bflag:$0x0] =	sbarrier.arrive $0xFFFF  }
0x30: {  	[tilespmem:s22], [sflag:$0x1] =	stream.linear.gather [hbm4b:s9+s3], $0x4000, $0x38;
	[tilespmem:$0x1D100] =	vst v63  }
0x31: {  	_ =	swait.ge [sflag:s23], $0x4000  }
0x32: {  	[sflag:s23] =	ssyncset.done $0x0  }
0x33: {  	[sflag:s23] =	ssyncadd.s32 $0xFFFFC000  }
0x34: {  	[spmem:s2] =	stream.indirect.scatter.add.f32 [tilespmem:s22], [sflag:$0x3], $0x80, s3, s24, $0xb8;
	[tilespmem:$0x1D100] =	vst v63  }
0x35: {  	_ = 	snop  }
0x36: {  	[tilespmem:s25], [sflag:$0x2] =	stream.linear.gather [hbm4b:s14+s3], $0x4000, $0x38;
	[tilespmem:$0x1D100] =	vst v63  }
0x37: {  	_ =	swait.ge [sflag:s26], $0x4000  }
0x38: {  	[sflag:s26] =	ssyncset.done $0x0  }
0x39: {  	[sflag:s26] =	ssyncadd.s32 $0xFFFFC000  }
0x3a: {  	[spmem:s2] =	stream.indirect.scatter.add.f32 [tilespmem:s25], [sflag:$0x4], $0x80, s24, s24, $0xb8;
	[tilespmem:$0x1D100] =	vst v63  }
0x3b: {  	_ =	swait.ge [sflag:s28], $0x4000  }
0x3c: {  	[sflag:s28] =	ssyncset.done $0x0  }
0x3d: {  	[sflag:s28] =	ssyncadd.s32 $0xFFFFC000  }
0x3e: {  	[tilespmem:s22], [sflag:$0x1] =	stream.linear.gather [hbm4b:s15+s3], $0x4000, $0x38;
	[tilespmem:$0x1D100] =	vst v63  }
0x3f: {  	_ =	swait.ge [sflag:s23], $0x4000  }
0x40: {  	[sflag:s23] =	ssyncset.done $0x0  }
0x41: {  	s4 =	simm.s32 $0x100;
	[sflag:s23] =	ssyncadd.s32 $0xFFFFC000  }
0x42: {  	[spmem:s2] =	stream.indirect.scatter.add.f32 [tilespmem:s22], [sflag:$0x3], $0x80, s4, s24, $0xb8;
	[tilespmem:$0x1D100] =	vst v63  }
0x43: {  	_ =	swait.ge [sflag:s29], $0x4000  }
0x44: {  	[sflag:s29] =	ssyncset.done $0x0  }
0x45: {  	s5 =	sadd.s32 $0x0, s17;
	[sflag:s29] =	ssyncadd.s32 $0xFFFFC000  }
0x46: {  	[tilespmem:s25], [sflag:$0x2] =	stream.linear.gather [hbm4b:s5+s3], $0x4000, $0x38;
	[tilespmem:$0x1D100] =	vst v63  }
0x47: {  	_ =	swait.ge [sflag:s26], $0x4000  }
0x48: {  	[sflag:s26] =	ssyncset.done $0x0  }
0x49: {  	s6 =	simm.s32 $0x180;
	[sflag:s26] =	ssyncadd.s32 $0xFFFFC000  }
0x4a: {  	[spmem:s2] =	stream.indirect.scatter.add.f32 [tilespmem:s25], [sflag:$0x4], $0x80, s6, s24, $0xb8;
	[tilespmem:$0x1D100] =	vst v63  }
0x4b: {  	_ =	swait.ge [sflag:s28], $0x4000  }
0x4c: {  	s1 =	simm.s32 $0x1000;
	[sflag:s28] =	ssyncset.done $0x0  }
0x4d: {  	s4 =	simm.s32 $0x200;
	s5 =	sadd.s32 $0x0, s16;
	[sflag:s28] =	ssyncadd.s32 $0xFFFFC000  }
.LBB2_2:
0x4e: {  	[tilespmem:s22], [sflag:$0x1] =	stream.linear.gather [hbm4b:s5+s3], $0x4000, $0x38;
	[tilespmem:$0x1D100] =	vst v63  }
0x4f: {  	s5 =	smov.u32 s1  }
0x50: {  	p1 =	sne.s32 s1, $0x11000;
	s1 =	sadd.s32 $0x1000, s1;
	_ =	swait.ge [sflag:s23], $0x4000  }
0x51: {  	[sflag:s23] =	ssyncset.done $0x0  }
0x52: {  	[sflag:s23] =	ssyncadd.s32 $0xFFFFC000  }
0x53: {  	[spmem:s2] =	stream.indirect.scatter.add.f32 [tilespmem:s22], [sflag:$0x3], $0x80, s4, s24, $0xb8;
	[tilespmem:$0x1D100] =	vst v63  }
0x54: {  	_ =	swait.ge [sflag:s29], $0x4000  }
0x55: {  	[sflag:s29] =	ssyncset.done $0x0  }
0x56: {  	s6 =	sadd.s32 s5, s17;
	[sflag:s29] =	ssyncadd.s32 $0xFFFFC000  }
0x57: {  	[tilespmem:s25], [sflag:$0x2] =	stream.linear.gather [hbm4b:s6+s3], $0x4000, $0x38;
	[tilespmem:$0x1D100] =	vst v63  }
0x58: {  	_ =	swait.ge [sflag:s26], $0x4000  }
0x59: {  	[sflag:s26] =	ssyncset.done $0x0  }
.Ltmp0:
0x5a: {  	s6 =	sadd.s32 $0x80, s4;
	[sflag:s26] =	ssyncadd.s32 $0xFFFFC000;
	(pc) =	sbr.rel @p1 .LBB2_2-.Ltmp0, $4  }
0x5b: {  	[spmem:s2] =	stream.indirect.scatter.add.f32 [tilespmem:s25], [sflag:$0x4], $0x80, s6, s24, $0xb8;
	[tilespmem:$0x1D100] =	vst v63  }
0x5c: {  	_ =	swait.ge [sflag:s28], $0x4000  }
0x5d: {  	[sflag:s28] =	ssyncset.done $0x0  }
0x5e: {  	s5 =	sadd.s32 s5, s16;
	s4 =	sadd.s32 $0x100, s4;
	[sflag:s28] =	ssyncadd.s32 $0xFFFFC000  }
0x5f: {  	[tilespmem:s22], [sflag:$0x1] =	stream.linear.gather [hbm4b:s5+s3], $0x4000, $0x38;
	[tilespmem:$0x1D100] =	vst v63  }
0x60: {  	_ =	swait.ge [sflag:s23], $0x4000  }
0x61: {  	[sflag:s23] =	ssyncset.done $0x0  }
0x62: {  	s1 =	simm.s32 $0x1300;
	[sflag:s23] =	ssyncadd.s32 $0xFFFFC000  }
0x63: {  	[spmem:s2] =	stream.indirect.scatter.add.f32 [tilespmem:s22], [sflag:$0x3], $0x80, s1, s24, $0xb8;
	[tilespmem:$0x1D100] =	vst v63  }
0x64: {  	_ =	swait.ge [sflag:s29], $0x4000  }
0x65: {  	[sflag:s29] =	ssyncset.done $0x0  }
0x66: {  	[sflag:s29] =	ssyncadd.s32 $0xFFFFC000  }
0x67: {  	_ =	swait.ge [sflag:s28], $0x4000  }
0x68: {  	[sflag:s28] =	ssyncset.done $0x0  }
0x69: {  	[sflag:s28] =	ssyncadd.s32 $0xFFFFC000  }
0x6a: {  	[tilespmem:s31], [sflag:$0x5] =	stream.linear.gather [hbm4b:s10+s3], $0x400, $0x38;
	[tilespmem:$0x1D100] =	vst v63  }
0x6b: {  	_ =	swait.ge [sflag:s20], $0x400  }
0x6c: {  	[sflag:s20] =	ssyncset.done $0x0  }
0x6d: {  	s6 =	simm.s32 $0x8;
	[sflag:s20] =	ssyncadd.s32 $0xFFFFFC00  }
0x6e: {  	[spmem:s2] =	stream.indirect.scatter.add.f32 [tilespmem:s31], [sflag:$0x5], $0x80, s21, s6, $0xb8;
	[tilespmem:$0x1D100] =	vst v63  }
0x6f: {  	_ =	swait.ge [sflag:s20], $0x400  }
0x70: {  	[sflag:s20] =	ssyncset.done $0x0  }
0x71: {  	[sflag:s20] =	ssyncadd.s32 $0xFFFFFC00  }
0x72: {  	s1 =	simm.s32 @p0 $0x1FC5;
	[bflag:$0x0] =	sbarrier.arrive $0xFFFF  }
0x73: {  	[hbm:s12], [sflag:s1] =	dma.local @p0 [spmem:s18], $0x2800  }
0x74: {  	s1 =	simm.s32 @p0 $0x5  }
0x75: {  	s0 =	sadd.s32 $0x1, s0;
	_ =	swait.ge @p0 [sflag:s1], $0x2800  }
0x76: {  	p1 =	sne.s32 s0, s13;
	[sflag:s1] =	ssyncset.done @p0 $0x0  }
.Ltmp1:
0x77: {  	[sflag:s1] =	ssyncadd.s32 @p0 $0xFFFFD800;
	s1 =	simm.s32 @!p0 $0x5;
	(pc) =	sbr.rel @p1 .LBB2_1-.Ltmp1, $4  }
0x78: {  	[hbm:s11], [sflag:s19] =	dma.local @!p0 [spmem:s30], $0x2700  }
0x79: {  	_ =	swait.ge @!p0 [sflag:s1], $0x2700  }
0x7a: {  	[sflag:s1] =	ssyncset.done @!p0 $0x0  }
0x7b: {  	[sflag:s1] =	ssyncadd.s32 @!p0 $0xFFFFD900  }
0x7c: {  	_ =	sfence.sel $0x180000  }
0x7d: {  	[bflag:$0x0] =	sbarrier.arrive $0xFFFF  }
0x7e: {  	_ =	strace $0x90000050  }
0x7f: {  	s0 =	stileid.u32;
	[bflag:$0x2] =	sbarrier.arrive $0xFFFF  }
0x80: {  	p0 =	sne.s32 s0, $0x0;
	s0 =	rddreg [dreg:$0x3]  }
0x81: {  	s0 =	sadd.s32 @!p0 $0x100000, s0  }
0x82: {  	[sflag:s0] =	ssyncadd.tile.s32 @!p0 $0x1;
	_ =	shalt  }
.Lfunc_end2:
_tile_overlayer_lowered:
.L_overlay_start_2:
0x83: {  	(tag) =	ssettag $0x2  }
0x84: {  	s0 =	rddreg [dreg:$0x0];
	s2 =	stileid.u32  }
0x85: {  	s1 =	rddreg [dreg:$0x1];
	p0 =	sne.s32 s2, $0x0  }
0x86: {  	s3 =	rddreg [dreg:$0x2];
	[bflag:$0x3] =	sbarrier.arrive $0xFFFF;
	s2 =	simm.s32 @!p0 $0x1C05  }
0x87: {  	[timem:s3], [sflag:s2] =	dma.local @!p0 [hbm:s0], s1  }
0x88: {  	s0 =	simm.s32 @!p0 $0x5  }
0x89: {  	_ =	swait.ge @!p0 [sflag:s0], s1  }
0x8a: {  	s1 =	ssub.s32 @!p0 $0x0, s1;
	[sflag:s0] =	ssyncset.done @!p0 $0x0  }
0x8b: {  	[sflag:s0] =	ssyncadd.s32 @!p0 s1  }
0x8c: {  	[bflag:$0x3] =	sbarrier.arrive $0xFFFF  }
0x8d: {  	_ =	shalt  }

</sc_bundles>
